<compile_context>
chip_gen: v7x
topology: tpu7x:2x2x1
jax: 0.10.2.dev20260603
libtpu: 0.0.44.dev20260713+nightly
codegen_flags: <defaults>
</compile_context>

<pallas_src>
import functools

import jax
import jax.numpy as jnp
from jax import lax
from jax.experimental import pallas as pl
from jax.experimental.pallas import tpu as pltpu
from jax.experimental.pallas import tpu_sc as plsc

_N = 10000
_E = 160000
_G = 64
_D = 512
_CW = 128
_BE = 128
_NBE = 80
_EPAD = 16 * _NBE * _BE
_SPROWS = 10240
_BN = 1000
_NI = _N // _BN
_EPS = 1e-5


def _sc_segment_sum(h_all, src2, dst2, C):
    cpc = C // 2
    mesh = plsc.VectorSubcoreMesh(core_axis_name="c", subcore_axis_name="s")

    def body(h_hbm, src_hbm, dst_hbm, agg_hbm,
             src_v, dst_v, st_a, zz, acc_s):
        core = lax.axis_index("c")
        tile = lax.axis_index("s")
        pltpu.sync_copy(src_hbm.at[tile], src_v)
        pltpu.sync_copy(dst_hbm.at[tile], dst_v)
        zvec = jnp.zeros((16,), jnp.float32)

        def zrow(r, c_):
            for kk in range(_CW // 16):
                zz[r, pl.ds(kk * 16, 16)] = zvec
            return c_
        lax.fori_loop(0, 32, zrow, 0)

        for j in range(cpc):
            chunk = core * cpc + j
            def zs(i, c_):
                pltpu.sync_copy(zz, acc_s.at[pl.ds(tile * 640 + i * 32, 32)])
                return c_
            lax.fori_loop(0, 20, zs, 0)
            off = core * (cpc * _N) if j == 0 else _N
            offv = jnp.full((16,), off, jnp.int32)

            def addrow(r, c_):
                for kk in range(_BE // 16):
                    src_v[r, pl.ds(kk * 16, 16)] = (
                        src_v[r, pl.ds(kk * 16, 16)] + offv)
                return c_
            lax.fori_loop(0, _NBE, addrow, 0)
            plsc.subcore_barrier()

            def eb(b, c_):
                pltpu.sync_copy(h_hbm.at[src_v.at[b]], st_a)
                pltpu.sync_copy(st_a, acc_s.at[dst_v.at[b]], add=True)
                return c_
            lax.fori_loop(0, _NBE, eb, 0)
            plsc.subcore_barrier()
            pltpu.sync_copy(acc_s.at[pl.ds(tile * 624, 624)],
                            agg_hbm.at[pl.ds(chunk * _N + tile * 624, 624)])

            @pl.when(tile == 15)
            def _():
                pltpu.sync_copy(acc_s.at[pl.ds(9984, 16)],
                                agg_hbm.at[pl.ds(chunk * _N + 9984, 16)])
            plsc.subcore_barrier()

    f = pl.kernel(
        body,
        out_type=jax.ShapeDtypeStruct((C * _N, _CW), jnp.float32),
        mesh=mesh,
        scratch_types=[
            pltpu.VMEM((_NBE, _BE), jnp.int32),
            pltpu.VMEM((_NBE, _BE), jnp.int32),
            pltpu.VMEM((_BE, _CW), jnp.float32),
            pltpu.VMEM((32, _CW), jnp.float32),
            pltpu.VMEM_SHARED((_SPROWS, _CW), jnp.float32),
        ],
    )
    return f(h_all, src2, dst2)


def _mlp(agg, h, W1, b1, W2, b2, DK):
    def body(agg_ref, h_ref, w1_ref, b1_ref, w2_ref, b2_ref, out_ref):
        x = agg_ref[...] + h_ref[...]
        t = jnp.maximum(
            jnp.dot(x, w1_ref[...], preferred_element_type=jnp.float32)
            + b1_ref[...], 0.0)
        out_ref[...] = (
            jnp.dot(t, w2_ref[...], preferred_element_type=jnp.float32)
            + b2_ref[...])

    return pl.pallas_call(
        body,
        grid=(_NI,),
        in_specs=[
            pl.BlockSpec((_BN, DK), lambda i: (i, 0)),
            pl.BlockSpec((_BN, DK), lambda i: (i, 0)),
            pl.BlockSpec((DK, _D), lambda i: (0, 0)),
            pl.BlockSpec((1, _D), lambda i: (0, 0)),
            pl.BlockSpec((_D, _D), lambda i: (0, 0)),
            pl.BlockSpec((1, _D), lambda i: (0, 0)),
        ],
        out_specs=pl.BlockSpec((_BN, _D), lambda i: (i, 0)),
        out_shape=jax.ShapeDtypeStruct((_N, _D), jnp.float32),
    )(agg, h, W1, b1.reshape(1, _D), W2, b2.reshape(1, _D))


def _colstats(out):
    def body(o_ref, st_ref):
        i = pl.program_id(0)
        o = o_ref[...]
        st = jnp.concatenate(
            [jnp.sum(o, axis=0, keepdims=True),
             jnp.sum(o * o, axis=0, keepdims=True)], axis=0)

        @pl.when(i == 0)
        def _():
            st_ref[...] = st

        @pl.when(i != 0)
        def _():
            st_ref[...] = st_ref[...] + st

    return pl.pallas_call(
        body,
        grid=(_NI,),
        in_specs=[pl.BlockSpec((_BN, _D), lambda i: (i, 0))],
        out_specs=pl.BlockSpec((2, _D), lambda i: (0, 0)),
        out_shape=jax.ShapeDtypeStruct((2, _D), jnp.float32),
    )(out)


def _bn_pool_final(out, st, gamma, beta, batch3):
    def body(o_ref, st_ref, g_ref, b_ref, bt_ref, h_ref, xp_ref):
        i = pl.program_id(0)
        mean = st_ref[0, :] / _N
        var = st_ref[1, :] / _N - mean * mean
        scale = g_ref[0, :] * lax.rsqrt(var + _EPS)
        shift = b_ref[0, :] - mean * scale
        y = o_ref[...] * scale[None, :] + shift[None, :]
        h_ref[...] = y
        bb = bt_ref[0, 0, :]
        oh = (lax.broadcasted_iota(jnp.int32, (_G, _BN), 0)
              == bb[None, :]).astype(jnp.float32)
        xp = jnp.dot(oh, y, preferred_element_type=jnp.float32)

        @pl.when(i == 0)
        def _():
            xp_ref[...] = xp

        @pl.when(i != 0)
        def _():
            xp_ref[...] = xp_ref[...] + xp

    return pl.pallas_call(
        body,
        grid=(_NI,),
        in_specs=[
            pl.BlockSpec((_BN, _D), lambda i: (i, 0)),
            pl.BlockSpec((2, _D), lambda i: (0, 0)),
            pl.BlockSpec((1, _D), lambda i: (0, 0)),
            pl.BlockSpec((1, _D), lambda i: (0, 0)),
            pl.BlockSpec((1, 1, _BN), lambda i: (i, 0, 0)),
        ],
        out_specs=[
            pl.BlockSpec((_BN, _D), lambda i: (i, 0)),
            pl.BlockSpec((_G, _D), lambda i: (0, 0)),
        ],
        out_shape=[
            jax.ShapeDtypeStruct((_N, _D), jnp.float32),
            jax.ShapeDtypeStruct((_G, _D), jnp.float32),
        ],
    )(out, st, gamma.reshape(1, _D), beta.reshape(1, _D), batch3)


def kernel(batch, x, edge_index, W1_0, b1_0, W2_0, b2_0, gamma_0, beta_0,
           W1s, b1s, W2s, b2s, gammas, betas):
    src = edge_index[0]
    dst = edge_index[1]
    pad = _EPAD - _E
    src_p = jnp.concatenate([src, jnp.zeros((pad,), jnp.int32)])
    dst_p = jnp.concatenate([dst, jnp.full((pad,), _N, jnp.int32)])
    order = jnp.argsort(dst_p, stable=True)
    src_s = src_p[order]
    dst_s = dst_p[order]
    nbat = 16 * _NBE
    src2 = src_s.reshape(_BE, nbat).T.reshape(16, _NBE, _BE)
    dst2 = dst_s.reshape(_BE, nbat).T.reshape(16, _NBE, _BE)
    batch3 = batch.reshape(_NI, 1, _BN)

    h = x
    DK = x.shape[1]
    xpool = None
    for layer in range(5):
        if layer == 0:
            W1, b1, W2, b2 = W1_0, b1_0, W2_0, b2_0
            g, bt = gamma_0, beta_0
        else:
            W1, b1 = W1s[layer - 1], b1s[layer - 1]
            W2, b2 = W2s[layer - 1], b2s[layer - 1]
            g, bt = gammas[layer - 1], betas[layer - 1]
        C = DK // _CW
        h_all = h.reshape(_N, C, _CW).transpose(1, 0, 2).reshape(C * _N, _CW)
        agg_all = _sc_segment_sum(h_all, src2, dst2, C)
        agg = (agg_all.reshape(C, _N, _CW).transpose(1, 0, 2)
               .reshape(_N, DK))
        out = _mlp(agg, h, W1, b1, W2, b2, DK)
        if layer < 4:
            mean = jnp.mean(out, axis=0)
            var = jnp.mean((out - mean) ** 2, axis=0)
            h = jnp.maximum(g * (out - mean) / jnp.sqrt(var + _EPS) + bt, 0.0)
            DK = _D
        else:
            st = _colstats(out)
            h, xpool = _bn_pool_final(out, st, g, bt, batch3)
    return (xpool, h)

# --- scband reference (transcript-rebuilt; emitter-appended) ---
"""Pipeline reference for scband-tuencoder-60619168416424 (READ-ONLY COPY).

The authoritative reference and input builder live on the scoring server;
editing this copy changes nothing except your own understanding.
"""

import jax, jax.numpy as jnp
import numpy as np

N = 10000
E = 160000
DIN = 256
D = 512
L = 5
G = 64
BN_EPS = 1e-5


def setup_inputs(seed: int = 0) -> dict:
    key = jax.random.key(seed)
    ks = jax.random.split(key, 16)
    batch = jnp.sort(jax.random.randint(ks[0], (N,), 0, G, dtype=jnp.int32))
    x = jax.random.normal(ks[1], (N, DIN), dtype=jnp.float32)
    edge_index = jax.random.randint(ks[2], (2, E), 0, N, dtype=jnp.int32)
    s = 0.05
    W1_0 = jax.random.normal(ks[3], (DIN, D), dtype=jnp.float32) * s
    b1_0 = jnp.zeros((D,), dtype=jnp.float32)
    W2_0 = jax.random.normal(ks[4], (D, D), dtype=jnp.float32) * s
    b2_0 = jnp.zeros((D,), dtype=jnp.float32)
    gamma_0 = jnp.ones((D,), dtype=jnp.float32)
    beta_0 = jnp.zeros((D,), dtype=jnp.float32)
    W1s = jax.random.normal(ks[5], (L - 1, D, D), dtype=jnp.float32) * s
    b1s = jnp.zeros((L - 1, D), dtype=jnp.float32)
    W2s = jax.random.normal(ks[6], (L - 1, D, D), dtype=jnp.float32) * s
    b2s = jnp.zeros((L - 1, D), dtype=jnp.float32)
    gammas = jnp.ones((L - 1, D), dtype=jnp.float32)
    betas = jnp.zeros((L - 1, D), dtype=jnp.float32)
    return {"batch": batch, "x": x, "edge_index": edge_index,
            "W1_0": W1_0, "b1_0": b1_0, "W2_0": W2_0, "b2_0": b2_0,
            "gamma_0": gamma_0, "beta_0": beta_0,
            "W1s": W1s, "b1s": b1s, "W2s": W2s, "b2s": b2s,
            "gammas": gammas, "betas": betas}


def _batchnorm(h, gamma, beta):
    mean = jnp.mean(h, axis=0)
    var = jnp.mean((h - mean) ** 2, axis=0)
    return gamma * (h - mean) / jnp.sqrt(var + BN_EPS) + beta


def reference(batch, x, edge_index, W1_0, b1_0, W2_0, b2_0, gamma_0, beta_0,
              W1s, b1s, W2s, b2s, gammas, betas):
    src = edge_index[0]
    dst = edge_index[1]

    def gin_layer(h, W1, b1, W2, b2, g, bt, apply_relu):
        # WGINConv with aggr='add', eps=0, edge_weight=None
        agg = jax.ops.segment_sum(h[src], dst, num_segments=N)
        out = agg + (1.0 + 0.0) * h
        out = jnp.maximum(out @ W1 + b1, 0.0) @ W2 + b2
        out = _batchnorm(out, g, bt)
        if apply_relu:
            out = jnp.maximum(out, 0.0)
        return out

    h = gin_layer(x, W1_0, b1_0, W2_0, b2_0, gamma_0, beta_0, apply_relu=True)
    for i in range(L - 1):
        last = (i == L - 2)
        h = gin_layer(h, W1s[i], b1s[i], W2s[i], b2s[i], gammas[i], betas[i],
                      apply_relu=(not last))
    # standard pooling_type + add_pooling: global_add_pool(x, batch)
    xpool = jax.ops.segment_sum(h, batch, num_segments=G)
    return (xpool, h)

if __name__ == "__main__":
    import jax
    _d = setup_inputs()
    print(jax.jit(kernel)(*tuple(_d.values())))

</pallas_src>

<mosaic_0001>
#map = affine_map<(d0, d1) -> (0, 0)>
#map1 = affine_map<(d0, d1) -> (0, 0, 0)>
module attributes {stable_mosaic.version = 14 : i64} {
  func.func @body(%arg0: i32, %arg1: i32, %arg2: memref<20000x128xf32, #tpu.memory_space<hbm>>, %arg3: memref<16x80x128xi32, #tpu.memory_space<hbm>>, %arg4: memref<16x80x128xi32, #tpu.memory_space<hbm>>, %arg5: memref<20000x128xf32, #tpu.memory_space<hbm>>, %arg6: memref<80x128xi32, #tpu.memory_space<vmem>>, %arg7: memref<80x128xi32, #tpu.memory_space<vmem>>, %arg8: memref<128x128xf32, #tpu.memory_space<vmem>>, %arg9: memref<32x128xf32, #tpu.memory_space<vmem>>, %arg10: memref<10240x128xf32, #tpu.memory_space<vmem_shared>>) attributes {dimension_semantics = [#tpu.dimension_semantics<core_parallel>, #tpu.dimension_semantics<subcore_parallel>], iteration_bounds = array<i64: 2, 16>, scalar_prefetch = 0 : i64, scratch_operands = 5 : i64, tpu.core_type = #tpu.core_type<sc_vector_subcore>, window_params = [{transform_indices = #map}, {transform_indices = #map1}, {transform_indices = #map1}, {transform_indices = #map}]} {
    "tpu.region"() ({
      %run_scoped3A = tpu.sem_alloc : memref<!tpu.dma_semaphore, #tpu.memory_space<semaphore_mem>>
      %dma_start3A = arith.constant 0 : i32
      %dma_start3A_40 = arith.constant 0 : i32
      %dma_start3A_41 = tpu.memref_slice %arg3[%arg1, %dma_start3A, %dma_start3A_40] : memref<16x80x128xi32, #tpu.memory_space<hbm>> -> memref<1x80x128xi32, #tpu.memory_space<hbm>>
      %dma_start3A_42 = tpu.memref_squeeze %dma_start3A_41 : memref<1x80x128xi32, #tpu.memory_space<hbm>> -> memref<80x128xi32, #tpu.memory_space<hbm>>
      %dma_start3A_43 = arith.constant 0 : i32
      %dma_start3A_44 = arith.constant 0 : i32
      %dma_start3A_45 = tpu.memref_slice %arg3[%arg1, %dma_start3A_43, %dma_start3A_44] : memref<16x80x128xi32, #tpu.memory_space<hbm>> -> memref<1x80x128xi32, #tpu.memory_space<hbm>>
      %dma_start3A_46 = tpu.memref_squeeze %dma_start3A_45 : memref<1x80x128xi32, #tpu.memory_space<hbm>> -> memref<80x128xi32, #tpu.memory_space<hbm>>
      tpu.enqueue_dma source(%dma_start3A_46 : memref<80x128xi32, #tpu.memory_space<hbm>>) target(%arg6 : memref<80x128xi32, #tpu.memory_space<vmem>>) target_semaphore(%run_scoped3A : memref<!tpu.dma_semaphore, #tpu.memory_space<semaphore_mem>>)
      %dma_wait3A = arith.constant 0 : i32
      %dma_wait3A_47 = arith.constant 0 : i32
      %dma_wait3A_48 = tpu.memref_slice %arg3[%arg1, %dma_wait3A, %dma_wait3A_47] : memref<16x80x128xi32, #tpu.memory_space<hbm>> -> memref<1x80x128xi32, #tpu.memory_space<hbm>>
      %dma_wait3A_49 = tpu.memref_squeeze %dma_wait3A_48 : memref<1x80x128xi32, #tpu.memory_space<hbm>> -> memref<80x128xi32, #tpu.memory_space<hbm>>
      %dma_wait3A_50 = arith.constant 0 : i32
      %dma_wait3A_51 = arith.constant 0 : i32
      %dma_wait3A_52 = tpu.memref_slice %arg3[%arg1, %dma_wait3A_50, %dma_wait3A_51] : memref<16x80x128xi32, #tpu.memory_space<hbm>> -> memref<1x80x128xi32, #tpu.memory_space<hbm>>
      %dma_wait3A_53 = tpu.memref_squeeze %dma_wait3A_52 : memref<1x80x128xi32, #tpu.memory_space<hbm>> -> memref<80x128xi32, #tpu.memory_space<hbm>>
      tpu.wait_dma2 semaphore(%run_scoped3A : memref<!tpu.dma_semaphore, #tpu.memory_space<semaphore_mem>>) src(%dma_wait3A_53 : memref<80x128xi32, #tpu.memory_space<hbm>>) dst(%arg6 : memref<80x128xi32, #tpu.memory_space<vmem>>)
      tpu.yield
    }) : () -> ()
    "tpu.region"() ({
      %run_scoped3A = tpu.sem_alloc : memref<!tpu.dma_semaphore, #tpu.memory_space<semaphore_mem>>
      %dma_start3A = arith.constant 0 : i32
      %dma_start3A_40 = arith.constant 0 : i32
      %dma_start3A_41 = tpu.memref_slice %arg4[%arg1, %dma_start3A, %dma_start3A_40] : memref<16x80x128xi32, #tpu.memory_space<hbm>> -> memref<1x80x128xi32, #tpu.memory_space<hbm>>
      %dma_start3A_42 = tpu.memref_squeeze %dma_start3A_41 : memref<1x80x128xi32, #tpu.memory_space<hbm>> -> memref<80x128xi32, #tpu.memory_space<hbm>>
      %dma_start3A_43 = arith.constant 0 : i32
      %dma_start3A_44 = arith.constant 0 : i32
      %dma_start3A_45 = tpu.memref_slice %arg4[%arg1, %dma_start3A_43, %dma_start3A_44] : memref<16x80x128xi32, #tpu.memory_space<hbm>> -> memref<1x80x128xi32, #tpu.memory_space<hbm>>
      %dma_start3A_46 = tpu.memref_squeeze %dma_start3A_45 : memref<1x80x128xi32, #tpu.memory_space<hbm>> -> memref<80x128xi32, #tpu.memory_space<hbm>>
      tpu.enqueue_dma source(%dma_start3A_46 : memref<80x128xi32, #tpu.memory_space<hbm>>) target(%arg7 : memref<80x128xi32, #tpu.memory_space<vmem>>) target_semaphore(%run_scoped3A : memref<!tpu.dma_semaphore, #tpu.memory_space<semaphore_mem>>)
      %dma_wait3A = arith.constant 0 : i32
      %dma_wait3A_47 = arith.constant 0 : i32
      %dma_wait3A_48 = tpu.memref_slice %arg4[%arg1, %dma_wait3A, %dma_wait3A_47] : memref<16x80x128xi32, #tpu.memory_space<hbm>> -> memref<1x80x128xi32, #tpu.memory_space<hbm>>
      %dma_wait3A_49 = tpu.memref_squeeze %dma_wait3A_48 : memref<1x80x128xi32, #tpu.memory_space<hbm>> -> memref<80x128xi32, #tpu.memory_space<hbm>>
      %dma_wait3A_50 = arith.constant 0 : i32
      %dma_wait3A_51 = arith.constant 0 : i32
      %dma_wait3A_52 = tpu.memref_slice %arg4[%arg1, %dma_wait3A_50, %dma_wait3A_51] : memref<16x80x128xi32, #tpu.memory_space<hbm>> -> memref<1x80x128xi32, #tpu.memory_space<hbm>>
      %dma_wait3A_53 = tpu.memref_squeeze %dma_wait3A_52 : memref<1x80x128xi32, #tpu.memory_space<hbm>> -> memref<80x128xi32, #tpu.memory_space<hbm>>
      tpu.wait_dma2 semaphore(%run_scoped3A : memref<!tpu.dma_semaphore, #tpu.memory_space<semaphore_mem>>) src(%dma_wait3A_53 : memref<80x128xi32, #tpu.memory_space<hbm>>) dst(%arg7 : memref<80x128xi32, #tpu.memory_space<vmem>>)
      tpu.yield
    }) : () -> ()
    %broadcast_in_dim3A = arith.constant 0.000000e+00 : f32
    %broadcast_in_dim3A_0 = vector.broadcast %broadcast_in_dim3A : f32 to vector<16xf32>
    %scan3A = arith.constant 0 : i32
    %scan3A_1 = arith.constant 0 : i32
    %scan3A_2 = arith.constant 32 : i32
    %scan3A_3 = arith.addi %scan3A_1, %scan3A_2 : i32
    %scan3A_4 = arith.constant 1 : i32
    scf.for %scan3A_40 = %scan3A_1 to %scan3A_3 step %scan3A_4  : i32 {
      %swap3A = arith.index_cast %scan3A_40 : i32 to index
      %swap3A_41 = arith.constant 0 : index
      %swap3A_42 = tpu.vector_load %arg9[%swap3A, %swap3A_41] {strides = array<i32>} : memref<32x128xf32, #tpu.memory_space<vmem>>, vector<1x16xf32>,
      %swap3A_43 = vector.shape_cast %swap3A_42 : vector<1x16xf32> to vector<16xf32>
      %swap3A_44 = vector.shape_cast %broadcast_in_dim3A_0 : vector<16xf32> to vector<1x16xf32>
      tpu.vector_store %arg9[%swap3A, %swap3A_41], %swap3A_44 {strides = array<i32>} : memref<32x128xf32, #tpu.memory_space<vmem>>, vector<1x16xf32>,
      %swap3A_45 = arith.index_cast %scan3A_40 : i32 to index
      %swap3A_46 = arith.constant 16 : index
      %swap3A_47 = tpu.vector_load %arg9[%swap3A_45, %swap3A_46] {strides = array<i32>} : memref<32x128xf32, #tpu.memory_space<vmem>>, vector<1x16xf32>,
      %swap3A_48 = vector.shape_cast %swap3A_47 : vector<1x16xf32> to vector<16xf32>
      %swap3A_49 = vector.shape_cast %broadcast_in_dim3A_0 : vector<16xf32> to vector<1x16xf32>
      tpu.vector_store %arg9[%swap3A_45, %swap3A_46], %swap3A_49 {strides = array<i32>} : memref<32x128xf32, #tpu.memory_space<vmem>>, vector<1x16xf32>,
      %swap3A_50 = arith.index_cast %scan3A_40 : i32 to index
      %swap3A_51 = arith.constant 32 : index
      %swap3A_52 = tpu.vector_load %arg9[%swap3A_50, %swap3A_51] {strides = array<i32>} : memref<32x128xf32, #tpu.memory_space<vmem>>, vector<1x16xf32>,
      %swap3A_53 = vector.shape_cast %swap3A_52 : vector<1x16xf32> to vector<16xf32>
      %swap3A_54 = vector.shape_cast %broadcast_in_dim3A_0 : vector<16xf32> to vector<1x16xf32>
      tpu.vector_store %arg9[%swap3A_50, %swap3A_51], %swap3A_54 {strides = array<i32>} : memref<32x128xf32, #tpu.memory_space<vmem>>, vector<1x16xf32>,
      %swap3A_55 = arith.index_cast %scan3A_40 : i32 to index
      %swap3A_56 = arith.constant 48 : index
      %swap3A_57 = tpu.vector_load %arg9[%swap3A_55, %swap3A_56] {strides = array<i32>} : memref<32x128xf32, #tpu.memory_space<vmem>>, vector<1x16xf32>,
      %swap3A_58 = vector.shape_cast %swap3A_57 : vector<1x16xf32> to vector<16xf32>
      %swap3A_59 = vector.shape_cast %broadcast_in_dim3A_0 : vector<16xf32> to vector<1x16xf32>
      tpu.vector_store %arg9[%swap3A_55, %swap3A_56], %swap3A_59 {strides = array<i32>} : memref<32x128xf32, #tpu.memory_space<vmem>>, vector<1x16xf32>,
      %swap3A_60 = arith.index_cast %scan3A_40 : i32 to index
      %swap3A_61 = arith.constant 64 : index
      %swap3A_62 = tpu.vector_load %arg9[%swap3A_60, %swap3A_61] {strides = array<i32>} : memref<32x128xf32, #tpu.memory_space<vmem>>, vector<1x16xf32>,
      %swap3A_63 = vector.shape_cast %swap3A_62 : vector<1x16xf32> to vector<16xf32>
      %swap3A_64 = vector.shape_cast %broadcast_in_dim3A_0 : vector<16xf32> to vector<1x16xf32>
      tpu.vector_store %arg9[%swap3A_60, %swap3A_61], %swap3A_64 {strides = array<i32>} : memref<32x128xf32, #tpu.memory_space<vmem>>, vector<1x16xf32>,
      %swap3A_65 = arith.index_cast %scan3A_40 : i32 to index
      %swap3A_66 = arith.constant 80 : index
      %swap3A_67 = tpu.vector_load %arg9[%swap3A_65, %swap3A_66] {strides = array<i32>} : memref<32x128xf32, #tpu.memory_space<vmem>>, vector<1x16xf32>,
      %swap3A_68 = vector.shape_cast %swap3A_67 : vector<1x16xf32> to vector<16xf32>
      %swap3A_69 = vector.shape_cast %broadcast_in_dim3A_0 : vector<16xf32> to vector<1x16xf32>
      tpu.vector_store %arg9[%swap3A_65, %swap3A_66], %swap3A_69 {strides = array<i32>} : memref<32x128xf32, #tpu.memory_space<vmem>>, vector<1x16xf32>,
      %swap3A_70 = arith.index_cast %scan3A_40 : i32 to index
      %swap3A_71 = arith.constant 96 : index
      %swap3A_72 = tpu.vector_load %arg9[%swap3A_70, %swap3A_71] {strides = array<i32>} : memref<32x128xf32, #tpu.memory_space<vmem>>, vector<1x16xf32>,
      %swap3A_73 = vector.shape_cast %swap3A_72 : vector<1x16xf32> to vector<16xf32>
      %swap3A_74 = vector.shape_cast %broadcast_in_dim3A_0 : vector<16xf32> to vector<1x16xf32>
      tpu.vector_store %arg9[%swap3A_70, %swap3A_71], %swap3A_74 {strides = array<i32>} : memref<32x128xf32, #tpu.memory_space<vmem>>, vector<1x16xf32>,
      %swap3A_75 = arith.index_cast %scan3A_40 : i32 to index
      %swap3A_76 = arith.constant 112 : index
      %swap3A_77 = tpu.vector_load %arg9[%swap3A_75, %swap3A_76] {strides = array<i32>} : memref<32x128xf32, #tpu.memory_space<vmem>>, vector<1x16xf32>,
      %swap3A_78 = vector.shape_cast %swap3A_77 : vector<1x16xf32> to vector<16xf32>
      %swap3A_79 = vector.shape_cast %broadcast_in_dim3A_0 : vector<16xf32> to vector<1x16xf32>
      tpu.vector_store %arg9[%swap3A_75, %swap3A_76], %swap3A_79 {strides = array<i32>} : memref<32x128xf32, #tpu.memory_space<vmem>>, vector<1x16xf32>,
    }
    %scan3A_5 = arith.constant 32 : i32
    %mul3A = arith.constant 1 : i32
    %mul3A_6 = arith.muli %arg0, %mul3A : i32
    %add3A = arith.constant 0 : i32
    %add3A_7 = arith.addi %mul3A_6, %add3A : i32
    %scan3A_8 = arith.constant 0 : i32
    %scan3A_9 = arith.constant 0 : i32
    %scan3A_10 = arith.constant 20 : i32
    %scan3A_11 = arith.addi %scan3A_9, %scan3A_10 : i32
    %scan3A_12 = arith.constant 1 : i32
    scf.for %scan3A_40 = %scan3A_9 to %scan3A_11 step %scan3A_12  : i32 {
      %mul3A_41 = arith.constant 640 : i32
      %mul3A_42 = arith.muli %arg1, %mul3A_41 : i32
      %mul3A_43 = arith.constant 32 : i32
      %mul3A_44 = arith.muli %scan3A_40, %mul3A_43 : i32
      %add3A_45 = arith.addi %mul3A_42, %mul3A_44 : i32
      "tpu.region"() ({
        %run_scoped3A = tpu.sem_alloc : memref<!tpu.dma_semaphore, #tpu.memory_space<semaphore_mem>>
        %dma_start3A = arith.constant 0 : i32
        %dma_start3A_46 = tpu.memref_slice %arg10[%add3A_45, %dma_start3A] : memref<10240x128xf32, #tpu.memory_space<vmem_shared>> -> memref<32x128xf32, #tpu.memory_space<vmem_shared>>
        %dma_start3A_47 = arith.constant 0 : i32
        %dma_start3A_48 = tpu.memref_slice %arg10[%add3A_45, %dma_start3A_47] : memref<10240x128xf32, #tpu.memory_space<vmem_shared>> -> memref<32x128xf32, #tpu.memory_space<vmem_shared>>
        tpu.enqueue_dma source(%arg9 : memref<32x128xf32, #tpu.memory_space<vmem>>) target(%dma_start3A_48 : memref<32x128xf32, #tpu.memory_space<vmem_shared>>) target_semaphore(%run_scoped3A : memref<!tpu.dma_semaphore, #tpu.memory_space<semaphore_mem>>)
        %dma_wait3A = arith.constant 0 : i32
        %dma_wait3A_49 = tpu.memref_slice %arg10[%add3A_45, %dma_wait3A] : memref<10240x128xf32, #tpu.memory_space<vmem_shared>> -> memref<32x128xf32, #tpu.memory_space<vmem_shared>>
        %dma_wait3A_50 = arith.constant 0 : i32
        %dma_wait3A_51 = tpu.memref_slice %arg10[%add3A_45, %dma_wait3A_50] : memref<10240x128xf32, #tpu.memory_space<vmem_shared>> -> memref<32x128xf32, #tpu.memory_space<vmem_shared>>
        tpu.wait_dma2 semaphore(%run_scoped3A : memref<!tpu.dma_semaphore, #tpu.memory_space<semaphore_mem>>) src(%arg9 : memref<32x128xf32, #tpu.memory_space<vmem>>) dst(%dma_wait3A_51 : memref<32x128xf32, #tpu.memory_space<vmem_shared>>)
        tpu.yield
      }) : () -> ()
    }
    %scan3A_13 = arith.constant 20 : i32
    %mul3A_14 = arith.constant 10000 : i32
    %mul3A_15 = arith.muli %arg0, %mul3A_14 : i32
    %broadcast_in_dim3A_16 = vector.broadcast %mul3A_15 : i32 to vector<16xi32>
    %scan3A_17 = arith.constant 0 : i32
    %scan3A_18 = arith.constant 0 : i32
    %scan3A_19 = arith.constant 80 : i32
    %scan3A_20 = arith.addi %scan3A_18, %scan3A_19 : i32
    %scan3A_21 = arith.constant 1 : i32
    scf.for %scan3A_40 = %scan3A_18 to %scan3A_20 step %scan3A_21  : i32 {
      %get3A = arith.index_cast %scan3A_40 : i32 to index
      %get3A_41 = arith.constant 0 : index
      %get3A_42 = tpu.vector_load %arg6[%get3A, %get3A_41] {strides = array<i32>} : memref<80x128xi32, #tpu.memory_space<vmem>>, vector<1x16xi32>,
      %get3A_43 = vector.shape_cast %get3A_42 : vector<1x16xi32> to vector<16xi32>
      %add3A_44 = arith.addi %get3A_43, %broadcast_in_dim3A_16 : vector<16xi32>
      %swap3A = arith.index_cast %scan3A_40 : i32 to index
      %swap3A_45 = arith.constant 0 : index
      %swap3A_46 = tpu.vector_load %arg6[%swap3A, %swap3A_45] {strides = array<i32>} : memref<80x128xi32, #tpu.memory_space<vmem>>, vector<1x16xi32>,
      %swap3A_47 = vector.shape_cast %swap3A_46 : vector<1x16xi32> to vector<16xi32>
      %swap3A_48 = vector.shape_cast %add3A_44 : vector<16xi32> to vector<1x16xi32>
      tpu.vector_store %arg6[%swap3A, %swap3A_45], %swap3A_48 {strides = array<i32>} : memref<80x128xi32, #tpu.memory_space<vmem>>, vector<1x16xi32>,
      %get3A_49 = arith.index_cast %scan3A_40 : i32 to index
      %get3A_50 = arith.constant 16 : index
      %get3A_51 = tpu.vector_load %arg6[%get3A_49, %get3A_50] {strides = array<i32>} : memref<80x128xi32, #tpu.memory_space<vmem>>, vector<1x16xi32>,
      %get3A_52 = vector.shape_cast %get3A_51 : vector<1x16xi32> to vector<16xi32>
      %add3A_53 = arith.addi %get3A_52, %broadcast_in_dim3A_16 : vector<16xi32>
      %swap3A_54 = arith.index_cast %scan3A_40 : i32 to index
      %swap3A_55 = arith.constant 16 : index
      %swap3A_56 = tpu.vector_load %arg6[%swap3A_54, %swap3A_55] {strides = array<i32>} : memref<80x128xi32, #tpu.memory_space<vmem>>, vector<1x16xi32>,
      %swap3A_57 = vector.shape_cast %swap3A_56 : vector<1x16xi32> to vector<16xi32>
      %swap3A_58 = vector.shape_cast %add3A_53 : vector<16xi32> to vector<1x16xi32>
      tpu.vector_store %arg6[%swap3A_54, %swap3A_55], %swap3A_58 {strides = array<i32>} : memref<80x128xi32, #tpu.memory_space<vmem>>, vector<1x16xi32>,
      %get3A_59 = arith.index_cast %scan3A_40 : i32 to index
      %get3A_60 = arith.constant 32 : index
      %get3A_61 = tpu.vector_load %arg6[%get3A_59, %get3A_60] {strides = array<i32>} : memref<80x128xi32, #tpu.memory_space<vmem>>, vector<1x16xi32>,
      %get3A_62 = vector.shape_cast %get3A_61 : vector<1x16xi32> to vector<16xi32>
      %add3A_63 = arith.addi %get3A_62, %broadcast_in_dim3A_16 : vector<16xi32>
      %swap3A_64 = arith.index_cast %scan3A_40 : i32 to index
      %swap3A_65 = arith.constant 32 : index
      %swap3A_66 = tpu.vector_load %arg6[%swap3A_64, %swap3A_65] {strides = array<i32>} : memref<80x128xi32, #tpu.memory_space<vmem>>, vector<1x16xi32>,
      %swap3A_67 = vector.shape_cast %swap3A_66 : vector<1x16xi32> to vector<16xi32>
      %swap3A_68 = vector.shape_cast %add3A_63 : vector<16xi32> to vector<1x16xi32>
      tpu.vector_store %arg6[%swap3A_64, %swap3A_65], %swap3A_68 {strides = array<i32>} : memref<80x128xi32, #tpu.memory_space<vmem>>, vector<1x16xi32>,
      %get3A_69 = arith.index_cast %scan3A_40 : i32 to index
      %get3A_70 = arith.constant 48 : index
      %get3A_71 = tpu.vector_load %arg6[%get3A_69, %get3A_70] {strides = array<i32>} : memref<80x128xi32, #tpu.memory_space<vmem>>, vector<1x16xi32>,
      %get3A_72 = vector.shape_cast %get3A_71 : vector<1x16xi32> to vector<16xi32>
      %add3A_73 = arith.addi %get3A_72, %broadcast_in_dim3A_16 : vector<16xi32>
      %swap3A_74 = arith.index_cast %scan3A_40 : i32 to index
      %swap3A_75 = arith.constant 48 : index
      %swap3A_76 = tpu.vector_load %arg6[%swap3A_74, %swap3A_75] {strides = array<i32>} : memref<80x128xi32, #tpu.memory_space<vmem>>, vector<1x16xi32>,
      %swap3A_77 = vector.shape_cast %swap3A_76 : vector<1x16xi32> to vector<16xi32>
      %swap3A_78 = vector.shape_cast %add3A_73 : vector<16xi32> to vector<1x16xi32>
      tpu.vector_store %arg6[%swap3A_74, %swap3A_75], %swap3A_78 {strides = array<i32>} : memref<80x128xi32, #tpu.memory_space<vmem>>, vector<1x16xi32>,
      %get3A_79 = arith.index_cast %scan3A_40 : i32 to index
      %get3A_80 = arith.constant 64 : index
      %get3A_81 = tpu.vector_load %arg6[%get3A_79, %get3A_80] {strides = array<i32>} : memref<80x128xi32, #tpu.memory_space<vmem>>, vector<1x16xi32>,
      %get3A_82 = vector.shape_cast %get3A_81 : vector<1x16xi32> to vector<16xi32>
      %add3A_83 = arith.addi %get3A_82, %broadcast_in_dim3A_16 : vector<16xi32>
      %swap3A_84 = arith.index_cast %scan3A_40 : i32 to index
      %swap3A_85 = arith.constant 64 : index
      %swap3A_86 = tpu.vector_load %arg6[%swap3A_84, %swap3A_85] {strides = array<i32>} : memref<80x128xi32, #tpu.memory_space<vmem>>, vector<1x16xi32>,
      %swap3A_87 = vector.shape_cast %swap3A_86 : vector<1x16xi32> to vector<16xi32>
      %swap3A_88 = vector.shape_cast %add3A_83 : vector<16xi32> to vector<1x16xi32>
      tpu.vector_store %arg6[%swap3A_84, %swap3A_85], %swap3A_88 {strides = array<i32>} : memref<80x128xi32, #tpu.memory_space<vmem>>, vector<1x16xi32>,
      %get3A_89 = arith.index_cast %scan3A_40 : i32 to index
      %get3A_90 = arith.constant 80 : index
      %get3A_91 = tpu.vector_load %arg6[%get3A_89, %get3A_90] {strides = array<i32>} : memref<80x128xi32, #tpu.memory_space<vmem>>, vector<1x16xi32>,
      %get3A_92 = vector.shape_cast %get3A_91 : vector<1x16xi32> to vector<16xi32>
      %add3A_93 = arith.addi %get3A_92, %broadcast_in_dim3A_16 : vector<16xi32>
      %swap3A_94 = arith.index_cast %scan3A_40 : i32 to index
      %swap3A_95 = arith.constant 80 : index
      %swap3A_96 = tpu.vector_load %arg6[%swap3A_94, %swap3A_95] {strides = array<i32>} : memref<80x128xi32, #tpu.memory_space<vmem>>, vector<1x16xi32>,
      %swap3A_97 = vector.shape_cast %swap3A_96 : vector<1x16xi32> to vector<16xi32>
      %swap3A_98 = vector.shape_cast %add3A_93 : vector<16xi32> to vector<1x16xi32>
      tpu.vector_store %arg6[%swap3A_94, %swap3A_95], %swap3A_98 {strides = array<i32>} : memref<80x128xi32, #tpu.memory_space<vmem>>, vector<1x16xi32>,
      %get3A_99 = arith.index_cast %scan3A_40 : i32 to index
      %get3A_100 = arith.constant 96 : index
      %get3A_101 = tpu.vector_load %arg6[%get3A_99, %get3A_100] {strides = array<i32>} : memref<80x128xi32, #tpu.memory_space<vmem>>, vector<1x16xi32>,
      %get3A_102 = vector.shape_cast %get3A_101 : vector<1x16xi32> to vector<16xi32>
      %add3A_103 = arith.addi %get3A_102, %broadcast_in_dim3A_16 : vector<16xi32>
      %swap3A_104 = arith.index_cast %scan3A_40 : i32 to index
      %swap3A_105 = arith.constant 96 : index
      %swap3A_106 = tpu.vector_load %arg6[%swap3A_104, %swap3A_105] {strides = array<i32>} : memref<80x128xi32, #tpu.memory_space<vmem>>, vector<1x16xi32>,
      %swap3A_107 = vector.shape_cast %swap3A_106 : vector<1x16xi32> to vector<16xi32>
      %swap3A_108 = vector.shape_cast %add3A_103 : vector<16xi32> to vector<1x16xi32>
      tpu.vector_store %arg6[%swap3A_104, %swap3A_105], %swap3A_108 {strides = array<i32>} : memref<80x128xi32, #tpu.memory_space<vmem>>, vector<1x16xi32>,
      %get3A_109 = arith.index_cast %scan3A_40 : i32 to index
      %get3A_110 = arith.constant 112 : index
      %get3A_111 = tpu.vector_load %arg6[%get3A_109, %get3A_110] {strides = array<i32>} : memref<80x128xi32, #tpu.memory_space<vmem>>, vector<1x16xi32>,
      %get3A_112 = vector.shape_cast %get3A_111 : vector<1x16xi32> to vector<16xi32>
      %add3A_113 = arith.addi %get3A_112, %broadcast_in_dim3A_16 : vector<16xi32>
      %swap3A_114 = arith.index_cast %scan3A_40 : i32 to index
      %swap3A_115 = arith.constant 112 : index
      %swap3A_116 = tpu.vector_load %arg6[%swap3A_114, %swap3A_115] {strides = array<i32>} : memref<80x128xi32, #tpu.memory_space<vmem>>, vector<1x16xi32>,
      %swap3A_117 = vector.shape_cast %swap3A_116 : vector<1x16xi32> to vector<16xi32>
      %swap3A_118 = vector.shape_cast %add3A_113 : vector<16xi32> to vector<1x16xi32>
      tpu.vector_store %arg6[%swap3A_114, %swap3A_115], %swap3A_118 {strides = array<i32>} : memref<80x128xi32, #tpu.memory_space<vmem>>, vector<1x16xi32>,
    }
    %scan3A_22 = arith.constant 80 : i32
    %barrier3A = arith.constant 0 : index
    tpu.barrier barrier_id(%barrier3A)
    %scan3A_23 = arith.constant 0 : i32
    %scan3A_24 = arith.constant 0 : i32
    %scan3A_25 = arith.constant 80 : i32
    %scan3A_26 = arith.addi %scan3A_24, %scan3A_25 : i32
    %scan3A_27 = arith.constant 1 : i32
    scf.for %scan3A_40 = %scan3A_24 to %scan3A_26 step %scan3A_27  : i32 {
      "tpu.region"() ({
        %run_scoped3A = tpu.sem_alloc : memref<!tpu.dma_semaphore, #tpu.memory_space<semaphore_mem>>
        %dma_start3A = arith.constant 0 : i32
        %dma_start3A_41 = tpu.memref_slice %arg6[%scan3A_40, %dma_start3A] : memref<80x128xi32, #tpu.memory_space<vmem>> -> memref<1x128xi32, #tpu.memory_space<vmem>>
        %dma_start3A_42 = tpu.memref_squeeze %dma_start3A_41 : memref<1x128xi32, #tpu.memory_space<vmem>> -> memref<128xi32, #tpu.memory_space<vmem>>
        %dma_start3A_43 = arith.constant 0 : i32
        %dma_start3A_44 = arith.constant 0 : i32
        %dma_start3A_45 = tpu.memref_slice %arg2[%dma_start3A_43, %dma_start3A_44] : memref<20000x128xf32, #tpu.memory_space<hbm>> -> memref<20000x128xf32, #tpu.memory_space<hbm>>
        tpu.enqueue_indirect_dma source(%dma_start3A_45 : memref<20000x128xf32, #tpu.memory_space<hbm>>) target(%arg8 : memref<128x128xf32, #tpu.memory_space<vmem>>) offsets(%dma_start3A_42 : memref<128xi32, #tpu.memory_space<vmem>>) semaphore(%run_scoped3A : memref<!tpu.dma_semaphore, #tpu.memory_space<semaphore_mem>>)
        %dma_wait3A = arith.constant 0 : i32
        %dma_wait3A_46 = tpu.memref_slice %arg6[%scan3A_40, %dma_wait3A] : memref<80x128xi32, #tpu.memory_space<vmem>> -> memref<1x128xi32, #tpu.memory_space<vmem>>
        %dma_wait3A_47 = tpu.memref_squeeze %dma_wait3A_46 : memref<1x128xi32, #tpu.memory_space<vmem>> -> memref<128xi32, #tpu.memory_space<vmem>>
        %dma_wait3A_48 = arith.constant 0 : i32
        %dma_wait3A_49 = arith.constant 0 : i32
        %dma_wait3A_50 = tpu.memref_slice %arg2[%dma_wait3A_48, %dma_wait3A_49] : memref<20000x128xf32, #tpu.memory_space<hbm>> -> memref<20000x128xf32, #tpu.memory_space<hbm>>
        tpu.wait_indirect_dma semaphore(%run_scoped3A : memref<!tpu.dma_semaphore, #tpu.memory_space<semaphore_mem>>) src(%dma_wait3A_50 : memref<20000x128xf32, #tpu.memory_space<hbm>>) dst(%arg8 : memref<128x128xf32, #tpu.memory_space<vmem>>)
        tpu.yield
      }) : () -> ()
      "tpu.region"() ({
        %run_scoped3A = tpu.sem_alloc : memref<!tpu.dma_semaphore, #tpu.memory_space<semaphore_mem>>
        %dma_start3A = arith.constant 0 : i32
        %dma_start3A_41 = tpu.memref_slice %arg7[%scan3A_40, %dma_start3A] : memref<80x128xi32, #tpu.memory_space<vmem>> -> memref<1x128xi32, #tpu.memory_space<vmem>>
        %dma_start3A_42 = tpu.memref_squeeze %dma_start3A_41 : memref<1x128xi32, #tpu.memory_space<vmem>> -> memref<128xi32, #tpu.memory_space<vmem>>
        %dma_start3A_43 = arith.constant 0 : i32
        %dma_start3A_44 = arith.constant 0 : i32
        %dma_start3A_45 = tpu.memref_slice %arg10[%dma_start3A_43, %dma_start3A_44] : memref<10240x128xf32, #tpu.memory_space<vmem_shared>> -> memref<10240x128xf32, #tpu.memory_space<vmem_shared>>
        tpu.enqueue_indirect_dma source(%arg8 : memref<128x128xf32, #tpu.memory_space<vmem>>) target(%dma_start3A_45 : memref<10240x128xf32, #tpu.memory_space<vmem_shared>>) offsets(%dma_start3A_42 : memref<128xi32, #tpu.memory_space<vmem>>) semaphore(%run_scoped3A : memref<!tpu.dma_semaphore, #tpu.memory_space<semaphore_mem>>) {add = true}
        %dma_wait3A = arith.constant 0 : i32
        %dma_wait3A_46 = tpu.memref_slice %arg7[%scan3A_40, %dma_wait3A] : memref<80x128xi32, #tpu.memory_space<vmem>> -> memref<1x128xi32, #tpu.memory_space<vmem>>
        %dma_wait3A_47 = tpu.memref_squeeze %dma_wait3A_46 : memref<1x128xi32, #tpu.memory_space<vmem>> -> memref<128xi32, #tpu.memory_space<vmem>>
        %dma_wait3A_48 = arith.constant 0 : i32
        %dma_wait3A_49 = arith.constant 0 : i32
        %dma_wait3A_50 = tpu.memref_slice %arg10[%dma_wait3A_48, %dma_wait3A_49] : memref<10240x128xf32, #tpu.memory_space<vmem_shared>> -> memref<10240x128xf32, #tpu.memory_space<vmem_shared>>
        tpu.wait_indirect_dma semaphore(%run_scoped3A : memref<!tpu.dma_semaphore, #tpu.memory_space<semaphore_mem>>) src(%arg8 : memref<128x128xf32, #tpu.memory_space<vmem>>) dst(%dma_wait3A_50 : memref<10240x128xf32, #tpu.memory_space<vmem_shared>>)
        tpu.yield
      }) : () -> ()
    }
    %scan3A_28 = arith.constant 80 : i32
    %barrier3A_29 = arith.constant 0 : index
    tpu.barrier barrier_id(%barrier3A_29)
    %mul3A_30 = arith.constant 624 : i32
    %mul3A_31 = arith.muli %arg1, %mul3A_30 : i32
    %mul3A_32 = arith.constant 10000 : i32
    %mul3A_33 = arith.muli %add3A_7, %mul3A_32 : i32
    %mul3A_34 = arith.constant 624 : i32
    %mul3A_35 = arith.muli %arg1, %mul3A_34 : i32
    %add3A_36 = arith.addi %mul3A_33, %mul3A_35 : i32
    "tpu.region"() ({
      %run_scoped3A = tpu.sem_alloc : memref<!tpu.dma_semaphore, #tpu.memory_space<semaphore_mem>>
      %dma_start3A = arith.constant 0 : i32
      %dma_start3A_40 = tpu.memref_slice %arg5[%add3A_36, %dma_start3A] : memref<20000x128xf32, #tpu.memory_space<hbm>> -> memref<624x128xf32, #tpu.memory_space<hbm>>
      %dma_start3A_41 = arith.constant 0 : i32
      %dma_start3A_42 = tpu.memref_slice %arg10[%mul3A_31, %dma_start3A_41] : memref<10240x128xf32, #tpu.memory_space<vmem_shared>> -> memref<624x128xf32, #tpu.memory_space<vmem_shared>>
      tpu.enqueue_dma source(%dma_start3A_42 : memref<624x128xf32, #tpu.memory_space<vmem_shared>>) target(%dma_start3A_40 : memref<624x128xf32, #tpu.memory_space<hbm>>) target_semaphore(%run_scoped3A : memref<!tpu.dma_semaphore, #tpu.memory_space<semaphore_mem>>)
      %dma_wait3A = arith.constant 0 : i32
      %dma_wait3A_43 = tpu.memref_slice %arg5[%add3A_36, %dma_wait3A] : memref<20000x128xf32, #tpu.memory_space<hbm>> -> memref<624x128xf32, #tpu.memory_space<hbm>>
      %dma_wait3A_44 = arith.constant 0 : i32
      %dma_wait3A_45 = tpu.memref_slice %arg10[%mul3A_31, %dma_wait3A_44] : memref<10240x128xf32, #tpu.memory_space<vmem_shared>> -> memref<624x128xf32, #tpu.memory_space<vmem_shared>>
      tpu.wait_dma2 semaphore(%run_scoped3A : memref<!tpu.dma_semaphore, #tpu.memory_space<semaphore_mem>>) src(%dma_wait3A_45 : memref<624x128xf32, #tpu.memory_space<vmem_shared>>) dst(%dma_wait3A_43 : memref<624x128xf32, #tpu.memory_space<hbm>>)
      tpu.yield
    }) : () -> ()
    %eq3A = arith.constant 15 : i32
    %eq3A_37 = arith.cmpi eq, %arg1, %eq3A : i32
    %convert_element_type3A = arith.extui %eq3A_37 : i1 to i32
    %cond3A = arith.constant 0 : i32
    %cond3A_38 = arith.cmpi ne, %convert_element_type3A, %cond3A : i32
    scf.if %cond3A_38 {
      %mul3A_40 = arith.constant 10000 : i32
      %mul3A_41 = arith.muli %add3A_7, %mul3A_40 : i32
      %add3A_42 = arith.constant 9984 : i32
      %add3A_43 = arith.addi %mul3A_41, %add3A_42 : i32
      "tpu.region"() ({
        %run_scoped3A = tpu.sem_alloc : memref<!tpu.dma_semaphore, #tpu.memory_space<semaphore_mem>>
        %dma_start3A = arith.constant 0 : i32
        %dma_start3A_44 = tpu.memref_slice %arg5[%add3A_43, %dma_start3A] : memref<20000x128xf32, #tpu.memory_space<hbm>> -> memref<16x128xf32, #tpu.memory_space<hbm>>
        %dma_start3A_45 = arith.constant 9984 : i32
        %dma_start3A_46 = arith.constant 0 : i32
        %dma_start3A_47 = tpu.memref_slice %arg10[%dma_start3A_45, %dma_start3A_46] : memref<10240x128xf32, #tpu.memory_space<vmem_shared>> -> memref<16x128xf32, #tpu.memory_space<vmem_shared>>
        tpu.enqueue_dma source(%dma_start3A_47 : memref<16x128xf32, #tpu.memory_space<vmem_shared>>) target(%dma_start3A_44 : memref<16x128xf32, #tpu.memory_space<hbm>>) target_semaphore(%run_scoped3A : memref<!tpu.dma_semaphore, #tpu.memory_space<semaphore_mem>>)
        %dma_wait3A = arith.constant 0 : i32
        %dma_wait3A_48 = tpu.memref_slice %arg5[%add3A_43, %dma_wait3A] : memref<20000x128xf32, #tpu.memory_space<hbm>> -> memref<16x128xf32, #tpu.memory_space<hbm>>
        %dma_wait3A_49 = arith.constant 9984 : i32
        %dma_wait3A_50 = arith.constant 0 : i32
        %dma_wait3A_51 = tpu.memref_slice %arg10[%dma_wait3A_49, %dma_wait3A_50] : memref<10240x128xf32, #tpu.memory_space<vmem_shared>> -> memref<16x128xf32, #tpu.memory_space<vmem_shared>>
        tpu.wait_dma2 semaphore(%run_scoped3A : memref<!tpu.dma_semaphore, #tpu.memory_space<semaphore_mem>>) src(%dma_wait3A_51 : memref<16x128xf32, #tpu.memory_space<vmem_shared>>) dst(%dma_wait3A_48 : memref<16x128xf32, #tpu.memory_space<hbm>>)
        tpu.yield
      }) : () -> ()
    } else {
    }
    %barrier3A_39 = arith.constant 0 : index
    tpu.barrier barrier_id(%barrier3A_39)
    return
  }
}

#map = affine_map<(d0, d1) -> (0, 0)>
#map1 = affine_map<(d0, d1) -> (0, 0, 0)>
module attributes {stable_mosaic.version = 14 : i64} {
  func.func @body(%arg0: i32, %arg1: i32, %arg2: memref<40000x128xf32, #tpu.memory_space<hbm>>, %arg3: memref<16x80x128xi32, #tpu.memory_space<hbm>>, %arg4: memref<16x80x128xi32, #tpu.memory_space<hbm>>, %arg5: memref<40000x128xf32, #tpu.memory_space<hbm>>, %arg6: memref<80x128xi32, #tpu.memory_space<vmem>>, %arg7: memref<80x128xi32, #tpu.memory_space<vmem>>, %arg8: memref<128x128xf32, #tpu.memory_space<vmem>>, %arg9: memref<32x128xf32, #tpu.memory_space<vmem>>, %arg10: memref<10240x128xf32, #tpu.memory_space<vmem_shared>>) attributes {dimension_semantics = [#tpu.dimension_semantics<core_parallel>, #tpu.dimension_semantics<subcore_parallel>], iteration_bounds = array<i64: 2, 16>, scalar_prefetch = 0 : i64, scratch_operands = 5 : i64, tpu.core_type = #tpu.core_type<sc_vector_subcore>, window_params = [{transform_indices = #map}, {transform_indices = #map1}, {transform_indices = #map1}, {transform_indices = #map}]} {
    "tpu.region"() ({
      %run_scoped3A = tpu.sem_alloc : memref<!tpu.dma_semaphore, #tpu.memory_space<semaphore_mem>>
      %dma_start3A = arith.constant 0 : i32
      %dma_start3A_79 = arith.constant 0 : i32
      %dma_start3A_80 = tpu.memref_slice %arg3[%arg1, %dma_start3A, %dma_start3A_79] : memref<16x80x128xi32, #tpu.memory_space<hbm>> -> memref<1x80x128xi32, #tpu.memory_space<hbm>>
      %dma_start3A_81 = tpu.memref_squeeze %dma_start3A_80 : memref<1x80x128xi32, #tpu.memory_space<hbm>> -> memref<80x128xi32, #tpu.memory_space<hbm>>
      %dma_start3A_82 = arith.constant 0 : i32
      %dma_start3A_83 = arith.constant 0 : i32
      %dma_start3A_84 = tpu.memref_slice %arg3[%arg1, %dma_start3A_82, %dma_start3A_83] : memref<16x80x128xi32, #tpu.memory_space<hbm>> -> memref<1x80x128xi32, #tpu.memory_space<hbm>>
      %dma_start3A_85 = tpu.memref_squeeze %dma_start3A_84 : memref<1x80x128xi32, #tpu.memory_space<hbm>> -> memref<80x128xi32, #tpu.memory_space<hbm>>
      tpu.enqueue_dma source(%dma_start3A_85 : memref<80x128xi32, #tpu.memory_space<hbm>>) target(%arg6 : memref<80x128xi32, #tpu.memory_space<vmem>>) target_semaphore(%run_scoped3A : memref<!tpu.dma_semaphore, #tpu.memory_space<semaphore_mem>>)
      %dma_wait3A = arith.constant 0 : i32
      %dma_wait3A_86 = arith.constant 0 : i32
      %dma_wait3A_87 = tpu.memref_slice %arg3[%arg1, %dma_wait3A, %dma_wait3A_86] : memref<16x80x128xi32, #tpu.memory_space<hbm>> -> memref<1x80x128xi32, #tpu.memory_space<hbm>>
      %dma_wait3A_88 = tpu.memref_squeeze %dma_wait3A_87 : memref<1x80x128xi32, #tpu.memory_space<hbm>> -> memref<80x128xi32, #tpu.memory_space<hbm>>
      %dma_wait3A_89 = arith.constant 0 : i32
      %dma_wait3A_90 = arith.constant 0 : i32
      %dma_wait3A_91 = tpu.memref_slice %arg3[%arg1, %dma_wait3A_89, %dma_wait3A_90] : memref<16x80x128xi32, #tpu.memory_space<hbm>> -> memref<1x80x128xi32, #tpu.memory_space<hbm>>
      %dma_wait3A_92 = tpu.memref_squeeze %dma_wait3A_91 : memref<1x80x128xi32, #tpu.memory_space<hbm>> -> memref<80x128xi32, #tpu.memory_space<hbm>>
      tpu.wait_dma2 semaphore(%run_scoped3A : memref<!tpu.dma_semaphore, #tpu.memory_space<semaphore_mem>>) src(%dma_wait3A_92 : memref<80x128xi32, #tpu.memory_space<hbm>>) dst(%arg6 : memref<80x128xi32, #tpu.memory_space<vmem>>)
      tpu.yield
    }) : () -> ()
    "tpu.region"() ({
      %run_scoped3A = tpu.sem_alloc : memref<!tpu.dma_semaphore, #tpu.memory_space<semaphore_mem>>
      %dma_start3A = arith.constant 0 : i32
      %dma_start3A_79 = arith.constant 0 : i32
      %dma_start3A_80 = tpu.memref_slice %arg4[%arg1, %dma_start3A, %dma_start3A_79] : memref<16x80x128xi32, #tpu.memory_space<hbm>> -> memref<1x80x128xi32, #tpu.memory_space<hbm>>
      %dma_start3A_81 = tpu.memref_squeeze %dma_start3A_80 : memref<1x80x128xi32, #tpu.memory_space<hbm>> -> memref<80x128xi32, #tpu.memory_space<hbm>>
      %dma_start3A_82 = arith.constant 0 : i32
      %dma_start3A_83 = arith.constant 0 : i32
      %dma_start3A_84 = tpu.memref_slice %arg4[%arg1, %dma_start3A_82, %dma_start3A_83] : memref<16x80x128xi32, #tpu.memory_space<hbm>> -> memref<1x80x128xi32, #tpu.memory_space<hbm>>
      %dma_start3A_85 = tpu.memref_squeeze %dma_start3A_84 : memref<1x80x128xi32, #tpu.memory_space<hbm>> -> memref<80x128xi32, #tpu.memory_space<hbm>>
      tpu.enqueue_dma source(%dma_start3A_85 : memref<80x128xi32, #tpu.memory_space<hbm>>) target(%arg7 : memref<80x128xi32, #tpu.memory_space<vmem>>) target_semaphore(%run_scoped3A : memref<!tpu.dma_semaphore, #tpu.memory_space<semaphore_mem>>)
      %dma_wait3A = arith.constant 0 : i32
      %dma_wait3A_86 = arith.constant 0 : i32
      %dma_wait3A_87 = tpu.memref_slice %arg4[%arg1, %dma_wait3A, %dma_wait3A_86] : memref<16x80x128xi32, #tpu.memory_space<hbm>> -> memref<1x80x128xi32, #tpu.memory_space<hbm>>
      %dma_wait3A_88 = tpu.memref_squeeze %dma_wait3A_87 : memref<1x80x128xi32, #tpu.memory_space<hbm>> -> memref<80x128xi32, #tpu.memory_space<hbm>>
      %dma_wait3A_89 = arith.constant 0 : i32
      %dma_wait3A_90 = arith.constant 0 : i32
      %dma_wait3A_91 = tpu.memref_slice %arg4[%arg1, %dma_wait3A_89, %dma_wait3A_90] : memref<16x80x128xi32, #tpu.memory_space<hbm>> -> memref<1x80x128xi32, #tpu.memory_space<hbm>>
      %dma_wait3A_92 = tpu.memref_squeeze %dma_wait3A_91 : memref<1x80x128xi32, #tpu.memory_space<hbm>> -> memref<80x128xi32, #tpu.memory_space<hbm>>
      tpu.wait_dma2 semaphore(%run_scoped3A : memref<!tpu.dma_semaphore, #tpu.memory_space<semaphore_mem>>) src(%dma_wait3A_92 : memref<80x128xi32, #tpu.memory_space<hbm>>) dst(%arg7 : memref<80x128xi32, #tpu.memory_space<vmem>>)
      tpu.yield
    }) : () -> ()
    %broadcast_in_dim3A = arith.constant 0.000000e+00 : f32
    %broadcast_in_dim3A_0 = vector.broadcast %broadcast_in_dim3A : f32 to vector<16xf32>
    %scan3A = arith.constant 0 : i32
    %scan3A_1 = arith.constant 0 : i32
    %scan3A_2 = arith.constant 32 : i32
    %scan3A_3 = arith.addi %scan3A_1, %scan3A_2 : i32
    %scan3A_4 = arith.constant 1 : i32
    scf.for %scan3A_79 = %scan3A_1 to %scan3A_3 step %scan3A_4  : i32 {
      %swap3A = arith.index_cast %scan3A_79 : i32 to index
      %swap3A_80 = arith.constant 0 : index
      %swap3A_81 = tpu.vector_load %arg9[%swap3A, %swap3A_80] {strides = array<i32>} : memref<32x128xf32, #tpu.memory_space<vmem>>, vector<1x16xf32>,
      %swap3A_82 = vector.shape_cast %swap3A_81 : vector<1x16xf32> to vector<16xf32>
      %swap3A_83 = vector.shape_cast %broadcast_in_dim3A_0 : vector<16xf32> to vector<1x16xf32>
      tpu.vector_store %arg9[%swap3A, %swap3A_80], %swap3A_83 {strides = array<i32>} : memref<32x128xf32, #tpu.memory_space<vmem>>, vector<1x16xf32>,
      %swap3A_84 = arith.index_cast %scan3A_79 : i32 to index
      %swap3A_85 = arith.constant 16 : index
      %swap3A_86 = tpu.vector_load %arg9[%swap3A_84, %swap3A_85] {strides = array<i32>} : memref<32x128xf32, #tpu.memory_space<vmem>>, vector<1x16xf32>,
      %swap3A_87 = vector.shape_cast %swap3A_86 : vector<1x16xf32> to vector<16xf32>
      %swap3A_88 = vector.shape_cast %broadcast_in_dim3A_0 : vector<16xf32> to vector<1x16xf32>
      tpu.vector_store %arg9[%swap3A_84, %swap3A_85], %swap3A_88 {strides = array<i32>} : memref<32x128xf32, #tpu.memory_space<vmem>>, vector<1x16xf32>,
      %swap3A_89 = arith.index_cast %scan3A_79 : i32 to index
      %swap3A_90 = arith.constant 32 : index
      %swap3A_91 = tpu.vector_load %arg9[%swap3A_89, %swap3A_90] {strides = array<i32>} : memref<32x128xf32, #tpu.memory_space<vmem>>, vector<1x16xf32>,
      %swap3A_92 = vector.shape_cast %swap3A_91 : vector<1x16xf32> to vector<16xf32>
      %swap3A_93 = vector.shape_cast %broadcast_in_dim3A_0 : vector<16xf32> to vector<1x16xf32>
      tpu.vector_store %arg9[%swap3A_89, %swap3A_90], %swap3A_93 {strides = array<i32>} : memref<32x128xf32, #tpu.memory_space<vmem>>, vector<1x16xf32>,
      %swap3A_94 = arith.index_cast %scan3A_79 : i32 to index
      %swap3A_95 = arith.constant 48 : index
      %swap3A_96 = tpu.vector_load %arg9[%swap3A_94, %swap3A_95] {strides = array<i32>} : memref<32x128xf32, #tpu.memory_space<vmem>>, vector<1x16xf32>,
      %swap3A_97 = vector.shape_cast %swap3A_96 : vector<1x16xf32> to vector<16xf32>
      %swap3A_98 = vector.shape_cast %broadcast_in_dim3A_0 : vector<16xf32> to vector<1x16xf32>
      tpu.vector_store %arg9[%swap3A_94, %swap3A_95], %swap3A_98 {strides = array<i32>} : memref<32x128xf32, #tpu.memory_space<vmem>>, vector<1x16xf32>,
      %swap3A_99 = arith.index_cast %scan3A_79 : i32 to index
      %swap3A_100 = arith.constant 64 : index
      %swap3A_101 = tpu.vector_load %arg9[%swap3A_99, %swap3A_100] {strides = array<i32>} : memref<32x128xf32, #tpu.memory_space<vmem>>, vector<1x16xf32>,
      %swap3A_102 = vector.shape_cast %swap3A_101 : vector<1x16xf32> to vector<16xf32>
      %swap3A_103 = vector.shape_cast %broadcast_in_dim3A_0 : vector<16xf32> to vector<1x16xf32>
      tpu.vector_store %arg9[%swap3A_99, %swap3A_100], %swap3A_103 {strides = array<i32>} : memref<32x128xf32, #tpu.memory_space<vmem>>, vector<1x16xf32>,
      %swap3A_104 = arith.index_cast %scan3A_79 : i32 to index
      %swap3A_105 = arith.constant 80 : index
      %swap3A_106 = tpu.vector_load %arg9[%swap3A_104, %swap3A_105] {strides = array<i32>} : memref<32x128xf32, #tpu.memory_space<vmem>>, vector<1x16xf32>,
      %swap3A_107 = vector.shape_cast %swap3A_106 : vector<1x16xf32> to vector<16xf32>
      %swap3A_108 = vector.shape_cast %broadcast_in_dim3A_0 : vector<16xf32> to vector<1x16xf32>
      tpu.vector_store %arg9[%swap3A_104, %swap3A_105], %swap3A_108 {strides = array<i32>} : memref<32x128xf32, #tpu.memory_space<vmem>>, vector<1x16xf32>,
      %swap3A_109 = arith.index_cast %scan3A_79 : i32 to index
      %swap3A_110 = arith.constant 96 : index
      %swap3A_111 = tpu.vector_load %arg9[%swap3A_109, %swap3A_110] {strides = array<i32>} : memref<32x128xf32, #tpu.memory_space<vmem>>, vector<1x16xf32>,
      %swap3A_112 = vector.shape_cast %swap3A_111 : vector<1x16xf32> to vector<16xf32>
      %swap3A_113 = vector.shape_cast %broadcast_in_dim3A_0 : vector<16xf32> to vector<1x16xf32>
      tpu.vector_store %arg9[%swap3A_109, %swap3A_110], %swap3A_113 {strides = array<i32>} : memref<32x128xf32, #tpu.memory_space<vmem>>, vector<1x16xf32>,
      %swap3A_114 = arith.index_cast %scan3A_79 : i32 to index
      %swap3A_115 = arith.constant 112 : index
      %swap3A_116 = tpu.vector_load %arg9[%swap3A_114, %swap3A_115] {strides = array<i32>} : memref<32x128xf32, #tpu.memory_space<vmem>>, vector<1x16xf32>,
      %swap3A_117 = vector.shape_cast %swap3A_116 : vector<1x16xf32> to vector<16xf32>
      %swap3A_118 = vector.shape_cast %broadcast_in_dim3A_0 : vector<16xf32> to vector<1x16xf32>
      tpu.vector_store %arg9[%swap3A_114, %swap3A_115], %swap3A_118 {strides = array<i32>} : memref<32x128xf32, #tpu.memory_space<vmem>>, vector<1x16xf32>,
    }
    %scan3A_5 = arith.constant 32 : i32
    %mul3A = arith.constant 2 : i32
    %mul3A_6 = arith.muli %arg0, %mul3A : i32
    %add3A = arith.constant 0 : i32
    %add3A_7 = arith.addi %mul3A_6, %add3A : i32
    %scan3A_8 = arith.constant 0 : i32
    %scan3A_9 = arith.constant 0 : i32
    %scan3A_10 = arith.constant 20 : i32
    %scan3A_11 = arith.addi %scan3A_9, %scan3A_10 : i32
    %scan3A_12 = arith.constant 1 : i32
    scf.for %scan3A_79 = %scan3A_9 to %scan3A_11 step %scan3A_12  : i32 {
      %mul3A_80 = arith.constant 640 : i32
      %mul3A_81 = arith.muli %arg1, %mul3A_80 : i32
      %mul3A_82 = arith.constant 32 : i32
      %mul3A_83 = arith.muli %scan3A_79, %mul3A_82 : i32
      %add3A_84 = arith.addi %mul3A_81, %mul3A_83 : i32
      "tpu.region"() ({
        %run_scoped3A = tpu.sem_alloc : memref<!tpu.dma_semaphore, #tpu.memory_space<semaphore_mem>>
        %dma_start3A = arith.constant 0 : i32
        %dma_start3A_85 = tpu.memref_slice %arg10[%add3A_84, %dma_start3A] : memref<10240x128xf32, #tpu.memory_space<vmem_shared>> -> memref<32x128xf32, #tpu.memory_space<vmem_shared>>
        %dma_start3A_86 = arith.constant 0 : i32
        %dma_start3A_87 = tpu.memref_slice %arg10[%add3A_84, %dma_start3A_86] : memref<10240x128xf32, #tpu.memory_space<vmem_shared>> -> memref<32x128xf32, #tpu.memory_space<vmem_shared>>
        tpu.enqueue_dma source(%arg9 : memref<32x128xf32, #tpu.memory_space<vmem>>) target(%dma_start3A_87 : memref<32x128xf32, #tpu.memory_space<vmem_shared>>) target_semaphore(%run_scoped3A : memref<!tpu.dma_semaphore, #tpu.memory_space<semaphore_mem>>)
        %dma_wait3A = arith.constant 0 : i32
        %dma_wait3A_88 = tpu.memref_slice %arg10[%add3A_84, %dma_wait3A] : memref<10240x128xf32, #tpu.memory_space<vmem_shared>> -> memref<32x128xf32, #tpu.memory_space<vmem_shared>>
        %dma_wait3A_89 = arith.constant 0 : i32
        %dma_wait3A_90 = tpu.memref_slice %arg10[%add3A_84, %dma_wait3A_89] : memref<10240x128xf32, #tpu.memory_space<vmem_shared>> -> memref<32x128xf32, #tpu.memory_space<vmem_shared>>
        tpu.wait_dma2 semaphore(%run_scoped3A : memref<!tpu.dma_semaphore, #tpu.memory_space<semaphore_mem>>) src(%arg9 : memref<32x128xf32, #tpu.memory_space<vmem>>) dst(%dma_wait3A_90 : memref<32x128xf32, #tpu.memory_space<vmem_shared>>)
        tpu.yield
      }) : () -> ()
    }
    %scan3A_13 = arith.constant 20 : i32
    %mul3A_14 = arith.constant 20000 : i32
    %mul3A_15 = arith.muli %arg0, %mul3A_14 : i32
    %broadcast_in_dim3A_16 = vector.broadcast %mul3A_15 : i32 to vector<16xi32>
    %scan3A_17 = arith.constant 0 : i32
    %scan3A_18 = arith.constant 0 : i32
    %scan3A_19 = arith.constant 80 : i32
    %scan3A_20 = arith.addi %scan3A_18, %scan3A_19 : i32
    %scan3A_21 = arith.constant 1 : i32
    scf.for %scan3A_79 = %scan3A_18 to %scan3A_20 step %scan3A_21  : i32 {
      %get3A = arith.index_cast %scan3A_79 : i32 to index
      %get3A_80 = arith.constant 0 : index
      %get3A_81 = tpu.vector_load %arg6[%get3A, %get3A_80] {strides = array<i32>} : memref<80x128xi32, #tpu.memory_space<vmem>>, vector<1x16xi32>,
      %get3A_82 = vector.shape_cast %get3A_81 : vector<1x16xi32> to vector<16xi32>
      %add3A_83 = arith.addi %get3A_82, %broadcast_in_dim3A_16 : vector<16xi32>
      %swap3A = arith.index_cast %scan3A_79 : i32 to index
      %swap3A_84 = arith.constant 0 : index
      %swap3A_85 = tpu.vector_load %arg6[%swap3A, %swap3A_84] {strides = array<i32>} : memref<80x128xi32, #tpu.memory_space<vmem>>, vector<1x16xi32>,
      %swap3A_86 = vector.shape_cast %swap3A_85 : vector<1x16xi32> to vector<16xi32>
      %swap3A_87 = vector.shape_cast %add3A_83 : vector<16xi32> to vector<1x16xi32>
      tpu.vector_store %arg6[%swap3A, %swap3A_84], %swap3A_87 {strides = array<i32>} : memref<80x128xi32, #tpu.memory_space<vmem>>, vector<1x16xi32>,
      %get3A_88 = arith.index_cast %scan3A_79 : i32 to index
      %get3A_89 = arith.constant 16 : index
      %get3A_90 = tpu.vector_load %arg6[%get3A_88, %get3A_89] {strides = array<i32>} : memref<80x128xi32, #tpu.memory_space<vmem>>, vector<1x16xi32>,
      %get3A_91 = vector.shape_cast %get3A_90 : vector<1x16xi32> to vector<16xi32>
      %add3A_92 = arith.addi %get3A_91, %broadcast_in_dim3A_16 : vector<16xi32>
      %swap3A_93 = arith.index_cast %scan3A_79 : i32 to index
      %swap3A_94 = arith.constant 16 : index
      %swap3A_95 = tpu.vector_load %arg6[%swap3A_93, %swap3A_94] {strides = array<i32>} : memref<80x128xi32, #tpu.memory_space<vmem>>, vector<1x16xi32>,
      %swap3A_96 = vector.shape_cast %swap3A_95 : vector<1x16xi32> to vector<16xi32>
      %swap3A_97 = vector.shape_cast %add3A_92 : vector<16xi32> to vector<1x16xi32>
      tpu.vector_store %arg6[%swap3A_93, %swap3A_94], %swap3A_97 {strides = array<i32>} : memref<80x128xi32, #tpu.memory_space<vmem>>, vector<1x16xi32>,
      %get3A_98 = arith.index_cast %scan3A_79 : i32 to index
      %get3A_99 = arith.constant 32 : index
      %get3A_100 = tpu.vector_load %arg6[%get3A_98, %get3A_99] {strides = array<i32>} : memref<80x128xi32, #tpu.memory_space<vmem>>, vector<1x16xi32>,
      %get3A_101 = vector.shape_cast %get3A_100 : vector<1x16xi32> to vector<16xi32>
      %add3A_102 = arith.addi %get3A_101, %broadcast_in_dim3A_16 : vector<16xi32>
      %swap3A_103 = arith.index_cast %scan3A_79 : i32 to index
      %swap3A_104 = arith.constant 32 : index
      %swap3A_105 = tpu.vector_load %arg6[%swap3A_103, %swap3A_104] {strides = array<i32>} : memref<80x128xi32, #tpu.memory_space<vmem>>, vector<1x16xi32>,
      %swap3A_106 = vector.shape_cast %swap3A_105 : vector<1x16xi32> to vector<16xi32>
      %swap3A_107 = vector.shape_cast %add3A_102 : vector<16xi32> to vector<1x16xi32>
      tpu.vector_store %arg6[%swap3A_103, %swap3A_104], %swap3A_107 {strides = array<i32>} : memref<80x128xi32, #tpu.memory_space<vmem>>, vector<1x16xi32>,
      %get3A_108 = arith.index_cast %scan3A_79 : i32 to index
      %get3A_109 = arith.constant 48 : index
      %get3A_110 = tpu.vector_load %arg6[%get3A_108, %get3A_109] {strides = array<i32>} : memref<80x128xi32, #tpu.memory_space<vmem>>, vector<1x16xi32>,
      %get3A_111 = vector.shape_cast %get3A_110 : vector<1x16xi32> to vector<16xi32>
      %add3A_112 = arith.addi %get3A_111, %broadcast_in_dim3A_16 : vector<16xi32>
      %swap3A_113 = arith.index_cast %scan3A_79 : i32 to index
      %swap3A_114 = arith.constant 48 : index
      %swap3A_115 = tpu.vector_load %arg6[%swap3A_113, %swap3A_114] {strides = array<i32>} : memref<80x128xi32, #tpu.memory_space<vmem>>, vector<1x16xi32>,
      %swap3A_116 = vector.shape_cast %swap3A_115 : vector<1x16xi32> to vector<16xi32>
      %swap3A_117 = vector.shape_cast %add3A_112 : vector<16xi32> to vector<1x16xi32>
      tpu.vector_store %arg6[%swap3A_113, %swap3A_114], %swap3A_117 {strides = array<i32>} : memref<80x128xi32, #tpu.memory_space<vmem>>, vector<1x16xi32>,
      %get3A_118 = arith.index_cast %scan3A_79 : i32 to index
      %get3A_119 = arith.constant 64 : index
      %get3A_120 = tpu.vector_load %arg6[%get3A_118, %get3A_119] {strides = array<i32>} : memref<80x128xi32, #tpu.memory_space<vmem>>, vector<1x16xi32>,
      %get3A_121 = vector.shape_cast %get3A_120 : vector<1x16xi32> to vector<16xi32>
      %add3A_122 = arith.addi %get3A_121, %broadcast_in_dim3A_16 : vector<16xi32>
      %swap3A_123 = arith.index_cast %scan3A_79 : i32 to index
      %swap3A_124 = arith.constant 64 : index
      %swap3A_125 = tpu.vector_load %arg6[%swap3A_123, %swap3A_124] {strides = array<i32>} : memref<80x128xi32, #tpu.memory_space<vmem>>, vector<1x16xi32>,
      %swap3A_126 = vector.shape_cast %swap3A_125 : vector<1x16xi32> to vector<16xi32>
      %swap3A_127 = vector.shape_cast %add3A_122 : vector<16xi32> to vector<1x16xi32>
      tpu.vector_store %arg6[%swap3A_123, %swap3A_124], %swap3A_127 {strides = array<i32>} : memref<80x128xi32, #tpu.memory_space<vmem>>, vector<1x16xi32>,
      %get3A_128 = arith.index_cast %scan3A_79 : i32 to index
      %get3A_129 = arith.constant 80 : index
      %get3A_130 = tpu.vector_load %arg6[%get3A_128, %get3A_129] {strides = array<i32>} : memref<80x128xi32, #tpu.memory_space<vmem>>, vector<1x16xi32>,
      %get3A_131 = vector.shape_cast %get3A_130 : vector<1x16xi32> to vector<16xi32>
      %add3A_132 = arith.addi %get3A_131, %broadcast_in_dim3A_16 : vector<16xi32>
      %swap3A_133 = arith.index_cast %scan3A_79 : i32 to index
      %swap3A_134 = arith.constant 80 : index
      %swap3A_135 = tpu.vector_load %arg6[%swap3A_133, %swap3A_134] {strides = array<i32>} : memref<80x128xi32, #tpu.memory_space<vmem>>, vector<1x16xi32>,
      %swap3A_136 = vector.shape_cast %swap3A_135 : vector<1x16xi32> to vector<16xi32>
      %swap3A_137 = vector.shape_cast %add3A_132 : vector<16xi32> to vector<1x16xi32>
      tpu.vector_store %arg6[%swap3A_133, %swap3A_134], %swap3A_137 {strides = array<i32>} : memref<80x128xi32, #tpu.memory_space<vmem>>, vector<1x16xi32>,
      %get3A_138 = arith.index_cast %scan3A_79 : i32 to index
      %get3A_139 = arith.constant 96 : index
      %get3A_140 = tpu.vector_load %arg6[%get3A_138, %get3A_139] {strides = array<i32>} : memref<80x128xi32, #tpu.memory_space<vmem>>, vector<1x16xi32>,
      %get3A_141 = vector.shape_cast %get3A_140 : vector<1x16xi32> to vector<16xi32>
      %add3A_142 = arith.addi %get3A_141, %broadcast_in_dim3A_16 : vector<16xi32>
      %swap3A_143 = arith.index_cast %scan3A_79 : i32 to index
      %swap3A_144 = arith.constant 96 : index
      %swap3A_145 = tpu.vector_load %arg6[%swap3A_143, %swap3A_144] {strides = array<i32>} : memref<80x128xi32, #tpu.memory_space<vmem>>, vector<1x16xi32>,
      %swap3A_146 = vector.shape_cast %swap3A_145 : vector<1x16xi32> to vector<16xi32>
      %swap3A_147 = vector.shape_cast %add3A_142 : vector<16xi32> to vector<1x16xi32>
      tpu.vector_store %arg6[%swap3A_143, %swap3A_144], %swap3A_147 {strides = array<i32>} : memref<80x128xi32, #tpu.memory_space<vmem>>, vector<1x16xi32>,
      %get3A_148 = arith.index_cast %scan3A_79 : i32 to index
      %get3A_149 = arith.constant 112 : index
      %get3A_150 = tpu.vector_load %arg6[%get3A_148, %get3A_149] {strides = array<i32>} : memref<80x128xi32, #tpu.memory_space<vmem>>, vector<1x16xi32>,
      %get3A_151 = vector.shape_cast %get3A_150 : vector<1x16xi32> to vector<16xi32>
      %add3A_152 = arith.addi %get3A_151, %broadcast_in_dim3A_16 : vector<16xi32>
      %swap3A_153 = arith.index_cast %scan3A_79 : i32 to index
      %swap3A_154 = arith.constant 112 : index
      %swap3A_155 = tpu.vector_load %arg6[%swap3A_153, %swap3A_154] {strides = array<i32>} : memref<80x128xi32, #tpu.memory_space<vmem>>, vector<1x16xi32>,
      %swap3A_156 = vector.shape_cast %swap3A_155 : vector<1x16xi32> to vector<16xi32>
      %swap3A_157 = vector.shape_cast %add3A_152 : vector<16xi32> to vector<1x16xi32>
      tpu.vector_store %arg6[%swap3A_153, %swap3A_154], %swap3A_157 {strides = array<i32>} : memref<80x128xi32, #tpu.memory_space<vmem>>, vector<1x16xi32>,
    }
    %scan3A_22 = arith.constant 80 : i32
    %barrier3A = arith.constant 0 : index
    tpu.barrier barrier_id(%barrier3A)
    %scan3A_23 = arith.constant 0 : i32
    %scan3A_24 = arith.constant 0 : i32
    %scan3A_25 = arith.constant 80 : i32
    %scan3A_26 = arith.addi %scan3A_24, %scan3A_25 : i32
    %scan3A_27 = arith.constant 1 : i32
    scf.for %scan3A_79 = %scan3A_24 to %scan3A_26 step %scan3A_27  : i32 {
      "tpu.region"() ({
        %run_scoped3A = tpu.sem_alloc : memref<!tpu.dma_semaphore, #tpu.memory_space<semaphore_mem>>
        %dma_start3A = arith.constant 0 : i32
        %dma_start3A_80 = tpu.memref_slice %arg6[%scan3A_79, %dma_start3A] : memref<80x128xi32, #tpu.memory_space<vmem>> -> memref<1x128xi32, #tpu.memory_space<vmem>>
        %dma_start3A_81 = tpu.memref_squeeze %dma_start3A_80 : memref<1x128xi32, #tpu.memory_space<vmem>> -> memref<128xi32, #tpu.memory_space<vmem>>
        %dma_start3A_82 = arith.constant 0 : i32
        %dma_start3A_83 = arith.constant 0 : i32
        %dma_start3A_84 = tpu.memref_slice %arg2[%dma_start3A_82, %dma_start3A_83] : memref<40000x128xf32, #tpu.memory_space<hbm>> -> memref<40000x128xf32, #tpu.memory_space<hbm>>
        tpu.enqueue_indirect_dma source(%dma_start3A_84 : memref<40000x128xf32, #tpu.memory_space<hbm>>) target(%arg8 : memref<128x128xf32, #tpu.memory_space<vmem>>) offsets(%dma_start3A_81 : memref<128xi32, #tpu.memory_space<vmem>>) semaphore(%run_scoped3A : memref<!tpu.dma_semaphore, #tpu.memory_space<semaphore_mem>>)
        %dma_wait3A = arith.constant 0 : i32
        %dma_wait3A_85 = tpu.memref_slice %arg6[%scan3A_79, %dma_wait3A] : memref<80x128xi32, #tpu.memory_space<vmem>> -> memref<1x128xi32, #tpu.memory_space<vmem>>
        %dma_wait3A_86 = tpu.memref_squeeze %dma_wait3A_85 : memref<1x128xi32, #tpu.memory_space<vmem>> -> memref<128xi32, #tpu.memory_space<vmem>>
        %dma_wait3A_87 = arith.constant 0 : i32
        %dma_wait3A_88 = arith.constant 0 : i32
        %dma_wait3A_89 = tpu.memref_slice %arg2[%dma_wait3A_87, %dma_wait3A_88] : memref<40000x128xf32, #tpu.memory_space<hbm>> -> memref<40000x128xf32, #tpu.memory_space<hbm>>
        tpu.wait_indirect_dma semaphore(%run_scoped3A : memref<!tpu.dma_semaphore, #tpu.memory_space<semaphore_mem>>) src(%dma_wait3A_89 : memref<40000x128xf32, #tpu.memory_space<hbm>>) dst(%arg8 : memref<128x128xf32, #tpu.memory_space<vmem>>)
        tpu.yield
      }) : () -> ()
      "tpu.region"() ({
        %run_scoped3A = tpu.sem_alloc : memref<!tpu.dma_semaphore, #tpu.memory_space<semaphore_mem>>
        %dma_start3A = arith.constant 0 : i32
        %dma_start3A_80 = tpu.memref_slice %arg7[%scan3A_79, %dma_start3A] : memref<80x128xi32, #tpu.memory_space<vmem>> -> memref<1x128xi32, #tpu.memory_space<vmem>>
        %dma_start3A_81 = tpu.memref_squeeze %dma_start3A_80 : memref<1x128xi32, #tpu.memory_space<vmem>> -> memref<128xi32, #tpu.memory_space<vmem>>
        %dma_start3A_82 = arith.constant 0 : i32
        %dma_start3A_83 = arith.constant 0 : i32
        %dma_start3A_84 = tpu.memref_slice %arg10[%dma_start3A_82, %dma_start3A_83] : memref<10240x128xf32, #tpu.memory_space<vmem_shared>> -> memref<10240x128xf32, #tpu.memory_space<vmem_shared>>
        tpu.enqueue_indirect_dma source(%arg8 : memref<128x128xf32, #tpu.memory_space<vmem>>) target(%dma_start3A_84 : memref<10240x128xf32, #tpu.memory_space<vmem_shared>>) offsets(%dma_start3A_81 : memref<128xi32, #tpu.memory_space<vmem>>) semaphore(%run_scoped3A : memref<!tpu.dma_semaphore, #tpu.memory_space<semaphore_mem>>) {add = true}
        %dma_wait3A = arith.constant 0 : i32
        %dma_wait3A_85 = tpu.memref_slice %arg7[%scan3A_79, %dma_wait3A] : memref<80x128xi32, #tpu.memory_space<vmem>> -> memref<1x128xi32, #tpu.memory_space<vmem>>
        %dma_wait3A_86 = tpu.memref_squeeze %dma_wait3A_85 : memref<1x128xi32, #tpu.memory_space<vmem>> -> memref<128xi32, #tpu.memory_space<vmem>>
        %dma_wait3A_87 = arith.constant 0 : i32
        %dma_wait3A_88 = arith.constant 0 : i32
        %dma_wait3A_89 = tpu.memref_slice %arg10[%dma_wait3A_87, %dma_wait3A_88] : memref<10240x128xf32, #tpu.memory_space<vmem_shared>> -> memref<10240x128xf32, #tpu.memory_space<vmem_shared>>
        tpu.wait_indirect_dma semaphore(%run_scoped3A : memref<!tpu.dma_semaphore, #tpu.memory_space<semaphore_mem>>) src(%arg8 : memref<128x128xf32, #tpu.memory_space<vmem>>) dst(%dma_wait3A_89 : memref<10240x128xf32, #tpu.memory_space<vmem_shared>>)
        tpu.yield
      }) : () -> ()
    }
    %scan3A_28 = arith.constant 80 : i32
    %barrier3A_29 = arith.constant 0 : index
    tpu.barrier barrier_id(%barrier3A_29)
    %mul3A_30 = arith.constant 624 : i32
    %mul3A_31 = arith.muli %arg1, %mul3A_30 : i32
    %mul3A_32 = arith.constant 10000 : i32
    %mul3A_33 = arith.muli %add3A_7, %mul3A_32 : i32
    %mul3A_34 = arith.constant 624 : i32
    %mul3A_35 = arith.muli %arg1, %mul3A_34 : i32
    %add3A_36 = arith.addi %mul3A_33, %mul3A_35 : i32
    "tpu.region"() ({
      %run_scoped3A = tpu.sem_alloc : memref<!tpu.dma_semaphore, #tpu.memory_space<semaphore_mem>>
      %dma_start3A = arith.constant 0 : i32
      %dma_start3A_79 = tpu.memref_slice %arg5[%add3A_36, %dma_start3A] : memref<40000x128xf32, #tpu.memory_space<hbm>> -> memref<624x128xf32, #tpu.memory_space<hbm>>
      %dma_start3A_80 = arith.constant 0 : i32
      %dma_start3A_81 = tpu.memref_slice %arg10[%mul3A_31, %dma_start3A_80] : memref<10240x128xf32, #tpu.memory_space<vmem_shared>> -> memref<624x128xf32, #tpu.memory_space<vmem_shared>>
      tpu.enqueue_dma source(%dma_start3A_81 : memref<624x128xf32, #tpu.memory_space<vmem_shared>>) target(%dma_start3A_79 : memref<624x128xf32, #tpu.memory_space<hbm>>) target_semaphore(%run_scoped3A : memref<!tpu.dma_semaphore, #tpu.memory_space<semaphore_mem>>)
      %dma_wait3A = arith.constant 0 : i32
      %dma_wait3A_82 = tpu.memref_slice %arg5[%add3A_36, %dma_wait3A] : memref<40000x128xf32, #tpu.memory_space<hbm>> -> memref<624x128xf32, #tpu.memory_space<hbm>>
      %dma_wait3A_83 = arith.constant 0 : i32
      %dma_wait3A_84 = tpu.memref_slice %arg10[%mul3A_31, %dma_wait3A_83] : memref<10240x128xf32, #tpu.memory_space<vmem_shared>> -> memref<624x128xf32, #tpu.memory_space<vmem_shared>>
      tpu.wait_dma2 semaphore(%run_scoped3A : memref<!tpu.dma_semaphore, #tpu.memory_space<semaphore_mem>>) src(%dma_wait3A_84 : memref<624x128xf32, #tpu.memory_space<vmem_shared>>) dst(%dma_wait3A_82 : memref<624x128xf32, #tpu.memory_space<hbm>>)
      tpu.yield
    }) : () -> ()
    %eq3A = arith.constant 15 : i32
    %eq3A_37 = arith.cmpi eq, %arg1, %eq3A : i32
    %convert_element_type3A = arith.extui %eq3A_37 : i1 to i32
    %cond3A = arith.constant 0 : i32
    %cond3A_38 = arith.cmpi ne, %convert_element_type3A, %cond3A : i32
    scf.if %cond3A_38 {
      %mul3A_79 = arith.constant 10000 : i32
      %mul3A_80 = arith.muli %add3A_7, %mul3A_79 : i32
      %add3A_81 = arith.constant 9984 : i32
      %add3A_82 = arith.addi %mul3A_80, %add3A_81 : i32
      "tpu.region"() ({
        %run_scoped3A = tpu.sem_alloc : memref<!tpu.dma_semaphore, #tpu.memory_space<semaphore_mem>>
        %dma_start3A = arith.constant 0 : i32
        %dma_start3A_83 = tpu.memref_slice %arg5[%add3A_82, %dma_start3A] : memref<40000x128xf32, #tpu.memory_space<hbm>> -> memref<16x128xf32, #tpu.memory_space<hbm>>
        %dma_start3A_84 = arith.constant 9984 : i32
        %dma_start3A_85 = arith.constant 0 : i32
        %dma_start3A_86 = tpu.memref_slice %arg10[%dma_start3A_84, %dma_start3A_85] : memref<10240x128xf32, #tpu.memory_space<vmem_shared>> -> memref<16x128xf32, #tpu.memory_space<vmem_shared>>
        tpu.enqueue_dma source(%dma_start3A_86 : memref<16x128xf32, #tpu.memory_space<vmem_shared>>) target(%dma_start3A_83 : memref<16x128xf32, #tpu.memory_space<hbm>>) target_semaphore(%run_scoped3A : memref<!tpu.dma_semaphore, #tpu.memory_space<semaphore_mem>>)
        %dma_wait3A = arith.constant 0 : i32
        %dma_wait3A_87 = tpu.memref_slice %arg5[%add3A_82, %dma_wait3A] : memref<40000x128xf32, #tpu.memory_space<hbm>> -> memref<16x128xf32, #tpu.memory_space<hbm>>
        %dma_wait3A_88 = arith.constant 9984 : i32
        %dma_wait3A_89 = arith.constant 0 : i32
        %dma_wait3A_90 = tpu.memref_slice %arg10[%dma_wait3A_88, %dma_wait3A_89] : memref<10240x128xf32, #tpu.memory_space<vmem_shared>> -> memref<16x128xf32, #tpu.memory_space<vmem_shared>>
        tpu.wait_dma2 semaphore(%run_scoped3A : memref<!tpu.dma_semaphore, #tpu.memory_space<semaphore_mem>>) src(%dma_wait3A_90 : memref<16x128xf32, #tpu.memory_space<vmem_shared>>) dst(%dma_wait3A_87 : memref<16x128xf32, #tpu.memory_space<hbm>>)
        tpu.yield
      }) : () -> ()
    } else {
    }
    %barrier3A_39 = arith.constant 0 : index
    tpu.barrier barrier_id(%barrier3A_39)
    %mul3A_40 = arith.constant 2 : i32
    %mul3A_41 = arith.muli %arg0, %mul3A_40 : i32
    %add3A_42 = arith.constant 1 : i32
    %add3A_43 = arith.addi %mul3A_41, %add3A_42 : i32
    %scan3A_44 = arith.constant 0 : i32
    %scan3A_45 = arith.constant 0 : i32
    %scan3A_46 = arith.constant 20 : i32
    %scan3A_47 = arith.addi %scan3A_45, %scan3A_46 : i32
    %scan3A_48 = arith.constant 1 : i32
    scf.for %scan3A_79 = %scan3A_45 to %scan3A_47 step %scan3A_48  : i32 {
      %mul3A_80 = arith.constant 640 : i32
      %mul3A_81 = arith.muli %arg1, %mul3A_80 : i32
      %mul3A_82 = arith.constant 32 : i32
      %mul3A_83 = arith.muli %scan3A_79, %mul3A_82 : i32
      %add3A_84 = arith.addi %mul3A_81, %mul3A_83 : i32
      "tpu.region"() ({
        %run_scoped3A = tpu.sem_alloc : memref<!tpu.dma_semaphore, #tpu.memory_space<semaphore_mem>>
        %dma_start3A = arith.constant 0 : i32
        %dma_start3A_85 = tpu.memref_slice %arg10[%add3A_84, %dma_start3A] : memref<10240x128xf32, #tpu.memory_space<vmem_shared>> -> memref<32x128xf32, #tpu.memory_space<vmem_shared>>
        %dma_start3A_86 = arith.constant 0 : i32
        %dma_start3A_87 = tpu.memref_slice %arg10[%add3A_84, %dma_start3A_86] : memref<10240x128xf32, #tpu.memory_space<vmem_shared>> -> memref<32x128xf32, #tpu.memory_space<vmem_shared>>
        tpu.enqueue_dma source(%arg9 : memref<32x128xf32, #tpu.memory_space<vmem>>) target(%dma_start3A_87 : memref<32x128xf32, #tpu.memory_space<vmem_shared>>) target_semaphore(%run_scoped3A : memref<!tpu.dma_semaphore, #tpu.memory_space<semaphore_mem>>)
        %dma_wait3A = arith.constant 0 : i32
        %dma_wait3A_88 = tpu.memref_slice %arg10[%add3A_84, %dma_wait3A] : memref<10240x128xf32, #tpu.memory_space<vmem_shared>> -> memref<32x128xf32, #tpu.memory_space<vmem_shared>>
        %dma_wait3A_89 = arith.constant 0 : i32
        %dma_wait3A_90 = tpu.memref_slice %arg10[%add3A_84, %dma_wait3A_89] : memref<10240x128xf32, #tpu.memory_space<vmem_shared>> -> memref<32x128xf32, #tpu.memory_space<vmem_shared>>
        tpu.wait_dma2 semaphore(%run_scoped3A : memref<!tpu.dma_semaphore, #tpu.memory_space<semaphore_mem>>) src(%arg9 : memref<32x128xf32, #tpu.memory_space<vmem>>) dst(%dma_wait3A_90 : memref<32x128xf32, #tpu.memory_space<vmem_shared>>)
        tpu.yield
      }) : () -> ()
    }
    %scan3A_49 = arith.constant 20 : i32
    %broadcast_in_dim3A_50 = arith.constant 10000 : i32
    %broadcast_in_dim3A_51 = vector.broadcast %broadcast_in_dim3A_50 : i32 to vector<16xi32>
    %scan3A_52 = arith.constant 0 : i32
    %scan3A_53 = arith.constant 0 : i32
    %scan3A_54 = arith.constant 80 : i32
    %scan3A_55 = arith.addi %scan3A_53, %scan3A_54 : i32
    %scan3A_56 = arith.constant 1 : i32
    scf.for %scan3A_79 = %scan3A_53 to %scan3A_55 step %scan3A_56  : i32 {
      %get3A = arith.index_cast %scan3A_79 : i32 to index
      %get3A_80 = arith.constant 0 : index
      %get3A_81 = tpu.vector_load %arg6[%get3A, %get3A_80] {strides = array<i32>} : memref<80x128xi32, #tpu.memory_space<vmem>>, vector<1x16xi32>,
      %get3A_82 = vector.shape_cast %get3A_81 : vector<1x16xi32> to vector<16xi32>
      %add3A_83 = arith.addi %get3A_82, %broadcast_in_dim3A_51 : vector<16xi32>
      %swap3A = arith.index_cast %scan3A_79 : i32 to index
      %swap3A_84 = arith.constant 0 : index
      %swap3A_85 = tpu.vector_load %arg6[%swap3A, %swap3A_84] {strides = array<i32>} : memref<80x128xi32, #tpu.memory_space<vmem>>, vector<1x16xi32>,
      %swap3A_86 = vector.shape_cast %swap3A_85 : vector<1x16xi32> to vector<16xi32>
      %swap3A_87 = vector.shape_cast %add3A_83 : vector<16xi32> to vector<1x16xi32>
      tpu.vector_store %arg6[%swap3A, %swap3A_84], %swap3A_87 {strides = array<i32>} : memref<80x128xi32, #tpu.memory_space<vmem>>, vector<1x16xi32>,
      %get3A_88 = arith.index_cast %scan3A_79 : i32 to index
      %get3A_89 = arith.constant 16 : index
      %get3A_90 = tpu.vector_load %arg6[%get3A_88, %get3A_89] {strides = array<i32>} : memref<80x128xi32, #tpu.memory_space<vmem>>, vector<1x16xi32>,
      %get3A_91 = vector.shape_cast %get3A_90 : vector<1x16xi32> to vector<16xi32>
      %add3A_92 = arith.addi %get3A_91, %broadcast_in_dim3A_51 : vector<16xi32>
      %swap3A_93 = arith.index_cast %scan3A_79 : i32 to index
      %swap3A_94 = arith.constant 16 : index
      %swap3A_95 = tpu.vector_load %arg6[%swap3A_93, %swap3A_94] {strides = array<i32>} : memref<80x128xi32, #tpu.memory_space<vmem>>, vector<1x16xi32>,
      %swap3A_96 = vector.shape_cast %swap3A_95 : vector<1x16xi32> to vector<16xi32>
      %swap3A_97 = vector.shape_cast %add3A_92 : vector<16xi32> to vector<1x16xi32>
      tpu.vector_store %arg6[%swap3A_93, %swap3A_94], %swap3A_97 {strides = array<i32>} : memref<80x128xi32, #tpu.memory_space<vmem>>, vector<1x16xi32>,
      %get3A_98 = arith.index_cast %scan3A_79 : i32 to index
      %get3A_99 = arith.constant 32 : index
      %get3A_100 = tpu.vector_load %arg6[%get3A_98, %get3A_99] {strides = array<i32>} : memref<80x128xi32, #tpu.memory_space<vmem>>, vector<1x16xi32>,
      %get3A_101 = vector.shape_cast %get3A_100 : vector<1x16xi32> to vector<16xi32>
      %add3A_102 = arith.addi %get3A_101, %broadcast_in_dim3A_51 : vector<16xi32>
      %swap3A_103 = arith.index_cast %scan3A_79 : i32 to index
      %swap3A_104 = arith.constant 32 : index
      %swap3A_105 = tpu.vector_load %arg6[%swap3A_103, %swap3A_104] {strides = array<i32>} : memref<80x128xi32, #tpu.memory_space<vmem>>, vector<1x16xi32>,
      %swap3A_106 = vector.shape_cast %swap3A_105 : vector<1x16xi32> to vector<16xi32>
      %swap3A_107 = vector.shape_cast %add3A_102 : vector<16xi32> to vector<1x16xi32>
      tpu.vector_store %arg6[%swap3A_103, %swap3A_104], %swap3A_107 {strides = array<i32>} : memref<80x128xi32, #tpu.memory_space<vmem>>, vector<1x16xi32>,
      %get3A_108 = arith.index_cast %scan3A_79 : i32 to index
      %get3A_109 = arith.constant 48 : index
      %get3A_110 = tpu.vector_load %arg6[%get3A_108, %get3A_109] {strides = array<i32>} : memref<80x128xi32, #tpu.memory_space<vmem>>, vector<1x16xi32>,
      %get3A_111 = vector.shape_cast %get3A_110 : vector<1x16xi32> to vector<16xi32>
      %add3A_112 = arith.addi %get3A_111, %broadcast_in_dim3A_51 : vector<16xi32>
      %swap3A_113 = arith.index_cast %scan3A_79 : i32 to index
      %swap3A_114 = arith.constant 48 : index
      %swap3A_115 = tpu.vector_load %arg6[%swap3A_113, %swap3A_114] {strides = array<i32>} : memref<80x128xi32, #tpu.memory_space<vmem>>, vector<1x16xi32>,
      %swap3A_116 = vector.shape_cast %swap3A_115 : vector<1x16xi32> to vector<16xi32>
      %swap3A_117 = vector.shape_cast %add3A_112 : vector<16xi32> to vector<1x16xi32>
      tpu.vector_store %arg6[%swap3A_113, %swap3A_114], %swap3A_117 {strides = array<i32>} : memref<80x128xi32, #tpu.memory_space<vmem>>, vector<1x16xi32>,
      %get3A_118 = arith.index_cast %scan3A_79 : i32 to index
      %get3A_119 = arith.constant 64 : index
      %get3A_120 = tpu.vector_load %arg6[%get3A_118, %get3A_119] {strides = array<i32>} : memref<80x128xi32, #tpu.memory_space<vmem>>, vector<1x16xi32>,
      %get3A_121 = vector.shape_cast %get3A_120 : vector<1x16xi32> to vector<16xi32>
      %add3A_122 = arith.addi %get3A_121, %broadcast_in_dim3A_51 : vector<16xi32>
      %swap3A_123 = arith.index_cast %scan3A_79 : i32 to index
      %swap3A_124 = arith.constant 64 : index
      %swap3A_125 = tpu.vector_load %arg6[%swap3A_123, %swap3A_124] {strides = array<i32>} : memref<80x128xi32, #tpu.memory_space<vmem>>, vector<1x16xi32>,
      %swap3A_126 = vector.shape_cast %swap3A_125 : vector<1x16xi32> to vector<16xi32>
      %swap3A_127 = vector.shape_cast %add3A_122 : vector<16xi32> to vector<1x16xi32>
      tpu.vector_store %arg6[%swap3A_123, %swap3A_124], %swap3A_127 {strides = array<i32>} : memref<80x128xi32, #tpu.memory_space<vmem>>, vector<1x16xi32>,
      %get3A_128 = arith.index_cast %scan3A_79 : i32 to index
      %get3A_129 = arith.constant 80 : index
      %get3A_130 = tpu.vector_load %arg6[%get3A_128, %get3A_129] {strides = array<i32>} : memref<80x128xi32, #tpu.memory_space<vmem>>, vector<1x16xi32>,
      %get3A_131 = vector.shape_cast %get3A_130 : vector<1x16xi32> to vector<16xi32>
      %add3A_132 = arith.addi %get3A_131, %broadcast_in_dim3A_51 : vector<16xi32>
      %swap3A_133 = arith.index_cast %scan3A_79 : i32 to index
      %swap3A_134 = arith.constant 80 : index
      %swap3A_135 = tpu.vector_load %arg6[%swap3A_133, %swap3A_134] {strides = array<i32>} : memref<80x128xi32, #tpu.memory_space<vmem>>, vector<1x16xi32>,
      %swap3A_136 = vector.shape_cast %swap3A_135 : vector<1x16xi32> to vector<16xi32>
      %swap3A_137 = vector.shape_cast %add3A_132 : vector<16xi32> to vector<1x16xi32>
      tpu.vector_store %arg6[%swap3A_133, %swap3A_134], %swap3A_137 {strides = array<i32>} : memref<80x128xi32, #tpu.memory_space<vmem>>, vector<1x16xi32>,
      %get3A_138 = arith.index_cast %scan3A_79 : i32 to index
      %get3A_139 = arith.constant 96 : index
      %get3A_140 = tpu.vector_load %arg6[%get3A_138, %get3A_139] {strides = array<i32>} : memref<80x128xi32, #tpu.memory_space<vmem>>, vector<1x16xi32>,
      %get3A_141 = vector.shape_cast %get3A_140 : vector<1x16xi32> to vector<16xi32>
      %add3A_142 = arith.addi %get3A_141, %broadcast_in_dim3A_51 : vector<16xi32>
      %swap3A_143 = arith.index_cast %scan3A_79 : i32 to index
      %swap3A_144 = arith.constant 96 : index
      %swap3A_145 = tpu.vector_load %arg6[%swap3A_143, %swap3A_144] {strides = array<i32>} : memref<80x128xi32, #tpu.memory_space<vmem>>, vector<1x16xi32>,
      %swap3A_146 = vector.shape_cast %swap3A_145 : vector<1x16xi32> to vector<16xi32>
      %swap3A_147 = vector.shape_cast %add3A_142 : vector<16xi32> to vector<1x16xi32>
      tpu.vector_store %arg6[%swap3A_143, %swap3A_144], %swap3A_147 {strides = array<i32>} : memref<80x128xi32, #tpu.memory_space<vmem>>, vector<1x16xi32>,
      %get3A_148 = arith.index_cast %scan3A_79 : i32 to index
      %get3A_149 = arith.constant 112 : index
      %get3A_150 = tpu.vector_load %arg6[%get3A_148, %get3A_149] {strides = array<i32>} : memref<80x128xi32, #tpu.memory_space<vmem>>, vector<1x16xi32>,
      %get3A_151 = vector.shape_cast %get3A_150 : vector<1x16xi32> to vector<16xi32>
      %add3A_152 = arith.addi %get3A_151, %broadcast_in_dim3A_51 : vector<16xi32>
      %swap3A_153 = arith.index_cast %scan3A_79 : i32 to index
      %swap3A_154 = arith.constant 112 : index
      %swap3A_155 = tpu.vector_load %arg6[%swap3A_153, %swap3A_154] {strides = array<i32>} : memref<80x128xi32, #tpu.memory_space<vmem>>, vector<1x16xi32>,
      %swap3A_156 = vector.shape_cast %swap3A_155 : vector<1x16xi32> to vector<16xi32>
      %swap3A_157 = vector.shape_cast %add3A_152 : vector<16xi32> to vector<1x16xi32>
      tpu.vector_store %arg6[%swap3A_153, %swap3A_154], %swap3A_157 {strides = array<i32>} : memref<80x128xi32, #tpu.memory_space<vmem>>, vector<1x16xi32>,
    }
    %scan3A_57 = arith.constant 80 : i32
    %barrier3A_58 = arith.constant 0 : index
    tpu.barrier barrier_id(%barrier3A_58)
    %scan3A_59 = arith.constant 0 : i32
    %scan3A_60 = arith.constant 0 : i32
    %scan3A_61 = arith.constant 80 : i32
    %scan3A_62 = arith.addi %scan3A_60, %scan3A_61 : i32
    %scan3A_63 = arith.constant 1 : i32
    scf.for %scan3A_79 = %scan3A_60 to %scan3A_62 step %scan3A_63  : i32 {
      "tpu.region"() ({
        %run_scoped3A = tpu.sem_alloc : memref<!tpu.dma_semaphore, #tpu.memory_space<semaphore_mem>>
        %dma_start3A = arith.constant 0 : i32
        %dma_start3A_80 = tpu.memref_slice %arg6[%scan3A_79, %dma_start3A] : memref<80x128xi32, #tpu.memory_space<vmem>> -> memref<1x128xi32, #tpu.memory_space<vmem>>
        %dma_start3A_81 = tpu.memref_squeeze %dma_start3A_80 : memref<1x128xi32, #tpu.memory_space<vmem>> -> memref<128xi32, #tpu.memory_space<vmem>>
        %dma_start3A_82 = arith.constant 0 : i32
        %dma_start3A_83 = arith.constant 0 : i32
        %dma_start3A_84 = tpu.memref_slice %arg2[%dma_start3A_82, %dma_start3A_83] : memref<40000x128xf32, #tpu.memory_space<hbm>> -> memref<40000x128xf32, #tpu.memory_space<hbm>>
        tpu.enqueue_indirect_dma source(%dma_start3A_84 : memref<40000x128xf32, #tpu.memory_space<hbm>>) target(%arg8 : memref<128x128xf32, #tpu.memory_space<vmem>>) offsets(%dma_start3A_81 : memref<128xi32, #tpu.memory_space<vmem>>) semaphore(%run_scoped3A : memref<!tpu.dma_semaphore, #tpu.memory_space<semaphore_mem>>)
        %dma_wait3A = arith.constant 0 : i32
        %dma_wait3A_85 = tpu.memref_slice %arg6[%scan3A_79, %dma_wait3A] : memref<80x128xi32, #tpu.memory_space<vmem>> -> memref<1x128xi32, #tpu.memory_space<vmem>>
        %dma_wait3A_86 = tpu.memref_squeeze %dma_wait3A_85 : memref<1x128xi32, #tpu.memory_space<vmem>> -> memref<128xi32, #tpu.memory_space<vmem>>
        %dma_wait3A_87 = arith.constant 0 : i32
        %dma_wait3A_88 = arith.constant 0 : i32
        %dma_wait3A_89 = tpu.memref_slice %arg2[%dma_wait3A_87, %dma_wait3A_88] : memref<40000x128xf32, #tpu.memory_space<hbm>> -> memref<40000x128xf32, #tpu.memory_space<hbm>>
        tpu.wait_indirect_dma semaphore(%run_scoped3A : memref<!tpu.dma_semaphore, #tpu.memory_space<semaphore_mem>>) src(%dma_wait3A_89 : memref<40000x128xf32, #tpu.memory_space<hbm>>) dst(%arg8 : memref<128x128xf32, #tpu.memory_space<vmem>>)
        tpu.yield
      }) : () -> ()
      "tpu.region"() ({
        %run_scoped3A = tpu.sem_alloc : memref<!tpu.dma_semaphore, #tpu.memory_space<semaphore_mem>>
        %dma_start3A = arith.constant 0 : i32
        %dma_start3A_80 = tpu.memref_slice %arg7[%scan3A_79, %dma_start3A] : memref<80x128xi32, #tpu.memory_space<vmem>> -> memref<1x128xi32, #tpu.memory_space<vmem>>
        %dma_start3A_81 = tpu.memref_squeeze %dma_start3A_80 : memref<1x128xi32, #tpu.memory_space<vmem>> -> memref<128xi32, #tpu.memory_space<vmem>>
        %dma_start3A_82 = arith.constant 0 : i32
        %dma_start3A_83 = arith.constant 0 : i32
        %dma_start3A_84 = tpu.memref_slice %arg10[%dma_start3A_82, %dma_start3A_83] : memref<10240x128xf32, #tpu.memory_space<vmem_shared>> -> memref<10240x128xf32, #tpu.memory_space<vmem_shared>>
        tpu.enqueue_indirect_dma source(%arg8 : memref<128x128xf32, #tpu.memory_space<vmem>>) target(%dma_start3A_84 : memref<10240x128xf32, #tpu.memory_space<vmem_shared>>) offsets(%dma_start3A_81 : memref<128xi32, #tpu.memory_space<vmem>>) semaphore(%run_scoped3A : memref<!tpu.dma_semaphore, #tpu.memory_space<semaphore_mem>>) {add = true}
        %dma_wait3A = arith.constant 0 : i32
        %dma_wait3A_85 = tpu.memref_slice %arg7[%scan3A_79, %dma_wait3A] : memref<80x128xi32, #tpu.memory_space<vmem>> -> memref<1x128xi32, #tpu.memory_space<vmem>>
        %dma_wait3A_86 = tpu.memref_squeeze %dma_wait3A_85 : memref<1x128xi32, #tpu.memory_space<vmem>> -> memref<128xi32, #tpu.memory_space<vmem>>
        %dma_wait3A_87 = arith.constant 0 : i32
        %dma_wait3A_88 = arith.constant 0 : i32
        %dma_wait3A_89 = tpu.memref_slice %arg10[%dma_wait3A_87, %dma_wait3A_88] : memref<10240x128xf32, #tpu.memory_space<vmem_shared>> -> memref<10240x128xf32, #tpu.memory_space<vmem_shared>>
        tpu.wait_indirect_dma semaphore(%run_scoped3A : memref<!tpu.dma_semaphore, #tpu.memory_space<semaphore_mem>>) src(%arg8 : memref<128x128xf32, #tpu.memory_space<vmem>>) dst(%dma_wait3A_89 : memref<10240x128xf32, #tpu.memory_space<vmem_shared>>)
        tpu.yield
      }) : () -> ()
    }
    %scan3A_64 = arith.constant 80 : i32
    %barrier3A_65 = arith.constant 0 : index
    tpu.barrier barrier_id(%barrier3A_65)
    %mul3A_66 = arith.constant 624 : i32
    %mul3A_67 = arith.muli %arg1, %mul3A_66 : i32
    %mul3A_68 = arith.constant 10000 : i32
    %mul3A_69 = arith.muli %add3A_43, %mul3A_68 : i32
    %mul3A_70 = arith.constant 624 : i32
    %mul3A_71 = arith.muli %arg1, %mul3A_70 : i32
    %add3A_72 = arith.addi %mul3A_69, %mul3A_71 : i32
    "tpu.region"() ({
      %run_scoped3A = tpu.sem_alloc : memref<!tpu.dma_semaphore, #tpu.memory_space<semaphore_mem>>
      %dma_start3A = arith.constant 0 : i32
      %dma_start3A_79 = tpu.memref_slice %arg5[%add3A_72, %dma_start3A] : memref<40000x128xf32, #tpu.memory_space<hbm>> -> memref<624x128xf32, #tpu.memory_space<hbm>>
      %dma_start3A_80 = arith.constant 0 : i32
      %dma_start3A_81 = tpu.memref_slice %arg10[%mul3A_67, %dma_start3A_80] : memref<10240x128xf32, #tpu.memory_space<vmem_shared>> -> memref<624x128xf32, #tpu.memory_space<vmem_shared>>
      tpu.enqueue_dma source(%dma_start3A_81 : memref<624x128xf32, #tpu.memory_space<vmem_shared>>) target(%dma_start3A_79 : memref<624x128xf32, #tpu.memory_space<hbm>>) target_semaphore(%run_scoped3A : memref<!tpu.dma_semaphore, #tpu.memory_space<semaphore_mem>>)
      %dma_wait3A = arith.constant 0 : i32
      %dma_wait3A_82 = tpu.memref_slice %arg5[%add3A_72, %dma_wait3A] : memref<40000x128xf32, #tpu.memory_space<hbm>> -> memref<624x128xf32, #tpu.memory_space<hbm>>
      %dma_wait3A_83 = arith.constant 0 : i32
      %dma_wait3A_84 = tpu.memref_slice %arg10[%mul3A_67, %dma_wait3A_83] : memref<10240x128xf32, #tpu.memory_space<vmem_shared>> -> memref<624x128xf32, #tpu.memory_space<vmem_shared>>
      tpu.wait_dma2 semaphore(%run_scoped3A : memref<!tpu.dma_semaphore, #tpu.memory_space<semaphore_mem>>) src(%dma_wait3A_84 : memref<624x128xf32, #tpu.memory_space<vmem_shared>>) dst(%dma_wait3A_82 : memref<624x128xf32, #tpu.memory_space<hbm>>)
      tpu.yield
    }) : () -> ()
    %eq3A_73 = arith.constant 15 : i32
    %eq3A_74 = arith.cmpi eq, %arg1, %eq3A_73 : i32
    %convert_element_type3A_75 = arith.extui %eq3A_74 : i1 to i32
    %cond3A_76 = arith.constant 0 : i32
    %cond3A_77 = arith.cmpi ne, %convert_element_type3A_75, %cond3A_76 : i32
    scf.if %cond3A_77 {
      %mul3A_79 = arith.constant 10000 : i32
      %mul3A_80 = arith.muli %add3A_43, %mul3A_79 : i32
      %add3A_81 = arith.constant 9984 : i32
      %add3A_82 = arith.addi %mul3A_80, %add3A_81 : i32
      "tpu.region"() ({
        %run_scoped3A = tpu.sem_alloc : memref<!tpu.dma_semaphore, #tpu.memory_space<semaphore_mem>>
        %dma_start3A = arith.constant 0 : i32
        %dma_start3A_83 = tpu.memref_slice %arg5[%add3A_82, %dma_start3A] : memref<40000x128xf32, #tpu.memory_space<hbm>> -> memref<16x128xf32, #tpu.memory_space<hbm>>
        %dma_start3A_84 = arith.constant 9984 : i32
        %dma_start3A_85 = arith.constant 0 : i32
        %dma_start3A_86 = tpu.memref_slice %arg10[%dma_start3A_84, %dma_start3A_85] : memref<10240x128xf32, #tpu.memory_space<vmem_shared>> -> memref<16x128xf32, #tpu.memory_space<vmem_shared>>
        tpu.enqueue_dma source(%dma_start3A_86 : memref<16x128xf32, #tpu.memory_space<vmem_shared>>) target(%dma_start3A_83 : memref<16x128xf32, #tpu.memory_space<hbm>>) target_semaphore(%run_scoped3A : memref<!tpu.dma_semaphore, #tpu.memory_space<semaphore_mem>>)
        %dma_wait3A = arith.constant 0 : i32
        %dma_wait3A_87 = tpu.memref_slice %arg5[%add3A_82, %dma_wait3A] : memref<40000x128xf32, #tpu.memory_space<hbm>> -> memref<16x128xf32, #tpu.memory_space<hbm>>
        %dma_wait3A_88 = arith.constant 9984 : i32
        %dma_wait3A_89 = arith.constant 0 : i32
        %dma_wait3A_90 = tpu.memref_slice %arg10[%dma_wait3A_88, %dma_wait3A_89] : memref<10240x128xf32, #tpu.memory_space<vmem_shared>> -> memref<16x128xf32, #tpu.memory_space<vmem_shared>>
        tpu.wait_dma2 semaphore(%run_scoped3A : memref<!tpu.dma_semaphore, #tpu.memory_space<semaphore_mem>>) src(%dma_wait3A_90 : memref<16x128xf32, #tpu.memory_space<vmem_shared>>) dst(%dma_wait3A_87 : memref<16x128xf32, #tpu.memory_space<hbm>>)
        tpu.yield
      }) : () -> ()
    } else {
    }
    %barrier3A_78 = arith.constant 0 : index
    tpu.barrier barrier_id(%barrier3A_78)
    return
  }
}

#map = affine_map<(d0, d1) -> (0, 0)>
#map1 = affine_map<(d0, d1) -> (0, 0, 0)>
module attributes {stable_mosaic.version = 14 : i64} {
  func.func @body(%arg0: i32, %arg1: i32, %arg2: memref<40000x128xf32, #tpu.memory_space<hbm>>, %arg3: memref<16x80x128xi32, #tpu.memory_space<hbm>>, %arg4: memref<16x80x128xi32, #tpu.memory_space<hbm>>, %arg5: memref<40000x128xf32, #tpu.memory_space<hbm>>, %arg6: memref<80x128xi32, #tpu.memory_space<vmem>>, %arg7: memref<80x128xi32, #tpu.memory_space<vmem>>, %arg8: memref<128x128xf32, #tpu.memory_space<vmem>>, %arg9: memref<32x128xf32, #tpu.memory_space<vmem>>, %arg10: memref<10240x128xf32, #tpu.memory_space<vmem_shared>>) attributes {dimension_semantics = [#tpu.dimension_semantics<core_parallel>, #tpu.dimension_semantics<subcore_parallel>], iteration_bounds = array<i64: 2, 16>, scalar_prefetch = 0 : i64, scratch_operands = 5 : i64, tpu.core_type = #tpu.core_type<sc_vector_subcore>, window_params = [{transform_indices = #map}, {transform_indices = #map1}, {transform_indices = #map1}, {transform_indices = #map}]} {
    "tpu.region"() ({
      %run_scoped3A = tpu.sem_alloc : memref<!tpu.dma_semaphore, #tpu.memory_space<semaphore_mem>>
      %dma_start3A = arith.constant 0 : i32
      %dma_start3A_79 = arith.constant 0 : i32
      %dma_start3A_80 = tpu.memref_slice %arg3[%arg1, %dma_start3A, %dma_start3A_79] : memref<16x80x128xi32, #tpu.memory_space<hbm>> -> memref<1x80x128xi32, #tpu.memory_space<hbm>>
      %dma_start3A_81 = tpu.memref_squeeze %dma_start3A_80 : memref<1x80x128xi32, #tpu.memory_space<hbm>> -> memref<80x128xi32, #tpu.memory_space<hbm>>
      %dma_start3A_82 = arith.constant 0 : i32
      %dma_start3A_83 = arith.constant 0 : i32
      %dma_start3A_84 = tpu.memref_slice %arg3[%arg1, %dma_start3A_82, %dma_start3A_83] : memref<16x80x128xi32, #tpu.memory_space<hbm>> -> memref<1x80x128xi32, #tpu.memory_space<hbm>>
      %dma_start3A_85 = tpu.memref_squeeze %dma_start3A_84 : memref<1x80x128xi32, #tpu.memory_space<hbm>> -> memref<80x128xi32, #tpu.memory_space<hbm>>
      tpu.enqueue_dma source(%dma_start3A_85 : memref<80x128xi32, #tpu.memory_space<hbm>>) target(%arg6 : memref<80x128xi32, #tpu.memory_space<vmem>>) target_semaphore(%run_scoped3A : memref<!tpu.dma_semaphore, #tpu.memory_space<semaphore_mem>>)
      %dma_wait3A = arith.constant 0 : i32
      %dma_wait3A_86 = arith.constant 0 : i32
      %dma_wait3A_87 = tpu.memref_slice %arg3[%arg1, %dma_wait3A, %dma_wait3A_86] : memref<16x80x128xi32, #tpu.memory_space<hbm>> -> memref<1x80x128xi32, #tpu.memory_space<hbm>>
      %dma_wait3A_88 = tpu.memref_squeeze %dma_wait3A_87 : memref<1x80x128xi32, #tpu.memory_space<hbm>> -> memref<80x128xi32, #tpu.memory_space<hbm>>
      %dma_wait3A_89 = arith.constant 0 : i32
      %dma_wait3A_90 = arith.constant 0 : i32
      %dma_wait3A_91 = tpu.memref_slice %arg3[%arg1, %dma_wait3A_89, %dma_wait3A_90] : memref<16x80x128xi32, #tpu.memory_space<hbm>> -> memref<1x80x128xi32, #tpu.memory_space<hbm>>
      %dma_wait3A_92 = tpu.memref_squeeze %dma_wait3A_91 : memref<1x80x128xi32, #tpu.memory_space<hbm>> -> memref<80x128xi32, #tpu.memory_space<hbm>>
      tpu.wait_dma2 semaphore(%run_scoped3A : memref<!tpu.dma_semaphore, #tpu.memory_space<semaphore_mem>>) src(%dma_wait3A_92 : memref<80x128xi32, #tpu.memory_space<hbm>>) dst(%arg6 : memref<80x128xi32, #tpu.memory_space<vmem>>)
      tpu.yield
    }) : () -> ()
    "tpu.region"() ({
      %run_scoped3A = tpu.sem_alloc : memref<!tpu.dma_semaphore, #tpu.memory_space<semaphore_mem>>
      %dma_start3A = arith.constant 0 : i32
      %dma_start3A_79 = arith.constant 0 : i32
      %dma_start3A_80 = tpu.memref_slice %arg4[%arg1, %dma_start3A, %dma_start3A_79] : memref<16x80x128xi32, #tpu.memory_space<hbm>> -> memref<1x80x128xi32, #tpu.memory_space<hbm>>
      %dma_start3A_81 = tpu.memref_squeeze %dma_start3A_80 : memref<1x80x128xi32, #tpu.memory_space<hbm>> -> memref<80x128xi32, #tpu.memory_space<hbm>>
      %dma_start3A_82 = arith.constant 0 : i32
      %dma_start3A_83 = arith.constant 0 : i32
      %dma_start3A_84 = tpu.memref_slice %arg4[%arg1, %dma_start3A_82, %dma_start3A_83] : memref<16x80x128xi32, #tpu.memory_space<hbm>> -> memref<1x80x128xi32, #tpu.memory_space<hbm>>
      %dma_start3A_85 = tpu.memref_squeeze %dma_start3A_84 : memref<1x80x128xi32, #tpu.memory_space<hbm>> -> memref<80x128xi32, #tpu.memory_space<hbm>>
      tpu.enqueue_dma source(%dma_start3A_85 : memref<80x128xi32, #tpu.memory_space<hbm>>) target(%arg7 : memref<80x128xi32, #tpu.memory_space<vmem>>) target_semaphore(%run_scoped3A : memref<!tpu.dma_semaphore, #tpu.memory_space<semaphore_mem>>)
      %dma_wait3A = arith.constant 0 : i32
      %dma_wait3A_86 = arith.constant 0 : i32
      %dma_wait3A_87 = tpu.memref_slice %arg4[%arg1, %dma_wait3A, %dma_wait3A_86] : memref<16x80x128xi32, #tpu.memory_space<hbm>> -> memref<1x80x128xi32, #tpu.memory_space<hbm>>
      %dma_wait3A_88 = tpu.memref_squeeze %dma_wait3A_87 : memref<1x80x128xi32, #tpu.memory_space<hbm>> -> memref<80x128xi32, #tpu.memory_space<hbm>>
      %dma_wait3A_89 = arith.constant 0 : i32
      %dma_wait3A_90 = arith.constant 0 : i32
      %dma_wait3A_91 = tpu.memref_slice %arg4[%arg1, %dma_wait3A_89, %dma_wait3A_90] : memref<16x80x128xi32, #tpu.memory_space<hbm>> -> memref<1x80x128xi32, #tpu.memory_space<hbm>>
      %dma_wait3A_92 = tpu.memref_squeeze %dma_wait3A_91 : memref<1x80x128xi32, #tpu.memory_space<hbm>> -> memref<80x128xi32, #tpu.memory_space<hbm>>
      tpu.wait_dma2 semaphore(%run_scoped3A : memref<!tpu.dma_semaphore, #tpu.memory_space<semaphore_mem>>) src(%dma_wait3A_92 : memref<80x128xi32, #tpu.memory_space<hbm>>) dst(%arg7 : memref<80x128xi32, #tpu.memory_space<vmem>>)
      tpu.yield
    }) : () -> ()
    %broadcast_in_dim3A = arith.constant 0.000000e+00 : f32
    %broadcast_in_dim3A_0 = vector.broadcast %broadcast_in_dim3A : f32 to vector<16xf32>
    %scan3A = arith.constant 0 : i32
    %scan3A_1 = arith.constant 0 : i32
    %scan3A_2 = arith.constant 32 : i32
    %scan3A_3 = arith.addi %scan3A_1, %scan3A_2 : i32
    %scan3A_4 = arith.constant 1 : i32
    scf.for %scan3A_79 = %scan3A_1 to %scan3A_3 step %scan3A_4  : i32 {
      %swap3A = arith.index_cast %scan3A_79 : i32 to index
      %swap3A_80 = arith.constant 0 : index
      %swap3A_81 = tpu.vector_load %arg9[%swap3A, %swap3A_80] {strides = array<i32>} : memref<32x128xf32, #tpu.memory_space<vmem>>, vector<1x16xf32>,
      %swap3A_82 = vector.shape_cast %swap3A_81 : vector<1x16xf32> to vector<16xf32>
      %swap3A_83 = vector.shape_cast %broadcast_in_dim3A_0 : vector<16xf32> to vector<1x16xf32>
      tpu.vector_store %arg9[%swap3A, %swap3A_80], %swap3A_83 {strides = array<i32>} : memref<32x128xf32, #tpu.memory_space<vmem>>, vector<1x16xf32>,
      %swap3A_84 = arith.index_cast %scan3A_79 : i32 to index
      %swap3A_85 = arith.constant 16 : index
      %swap3A_86 = tpu.vector_load %arg9[%swap3A_84, %swap3A_85] {strides = array<i32>} : memref<32x128xf32, #tpu.memory_space<vmem>>, vector<1x16xf32>,
      %swap3A_87 = vector.shape_cast %swap3A_86 : vector<1x16xf32> to vector<16xf32>
      %swap3A_88 = vector.shape_cast %broadcast_in_dim3A_0 : vector<16xf32> to vector<1x16xf32>
      tpu.vector_store %arg9[%swap3A_84, %swap3A_85], %swap3A_88 {strides = array<i32>} : memref<32x128xf32, #tpu.memory_space<vmem>>, vector<1x16xf32>,
      %swap3A_89 = arith.index_cast %scan3A_79 : i32 to index
      %swap3A_90 = arith.constant 32 : index
      %swap3A_91 = tpu.vector_load %arg9[%swap3A_89, %swap3A_90] {strides = array<i32>} : memref<32x128xf32, #tpu.memory_space<vmem>>, vector<1x16xf32>,
      %swap3A_92 = vector.shape_cast %swap3A_91 : vector<1x16xf32> to vector<16xf32>
      %swap3A_93 = vector.shape_cast %broadcast_in_dim3A_0 : vector<16xf32> to vector<1x16xf32>
      tpu.vector_store %arg9[%swap3A_89, %swap3A_90], %swap3A_93 {strides = array<i32>} : memref<32x128xf32, #tpu.memory_space<vmem>>, vector<1x16xf32>,
      %swap3A_94 = arith.index_cast %scan3A_79 : i32 to index
      %swap3A_95 = arith.constant 48 : index
      %swap3A_96 = tpu.vector_load %arg9[%swap3A_94, %swap3A_95] {strides = array<i32>} : memref<32x128xf32, #tpu.memory_space<vmem>>, vector<1x16xf32>,
      %swap3A_97 = vector.shape_cast %swap3A_96 : vector<1x16xf32> to vector<16xf32>
      %swap3A_98 = vector.shape_cast %broadcast_in_dim3A_0 : vector<16xf32> to vector<1x16xf32>
      tpu.vector_store %arg9[%swap3A_94, %swap3A_95], %swap3A_98 {strides = array<i32>} : memref<32x128xf32, #tpu.memory_space<vmem>>, vector<1x16xf32>,
      %swap3A_99 = arith.index_cast %scan3A_79 : i32 to index
      %swap3A_100 = arith.constant 64 : index
      %swap3A_101 = tpu.vector_load %arg9[%swap3A_99, %swap3A_100] {strides = array<i32>} : memref<32x128xf32, #tpu.memory_space<vmem>>, vector<1x16xf32>,
      %swap3A_102 = vector.shape_cast %swap3A_101 : vector<1x16xf32> to vector<16xf32>
      %swap3A_103 = vector.shape_cast %broadcast_in_dim3A_0 : vector<16xf32> to vector<1x16xf32>
      tpu.vector_store %arg9[%swap3A_99, %swap3A_100], %swap3A_103 {strides = array<i32>} : memref<32x128xf32, #tpu.memory_space<vmem>>, vector<1x16xf32>,
      %swap3A_104 = arith.index_cast %scan3A_79 : i32 to index
      %swap3A_105 = arith.constant 80 : index
      %swap3A_106 = tpu.vector_load %arg9[%swap3A_104, %swap3A_105] {strides = array<i32>} : memref<32x128xf32, #tpu.memory_space<vmem>>, vector<1x16xf32>,
      %swap3A_107 = vector.shape_cast %swap3A_106 : vector<1x16xf32> to vector<16xf32>
      %swap3A_108 = vector.shape_cast %broadcast_in_dim3A_0 : vector<16xf32> to vector<1x16xf32>
      tpu.vector_store %arg9[%swap3A_104, %swap3A_105], %swap3A_108 {strides = array<i32>} : memref<32x128xf32, #tpu.memory_space<vmem>>, vector<1x16xf32>,
      %swap3A_109 = arith.index_cast %scan3A_79 : i32 to index
      %swap3A_110 = arith.constant 96 : index
      %swap3A_111 = tpu.vector_load %arg9[%swap3A_109, %swap3A_110] {strides = array<i32>} : memref<32x128xf32, #tpu.memory_space<vmem>>, vector<1x16xf32>,
      %swap3A_112 = vector.shape_cast %swap3A_111 : vector<1x16xf32> to vector<16xf32>
      %swap3A_113 = vector.shape_cast %broadcast_in_dim3A_0 : vector<16xf32> to vector<1x16xf32>
      tpu.vector_store %arg9[%swap3A_109, %swap3A_110], %swap3A_113 {strides = array<i32>} : memref<32x128xf32, #tpu.memory_space<vmem>>, vector<1x16xf32>,
      %swap3A_114 = arith.index_cast %scan3A_79 : i32 to index
      %swap3A_115 = arith.constant 112 : index
      %swap3A_116 = tpu.vector_load %arg9[%swap3A_114, %swap3A_115] {strides = array<i32>} : memref<32x128xf32, #tpu.memory_space<vmem>>, vector<1x16xf32>,
      %swap3A_117 = vector.shape_cast %swap3A_116 : vector<1x16xf32> to vector<16xf32>
      %swap3A_118 = vector.shape_cast %broadcast_in_dim3A_0 : vector<16xf32> to vector<1x16xf32>
      tpu.vector_store %arg9[%swap3A_114, %swap3A_115], %swap3A_118 {strides = array<i32>} : memref<32x128xf32, #tpu.memory_space<vmem>>, vector<1x16xf32>,
    }
    %scan3A_5 = arith.constant 32 : i32
    %mul3A = arith.constant 2 : i32
    %mul3A_6 = arith.muli %arg0, %mul3A : i32
    %add3A = arith.constant 0 : i32
    %add3A_7 = arith.addi %mul3A_6, %add3A : i32
    %scan3A_8 = arith.constant 0 : i32
    %scan3A_9 = arith.constant 0 : i32
    %scan3A_10 = arith.constant 20 : i32
    %scan3A_11 = arith.addi %scan3A_9, %scan3A_10 : i32
    %scan3A_12 = arith.constant 1 : i32
    scf.for %scan3A_79 = %scan3A_9 to %scan3A_11 step %scan3A_12  : i32 {
      %mul3A_80 = arith.constant 640 : i32
      %mul3A_81 = arith.muli %arg1, %mul3A_80 : i32
      %mul3A_82 = arith.constant 32 : i32
      %mul3A_83 = arith.muli %scan3A_79, %mul3A_82 : i32
      %add3A_84 = arith.addi %mul3A_81, %mul3A_83 : i32
      "tpu.region"() ({
        %run_scoped3A = tpu.sem_alloc : memref<!tpu.dma_semaphore, #tpu.memory_space<semaphore_mem>>
        %dma_start3A = arith.constant 0 : i32
        %dma_start3A_85 = tpu.memref_slice %arg10[%add3A_84, %dma_start3A] : memref<10240x128xf32, #tpu.memory_space<vmem_shared>> -> memref<32x128xf32, #tpu.memory_space<vmem_shared>>
        %dma_start3A_86 = arith.constant 0 : i32
        %dma_start3A_87 = tpu.memref_slice %arg10[%add3A_84, %dma_start3A_86] : memref<10240x128xf32, #tpu.memory_space<vmem_shared>> -> memref<32x128xf32, #tpu.memory_space<vmem_shared>>
        tpu.enqueue_dma source(%arg9 : memref<32x128xf32, #tpu.memory_space<vmem>>) target(%dma_start3A_87 : memref<32x128xf32, #tpu.memory_space<vmem_shared>>) target_semaphore(%run_scoped3A : memref<!tpu.dma_semaphore, #tpu.memory_space<semaphore_mem>>)
        %dma_wait3A = arith.constant 0 : i32
        %dma_wait3A_88 = tpu.memref_slice %arg10[%add3A_84, %dma_wait3A] : memref<10240x128xf32, #tpu.memory_space<vmem_shared>> -> memref<32x128xf32, #tpu.memory_space<vmem_shared>>
        %dma_wait3A_89 = arith.constant 0 : i32
        %dma_wait3A_90 = tpu.memref_slice %arg10[%add3A_84, %dma_wait3A_89] : memref<10240x128xf32, #tpu.memory_space<vmem_shared>> -> memref<32x128xf32, #tpu.memory_space<vmem_shared>>
        tpu.wait_dma2 semaphore(%run_scoped3A : memref<!tpu.dma_semaphore, #tpu.memory_space<semaphore_mem>>) src(%arg9 : memref<32x128xf32, #tpu.memory_space<vmem>>) dst(%dma_wait3A_90 : memref<32x128xf32, #tpu.memory_space<vmem_shared>>)
        tpu.yield
      }) : () -> ()
    }
    %scan3A_13 = arith.constant 20 : i32
    %mul3A_14 = arith.constant 20000 : i32
    %mul3A_15 = arith.muli %arg0, %mul3A_14 : i32
    %broadcast_in_dim3A_16 = vector.broadcast %mul3A_15 : i32 to vector<16xi32>
    %scan3A_17 = arith.constant 0 : i32
    %scan3A_18 = arith.constant 0 : i32
    %scan3A_19 = arith.constant 80 : i32
    %scan3A_20 = arith.addi %scan3A_18, %scan3A_19 : i32
    %scan3A_21 = arith.constant 1 : i32
    scf.for %scan3A_79 = %scan3A_18 to %scan3A_20 step %scan3A_21  : i32 {
      %get3A = arith.index_cast %scan3A_79 : i32 to index
      %get3A_80 = arith.constant 0 : index
      %get3A_81 = tpu.vector_load %arg6[%get3A, %get3A_80] {strides = array<i32>} : memref<80x128xi32, #tpu.memory_space<vmem>>, vector<1x16xi32>,
      %get3A_82 = vector.shape_cast %get3A_81 : vector<1x16xi32> to vector<16xi32>
      %add3A_83 = arith.addi %get3A_82, %broadcast_in_dim3A_16 : vector<16xi32>
      %swap3A = arith.index_cast %scan3A_79 : i32 to index
      %swap3A_84 = arith.constant 0 : index
      %swap3A_85 = tpu.vector_load %arg6[%swap3A, %swap3A_84] {strides = array<i32>} : memref<80x128xi32, #tpu.memory_space<vmem>>, vector<1x16xi32>,
      %swap3A_86 = vector.shape_cast %swap3A_85 : vector<1x16xi32> to vector<16xi32>
      %swap3A_87 = vector.shape_cast %add3A_83 : vector<16xi32> to vector<1x16xi32>
      tpu.vector_store %arg6[%swap3A, %swap3A_84], %swap3A_87 {strides = array<i32>} : memref<80x128xi32, #tpu.memory_space<vmem>>, vector<1x16xi32>,
      %get3A_88 = arith.index_cast %scan3A_79 : i32 to index
      %get3A_89 = arith.constant 16 : index
      %get3A_90 = tpu.vector_load %arg6[%get3A_88, %get3A_89] {strides = array<i32>} : memref<80x128xi32, #tpu.memory_space<vmem>>, vector<1x16xi32>,
      %get3A_91 = vector.shape_cast %get3A_90 : vector<1x16xi32> to vector<16xi32>
      %add3A_92 = arith.addi %get3A_91, %broadcast_in_dim3A_16 : vector<16xi32>
      %swap3A_93 = arith.index_cast %scan3A_79 : i32 to index
      %swap3A_94 = arith.constant 16 : index
      %swap3A_95 = tpu.vector_load %arg6[%swap3A_93, %swap3A_94] {strides = array<i32>} : memref<80x128xi32, #tpu.memory_space<vmem>>, vector<1x16xi32>,
      %swap3A_96 = vector.shape_cast %swap3A_95 : vector<1x16xi32> to vector<16xi32>
      %swap3A_97 = vector.shape_cast %add3A_92 : vector<16xi32> to vector<1x16xi32>
      tpu.vector_store %arg6[%swap3A_93, %swap3A_94], %swap3A_97 {strides = array<i32>} : memref<80x128xi32, #tpu.memory_space<vmem>>, vector<1x16xi32>,
      %get3A_98 = arith.index_cast %scan3A_79 : i32 to index
      %get3A_99 = arith.constant 32 : index
      %get3A_100 = tpu.vector_load %arg6[%get3A_98, %get3A_99] {strides = array<i32>} : memref<80x128xi32, #tpu.memory_space<vmem>>, vector<1x16xi32>,
      %get3A_101 = vector.shape_cast %get3A_100 : vector<1x16xi32> to vector<16xi32>
      %add3A_102 = arith.addi %get3A_101, %broadcast_in_dim3A_16 : vector<16xi32>
      %swap3A_103 = arith.index_cast %scan3A_79 : i32 to index
      %swap3A_104 = arith.constant 32 : index
      %swap3A_105 = tpu.vector_load %arg6[%swap3A_103, %swap3A_104] {strides = array<i32>} : memref<80x128xi32, #tpu.memory_space<vmem>>, vector<1x16xi32>,
      %swap3A_106 = vector.shape_cast %swap3A_105 : vector<1x16xi32> to vector<16xi32>
      %swap3A_107 = vector.shape_cast %add3A_102 : vector<16xi32> to vector<1x16xi32>
      tpu.vector_store %arg6[%swap3A_103, %swap3A_104], %swap3A_107 {strides = array<i32>} : memref<80x128xi32, #tpu.memory_space<vmem>>, vector<1x16xi32>,
      %get3A_108 = arith.index_cast %scan3A_79 : i32 to index
      %get3A_109 = arith.constant 48 : index
      %get3A_110 = tpu.vector_load %arg6[%get3A_108, %get3A_109] {strides = array<i32>} : memref<80x128xi32, #tpu.memory_space<vmem>>, vector<1x16xi32>,
      %get3A_111 = vector.shape_cast %get3A_110 : vector<1x16xi32> to vector<16xi32>
      %add3A_112 = arith.addi %get3A_111, %broadcast_in_dim3A_16 : vector<16xi32>
      %swap3A_113 = arith.index_cast %scan3A_79 : i32 to index
      %swap3A_114 = arith.constant 48 : index
      %swap3A_115 = tpu.vector_load %arg6[%swap3A_113, %swap3A_114] {strides = array<i32>} : memref<80x128xi32, #tpu.memory_space<vmem>>, vector<1x16xi32>,
      %swap3A_116 = vector.shape_cast %swap3A_115 : vector<1x16xi32> to vector<16xi32>
      %swap3A_117 = vector.shape_cast %add3A_112 : vector<16xi32> to vector<1x16xi32>
      tpu.vector_store %arg6[%swap3A_113, %swap3A_114], %swap3A_117 {strides = array<i32>} : memref<80x128xi32, #tpu.memory_space<vmem>>, vector<1x16xi32>,
      %get3A_118 = arith.index_cast %scan3A_79 : i32 to index
      %get3A_119 = arith.constant 64 : index
      %get3A_120 = tpu.vector_load %arg6[%get3A_118, %get3A_119] {strides = array<i32>} : memref<80x128xi32, #tpu.memory_space<vmem>>, vector<1x16xi32>,
      %get3A_121 = vector.shape_cast %get3A_120 : vector<1x16xi32> to vector<16xi32>
      %add3A_122 = arith.addi %get3A_121, %broadcast_in_dim3A_16 : vector<16xi32>
      %swap3A_123 = arith.index_cast %scan3A_79 : i32 to index
      %swap3A_124 = arith.constant 64 : index
      %swap3A_125 = tpu.vector_load %arg6[%swap3A_123, %swap3A_124] {strides = array<i32>} : memref<80x128xi32, #tpu.memory_space<vmem>>, vector<1x16xi32>,
      %swap3A_126 = vector.shape_cast %swap3A_125 : vector<1x16xi32> to vector<16xi32>
      %swap3A_127 = vector.shape_cast %add3A_122 : vector<16xi32> to vector<1x16xi32>
      tpu.vector_store %arg6[%swap3A_123, %swap3A_124], %swap3A_127 {strides = array<i32>} : memref<80x128xi32, #tpu.memory_space<vmem>>, vector<1x16xi32>,
      %get3A_128 = arith.index_cast %scan3A_79 : i32 to index
      %get3A_129 = arith.constant 80 : index
      %get3A_130 = tpu.vector_load %arg6[%get3A_128, %get3A_129] {strides = array<i32>} : memref<80x128xi32, #tpu.memory_space<vmem>>, vector<1x16xi32>,
      %get3A_131 = vector.shape_cast %get3A_130 : vector<1x16xi32> to vector<16xi32>
      %add3A_132 = arith.addi %get3A_131, %broadcast_in_dim3A_16 : vector<16xi32>
      %swap3A_133 = arith.index_cast %scan3A_79 : i32 to index
      %swap3A_134 = arith.constant 80 : index
      %swap3A_135 = tpu.vector_load %arg6[%swap3A_133, %swap3A_134] {strides = array<i32>} : memref<80x128xi32, #tpu.memory_space<vmem>>, vector<1x16xi32>,
      %swap3A_136 = vector.shape_cast %swap3A_135 : vector<1x16xi32> to vector<16xi32>
      %swap3A_137 = vector.shape_cast %add3A_132 : vector<16xi32> to vector<1x16xi32>
      tpu.vector_store %arg6[%swap3A_133, %swap3A_134], %swap3A_137 {strides = array<i32>} : memref<80x128xi32, #tpu.memory_space<vmem>>, vector<1x16xi32>,
      %get3A_138 = arith.index_cast %scan3A_79 : i32 to index
      %get3A_139 = arith.constant 96 : index
      %get3A_140 = tpu.vector_load %arg6[%get3A_138, %get3A_139] {strides = array<i32>} : memref<80x128xi32, #tpu.memory_space<vmem>>, vector<1x16xi32>,
      %get3A_141 = vector.shape_cast %get3A_140 : vector<1x16xi32> to vector<16xi32>
      %add3A_142 = arith.addi %get3A_141, %broadcast_in_dim3A_16 : vector<16xi32>
      %swap3A_143 = arith.index_cast %scan3A_79 : i32 to index
      %swap3A_144 = arith.constant 96 : index
      %swap3A_145 = tpu.vector_load %arg6[%swap3A_143, %swap3A_144] {strides = array<i32>} : memref<80x128xi32, #tpu.memory_space<vmem>>, vector<1x16xi32>,
      %swap3A_146 = vector.shape_cast %swap3A_145 : vector<1x16xi32> to vector<16xi32>
      %swap3A_147 = vector.shape_cast %add3A_142 : vector<16xi32> to vector<1x16xi32>
      tpu.vector_store %arg6[%swap3A_143, %swap3A_144], %swap3A_147 {strides = array<i32>} : memref<80x128xi32, #tpu.memory_space<vmem>>, vector<1x16xi32>,
      %get3A_148 = arith.index_cast %scan3A_79 : i32 to index
      %get3A_149 = arith.constant 112 : index
      %get3A_150 = tpu.vector_load %arg6[%get3A_148, %get3A_149] {strides = array<i32>} : memref<80x128xi32, #tpu.memory_space<vmem>>, vector<1x16xi32>,
      %get3A_151 = vector.shape_cast %get3A_150 : vector<1x16xi32> to vector<16xi32>
      %add3A_152 = arith.addi %get3A_151, %broadcast_in_dim3A_16 : vector<16xi32>
      %swap3A_153 = arith.index_cast %scan3A_79 : i32 to index
      %swap3A_154 = arith.constant 112 : index
      %swap3A_155 = tpu.vector_load %arg6[%swap3A_153, %swap3A_154] {strides = array<i32>} : memref<80x128xi32, #tpu.memory_space<vmem>>, vector<1x16xi32>,
      %swap3A_156 = vector.shape_cast %swap3A_155 : vector<1x16xi32> to vector<16xi32>
      %swap3A_157 = vector.shape_cast %add3A_152 : vector<16xi32> to vector<1x16xi32>
      tpu.vector_store %arg6[%swap3A_153, %swap3A_154], %swap3A_157 {strides = array<i32>} : memref<80x128xi32, #tpu.memory_space<vmem>>, vector<1x16xi32>,
    }
    %scan3A_22 = arith.constant 80 : i32
    %barrier3A = arith.constant 0 : index
    tpu.barrier barrier_id(%barrier3A)
    %scan3A_23 = arith.constant 0 : i32
    %scan3A_24 = arith.constant 0 : i32
    %scan3A_25 = arith.constant 80 : i32
    %scan3A_26 = arith.addi %scan3A_24, %scan3A_25 : i32
    %scan3A_27 = arith.constant 1 : i32
    scf.for %scan3A_79 = %scan3A_24 to %scan3A_26 step %scan3A_27  : i32 {
      "tpu.region"() ({
        %run_scoped3A = tpu.sem_alloc : memref<!tpu.dma_semaphore, #tpu.memory_space<semaphore_mem>>
        %dma_start3A = arith.constant 0 : i32
        %dma_start3A_80 = tpu.memref_slice %arg6[%scan3A_79, %dma_start3A] : memref<80x128xi32, #tpu.memory_space<vmem>> -> memref<1x128xi32, #tpu.memory_space<vmem>>
        %dma_start3A_81 = tpu.memref_squeeze %dma_start3A_80 : memref<1x128xi32, #tpu.memory_space<vmem>> -> memref<128xi32, #tpu.memory_space<vmem>>
        %dma_start3A_82 = arith.constant 0 : i32
        %dma_start3A_83 = arith.constant 0 : i32
        %dma_start3A_84 = tpu.memref_slice %arg2[%dma_start3A_82, %dma_start3A_83] : memref<40000x128xf32, #tpu.memory_space<hbm>> -> memref<40000x128xf32, #tpu.memory_space<hbm>>
        tpu.enqueue_indirect_dma source(%dma_start3A_84 : memref<40000x128xf32, #tpu.memory_space<hbm>>) target(%arg8 : memref<128x128xf32, #tpu.memory_space<vmem>>) offsets(%dma_start3A_81 : memref<128xi32, #tpu.memory_space<vmem>>) semaphore(%run_scoped3A : memref<!tpu.dma_semaphore, #tpu.memory_space<semaphore_mem>>)
        %dma_wait3A = arith.constant 0 : i32
        %dma_wait3A_85 = tpu.memref_slice %arg6[%scan3A_79, %dma_wait3A] : memref<80x128xi32, #tpu.memory_space<vmem>> -> memref<1x128xi32, #tpu.memory_space<vmem>>
        %dma_wait3A_86 = tpu.memref_squeeze %dma_wait3A_85 : memref<1x128xi32, #tpu.memory_space<vmem>> -> memref<128xi32, #tpu.memory_space<vmem>>
        %dma_wait3A_87 = arith.constant 0 : i32
        %dma_wait3A_88 = arith.constant 0 : i32
        %dma_wait3A_89 = tpu.memref_slice %arg2[%dma_wait3A_87, %dma_wait3A_88] : memref<40000x128xf32, #tpu.memory_space<hbm>> -> memref<40000x128xf32, #tpu.memory_space<hbm>>
        tpu.wait_indirect_dma semaphore(%run_scoped3A : memref<!tpu.dma_semaphore, #tpu.memory_space<semaphore_mem>>) src(%dma_wait3A_89 : memref<40000x128xf32, #tpu.memory_space<hbm>>) dst(%arg8 : memref<128x128xf32, #tpu.memory_space<vmem>>)
        tpu.yield
      }) : () -> ()
      "tpu.region"() ({
        %run_scoped3A = tpu.sem_alloc : memref<!tpu.dma_semaphore, #tpu.memory_space<semaphore_mem>>
        %dma_start3A = arith.constant 0 : i32
        %dma_start3A_80 = tpu.memref_slice %arg7[%scan3A_79, %dma_start3A] : memref<80x128xi32, #tpu.memory_space<vmem>> -> memref<1x128xi32, #tpu.memory_space<vmem>>
        %dma_start3A_81 = tpu.memref_squeeze %dma_start3A_80 : memref<1x128xi32, #tpu.memory_space<vmem>> -> memref<128xi32, #tpu.memory_space<vmem>>
        %dma_start3A_82 = arith.constant 0 : i32
        %dma_start3A_83 = arith.constant 0 : i32
        %dma_start3A_84 = tpu.memref_slice %arg10[%dma_start3A_82, %dma_start3A_83] : memref<10240x128xf32, #tpu.memory_space<vmem_shared>> -> memref<10240x128xf32, #tpu.memory_space<vmem_shared>>
        tpu.enqueue_indirect_dma source(%arg8 : memref<128x128xf32, #tpu.memory_space<vmem>>) target(%dma_start3A_84 : memref<10240x128xf32, #tpu.memory_space<vmem_shared>>) offsets(%dma_start3A_81 : memref<128xi32, #tpu.memory_space<vmem>>) semaphore(%run_scoped3A : memref<!tpu.dma_semaphore, #tpu.memory_space<semaphore_mem>>) {add = true}
        %dma_wait3A = arith.constant 0 : i32
        %dma_wait3A_85 = tpu.memref_slice %arg7[%scan3A_79, %dma_wait3A] : memref<80x128xi32, #tpu.memory_space<vmem>> -> memref<1x128xi32, #tpu.memory_space<vmem>>
        %dma_wait3A_86 = tpu.memref_squeeze %dma_wait3A_85 : memref<1x128xi32, #tpu.memory_space<vmem>> -> memref<128xi32, #tpu.memory_space<vmem>>
        %dma_wait3A_87 = arith.constant 0 : i32
        %dma_wait3A_88 = arith.constant 0 : i32
        %dma_wait3A_89 = tpu.memref_slice %arg10[%dma_wait3A_87, %dma_wait3A_88] : memref<10240x128xf32, #tpu.memory_space<vmem_shared>> -> memref<10240x128xf32, #tpu.memory_space<vmem_shared>>
        tpu.wait_indirect_dma semaphore(%run_scoped3A : memref<!tpu.dma_semaphore, #tpu.memory_space<semaphore_mem>>) src(%arg8 : memref<128x128xf32, #tpu.memory_space<vmem>>) dst(%dma_wait3A_89 : memref<10240x128xf32, #tpu.memory_space<vmem_shared>>)
        tpu.yield
      }) : () -> ()
    }
    %scan3A_28 = arith.constant 80 : i32
    %barrier3A_29 = arith.constant 0 : index
    tpu.barrier barrier_id(%barrier3A_29)
    %mul3A_30 = arith.constant 624 : i32
    %mul3A_31 = arith.muli %arg1, %mul3A_30 : i32
    %mul3A_32 = arith.constant 10000 : i32
    %mul3A_33 = arith.muli %add3A_7, %mul3A_32 : i32
    %mul3A_34 = arith.constant 624 : i32
    %mul3A_35 = arith.muli %arg1, %mul3A_34 : i32
    %add3A_36 = arith.addi %mul3A_33, %mul3A_35 : i32
    "tpu.region"() ({
      %run_scoped3A = tpu.sem_alloc : memref<!tpu.dma_semaphore, #tpu.memory_space<semaphore_mem>>
      %dma_start3A = arith.constant 0 : i32
      %dma_start3A_79 = tpu.memref_slice %arg5[%add3A_36, %dma_start3A] : memref<40000x128xf32, #tpu.memory_space<hbm>> -> memref<624x128xf32, #tpu.memory_space<hbm>>
      %dma_start3A_80 = arith.constant 0 : i32
      %dma_start3A_81 = tpu.memref_slice %arg10[%mul3A_31, %dma_start3A_80] : memref<10240x128xf32, #tpu.memory_space<vmem_shared>> -> memref<624x128xf32, #tpu.memory_space<vmem_shared>>
      tpu.enqueue_dma source(%dma_start3A_81 : memref<624x128xf32, #tpu.memory_space<vmem_shared>>) target(%dma_start3A_79 : memref<624x128xf32, #tpu.memory_space<hbm>>) target_semaphore(%run_scoped3A : memref<!tpu.dma_semaphore, #tpu.memory_space<semaphore_mem>>)
      %dma_wait3A = arith.constant 0 : i32
      %dma_wait3A_82 = tpu.memref_slice %arg5[%add3A_36, %dma_wait3A] : memref<40000x128xf32, #tpu.memory_space<hbm>> -> memref<624x128xf32, #tpu.memory_space<hbm>>
      %dma_wait3A_83 = arith.constant 0 : i32
      %dma_wait3A_84 = tpu.memref_slice %arg10[%mul3A_31, %dma_wait3A_83] : memref<10240x128xf32, #tpu.memory_space<vmem_shared>> -> memref<624x128xf32, #tpu.memory_space<vmem_shared>>
      tpu.wait_dma2 semaphore(%run_scoped3A : memref<!tpu.dma_semaphore, #tpu.memory_space<semaphore_mem>>) src(%dma_wait3A_84 : memref<624x128xf32, #tpu.memory_space<vmem_shared>>) dst(%dma_wait3A_82 : memref<624x128xf32, #tpu.memory_space<hbm>>)
      tpu.yield
    }) : () -> ()
    %eq3A = arith.constant 15 : i32
    %eq3A_37 = arith.cmpi eq, %arg1, %eq3A : i32
    %convert_element_type3A = arith.extui %eq3A_37 : i1 to i32
    %cond3A = arith.constant 0 : i32
    %cond3A_38 = arith.cmpi ne, %convert_element_type3A, %cond3A : i32
    scf.if %cond3A_38 {
      %mul3A_79 = arith.constant 10000 : i32
      %mul3A_80 = arith.muli %add3A_7, %mul3A_79 : i32
      %add3A_81 = arith.constant 9984 : i32
      %add3A_82 = arith.addi %mul3A_80, %add3A_81 : i32
      "tpu.region"() ({
        %run_scoped3A = tpu.sem_alloc : memref<!tpu.dma_semaphore, #tpu.memory_space<semaphore_mem>>
        %dma_start3A = arith.constant 0 : i32
        %dma_start3A_83 = tpu.memref_slice %arg5[%add3A_82, %dma_start3A] : memref<40000x128xf32, #tpu.memory_space<hbm>> -> memref<16x128xf32, #tpu.memory_space<hbm>>
        %dma_start3A_84 = arith.constant 9984 : i32
        %dma_start3A_85 = arith.constant 0 : i32
        %dma_start3A_86 = tpu.memref_slice %arg10[%dma_start3A_84, %dma_start3A_85] : memref<10240x128xf32, #tpu.memory_space<vmem_shared>> -> memref<16x128xf32, #tpu.memory_space<vmem_shared>>
        tpu.enqueue_dma source(%dma_start3A_86 : memref<16x128xf32, #tpu.memory_space<vmem_shared>>) target(%dma_start3A_83 : memref<16x128xf32, #tpu.memory_space<hbm>>) target_semaphore(%run_scoped3A : memref<!tpu.dma_semaphore, #tpu.memory_space<semaphore_mem>>)
        %dma_wait3A = arith.constant 0 : i32
        %dma_wait3A_87 = tpu.memref_slice %arg5[%add3A_82, %dma_wait3A] : memref<40000x128xf32, #tpu.memory_space<hbm>> -> memref<16x128xf32, #tpu.memory_space<hbm>>
        %dma_wait3A_88 = arith.constant 9984 : i32
        %dma_wait3A_89 = arith.constant 0 : i32
        %dma_wait3A_90 = tpu.memref_slice %arg10[%dma_wait3A_88, %dma_wait3A_89] : memref<10240x128xf32, #tpu.memory_space<vmem_shared>> -> memref<16x128xf32, #tpu.memory_space<vmem_shared>>
        tpu.wait_dma2 semaphore(%run_scoped3A : memref<!tpu.dma_semaphore, #tpu.memory_space<semaphore_mem>>) src(%dma_wait3A_90 : memref<16x128xf32, #tpu.memory_space<vmem_shared>>) dst(%dma_wait3A_87 : memref<16x128xf32, #tpu.memory_space<hbm>>)
        tpu.yield
      }) : () -> ()
    } else {
    }
    %barrier3A_39 = arith.constant 0 : index
    tpu.barrier barrier_id(%barrier3A_39)
    %mul3A_40 = arith.constant 2 : i32
    %mul3A_41 = arith.muli %arg0, %mul3A_40 : i32
    %add3A_42 = arith.constant 1 : i32
    %add3A_43 = arith.addi %mul3A_41, %add3A_42 : i32
    %scan3A_44 = arith.constant 0 : i32
    %scan3A_45 = arith.constant 0 : i32
    %scan3A_46 = arith.constant 20 : i32
    %scan3A_47 = arith.addi %scan3A_45, %scan3A_46 : i32
    %scan3A_48 = arith.constant 1 : i32
    scf.for %scan3A_79 = %scan3A_45 to %scan3A_47 step %scan3A_48  : i32 {
      %mul3A_80 = arith.constant 640 : i32
      %mul3A_81 = arith.muli %arg1, %mul3A_80 : i32
      %mul3A_82 = arith.constant 32 : i32
      %mul3A_83 = arith.muli %scan3A_79, %mul3A_82 : i32
      %add3A_84 = arith.addi %mul3A_81, %mul3A_83 : i32
      "tpu.region"() ({
        %run_scoped3A = tpu.sem_alloc : memref<!tpu.dma_semaphore, #tpu.memory_space<semaphore_mem>>
        %dma_start3A = arith.constant 0 : i32
        %dma_start3A_85 = tpu.memref_slice %arg10[%add3A_84, %dma_start3A] : memref<10240x128xf32, #tpu.memory_space<vmem_shared>> -> memref<32x128xf32, #tpu.memory_space<vmem_shared>>
        %dma_start3A_86 = arith.constant 0 : i32
        %dma_start3A_87 = tpu.memref_slice %arg10[%add3A_84, %dma_start3A_86] : memref<10240x128xf32, #tpu.memory_space<vmem_shared>> -> memref<32x128xf32, #tpu.memory_space<vmem_shared>>
        tpu.enqueue_dma source(%arg9 : memref<32x128xf32, #tpu.memory_space<vmem>>) target(%dma_start3A_87 : memref<32x128xf32, #tpu.memory_space<vmem_shared>>) target_semaphore(%run_scoped3A : memref<!tpu.dma_semaphore, #tpu.memory_space<semaphore_mem>>)
        %dma_wait3A = arith.constant 0 : i32
        %dma_wait3A_88 = tpu.memref_slice %arg10[%add3A_84, %dma_wait3A] : memref<10240x128xf32, #tpu.memory_space<vmem_shared>> -> memref<32x128xf32, #tpu.memory_space<vmem_shared>>
        %dma_wait3A_89 = arith.constant 0 : i32
        %dma_wait3A_90 = tpu.memref_slice %arg10[%add3A_84, %dma_wait3A_89] : memref<10240x128xf32, #tpu.memory_space<vmem_shared>> -> memref<32x128xf32, #tpu.memory_space<vmem_shared>>
        tpu.wait_dma2 semaphore(%run_scoped3A : memref<!tpu.dma_semaphore, #tpu.memory_space<semaphore_mem>>) src(%arg9 : memref<32x128xf32, #tpu.memory_space<vmem>>) dst(%dma_wait3A_90 : memref<32x128xf32, #tpu.memory_space<vmem_shared>>)
        tpu.yield
      }) : () -> ()
    }
    %scan3A_49 = arith.constant 20 : i32
    %broadcast_in_dim3A_50 = arith.constant 10000 : i32
    %broadcast_in_dim3A_51 = vector.broadcast %broadcast_in_dim3A_50 : i32 to vector<16xi32>
    %scan3A_52 = arith.constant 0 : i32
    %scan3A_53 = arith.constant 0 : i32
    %scan3A_54 = arith.constant 80 : i32
    %scan3A_55 = arith.addi %scan3A_53, %scan3A_54 : i32
    %scan3A_56 = arith.constant 1 : i32
    scf.for %scan3A_79 = %scan3A_53 to %scan3A_55 step %scan3A_56  : i32 {
      %get3A = arith.index_cast %scan3A_79 : i32 to index
      %get3A_80 = arith.constant 0 : index
      %get3A_81 = tpu.vector_load %arg6[%get3A, %get3A_80] {strides = array<i32>} : memref<80x128xi32, #tpu.memory_space<vmem>>, vector<1x16xi32>,
      %get3A_82 = vector.shape_cast %get3A_81 : vector<1x16xi32> to vector<16xi32>
      %add3A_83 = arith.addi %get3A_82, %broadcast_in_dim3A_51 : vector<16xi32>
      %swap3A = arith.index_cast %scan3A_79 : i32 to index
      %swap3A_84 = arith.constant 0 : index
      %swap3A_85 = tpu.vector_load %arg6[%swap3A, %swap3A_84] {strides = array<i32>} : memref<80x128xi32, #tpu.memory_space<vmem>>, vector<1x16xi32>,
      %swap3A_86 = vector.shape_cast %swap3A_85 : vector<1x16xi32> to vector<16xi32>
      %swap3A_87 = vector.shape_cast %add3A_83 : vector<16xi32> to vector<1x16xi32>
      tpu.vector_store %arg6[%swap3A, %swap3A_84], %swap3A_87 {strides = array<i32>} : memref<80x128xi32, #tpu.memory_space<vmem>>, vector<1x16xi32>,
      %get3A_88 = arith.index_cast %scan3A_79 : i32 to index
      %get3A_89 = arith.constant 16 : index
      %get3A_90 = tpu.vector_load %arg6[%get3A_88, %get3A_89] {strides = array<i32>} : memref<80x128xi32, #tpu.memory_space<vmem>>, vector<1x16xi32>,
      %get3A_91 = vector.shape_cast %get3A_90 : vector<1x16xi32> to vector<16xi32>
      %add3A_92 = arith.addi %get3A_91, %broadcast_in_dim3A_51 : vector<16xi32>
      %swap3A_93 = arith.index_cast %scan3A_79 : i32 to index
      %swap3A_94 = arith.constant 16 : index
      %swap3A_95 = tpu.vector_load %arg6[%swap3A_93, %swap3A_94] {strides = array<i32>} : memref<80x128xi32, #tpu.memory_space<vmem>>, vector<1x16xi32>,
      %swap3A_96 = vector.shape_cast %swap3A_95 : vector<1x16xi32> to vector<16xi32>
      %swap3A_97 = vector.shape_cast %add3A_92 : vector<16xi32> to vector<1x16xi32>
      tpu.vector_store %arg6[%swap3A_93, %swap3A_94], %swap3A_97 {strides = array<i32>} : memref<80x128xi32, #tpu.memory_space<vmem>>, vector<1x16xi32>,
      %get3A_98 = arith.index_cast %scan3A_79 : i32 to index
      %get3A_99 = arith.constant 32 : index
      %get3A_100 = tpu.vector_load %arg6[%get3A_98, %get3A_99] {strides = array<i32>} : memref<80x128xi32, #tpu.memory_space<vmem>>, vector<1x16xi32>,
      %get3A_101 = vector.shape_cast %get3A_100 : vector<1x16xi32> to vector<16xi32>
      %add3A_102 = arith.addi %get3A_101, %broadcast_in_dim3A_51 : vector<16xi32>
      %swap3A_103 = arith.index_cast %scan3A_79 : i32 to index
      %swap3A_104 = arith.constant 32 : index
      %swap3A_105 = tpu.vector_load %arg6[%swap3A_103, %swap3A_104] {strides = array<i32>} : memref<80x128xi32, #tpu.memory_space<vmem>>, vector<1x16xi32>,
      %swap3A_106 = vector.shape_cast %swap3A_105 : vector<1x16xi32> to vector<16xi32>
      %swap3A_107 = vector.shape_cast %add3A_102 : vector<16xi32> to vector<1x16xi32>
      tpu.vector_store %arg6[%swap3A_103, %swap3A_104], %swap3A_107 {strides = array<i32>} : memref<80x128xi32, #tpu.memory_space<vmem>>, vector<1x16xi32>,
      %get3A_108 = arith.index_cast %scan3A_79 : i32 to index
      %get3A_109 = arith.constant 48 : index
      %get3A_110 = tpu.vector_load %arg6[%get3A_108, %get3A_109] {strides = array<i32>} : memref<80x128xi32, #tpu.memory_space<vmem>>, vector<1x16xi32>,
      %get3A_111 = vector.shape_cast %get3A_110 : vector<1x16xi32> to vector<16xi32>
      %add3A_112 = arith.addi %get3A_111, %broadcast_in_dim3A_51 : vector<16xi32>
      %swap3A_113 = arith.index_cast %scan3A_79 : i32 to index
      %swap3A_114 = arith.constant 48 : index
      %swap3A_115 = tpu.vector_load %arg6[%swap3A_113, %swap3A_114] {strides = array<i32>} : memref<80x128xi32, #tpu.memory_space<vmem>>, vector<1x16xi32>,
      %swap3A_116 = vector.shape_cast %swap3A_115 : vector<1x16xi32> to vector<16xi32>
      %swap3A_117 = vector.shape_cast %add3A_112 : vector<16xi32> to vector<1x16xi32>
      tpu.vector_store %arg6[%swap3A_113, %swap3A_114], %swap3A_117 {strides = array<i32>} : memref<80x128xi32, #tpu.memory_space<vmem>>, vector<1x16xi32>,
      %get3A_118 = arith.index_cast %scan3A_79 : i32 to index
      %get3A_119 = arith.constant 64 : index
      %get3A_120 = tpu.vector_load %arg6[%get3A_118, %get3A_119] {strides = array<i32>} : memref<80x128xi32, #tpu.memory_space<vmem>>, vector<1x16xi32>,
      %get3A_121 = vector.shape_cast %get3A_120 : vector<1x16xi32> to vector<16xi32>
      %add3A_122 = arith.addi %get3A_121, %broadcast_in_dim3A_51 : vector<16xi32>
      %swap3A_123 = arith.index_cast %scan3A_79 : i32 to index
      %swap3A_124 = arith.constant 64 : index
      %swap3A_125 = tpu.vector_load %arg6[%swap3A_123, %swap3A_124] {strides = array<i32>} : memref<80x128xi32, #tpu.memory_space<vmem>>, vector<1x16xi32>,
      %swap3A_126 = vector.shape_cast %swap3A_125 : vector<1x16xi32> to vector<16xi32>
      %swap3A_127 = vector.shape_cast %add3A_122 : vector<16xi32> to vector<1x16xi32>
      tpu.vector_store %arg6[%swap3A_123, %swap3A_124], %swap3A_127 {strides = array<i32>} : memref<80x128xi32, #tpu.memory_space<vmem>>, vector<1x16xi32>,
      %get3A_128 = arith.index_cast %scan3A_79 : i32 to index
      %get3A_129 = arith.constant 80 : index
      %get3A_130 = tpu.vector_load %arg6[%get3A_128, %get3A_129] {strides = array<i32>} : memref<80x128xi32, #tpu.memory_space<vmem>>, vector<1x16xi32>,
      %get3A_131 = vector.shape_cast %get3A_130 : vector<1x16xi32> to vector<16xi32>
      %add3A_132 = arith.addi %get3A_131, %broadcast_in_dim3A_51 : vector<16xi32>
      %swap3A_133 = arith.index_cast %scan3A_79 : i32 to index
      %swap3A_134 = arith.constant 80 : index
      %swap3A_135 = tpu.vector_load %arg6[%swap3A_133, %swap3A_134] {strides = array<i32>} : memref<80x128xi32, #tpu.memory_space<vmem>>, vector<1x16xi32>,
      %swap3A_136 = vector.shape_cast %swap3A_135 : vector<1x16xi32> to vector<16xi32>
      %swap3A_137 = vector.shape_cast %add3A_132 : vector<16xi32> to vector<1x16xi32>
      tpu.vector_store %arg6[%swap3A_133, %swap3A_134], %swap3A_137 {strides = array<i32>} : memref<80x128xi32, #tpu.memory_space<vmem>>, vector<1x16xi32>,
      %get3A_138 = arith.index_cast %scan3A_79 : i32 to index
      %get3A_139 = arith.constant 96 : index
      %get3A_140 = tpu.vector_load %arg6[%get3A_138, %get3A_139] {strides = array<i32>} : memref<80x128xi32, #tpu.memory_space<vmem>>, vector<1x16xi32>,
      %get3A_141 = vector.shape_cast %get3A_140 : vector<1x16xi32> to vector<16xi32>
      %add3A_142 = arith.addi %get3A_141, %broadcast_in_dim3A_51 : vector<16xi32>
      %swap3A_143 = arith.index_cast %scan3A_79 : i32 to index
      %swap3A_144 = arith.constant 96 : index
      %swap3A_145 = tpu.vector_load %arg6[%swap3A_143, %swap3A_144] {strides = array<i32>} : memref<80x128xi32, #tpu.memory_space<vmem>>, vector<1x16xi32>,
      %swap3A_146 = vector.shape_cast %swap3A_145 : vector<1x16xi32> to vector<16xi32>
      %swap3A_147 = vector.shape_cast %add3A_142 : vector<16xi32> to vector<1x16xi32>
      tpu.vector_store %arg6[%swap3A_143, %swap3A_144], %swap3A_147 {strides = array<i32>} : memref<80x128xi32, #tpu.memory_space<vmem>>, vector<1x16xi32>,
      %get3A_148 = arith.index_cast %scan3A_79 : i32 to index
      %get3A_149 = arith.constant 112 : index
      %get3A_150 = tpu.vector_load %arg6[%get3A_148, %get3A_149] {strides = array<i32>} : memref<80x128xi32, #tpu.memory_space<vmem>>, vector<1x16xi32>,
      %get3A_151 = vector.shape_cast %get3A_150 : vector<1x16xi32> to vector<16xi32>
      %add3A_152 = arith.addi %get3A_151, %broadcast_in_dim3A_51 : vector<16xi32>
      %swap3A_153 = arith.index_cast %scan3A_79 : i32 to index
      %swap3A_154 = arith.constant 112 : index
      %swap3A_155 = tpu.vector_load %arg6[%swap3A_153, %swap3A_154] {strides = array<i32>} : memref<80x128xi32, #tpu.memory_space<vmem>>, vector<1x16xi32>,
      %swap3A_156 = vector.shape_cast %swap3A_155 : vector<1x16xi32> to vector<16xi32>
      %swap3A_157 = vector.shape_cast %add3A_152 : vector<16xi32> to vector<1x16xi32>
      tpu.vector_store %arg6[%swap3A_153, %swap3A_154], %swap3A_157 {strides = array<i32>} : memref<80x128xi32, #tpu.memory_space<vmem>>, vector<1x16xi32>,
    }
    %scan3A_57 = arith.constant 80 : i32
    %barrier3A_58 = arith.constant 0 : index
    tpu.barrier barrier_id(%barrier3A_58)
    %scan3A_59 = arith.constant 0 : i32
    %scan3A_60 = arith.constant 0 : i32
    %scan3A_61 = arith.constant 80 : i32
    %scan3A_62 = arith.addi %scan3A_60, %scan3A_61 : i32
    %scan3A_63 = arith.constant 1 : i32
    scf.for %scan3A_79 = %scan3A_60 to %scan3A_62 step %scan3A_63  : i32 {
      "tpu.region"() ({
        %run_scoped3A = tpu.sem_alloc : memref<!tpu.dma_semaphore, #tpu.memory_space<semaphore_mem>>
        %dma_start3A = arith.constant 0 : i32
        %dma_start3A_80 = tpu.memref_slice %arg6[%scan3A_79, %dma_start3A] : memref<80x128xi32, #tpu.memory_space<vmem>> -> memref<1x128xi32, #tpu.memory_space<vmem>>
        %dma_start3A_81 = tpu.memref_squeeze %dma_start3A_80 : memref<1x128xi32, #tpu.memory_space<vmem>> -> memref<128xi32, #tpu.memory_space<vmem>>
        %dma_start3A_82 = arith.constant 0 : i32
        %dma_start3A_83 = arith.constant 0 : i32
        %dma_start3A_84 = tpu.memref_slice %arg2[%dma_start3A_82, %dma_start3A_83] : memref<40000x128xf32, #tpu.memory_space<hbm>> -> memref<40000x128xf32, #tpu.memory_space<hbm>>
        tpu.enqueue_indirect_dma source(%dma_start3A_84 : memref<40000x128xf32, #tpu.memory_space<hbm>>) target(%arg8 : memref<128x128xf32, #tpu.memory_space<vmem>>) offsets(%dma_start3A_81 : memref<128xi32, #tpu.memory_space<vmem>>) semaphore(%run_scoped3A : memref<!tpu.dma_semaphore, #tpu.memory_space<semaphore_mem>>)
        %dma_wait3A = arith.constant 0 : i32
        %dma_wait3A_85 = tpu.memref_slice %arg6[%scan3A_79, %dma_wait3A] : memref<80x128xi32, #tpu.memory_space<vmem>> -> memref<1x128xi32, #tpu.memory_space<vmem>>
        %dma_wait3A_86 = tpu.memref_squeeze %dma_wait3A_85 : memref<1x128xi32, #tpu.memory_space<vmem>> -> memref<128xi32, #tpu.memory_space<vmem>>
        %dma_wait3A_87 = arith.constant 0 : i32
        %dma_wait3A_88 = arith.constant 0 : i32
        %dma_wait3A_89 = tpu.memref_slice %arg2[%dma_wait3A_87, %dma_wait3A_88] : memref<40000x128xf32, #tpu.memory_space<hbm>> -> memref<40000x128xf32, #tpu.memory_space<hbm>>
        tpu.wait_indirect_dma semaphore(%run_scoped3A : memref<!tpu.dma_semaphore, #tpu.memory_space<semaphore_mem>>) src(%dma_wait3A_89 : memref<40000x128xf32, #tpu.memory_space<hbm>>) dst(%arg8 : memref<128x128xf32, #tpu.memory_space<vmem>>)
        tpu.yield
      }) : () -> ()
      "tpu.region"() ({
        %run_scoped3A = tpu.sem_alloc : memref<!tpu.dma_semaphore, #tpu.memory_space<semaphore_mem>>
        %dma_start3A = arith.constant 0 : i32
        %dma_start3A_80 = tpu.memref_slice %arg7[%scan3A_79, %dma_start3A] : memref<80x128xi32, #tpu.memory_space<vmem>> -> memref<1x128xi32, #tpu.memory_space<vmem>>
        %dma_start3A_81 = tpu.memref_squeeze %dma_start3A_80 : memref<1x128xi32, #tpu.memory_space<vmem>> -> memref<128xi32, #tpu.memory_space<vmem>>
        %dma_start3A_82 = arith.constant 0 : i32
        %dma_start3A_83 = arith.constant 0 : i32
        %dma_start3A_84 = tpu.memref_slice %arg10[%dma_start3A_82, %dma_start3A_83] : memref<10240x128xf32, #tpu.memory_space<vmem_shared>> -> memref<10240x128xf32, #tpu.memory_space<vmem_shared>>
        tpu.enqueue_indirect_dma source(%arg8 : memref<128x128xf32, #tpu.memory_space<vmem>>) target(%dma_start3A_84 : memref<10240x128xf32, #tpu.memory_space<vmem_shared>>) offsets(%dma_start3A_81 : memref<128xi32, #tpu.memory_space<vmem>>) semaphore(%run_scoped3A : memref<!tpu.dma_semaphore, #tpu.memory_space<semaphore_mem>>) {add = true}
        %dma_wait3A = arith.constant 0 : i32
        %dma_wait3A_85 = tpu.memref_slice %arg7[%scan3A_79, %dma_wait3A] : memref<80x128xi32, #tpu.memory_space<vmem>> -> memref<1x128xi32, #tpu.memory_space<vmem>>
        %dma_wait3A_86 = tpu.memref_squeeze %dma_wait3A_85 : memref<1x128xi32, #tpu.memory_space<vmem>> -> memref<128xi32, #tpu.memory_space<vmem>>
        %dma_wait3A_87 = arith.constant 0 : i32
        %dma_wait3A_88 = arith.constant 0 : i32
        %dma_wait3A_89 = tpu.memref_slice %arg10[%dma_wait3A_87, %dma_wait3A_88] : memref<10240x128xf32, #tpu.memory_space<vmem_shared>> -> memref<10240x128xf32, #tpu.memory_space<vmem_shared>>
        tpu.wait_indirect_dma semaphore(%run_scoped3A : memref<!tpu.dma_semaphore, #tpu.memory_space<semaphore_mem>>) src(%arg8 : memref<128x128xf32, #tpu.memory_space<vmem>>) dst(%dma_wait3A_89 : memref<10240x128xf32, #tpu.memory_space<vmem_shared>>)
        tpu.yield
      }) : () -> ()
    }
    %scan3A_64 = arith.constant 80 : i32
    %barrier3A_65 = arith.constant 0 : index
    tpu.barrier barrier_id(%barrier3A_65)
    %mul3A_66 = arith.constant 624 : i32
    %mul3A_67 = arith.muli %arg1, %mul3A_66 : i32
    %mul3A_68 = arith.constant 10000 : i32
    %mul3A_69 = arith.muli %add3A_43, %mul3A_68 : i32
    %mul3A_70 = arith.constant 624 : i32
    %mul3A_71 = arith.muli %arg1, %mul3A_70 : i32
    %add3A_72 = arith.addi %mul3A_69, %mul3A_71 : i32
    "tpu.region"() ({
      %run_scoped3A = tpu.sem_alloc : memref<!tpu.dma_semaphore, #tpu.memory_space<semaphore_mem>>
      %dma_start3A = arith.constant 0 : i32
      %dma_start3A_79 = tpu.memref_slice %arg5[%add3A_72, %dma_start3A] : memref<40000x128xf32, #tpu.memory_space<hbm>> -> memref<624x128xf32, #tpu.memory_space<hbm>>
      %dma_start3A_80 = arith.constant 0 : i32
      %dma_start3A_81 = tpu.memref_slice %arg10[%mul3A_67, %dma_start3A_80] : memref<10240x128xf32, #tpu.memory_space<vmem_shared>> -> memref<624x128xf32, #tpu.memory_space<vmem_shared>>
      tpu.enqueue_dma source(%dma_start3A_81 : memref<624x128xf32, #tpu.memory_space<vmem_shared>>) target(%dma_start3A_79 : memref<624x128xf32, #tpu.memory_space<hbm>>) target_semaphore(%run_scoped3A : memref<!tpu.dma_semaphore, #tpu.memory_space<semaphore_mem>>)
      %dma_wait3A = arith.constant 0 : i32
      %dma_wait3A_82 = tpu.memref_slice %arg5[%add3A_72, %dma_wait3A] : memref<40000x128xf32, #tpu.memory_space<hbm>> -> memref<624x128xf32, #tpu.memory_space<hbm>>
      %dma_wait3A_83 = arith.constant 0 : i32
      %dma_wait3A_84 = tpu.memref_slice %arg10[%mul3A_67, %dma_wait3A_83] : memref<10240x128xf32, #tpu.memory_space<vmem_shared>> -> memref<624x128xf32, #tpu.memory_space<vmem_shared>>
      tpu.wait_dma2 semaphore(%run_scoped3A : memref<!tpu.dma_semaphore, #tpu.memory_space<semaphore_mem>>) src(%dma_wait3A_84 : memref<624x128xf32, #tpu.memory_space<vmem_shared>>) dst(%dma_wait3A_82 : memref<624x128xf32, #tpu.memory_space<hbm>>)
      tpu.yield
    }) : () -> ()
    %eq3A_73 = arith.constant 15 : i32
    %eq3A_74 = arith.cmpi eq, %arg1, %eq3A_73 : i32
    %convert_element_type3A_75 = arith.extui %eq3A_74 : i1 to i32
    %cond3A_76 = arith.constant 0 : i32
    %cond3A_77 = arith.cmpi ne, %convert_element_type3A_75, %cond3A_76 : i32
    scf.if %cond3A_77 {
      %mul3A_79 = arith.constant 10000 : i32
      %mul3A_80 = arith.muli %add3A_43, %mul3A_79 : i32
      %add3A_81 = arith.constant 9984 : i32
      %add3A_82 = arith.addi %mul3A_80, %add3A_81 : i32
      "tpu.region"() ({
        %run_scoped3A = tpu.sem_alloc : memref<!tpu.dma_semaphore, #tpu.memory_space<semaphore_mem>>
        %dma_start3A = arith.constant 0 : i32
        %dma_start3A_83 = tpu.memref_slice %arg5[%add3A_82, %dma_start3A] : memref<40000x128xf32, #tpu.memory_space<hbm>> -> memref<16x128xf32, #tpu.memory_space<hbm>>
        %dma_start3A_84 = arith.constant 9984 : i32
        %dma_start3A_85 = arith.constant 0 : i32
        %dma_start3A_86 = tpu.memref_slice %arg10[%dma_start3A_84, %dma_start3A_85] : memref<10240x128xf32, #tpu.memory_space<vmem_shared>> -> memref<16x128xf32, #tpu.memory_space<vmem_shared>>
        tpu.enqueue_dma source(%dma_start3A_86 : memref<16x128xf32, #tpu.memory_space<vmem_shared>>) target(%dma_start3A_83 : memref<16x128xf32, #tpu.memory_space<hbm>>) target_semaphore(%run_scoped3A : memref<!tpu.dma_semaphore, #tpu.memory_space<semaphore_mem>>)
        %dma_wait3A = arith.constant 0 : i32
        %dma_wait3A_87 = tpu.memref_slice %arg5[%add3A_82, %dma_wait3A] : memref<40000x128xf32, #tpu.memory_space<hbm>> -> memref<16x128xf32, #tpu.memory_space<hbm>>
        %dma_wait3A_88 = arith.constant 9984 : i32
        %dma_wait3A_89 = arith.constant 0 : i32
        %dma_wait3A_90 = tpu.memref_slice %arg10[%dma_wait3A_88, %dma_wait3A_89] : memref<10240x128xf32, #tpu.memory_space<vmem_shared>> -> memref<16x128xf32, #tpu.memory_space<vmem_shared>>
        tpu.wait_dma2 semaphore(%run_scoped3A : memref<!tpu.dma_semaphore, #tpu.memory_space<semaphore_mem>>) src(%dma_wait3A_90 : memref<16x128xf32, #tpu.memory_space<vmem_shared>>) dst(%dma_wait3A_87 : memref<16x128xf32, #tpu.memory_space<hbm>>)
        tpu.yield
      }) : () -> ()
    } else {
    }
    %barrier3A_78 = arith.constant 0 : index
    tpu.barrier barrier_id(%barrier3A_78)
    return
  }
}

#map = affine_map<(d0, d1) -> (0, 0)>
#map1 = affine_map<(d0, d1) -> (0, 0, 0)>
module attributes {stable_mosaic.version = 14 : i64} {
  func.func @body(%arg0: i32, %arg1: i32, %arg2: memref<40000x128xf32, #tpu.memory_space<hbm>>, %arg3: memref<16x80x128xi32, #tpu.memory_space<hbm>>, %arg4: memref<16x80x128xi32, #tpu.memory_space<hbm>>, %arg5: memref<40000x128xf32, #tpu.memory_space<hbm>>, %arg6: memref<80x128xi32, #tpu.memory_space<vmem>>, %arg7: memref<80x128xi32, #tpu.memory_space<vmem>>, %arg8: memref<128x128xf32, #tpu.memory_space<vmem>>, %arg9: memref<32x128xf32, #tpu.memory_space<vmem>>, %arg10: memref<10240x128xf32, #tpu.memory_space<vmem_shared>>) attributes {dimension_semantics = [#tpu.dimension_semantics<core_parallel>, #tpu.dimension_semantics<subcore_parallel>], iteration_bounds = array<i64: 2, 16>, scalar_prefetch = 0 : i64, scratch_operands = 5 : i64, tpu.core_type = #tpu.core_type<sc_vector_subcore>, window_params = [{transform_indices = #map}, {transform_indices = #map1}, {transform_indices = #map1}, {transform_indices = #map}]} {
    "tpu.region"() ({
      %run_scoped3A = tpu.sem_alloc : memref<!tpu.dma_semaphore, #tpu.memory_space<semaphore_mem>>
      %dma_start3A = arith.constant 0 : i32
      %dma_start3A_79 = arith.constant 0 : i32
      %dma_start3A_80 = tpu.memref_slice %arg3[%arg1, %dma_start3A, %dma_start3A_79] : memref<16x80x128xi32, #tpu.memory_space<hbm>> -> memref<1x80x128xi32, #tpu.memory_space<hbm>>
      %dma_start3A_81 = tpu.memref_squeeze %dma_start3A_80 : memref<1x80x128xi32, #tpu.memory_space<hbm>> -> memref<80x128xi32, #tpu.memory_space<hbm>>
      %dma_start3A_82 = arith.constant 0 : i32
      %dma_start3A_83 = arith.constant 0 : i32
      %dma_start3A_84 = tpu.memref_slice %arg3[%arg1, %dma_start3A_82, %dma_start3A_83] : memref<16x80x128xi32, #tpu.memory_space<hbm>> -> memref<1x80x128xi32, #tpu.memory_space<hbm>>
      %dma_start3A_85 = tpu.memref_squeeze %dma_start3A_84 : memref<1x80x128xi32, #tpu.memory_space<hbm>> -> memref<80x128xi32, #tpu.memory_space<hbm>>
      tpu.enqueue_dma source(%dma_start3A_85 : memref<80x128xi32, #tpu.memory_space<hbm>>) target(%arg6 : memref<80x128xi32, #tpu.memory_space<vmem>>) target_semaphore(%run_scoped3A : memref<!tpu.dma_semaphore, #tpu.memory_space<semaphore_mem>>)
      %dma_wait3A = arith.constant 0 : i32
      %dma_wait3A_86 = arith.constant 0 : i32
      %dma_wait3A_87 = tpu.memref_slice %arg3[%arg1, %dma_wait3A, %dma_wait3A_86] : memref<16x80x128xi32, #tpu.memory_space<hbm>> -> memref<1x80x128xi32, #tpu.memory_space<hbm>>
      %dma_wait3A_88 = tpu.memref_squeeze %dma_wait3A_87 : memref<1x80x128xi32, #tpu.memory_space<hbm>> -> memref<80x128xi32, #tpu.memory_space<hbm>>
      %dma_wait3A_89 = arith.constant 0 : i32
      %dma_wait3A_90 = arith.constant 0 : i32
      %dma_wait3A_91 = tpu.memref_slice %arg3[%arg1, %dma_wait3A_89, %dma_wait3A_90] : memref<16x80x128xi32, #tpu.memory_space<hbm>> -> memref<1x80x128xi32, #tpu.memory_space<hbm>>
      %dma_wait3A_92 = tpu.memref_squeeze %dma_wait3A_91 : memref<1x80x128xi32, #tpu.memory_space<hbm>> -> memref<80x128xi32, #tpu.memory_space<hbm>>
      tpu.wait_dma2 semaphore(%run_scoped3A : memref<!tpu.dma_semaphore, #tpu.memory_space<semaphore_mem>>) src(%dma_wait3A_92 : memref<80x128xi32, #tpu.memory_space<hbm>>) dst(%arg6 : memref<80x128xi32, #tpu.memory_space<vmem>>)
      tpu.yield
    }) : () -> ()
    "tpu.region"() ({
      %run_scoped3A = tpu.sem_alloc : memref<!tpu.dma_semaphore, #tpu.memory_space<semaphore_mem>>
      %dma_start3A = arith.constant 0 : i32
      %dma_start3A_79 = arith.constant 0 : i32
      %dma_start3A_80 = tpu.memref_slice %arg4[%arg1, %dma_start3A, %dma_start3A_79] : memref<16x80x128xi32, #tpu.memory_space<hbm>> -> memref<1x80x128xi32, #tpu.memory_space<hbm>>
      %dma_start3A_81 = tpu.memref_squeeze %dma_start3A_80 : memref<1x80x128xi32, #tpu.memory_space<hbm>> -> memref<80x128xi32, #tpu.memory_space<hbm>>
      %dma_start3A_82 = arith.constant 0 : i32
      %dma_start3A_83 = arith.constant 0 : i32
      %dma_start3A_84 = tpu.memref_slice %arg4[%arg1, %dma_start3A_82, %dma_start3A_83] : memref<16x80x128xi32, #tpu.memory_space<hbm>> -> memref<1x80x128xi32, #tpu.memory_space<hbm>>
      %dma_start3A_85 = tpu.memref_squeeze %dma_start3A_84 : memref<1x80x128xi32, #tpu.memory_space<hbm>> -> memref<80x128xi32, #tpu.memory_space<hbm>>
      tpu.enqueue_dma source(%dma_start3A_85 : memref<80x128xi32, #tpu.memory_space<hbm>>) target(%arg7 : memref<80x128xi32, #tpu.memory_space<vmem>>) target_semaphore(%run_scoped3A : memref<!tpu.dma_semaphore, #tpu.memory_space<semaphore_mem>>)
      %dma_wait3A = arith.constant 0 : i32
      %dma_wait3A_86 = arith.constant 0 : i32
      %dma_wait3A_87 = tpu.memref_slice %arg4[%arg1, %dma_wait3A, %dma_wait3A_86] : memref<16x80x128xi32, #tpu.memory_space<hbm>> -> memref<1x80x128xi32, #tpu.memory_space<hbm>>
      %dma_wait3A_88 = tpu.memref_squeeze %dma_wait3A_87 : memref<1x80x128xi32, #tpu.memory_space<hbm>> -> memref<80x128xi32, #tpu.memory_space<hbm>>
      %dma_wait3A_89 = arith.constant 0 : i32
      %dma_wait3A_90 = arith.constant 0 : i32
      %dma_wait3A_91 = tpu.memref_slice %arg4[%arg1, %dma_wait3A_89, %dma_wait3A_90] : memref<16x80x128xi32, #tpu.memory_space<hbm>> -> memref<1x80x128xi32, #tpu.memory_space<hbm>>
      %dma_wait3A_92 = tpu.memref_squeeze %dma_wait3A_91 : memref<1x80x128xi32, #tpu.memory_space<hbm>> -> memref<80x128xi32, #tpu.memory_space<hbm>>
      tpu.wait_dma2 semaphore(%run_scoped3A : memref<!tpu.dma_semaphore, #tpu.memory_space<semaphore_mem>>) src(%dma_wait3A_92 : memref<80x128xi32, #tpu.memory_space<hbm>>) dst(%arg7 : memref<80x128xi32, #tpu.memory_space<vmem>>)
      tpu.yield
    }) : () -> ()
    %broadcast_in_dim3A = arith.constant 0.000000e+00 : f32
    %broadcast_in_dim3A_0 = vector.broadcast %broadcast_in_dim3A : f32 to vector<16xf32>
    %scan3A = arith.constant 0 : i32
    %scan3A_1 = arith.constant 0 : i32
    %scan3A_2 = arith.constant 32 : i32
    %scan3A_3 = arith.addi %scan3A_1, %scan3A_2 : i32
    %scan3A_4 = arith.constant 1 : i32
    scf.for %scan3A_79 = %scan3A_1 to %scan3A_3 step %scan3A_4  : i32 {
      %swap3A = arith.index_cast %scan3A_79 : i32 to index
      %swap3A_80 = arith.constant 0 : index
      %swap3A_81 = tpu.vector_load %arg9[%swap3A, %swap3A_80] {strides = array<i32>} : memref<32x128xf32, #tpu.memory_space<vmem>>, vector<1x16xf32>,
      %swap3A_82 = vector.shape_cast %swap3A_81 : vector<1x16xf32> to vector<16xf32>
      %swap3A_83 = vector.shape_cast %broadcast_in_dim3A_0 : vector<16xf32> to vector<1x16xf32>
      tpu.vector_store %arg9[%swap3A, %swap3A_80], %swap3A_83 {strides = array<i32>} : memref<32x128xf32, #tpu.memory_space<vmem>>, vector<1x16xf32>,
      %swap3A_84 = arith.index_cast %scan3A_79 : i32 to index
      %swap3A_85 = arith.constant 16 : index
      %swap3A_86 = tpu.vector_load %arg9[%swap3A_84, %swap3A_85] {strides = array<i32>} : memref<32x128xf32, #tpu.memory_space<vmem>>, vector<1x16xf32>,
      %swap3A_87 = vector.shape_cast %swap3A_86 : vector<1x16xf32> to vector<16xf32>
      %swap3A_88 = vector.shape_cast %broadcast_in_dim3A_0 : vector<16xf32> to vector<1x16xf32>
      tpu.vector_store %arg9[%swap3A_84, %swap3A_85], %swap3A_88 {strides = array<i32>} : memref<32x128xf32, #tpu.memory_space<vmem>>, vector<1x16xf32>,
      %swap3A_89 = arith.index_cast %scan3A_79 : i32 to index
      %swap3A_90 = arith.constant 32 : index
      %swap3A_91 = tpu.vector_load %arg9[%swap3A_89, %swap3A_90] {strides = array<i32>} : memref<32x128xf32, #tpu.memory_space<vmem>>, vector<1x16xf32>,
      %swap3A_92 = vector.shape_cast %swap3A_91 : vector<1x16xf32> to vector<16xf32>
      %swap3A_93 = vector.shape_cast %broadcast_in_dim3A_0 : vector<16xf32> to vector<1x16xf32>
      tpu.vector_store %arg9[%swap3A_89, %swap3A_90], %swap3A_93 {strides = array<i32>} : memref<32x128xf32, #tpu.memory_space<vmem>>, vector<1x16xf32>,
      %swap3A_94 = arith.index_cast %scan3A_79 : i32 to index
      %swap3A_95 = arith.constant 48 : index
      %swap3A_96 = tpu.vector_load %arg9[%swap3A_94, %swap3A_95] {strides = array<i32>} : memref<32x128xf32, #tpu.memory_space<vmem>>, vector<1x16xf32>,
      %swap3A_97 = vector.shape_cast %swap3A_96 : vector<1x16xf32> to vector<16xf32>
      %swap3A_98 = vector.shape_cast %broadcast_in_dim3A_0 : vector<16xf32> to vector<1x16xf32>
      tpu.vector_store %arg9[%swap3A_94, %swap3A_95], %swap3A_98 {strides = array<i32>} : memref<32x128xf32, #tpu.memory_space<vmem>>, vector<1x16xf32>,
      %swap3A_99 = arith.index_cast %scan3A_79 : i32 to index
      %swap3A_100 = arith.constant 64 : index
      %swap3A_101 = tpu.vector_load %arg9[%swap3A_99, %swap3A_100] {strides = array<i32>} : memref<32x128xf32, #tpu.memory_space<vmem>>, vector<1x16xf32>,
      %swap3A_102 = vector.shape_cast %swap3A_101 : vector<1x16xf32> to vector<16xf32>
      %swap3A_103 = vector.shape_cast %broadcast_in_dim3A_0 : vector<16xf32> to vector<1x16xf32>
      tpu.vector_store %arg9[%swap3A_99, %swap3A_100], %swap3A_103 {strides = array<i32>} : memref<32x128xf32, #tpu.memory_space<vmem>>, vector<1x16xf32>,
      %swap3A_104 = arith.index_cast %scan3A_79 : i32 to index
      %swap3A_105 = arith.constant 80 : index
      %swap3A_106 = tpu.vector_load %arg9[%swap3A_104, %swap3A_105] {strides = array<i32>} : memref<32x128xf32, #tpu.memory_space<vmem>>, vector<1x16xf32>,
      %swap3A_107 = vector.shape_cast %swap3A_106 : vector<1x16xf32> to vector<16xf32>
      %swap3A_108 = vector.shape_cast %broadcast_in_dim3A_0 : vector<16xf32> to vector<1x16xf32>
      tpu.vector_store %arg9[%swap3A_104, %swap3A_105], %swap3A_108 {strides = array<i32>} : memref<32x128xf32, #tpu.memory_space<vmem>>, vector<1x16xf32>,
      %swap3A_109 = arith.index_cast %scan3A_79 : i32 to index
      %swap3A_110 = arith.constant 96 : index
      %swap3A_111 = tpu.vector_load %arg9[%swap3A_109, %swap3A_110] {strides = array<i32>} : memref<32x128xf32, #tpu.memory_space<vmem>>, vector<1x16xf32>,
      %swap3A_112 = vector.shape_cast %swap3A_111 : vector<1x16xf32> to vector<16xf32>
      %swap3A_113 = vector.shape_cast %broadcast_in_dim3A_0 : vector<16xf32> to vector<1x16xf32>
      tpu.vector_store %arg9[%swap3A_109, %swap3A_110], %swap3A_113 {strides = array<i32>} : memref<32x128xf32, #tpu.memory_space<vmem>>, vector<1x16xf32>,
      %swap3A_114 = arith.index_cast %scan3A_79 : i32 to index
      %swap3A_115 = arith.constant 112 : index
      %swap3A_116 = tpu.vector_load %arg9[%swap3A_114, %swap3A_115] {strides = array<i32>} : memref<32x128xf32, #tpu.memory_space<vmem>>, vector<1x16xf32>,
      %swap3A_117 = vector.shape_cast %swap3A_116 : vector<1x16xf32> to vector<16xf32>
      %swap3A_118 = vector.shape_cast %broadcast_in_dim3A_0 : vector<16xf32> to vector<1x16xf32>
      tpu.vector_store %arg9[%swap3A_114, %swap3A_115], %swap3A_118 {strides = array<i32>} : memref<32x128xf32, #tpu.memory_space<vmem>>, vector<1x16xf32>,
    }
    %scan3A_5 = arith.constant 32 : i32
    %mul3A = arith.constant 2 : i32
    %mul3A_6 = arith.muli %arg0, %mul3A : i32
    %add3A = arith.constant 0 : i32
    %add3A_7 = arith.addi %mul3A_6, %add3A : i32
    %scan3A_8 = arith.constant 0 : i32
    %scan3A_9 = arith.constant 0 : i32
    %scan3A_10 = arith.constant 20 : i32
    %scan3A_11 = arith.addi %scan3A_9, %scan3A_10 : i32
    %scan3A_12 = arith.constant 1 : i32
    scf.for %scan3A_79 = %scan3A_9 to %scan3A_11 step %scan3A_12  : i32 {
      %mul3A_80 = arith.constant 640 : i32
      %mul3A_81 = arith.muli %arg1, %mul3A_80 : i32
      %mul3A_82 = arith.constant 32 : i32
      %mul3A_83 = arith.muli %scan3A_79, %mul3A_82 : i32
      %add3A_84 = arith.addi %mul3A_81, %mul3A_83 : i32
      "tpu.region"() ({
        %run_scoped3A = tpu.sem_alloc : memref<!tpu.dma_semaphore, #tpu.memory_space<semaphore_mem>>
        %dma_start3A = arith.constant 0 : i32
        %dma_start3A_85 = tpu.memref_slice %arg10[%add3A_84, %dma_start3A] : memref<10240x128xf32, #tpu.memory_space<vmem_shared>> -> memref<32x128xf32, #tpu.memory_space<vmem_shared>>
        %dma_start3A_86 = arith.constant 0 : i32
        %dma_start3A_87 = tpu.memref_slice %arg10[%add3A_84, %dma_start3A_86] : memref<10240x128xf32, #tpu.memory_space<vmem_shared>> -> memref<32x128xf32, #tpu.memory_space<vmem_shared>>
        tpu.enqueue_dma source(%arg9 : memref<32x128xf32, #tpu.memory_space<vmem>>) target(%dma_start3A_87 : memref<32x128xf32, #tpu.memory_space<vmem_shared>>) target_semaphore(%run_scoped3A : memref<!tpu.dma_semaphore, #tpu.memory_space<semaphore_mem>>)
        %dma_wait3A = arith.constant 0 : i32
        %dma_wait3A_88 = tpu.memref_slice %arg10[%add3A_84, %dma_wait3A] : memref<10240x128xf32, #tpu.memory_space<vmem_shared>> -> memref<32x128xf32, #tpu.memory_space<vmem_shared>>
        %dma_wait3A_89 = arith.constant 0 : i32
        %dma_wait3A_90 = tpu.memref_slice %arg10[%add3A_84, %dma_wait3A_89] : memref<10240x128xf32, #tpu.memory_space<vmem_shared>> -> memref<32x128xf32, #tpu.memory_space<vmem_shared>>
        tpu.wait_dma2 semaphore(%run_scoped3A : memref<!tpu.dma_semaphore, #tpu.memory_space<semaphore_mem>>) src(%arg9 : memref<32x128xf32, #tpu.memory_space<vmem>>) dst(%dma_wait3A_90 : memref<32x128xf32, #tpu.memory_space<vmem_shared>>)
        tpu.yield
      }) : () -> ()
    }
    %scan3A_13 = arith.constant 20 : i32
    %mul3A_14 = arith.constant 20000 : i32
    %mul3A_15 = arith.muli %arg0, %mul3A_14 : i32
    %broadcast_in_dim3A_16 = vector.broadcast %mul3A_15 : i32 to vector<16xi32>
    %scan3A_17 = arith.constant 0 : i32
    %scan3A_18 = arith.constant 0 : i32
    %scan3A_19 = arith.constant 80 : i32
    %scan3A_20 = arith.addi %scan3A_18, %scan3A_19 : i32
    %scan3A_21 = arith.constant 1 : i32
    scf.for %scan3A_79 = %scan3A_18 to %scan3A_20 step %scan3A_21  : i32 {
      %get3A = arith.index_cast %scan3A_79 : i32 to index
      %get3A_80 = arith.constant 0 : index
      %get3A_81 = tpu.vector_load %arg6[%get3A, %get3A_80] {strides = array<i32>} : memref<80x128xi32, #tpu.memory_space<vmem>>, vector<1x16xi32>,
      %get3A_82 = vector.shape_cast %get3A_81 : vector<1x16xi32> to vector<16xi32>
      %add3A_83 = arith.addi %get3A_82, %broadcast_in_dim3A_16 : vector<16xi32>
      %swap3A = arith.index_cast %scan3A_79 : i32 to index
      %swap3A_84 = arith.constant 0 : index
      %swap3A_85 = tpu.vector_load %arg6[%swap3A, %swap3A_84] {strides = array<i32>} : memref<80x128xi32, #tpu.memory_space<vmem>>, vector<1x16xi32>,
      %swap3A_86 = vector.shape_cast %swap3A_85 : vector<1x16xi32> to vector<16xi32>
      %swap3A_87 = vector.shape_cast %add3A_83 : vector<16xi32> to vector<1x16xi32>
      tpu.vector_store %arg6[%swap3A, %swap3A_84], %swap3A_87 {strides = array<i32>} : memref<80x128xi32, #tpu.memory_space<vmem>>, vector<1x16xi32>,
      %get3A_88 = arith.index_cast %scan3A_79 : i32 to index
      %get3A_89 = arith.constant 16 : index
      %get3A_90 = tpu.vector_load %arg6[%get3A_88, %get3A_89] {strides = array<i32>} : memref<80x128xi32, #tpu.memory_space<vmem>>, vector<1x16xi32>,
      %get3A_91 = vector.shape_cast %get3A_90 : vector<1x16xi32> to vector<16xi32>
      %add3A_92 = arith.addi %get3A_91, %broadcast_in_dim3A_16 : vector<16xi32>
      %swap3A_93 = arith.index_cast %scan3A_79 : i32 to index
      %swap3A_94 = arith.constant 16 : index
      %swap3A_95 = tpu.vector_load %arg6[%swap3A_93, %swap3A_94] {strides = array<i32>} : memref<80x128xi32, #tpu.memory_space<vmem>>, vector<1x16xi32>,
      %swap3A_96 = vector.shape_cast %swap3A_95 : vector<1x16xi32> to vector<16xi32>
      %swap3A_97 = vector.shape_cast %add3A_92 : vector<16xi32> to vector<1x16xi32>
      tpu.vector_store %arg6[%swap3A_93, %swap3A_94], %swap3A_97 {strides = array<i32>} : memref<80x128xi32, #tpu.memory_space<vmem>>, vector<1x16xi32>,
      %get3A_98 = arith.index_cast %scan3A_79 : i32 to index
      %get3A_99 = arith.constant 32 : index
      %get3A_100 = tpu.vector_load %arg6[%get3A_98, %get3A_99] {strides = array<i32>} : memref<80x128xi32, #tpu.memory_space<vmem>>, vector<1x16xi32>,
      %get3A_101 = vector.shape_cast %get3A_100 : vector<1x16xi32> to vector<16xi32>
      %add3A_102 = arith.addi %get3A_101, %broadcast_in_dim3A_16 : vector<16xi32>
      %swap3A_103 = arith.index_cast %scan3A_79 : i32 to index
      %swap3A_104 = arith.constant 32 : index
      %swap3A_105 = tpu.vector_load %arg6[%swap3A_103, %swap3A_104] {strides = array<i32>} : memref<80x128xi32, #tpu.memory_space<vmem>>, vector<1x16xi32>,
      %swap3A_106 = vector.shape_cast %swap3A_105 : vector<1x16xi32> to vector<16xi32>
      %swap3A_107 = vector.shape_cast %add3A_102 : vector<16xi32> to vector<1x16xi32>
      tpu.vector_store %arg6[%swap3A_103, %swap3A_104], %swap3A_107 {strides = array<i32>} : memref<80x128xi32, #tpu.memory_space<vmem>>, vector<1x16xi32>,
      %get3A_108 = arith.index_cast %scan3A_79 : i32 to index
      %get3A_109 = arith.constant 48 : index
      %get3A_110 = tpu.vector_load %arg6[%get3A_108, %get3A_109] {strides = array<i32>} : memref<80x128xi32, #tpu.memory_space<vmem>>, vector<1x16xi32>,
      %get3A_111 = vector.shape_cast %get3A_110 : vector<1x16xi32> to vector<16xi32>
      %add3A_112 = arith.addi %get3A_111, %broadcast_in_dim3A_16 : vector<16xi32>
      %swap3A_113 = arith.index_cast %scan3A_79 : i32 to index
      %swap3A_114 = arith.constant 48 : index
      %swap3A_115 = tpu.vector_load %arg6[%swap3A_113, %swap3A_114] {strides = array<i32>} : memref<80x128xi32, #tpu.memory_space<vmem>>, vector<1x16xi32>,
      %swap3A_116 = vector.shape_cast %swap3A_115 : vector<1x16xi32> to vector<16xi32>
      %swap3A_117 = vector.shape_cast %add3A_112 : vector<16xi32> to vector<1x16xi32>
      tpu.vector_store %arg6[%swap3A_113, %swap3A_114], %swap3A_117 {strides = array<i32>} : memref<80x128xi32, #tpu.memory_space<vmem>>, vector<1x16xi32>,
      %get3A_118 = arith.index_cast %scan3A_79 : i32 to index
      %get3A_119 = arith.constant 64 : index
      %get3A_120 = tpu.vector_load %arg6[%get3A_118, %get3A_119] {strides = array<i32>} : memref<80x128xi32, #tpu.memory_space<vmem>>, vector<1x16xi32>,
      %get3A_121 = vector.shape_cast %get3A_120 : vector<1x16xi32> to vector<16xi32>
      %add3A_122 = arith.addi %get3A_121, %broadcast_in_dim3A_16 : vector<16xi32>
      %swap3A_123 = arith.index_cast %scan3A_79 : i32 to index
      %swap3A_124 = arith.constant 64 : index
      %swap3A_125 = tpu.vector_load %arg6[%swap3A_123, %swap3A_124] {strides = array<i32>} : memref<80x128xi32, #tpu.memory_space<vmem>>, vector<1x16xi32>,
      %swap3A_126 = vector.shape_cast %swap3A_125 : vector<1x16xi32> to vector<16xi32>
      %swap3A_127 = vector.shape_cast %add3A_122 : vector<16xi32> to vector<1x16xi32>
      tpu.vector_store %arg6[%swap3A_123, %swap3A_124], %swap3A_127 {strides = array<i32>} : memref<80x128xi32, #tpu.memory_space<vmem>>, vector<1x16xi32>,
      %get3A_128 = arith.index_cast %scan3A_79 : i32 to index
      %get3A_129 = arith.constant 80 : index
      %get3A_130 = tpu.vector_load %arg6[%get3A_128, %get3A_129] {strides = array<i32>} : memref<80x128xi32, #tpu.memory_space<vmem>>, vector<1x16xi32>,
      %get3A_131 = vector.shape_cast %get3A_130 : vector<1x16xi32> to vector<16xi32>
      %add3A_132 = arith.addi %get3A_131, %broadcast_in_dim3A_16 : vector<16xi32>
      %swap3A_133 = arith.index_cast %scan3A_79 : i32 to index
      %swap3A_134 = arith.constant 80 : index
      %swap3A_135 = tpu.vector_load %arg6[%swap3A_133, %swap3A_134] {strides = array<i32>} : memref<80x128xi32, #tpu.memory_space<vmem>>, vector<1x16xi32>,
      %swap3A_136 = vector.shape_cast %swap3A_135 : vector<1x16xi32> to vector<16xi32>
      %swap3A_137 = vector.shape_cast %add3A_132 : vector<16xi32> to vector<1x16xi32>
      tpu.vector_store %arg6[%swap3A_133, %swap3A_134], %swap3A_137 {strides = array<i32>} : memref<80x128xi32, #tpu.memory_space<vmem>>, vector<1x16xi32>,
      %get3A_138 = arith.index_cast %scan3A_79 : i32 to index
      %get3A_139 = arith.constant 96 : index
      %get3A_140 = tpu.vector_load %arg6[%get3A_138, %get3A_139] {strides = array<i32>} : memref<80x128xi32, #tpu.memory_space<vmem>>, vector<1x16xi32>,
      %get3A_141 = vector.shape_cast %get3A_140 : vector<1x16xi32> to vector<16xi32>
      %add3A_142 = arith.addi %get3A_141, %broadcast_in_dim3A_16 : vector<16xi32>
      %swap3A_143 = arith.index_cast %scan3A_79 : i32 to index
      %swap3A_144 = arith.constant 96 : index
      %swap3A_145 = tpu.vector_load %arg6[%swap3A_143, %swap3A_144] {strides = array<i32>} : memref<80x128xi32, #tpu.memory_space<vmem>>, vector<1x16xi32>,
      %swap3A_146 = vector.shape_cast %swap3A_145 : vector<1x16xi32> to vector<16xi32>
      %swap3A_147 = vector.shape_cast %add3A_142 : vector<16xi32> to vector<1x16xi32>
      tpu.vector_store %arg6[%swap3A_143, %swap3A_144], %swap3A_147 {strides = array<i32>} : memref<80x128xi32, #tpu.memory_space<vmem>>, vector<1x16xi32>,
      %get3A_148 = arith.index_cast %scan3A_79 : i32 to index
      %get3A_149 = arith.constant 112 : index
      %get3A_150 = tpu.vector_load %arg6[%get3A_148, %get3A_149] {strides = array<i32>} : memref<80x128xi32, #tpu.memory_space<vmem>>, vector<1x16xi32>,
      %get3A_151 = vector.shape_cast %get3A_150 : vector<1x16xi32> to vector<16xi32>
      %add3A_152 = arith.addi %get3A_151, %broadcast_in_dim3A_16 : vector<16xi32>
      %swap3A_153 = arith.index_cast %scan3A_79 : i32 to index
      %swap3A_154 = arith.constant 112 : index
      %swap3A_155 = tpu.vector_load %arg6[%swap3A_153, %swap3A_154] {strides = array<i32>} : memref<80x128xi32, #tpu.memory_space<vmem>>, vector<1x16xi32>,
      %swap3A_156 = vector.shape_cast %swap3A_155 : vector<1x16xi32> to vector<16xi32>
      %swap3A_157 = vector.shape_cast %add3A_152 : vector<16xi32> to vector<1x16xi32>
      tpu.vector_store %arg6[%swap3A_153, %swap3A_154], %swap3A_157 {strides = array<i32>} : memref<80x128xi32, #tpu.memory_space<vmem>>, vector<1x16xi32>,
    }
    %scan3A_22 = arith.constant 80 : i32
    %barrier3A = arith.constant 0 : index
    tpu.barrier barrier_id(%barrier3A)
    %scan3A_23 = arith.constant 0 : i32
    %scan3A_24 = arith.constant 0 : i32
    %scan3A_25 = arith.constant 80 : i32
    %scan3A_26 = arith.addi %scan3A_24, %scan3A_25 : i32
    %scan3A_27 = arith.constant 1 : i32
    scf.for %scan3A_79 = %scan3A_24 to %scan3A_26 step %scan3A_27  : i32 {
      "tpu.region"() ({
        %run_scoped3A = tpu.sem_alloc : memref<!tpu.dma_semaphore, #tpu.memory_space<semaphore_mem>>
        %dma_start3A = arith.constant 0 : i32
        %dma_start3A_80 = tpu.memref_slice %arg6[%scan3A_79, %dma_start3A] : memref<80x128xi32, #tpu.memory_space<vmem>> -> memref<1x128xi32, #tpu.memory_space<vmem>>
        %dma_start3A_81 = tpu.memref_squeeze %dma_start3A_80 : memref<1x128xi32, #tpu.memory_space<vmem>> -> memref<128xi32, #tpu.memory_space<vmem>>
        %dma_start3A_82 = arith.constant 0 : i32
        %dma_start3A_83 = arith.constant 0 : i32
        %dma_start3A_84 = tpu.memref_slice %arg2[%dma_start3A_82, %dma_start3A_83] : memref<40000x128xf32, #tpu.memory_space<hbm>> -> memref<40000x128xf32, #tpu.memory_space<hbm>>
        tpu.enqueue_indirect_dma source(%dma_start3A_84 : memref<40000x128xf32, #tpu.memory_space<hbm>>) target(%arg8 : memref<128x128xf32, #tpu.memory_space<vmem>>) offsets(%dma_start3A_81 : memref<128xi32, #tpu.memory_space<vmem>>) semaphore(%run_scoped3A : memref<!tpu.dma_semaphore, #tpu.memory_space<semaphore_mem>>)
        %dma_wait3A = arith.constant 0 : i32
        %dma_wait3A_85 = tpu.memref_slice %arg6[%scan3A_79, %dma_wait3A] : memref<80x128xi32, #tpu.memory_space<vmem>> -> memref<1x128xi32, #tpu.memory_space<vmem>>
        %dma_wait3A_86 = tpu.memref_squeeze %dma_wait3A_85 : memref<1x128xi32, #tpu.memory_space<vmem>> -> memref<128xi32, #tpu.memory_space<vmem>>
        %dma_wait3A_87 = arith.constant 0 : i32
        %dma_wait3A_88 = arith.constant 0 : i32
        %dma_wait3A_89 = tpu.memref_slice %arg2[%dma_wait3A_87, %dma_wait3A_88] : memref<40000x128xf32, #tpu.memory_space<hbm>> -> memref<40000x128xf32, #tpu.memory_space<hbm>>
        tpu.wait_indirect_dma semaphore(%run_scoped3A : memref<!tpu.dma_semaphore, #tpu.memory_space<semaphore_mem>>) src(%dma_wait3A_89 : memref<40000x128xf32, #tpu.memory_space<hbm>>) dst(%arg8 : memref<128x128xf32, #tpu.memory_space<vmem>>)
        tpu.yield
      }) : () -> ()
      "tpu.region"() ({
        %run_scoped3A = tpu.sem_alloc : memref<!tpu.dma_semaphore, #tpu.memory_space<semaphore_mem>>
        %dma_start3A = arith.constant 0 : i32
        %dma_start3A_80 = tpu.memref_slice %arg7[%scan3A_79, %dma_start3A] : memref<80x128xi32, #tpu.memory_space<vmem>> -> memref<1x128xi32, #tpu.memory_space<vmem>>
        %dma_start3A_81 = tpu.memref_squeeze %dma_start3A_80 : memref<1x128xi32, #tpu.memory_space<vmem>> -> memref<128xi32, #tpu.memory_space<vmem>>
        %dma_start3A_82 = arith.constant 0 : i32
        %dma_start3A_83 = arith.constant 0 : i32
        %dma_start3A_84 = tpu.memref_slice %arg10[%dma_start3A_82, %dma_start3A_83] : memref<10240x128xf32, #tpu.memory_space<vmem_shared>> -> memref<10240x128xf32, #tpu.memory_space<vmem_shared>>
        tpu.enqueue_indirect_dma source(%arg8 : memref<128x128xf32, #tpu.memory_space<vmem>>) target(%dma_start3A_84 : memref<10240x128xf32, #tpu.memory_space<vmem_shared>>) offsets(%dma_start3A_81 : memref<128xi32, #tpu.memory_space<vmem>>) semaphore(%run_scoped3A : memref<!tpu.dma_semaphore, #tpu.memory_space<semaphore_mem>>) {add = true}
        %dma_wait3A = arith.constant 0 : i32
        %dma_wait3A_85 = tpu.memref_slice %arg7[%scan3A_79, %dma_wait3A] : memref<80x128xi32, #tpu.memory_space<vmem>> -> memref<1x128xi32, #tpu.memory_space<vmem>>
        %dma_wait3A_86 = tpu.memref_squeeze %dma_wait3A_85 : memref<1x128xi32, #tpu.memory_space<vmem>> -> memref<128xi32, #tpu.memory_space<vmem>>
        %dma_wait3A_87 = arith.constant 0 : i32
        %dma_wait3A_88 = arith.constant 0 : i32
        %dma_wait3A_89 = tpu.memref_slice %arg10[%dma_wait3A_87, %dma_wait3A_88] : memref<10240x128xf32, #tpu.memory_space<vmem_shared>> -> memref<10240x128xf32, #tpu.memory_space<vmem_shared>>
        tpu.wait_indirect_dma semaphore(%run_scoped3A : memref<!tpu.dma_semaphore, #tpu.memory_space<semaphore_mem>>) src(%arg8 : memref<128x128xf32, #tpu.memory_space<vmem>>) dst(%dma_wait3A_89 : memref<10240x128xf32, #tpu.memory_space<vmem_shared>>)
        tpu.yield
      }) : () -> ()
    }
    %scan3A_28 = arith.constant 80 : i32
    %barrier3A_29 = arith.constant 0 : index
    tpu.barrier barrier_id(%barrier3A_29)
    %mul3A_30 = arith.constant 624 : i32
    %mul3A_31 = arith.muli %arg1, %mul3A_30 : i32
    %mul3A_32 = arith.constant 10000 : i32
    %mul3A_33 = arith.muli %add3A_7, %mul3A_32 : i32
    %mul3A_34 = arith.constant 624 : i32
    %mul3A_35 = arith.muli %arg1, %mul3A_34 : i32
    %add3A_36 = arith.addi %mul3A_33, %mul3A_35 : i32
    "tpu.region"() ({
      %run_scoped3A = tpu.sem_alloc : memref<!tpu.dma_semaphore, #tpu.memory_space<semaphore_mem>>
      %dma_start3A = arith.constant 0 : i32
      %dma_start3A_79 = tpu.memref_slice %arg5[%add3A_36, %dma_start3A] : memref<40000x128xf32, #tpu.memory_space<hbm>> -> memref<624x128xf32, #tpu.memory_space<hbm>>
      %dma_start3A_80 = arith.constant 0 : i32
      %dma_start3A_81 = tpu.memref_slice %arg10[%mul3A_31, %dma_start3A_80] : memref<10240x128xf32, #tpu.memory_space<vmem_shared>> -> memref<624x128xf32, #tpu.memory_space<vmem_shared>>
      tpu.enqueue_dma source(%dma_start3A_81 : memref<624x128xf32, #tpu.memory_space<vmem_shared>>) target(%dma_start3A_79 : memref<624x128xf32, #tpu.memory_space<hbm>>) target_semaphore(%run_scoped3A : memref<!tpu.dma_semaphore, #tpu.memory_space<semaphore_mem>>)
      %dma_wait3A = arith.constant 0 : i32
      %dma_wait3A_82 = tpu.memref_slice %arg5[%add3A_36, %dma_wait3A] : memref<40000x128xf32, #tpu.memory_space<hbm>> -> memref<624x128xf32, #tpu.memory_space<hbm>>
      %dma_wait3A_83 = arith.constant 0 : i32
      %dma_wait3A_84 = tpu.memref_slice %arg10[%mul3A_31, %dma_wait3A_83] : memref<10240x128xf32, #tpu.memory_space<vmem_shared>> -> memref<624x128xf32, #tpu.memory_space<vmem_shared>>
      tpu.wait_dma2 semaphore(%run_scoped3A : memref<!tpu.dma_semaphore, #tpu.memory_space<semaphore_mem>>) src(%dma_wait3A_84 : memref<624x128xf32, #tpu.memory_space<vmem_shared>>) dst(%dma_wait3A_82 : memref<624x128xf32, #tpu.memory_space<hbm>>)
      tpu.yield
    }) : () -> ()
    %eq3A = arith.constant 15 : i32
    %eq3A_37 = arith.cmpi eq, %arg1, %eq3A : i32
    %convert_element_type3A = arith.extui %eq3A_37 : i1 to i32
    %cond3A = arith.constant 0 : i32
    %cond3A_38 = arith.cmpi ne, %convert_element_type3A, %cond3A : i32
    scf.if %cond3A_38 {
      %mul3A_79 = arith.constant 10000 : i32
      %mul3A_80 = arith.muli %add3A_7, %mul3A_79 : i32
      %add3A_81 = arith.constant 9984 : i32
      %add3A_82 = arith.addi %mul3A_80, %add3A_81 : i32
      "tpu.region"() ({
        %run_scoped3A = tpu.sem_alloc : memref<!tpu.dma_semaphore, #tpu.memory_space<semaphore_mem>>
        %dma_start3A = arith.constant 0 : i32
        %dma_start3A_83 = tpu.memref_slice %arg5[%add3A_82, %dma_start3A] : memref<40000x128xf32, #tpu.memory_space<hbm>> -> memref<16x128xf32, #tpu.memory_space<hbm>>
        %dma_start3A_84 = arith.constant 9984 : i32
        %dma_start3A_85 = arith.constant 0 : i32
        %dma_start3A_86 = tpu.memref_slice %arg10[%dma_start3A_84, %dma_start3A_85] : memref<10240x128xf32, #tpu.memory_space<vmem_shared>> -> memref<16x128xf32, #tpu.memory_space<vmem_shared>>
        tpu.enqueue_dma source(%dma_start3A_86 : memref<16x128xf32, #tpu.memory_space<vmem_shared>>) target(%dma_start3A_83 : memref<16x128xf32, #tpu.memory_space<hbm>>) target_semaphore(%run_scoped3A : memref<!tpu.dma_semaphore, #tpu.memory_space<semaphore_mem>>)
        %dma_wait3A = arith.constant 0 : i32
        %dma_wait3A_87 = tpu.memref_slice %arg5[%add3A_82, %dma_wait3A] : memref<40000x128xf32, #tpu.memory_space<hbm>> -> memref<16x128xf32, #tpu.memory_space<hbm>>
        %dma_wait3A_88 = arith.constant 9984 : i32
        %dma_wait3A_89 = arith.constant 0 : i32
        %dma_wait3A_90 = tpu.memref_slice %arg10[%dma_wait3A_88, %dma_wait3A_89] : memref<10240x128xf32, #tpu.memory_space<vmem_shared>> -> memref<16x128xf32, #tpu.memory_space<vmem_shared>>
        tpu.wait_dma2 semaphore(%run_scoped3A : memref<!tpu.dma_semaphore, #tpu.memory_space<semaphore_mem>>) src(%dma_wait3A_90 : memref<16x128xf32, #tpu.memory_space<vmem_shared>>) dst(%dma_wait3A_87 : memref<16x128xf32, #tpu.memory_space<hbm>>)
        tpu.yield
      }) : () -> ()
    } else {
    }
    %barrier3A_39 = arith.constant 0 : index
    tpu.barrier barrier_id(%barrier3A_39)
    %mul3A_40 = arith.constant 2 : i32
    %mul3A_41 = arith.muli %arg0, %mul3A_40 : i32
    %add3A_42 = arith.constant 1 : i32
    %add3A_43 = arith.addi %mul3A_41, %add3A_42 : i32
    %scan3A_44 = arith.constant 0 : i32
    %scan3A_45 = arith.constant 0 : i32
    %scan3A_46 = arith.constant 20 : i32
    %scan3A_47 = arith.addi %scan3A_45, %scan3A_46 : i32
    %scan3A_48 = arith.constant 1 : i32
    scf.for %scan3A_79 = %scan3A_45 to %scan3A_47 step %scan3A_48  : i32 {
      %mul3A_80 = arith.constant 640 : i32
      %mul3A_81 = arith.muli %arg1, %mul3A_80 : i32
      %mul3A_82 = arith.constant 32 : i32
      %mul3A_83 = arith.muli %scan3A_79, %mul3A_82 : i32
      %add3A_84 = arith.addi %mul3A_81, %mul3A_83 : i32
      "tpu.region"() ({
        %run_scoped3A = tpu.sem_alloc : memref<!tpu.dma_semaphore, #tpu.memory_space<semaphore_mem>>
        %dma_start3A = arith.constant 0 : i32
        %dma_start3A_85 = tpu.memref_slice %arg10[%add3A_84, %dma_start3A] : memref<10240x128xf32, #tpu.memory_space<vmem_shared>> -> memref<32x128xf32, #tpu.memory_space<vmem_shared>>
        %dma_start3A_86 = arith.constant 0 : i32
        %dma_start3A_87 = tpu.memref_slice %arg10[%add3A_84, %dma_start3A_86] : memref<10240x128xf32, #tpu.memory_space<vmem_shared>> -> memref<32x128xf32, #tpu.memory_space<vmem_shared>>
        tpu.enqueue_dma source(%arg9 : memref<32x128xf32, #tpu.memory_space<vmem>>) target(%dma_start3A_87 : memref<32x128xf32, #tpu.memory_space<vmem_shared>>) target_semaphore(%run_scoped3A : memref<!tpu.dma_semaphore, #tpu.memory_space<semaphore_mem>>)
        %dma_wait3A = arith.constant 0 : i32
        %dma_wait3A_88 = tpu.memref_slice %arg10[%add3A_84, %dma_wait3A] : memref<10240x128xf32, #tpu.memory_space<vmem_shared>> -> memref<32x128xf32, #tpu.memory_space<vmem_shared>>
        %dma_wait3A_89 = arith.constant 0 : i32
        %dma_wait3A_90 = tpu.memref_slice %arg10[%add3A_84, %dma_wait3A_89] : memref<10240x128xf32, #tpu.memory_space<vmem_shared>> -> memref<32x128xf32, #tpu.memory_space<vmem_shared>>
        tpu.wait_dma2 semaphore(%run_scoped3A : memref<!tpu.dma_semaphore, #tpu.memory_space<semaphore_mem>>) src(%arg9 : memref<32x128xf32, #tpu.memory_space<vmem>>) dst(%dma_wait3A_90 : memref<32x128xf32, #tpu.memory_space<vmem_shared>>)
        tpu.yield
      }) : () -> ()
    }
    %scan3A_49 = arith.constant 20 : i32
    %broadcast_in_dim3A_50 = arith.constant 10000 : i32
    %broadcast_in_dim3A_51 = vector.broadcast %broadcast_in_dim3A_50 : i32 to vector<16xi32>
    %scan3A_52 = arith.constant 0 : i32
    %scan3A_53 = arith.constant 0 : i32
    %scan3A_54 = arith.constant 80 : i32
    %scan3A_55 = arith.addi %scan3A_53, %scan3A_54 : i32
    %scan3A_56 = arith.constant 1 : i32
    scf.for %scan3A_79 = %scan3A_53 to %scan3A_55 step %scan3A_56  : i32 {
      %get3A = arith.index_cast %scan3A_79 : i32 to index
      %get3A_80 = arith.constant 0 : index
      %get3A_81 = tpu.vector_load %arg6[%get3A, %get3A_80] {strides = array<i32>} : memref<80x128xi32, #tpu.memory_space<vmem>>, vector<1x16xi32>,
      %get3A_82 = vector.shape_cast %get3A_81 : vector<1x16xi32> to vector<16xi32>
      %add3A_83 = arith.addi %get3A_82, %broadcast_in_dim3A_51 : vector<16xi32>
      %swap3A = arith.index_cast %scan3A_79 : i32 to index
      %swap3A_84 = arith.constant 0 : index
      %swap3A_85 = tpu.vector_load %arg6[%swap3A, %swap3A_84] {strides = array<i32>} : memref<80x128xi32, #tpu.memory_space<vmem>>, vector<1x16xi32>,
      %swap3A_86 = vector.shape_cast %swap3A_85 : vector<1x16xi32> to vector<16xi32>
      %swap3A_87 = vector.shape_cast %add3A_83 : vector<16xi32> to vector<1x16xi32>
      tpu.vector_store %arg6[%swap3A, %swap3A_84], %swap3A_87 {strides = array<i32>} : memref<80x128xi32, #tpu.memory_space<vmem>>, vector<1x16xi32>,
      %get3A_88 = arith.index_cast %scan3A_79 : i32 to index
      %get3A_89 = arith.constant 16 : index
      %get3A_90 = tpu.vector_load %arg6[%get3A_88, %get3A_89] {strides = array<i32>} : memref<80x128xi32, #tpu.memory_space<vmem>>, vector<1x16xi32>,
      %get3A_91 = vector.shape_cast %get3A_90 : vector<1x16xi32> to vector<16xi32>
      %add3A_92 = arith.addi %get3A_91, %broadcast_in_dim3A_51 : vector<16xi32>
      %swap3A_93 = arith.index_cast %scan3A_79 : i32 to index
      %swap3A_94 = arith.constant 16 : index
      %swap3A_95 = tpu.vector_load %arg6[%swap3A_93, %swap3A_94] {strides = array<i32>} : memref<80x128xi32, #tpu.memory_space<vmem>>, vector<1x16xi32>,
      %swap3A_96 = vector.shape_cast %swap3A_95 : vector<1x16xi32> to vector<16xi32>
      %swap3A_97 = vector.shape_cast %add3A_92 : vector<16xi32> to vector<1x16xi32>
      tpu.vector_store %arg6[%swap3A_93, %swap3A_94], %swap3A_97 {strides = array<i32>} : memref<80x128xi32, #tpu.memory_space<vmem>>, vector<1x16xi32>,
      %get3A_98 = arith.index_cast %scan3A_79 : i32 to index
      %get3A_99 = arith.constant 32 : index
      %get3A_100 = tpu.vector_load %arg6[%get3A_98, %get3A_99] {strides = array<i32>} : memref<80x128xi32, #tpu.memory_space<vmem>>, vector<1x16xi32>,
      %get3A_101 = vector.shape_cast %get3A_100 : vector<1x16xi32> to vector<16xi32>
      %add3A_102 = arith.addi %get3A_101, %broadcast_in_dim3A_51 : vector<16xi32>
      %swap3A_103 = arith.index_cast %scan3A_79 : i32 to index
      %swap3A_104 = arith.constant 32 : index
      %swap3A_105 = tpu.vector_load %arg6[%swap3A_103, %swap3A_104] {strides = array<i32>} : memref<80x128xi32, #tpu.memory_space<vmem>>, vector<1x16xi32>,
      %swap3A_106 = vector.shape_cast %swap3A_105 : vector<1x16xi32> to vector<16xi32>
      %swap3A_107 = vector.shape_cast %add3A_102 : vector<16xi32> to vector<1x16xi32>
      tpu.vector_store %arg6[%swap3A_103, %swap3A_104], %swap3A_107 {strides = array<i32>} : memref<80x128xi32, #tpu.memory_space<vmem>>, vector<1x16xi32>,
      %get3A_108 = arith.index_cast %scan3A_79 : i32 to index
      %get3A_109 = arith.constant 48 : index
      %get3A_110 = tpu.vector_load %arg6[%get3A_108, %get3A_109] {strides = array<i32>} : memref<80x128xi32, #tpu.memory_space<vmem>>, vector<1x16xi32>,
      %get3A_111 = vector.shape_cast %get3A_110 : vector<1x16xi32> to vector<16xi32>
      %add3A_112 = arith.addi %get3A_111, %broadcast_in_dim3A_51 : vector<16xi32>
      %swap3A_113 = arith.index_cast %scan3A_79 : i32 to index
      %swap3A_114 = arith.constant 48 : index
      %swap3A_115 = tpu.vector_load %arg6[%swap3A_113, %swap3A_114] {strides = array<i32>} : memref<80x128xi32, #tpu.memory_space<vmem>>, vector<1x16xi32>,
      %swap3A_116 = vector.shape_cast %swap3A_115 : vector<1x16xi32> to vector<16xi32>
      %swap3A_117 = vector.shape_cast %add3A_112 : vector<16xi32> to vector<1x16xi32>
      tpu.vector_store %arg6[%swap3A_113, %swap3A_114], %swap3A_117 {strides = array<i32>} : memref<80x128xi32, #tpu.memory_space<vmem>>, vector<1x16xi32>,
      %get3A_118 = arith.index_cast %scan3A_79 : i32 to index
      %get3A_119 = arith.constant 64 : index
      %get3A_120 = tpu.vector_load %arg6[%get3A_118, %get3A_119] {strides = array<i32>} : memref<80x128xi32, #tpu.memory_space<vmem>>, vector<1x16xi32>,
      %get3A_121 = vector.shape_cast %get3A_120 : vector<1x16xi32> to vector<16xi32>
      %add3A_122 = arith.addi %get3A_121, %broadcast_in_dim3A_51 : vector<16xi32>
      %swap3A_123 = arith.index_cast %scan3A_79 : i32 to index
      %swap3A_124 = arith.constant 64 : index
      %swap3A_125 = tpu.vector_load %arg6[%swap3A_123, %swap3A_124] {strides = array<i32>} : memref<80x128xi32, #tpu.memory_space<vmem>>, vector<1x16xi32>,
      %swap3A_126 = vector.shape_cast %swap3A_125 : vector<1x16xi32> to vector<16xi32>
      %swap3A_127 = vector.shape_cast %add3A_122 : vector<16xi32> to vector<1x16xi32>
      tpu.vector_store %arg6[%swap3A_123, %swap3A_124], %swap3A_127 {strides = array<i32>} : memref<80x128xi32, #tpu.memory_space<vmem>>, vector<1x16xi32>,
      %get3A_128 = arith.index_cast %scan3A_79 : i32 to index
      %get3A_129 = arith.constant 80 : index
      %get3A_130 = tpu.vector_load %arg6[%get3A_128, %get3A_129] {strides = array<i32>} : memref<80x128xi32, #tpu.memory_space<vmem>>, vector<1x16xi32>,
      %get3A_131 = vector.shape_cast %get3A_130 : vector<1x16xi32> to vector<16xi32>
      %add3A_132 = arith.addi %get3A_131, %broadcast_in_dim3A_51 : vector<16xi32>
      %swap3A_133 = arith.index_cast %scan3A_79 : i32 to index
      %swap3A_134 = arith.constant 80 : index
      %swap3A_135 = tpu.vector_load %arg6[%swap3A_133, %swap3A_134] {strides = array<i32>} : memref<80x128xi32, #tpu.memory_space<vmem>>, vector<1x16xi32>,
      %swap3A_136 = vector.shape_cast %swap3A_135 : vector<1x16xi32> to vector<16xi32>
      %swap3A_137 = vector.shape_cast %add3A_132 : vector<16xi32> to vector<1x16xi32>
      tpu.vector_store %arg6[%swap3A_133, %swap3A_134], %swap3A_137 {strides = array<i32>} : memref<80x128xi32, #tpu.memory_space<vmem>>, vector<1x16xi32>,
      %get3A_138 = arith.index_cast %scan3A_79 : i32 to index
      %get3A_139 = arith.constant 96 : index
      %get3A_140 = tpu.vector_load %arg6[%get3A_138, %get3A_139] {strides = array<i32>} : memref<80x128xi32, #tpu.memory_space<vmem>>, vector<1x16xi32>,
      %get3A_141 = vector.shape_cast %get3A_140 : vector<1x16xi32> to vector<16xi32>
      %add3A_142 = arith.addi %get3A_141, %broadcast_in_dim3A_51 : vector<16xi32>
      %swap3A_143 = arith.index_cast %scan3A_79 : i32 to index
      %swap3A_144 = arith.constant 96 : index
      %swap3A_145 = tpu.vector_load %arg6[%swap3A_143, %swap3A_144] {strides = array<i32>} : memref<80x128xi32, #tpu.memory_space<vmem>>, vector<1x16xi32>,
      %swap3A_146 = vector.shape_cast %swap3A_145 : vector<1x16xi32> to vector<16xi32>
      %swap3A_147 = vector.shape_cast %add3A_142 : vector<16xi32> to vector<1x16xi32>
      tpu.vector_store %arg6[%swap3A_143, %swap3A_144], %swap3A_147 {strides = array<i32>} : memref<80x128xi32, #tpu.memory_space<vmem>>, vector<1x16xi32>,
      %get3A_148 = arith.index_cast %scan3A_79 : i32 to index
      %get3A_149 = arith.constant 112 : index
      %get3A_150 = tpu.vector_load %arg6[%get3A_148, %get3A_149] {strides = array<i32>} : memref<80x128xi32, #tpu.memory_space<vmem>>, vector<1x16xi32>,
      %get3A_151 = vector.shape_cast %get3A_150 : vector<1x16xi32> to vector<16xi32>
      %add3A_152 = arith.addi %get3A_151, %broadcast_in_dim3A_51 : vector<16xi32>
      %swap3A_153 = arith.index_cast %scan3A_79 : i32 to index
      %swap3A_154 = arith.constant 112 : index
      %swap3A_155 = tpu.vector_load %arg6[%swap3A_153, %swap3A_154] {strides = array<i32>} : memref<80x128xi32, #tpu.memory_space<vmem>>, vector<1x16xi32>,
      %swap3A_156 = vector.shape_cast %swap3A_155 : vector<1x16xi32> to vector<16xi32>
      %swap3A_157 = vector.shape_cast %add3A_152 : vector<16xi32> to vector<1x16xi32>
      tpu.vector_store %arg6[%swap3A_153, %swap3A_154], %swap3A_157 {strides = array<i32>} : memref<80x128xi32, #tpu.memory_space<vmem>>, vector<1x16xi32>,
    }
    %scan3A_57 = arith.constant 80 : i32
    %barrier3A_58 = arith.constant 0 : index
    tpu.barrier barrier_id(%barrier3A_58)
    %scan3A_59 = arith.constant 0 : i32
    %scan3A_60 = arith.constant 0 : i32
    %scan3A_61 = arith.constant 80 : i32
    %scan3A_62 = arith.addi %scan3A_60, %scan3A_61 : i32
    %scan3A_63 = arith.constant 1 : i32
    scf.for %scan3A_79 = %scan3A_60 to %scan3A_62 step %scan3A_63  : i32 {
      "tpu.region"() ({
        %run_scoped3A = tpu.sem_alloc : memref<!tpu.dma_semaphore, #tpu.memory_space<semaphore_mem>>
        %dma_start3A = arith.constant 0 : i32
        %dma_start3A_80 = tpu.memref_slice %arg6[%scan3A_79, %dma_start3A] : memref<80x128xi32, #tpu.memory_space<vmem>> -> memref<1x128xi32, #tpu.memory_space<vmem>>
        %dma_start3A_81 = tpu.memref_squeeze %dma_start3A_80 : memref<1x128xi32, #tpu.memory_space<vmem>> -> memref<128xi32, #tpu.memory_space<vmem>>
        %dma_start3A_82 = arith.constant 0 : i32
        %dma_start3A_83 = arith.constant 0 : i32
        %dma_start3A_84 = tpu.memref_slice %arg2[%dma_start3A_82, %dma_start3A_83] : memref<40000x128xf32, #tpu.memory_space<hbm>> -> memref<40000x128xf32, #tpu.memory_space<hbm>>
        tpu.enqueue_indirect_dma source(%dma_start3A_84 : memref<40000x128xf32, #tpu.memory_space<hbm>>) target(%arg8 : memref<128x128xf32, #tpu.memory_space<vmem>>) offsets(%dma_start3A_81 : memref<128xi32, #tpu.memory_space<vmem>>) semaphore(%run_scoped3A : memref<!tpu.dma_semaphore, #tpu.memory_space<semaphore_mem>>)
        %dma_wait3A = arith.constant 0 : i32
        %dma_wait3A_85 = tpu.memref_slice %arg6[%scan3A_79, %dma_wait3A] : memref<80x128xi32, #tpu.memory_space<vmem>> -> memref<1x128xi32, #tpu.memory_space<vmem>>
        %dma_wait3A_86 = tpu.memref_squeeze %dma_wait3A_85 : memref<1x128xi32, #tpu.memory_space<vmem>> -> memref<128xi32, #tpu.memory_space<vmem>>
        %dma_wait3A_87 = arith.constant 0 : i32
        %dma_wait3A_88 = arith.constant 0 : i32
        %dma_wait3A_89 = tpu.memref_slice %arg2[%dma_wait3A_87, %dma_wait3A_88] : memref<40000x128xf32, #tpu.memory_space<hbm>> -> memref<40000x128xf32, #tpu.memory_space<hbm>>
        tpu.wait_indirect_dma semaphore(%run_scoped3A : memref<!tpu.dma_semaphore, #tpu.memory_space<semaphore_mem>>) src(%dma_wait3A_89 : memref<40000x128xf32, #tpu.memory_space<hbm>>) dst(%arg8 : memref<128x128xf32, #tpu.memory_space<vmem>>)
        tpu.yield
      }) : () -> ()
      "tpu.region"() ({
        %run_scoped3A = tpu.sem_alloc : memref<!tpu.dma_semaphore, #tpu.memory_space<semaphore_mem>>
        %dma_start3A = arith.constant 0 : i32
        %dma_start3A_80 = tpu.memref_slice %arg7[%scan3A_79, %dma_start3A] : memref<80x128xi32, #tpu.memory_space<vmem>> -> memref<1x128xi32, #tpu.memory_space<vmem>>
        %dma_start3A_81 = tpu.memref_squeeze %dma_start3A_80 : memref<1x128xi32, #tpu.memory_space<vmem>> -> memref<128xi32, #tpu.memory_space<vmem>>
        %dma_start3A_82 = arith.constant 0 : i32
        %dma_start3A_83 = arith.constant 0 : i32
        %dma_start3A_84 = tpu.memref_slice %arg10[%dma_start3A_82, %dma_start3A_83] : memref<10240x128xf32, #tpu.memory_space<vmem_shared>> -> memref<10240x128xf32, #tpu.memory_space<vmem_shared>>
        tpu.enqueue_indirect_dma source(%arg8 : memref<128x128xf32, #tpu.memory_space<vmem>>) target(%dma_start3A_84 : memref<10240x128xf32, #tpu.memory_space<vmem_shared>>) offsets(%dma_start3A_81 : memref<128xi32, #tpu.memory_space<vmem>>) semaphore(%run_scoped3A : memref<!tpu.dma_semaphore, #tpu.memory_space<semaphore_mem>>) {add = true}
        %dma_wait3A = arith.constant 0 : i32
        %dma_wait3A_85 = tpu.memref_slice %arg7[%scan3A_79, %dma_wait3A] : memref<80x128xi32, #tpu.memory_space<vmem>> -> memref<1x128xi32, #tpu.memory_space<vmem>>
        %dma_wait3A_86 = tpu.memref_squeeze %dma_wait3A_85 : memref<1x128xi32, #tpu.memory_space<vmem>> -> memref<128xi32, #tpu.memory_space<vmem>>
        %dma_wait3A_87 = arith.constant 0 : i32
        %dma_wait3A_88 = arith.constant 0 : i32
        %dma_wait3A_89 = tpu.memref_slice %arg10[%dma_wait3A_87, %dma_wait3A_88] : memref<10240x128xf32, #tpu.memory_space<vmem_shared>> -> memref<10240x128xf32, #tpu.memory_space<vmem_shared>>
        tpu.wait_indirect_dma semaphore(%run_scoped3A : memref<!tpu.dma_semaphore, #tpu.memory_space<semaphore_mem>>) src(%arg8 : memref<128x128xf32, #tpu.memory_space<vmem>>) dst(%dma_wait3A_89 : memref<10240x128xf32, #tpu.memory_space<vmem_shared>>)
        tpu.yield
      }) : () -> ()
    }
    %scan3A_64 = arith.constant 80 : i32
    %barrier3A_65 = arith.constant 0 : index
    tpu.barrier barrier_id(%barrier3A_65)
    %mul3A_66 = arith.constant 624 : i32
    %mul3A_67 = arith.muli %arg1, %mul3A_66 : i32
    %mul3A_68 = arith.constant 10000 : i32
    %mul3A_69 = arith.muli %add3A_43, %mul3A_68 : i32
    %mul3A_70 = arith.constant 624 : i32
    %mul3A_71 = arith.muli %arg1, %mul3A_70 : i32
    %add3A_72 = arith.addi %mul3A_69, %mul3A_71 : i32
    "tpu.region"() ({
      %run_scoped3A = tpu.sem_alloc : memref<!tpu.dma_semaphore, #tpu.memory_space<semaphore_mem>>
      %dma_start3A = arith.constant 0 : i32
      %dma_start3A_79 = tpu.memref_slice %arg5[%add3A_72, %dma_start3A] : memref<40000x128xf32, #tpu.memory_space<hbm>> -> memref<624x128xf32, #tpu.memory_space<hbm>>
      %dma_start3A_80 = arith.constant 0 : i32
      %dma_start3A_81 = tpu.memref_slice %arg10[%mul3A_67, %dma_start3A_80] : memref<10240x128xf32, #tpu.memory_space<vmem_shared>> -> memref<624x128xf32, #tpu.memory_space<vmem_shared>>
      tpu.enqueue_dma source(%dma_start3A_81 : memref<624x128xf32, #tpu.memory_space<vmem_shared>>) target(%dma_start3A_79 : memref<624x128xf32, #tpu.memory_space<hbm>>) target_semaphore(%run_scoped3A : memref<!tpu.dma_semaphore, #tpu.memory_space<semaphore_mem>>)
      %dma_wait3A = arith.constant 0 : i32
      %dma_wait3A_82 = tpu.memref_slice %arg5[%add3A_72, %dma_wait3A] : memref<40000x128xf32, #tpu.memory_space<hbm>> -> memref<624x128xf32, #tpu.memory_space<hbm>>
      %dma_wait3A_83 = arith.constant 0 : i32
      %dma_wait3A_84 = tpu.memref_slice %arg10[%mul3A_67, %dma_wait3A_83] : memref<10240x128xf32, #tpu.memory_space<vmem_shared>> -> memref<624x128xf32, #tpu.memory_space<vmem_shared>>
      tpu.wait_dma2 semaphore(%run_scoped3A : memref<!tpu.dma_semaphore, #tpu.memory_space<semaphore_mem>>) src(%dma_wait3A_84 : memref<624x128xf32, #tpu.memory_space<vmem_shared>>) dst(%dma_wait3A_82 : memref<624x128xf32, #tpu.memory_space<hbm>>)
      tpu.yield
    }) : () -> ()
    %eq3A_73 = arith.constant 15 : i32
    %eq3A_74 = arith.cmpi eq, %arg1, %eq3A_73 : i32
    %convert_element_type3A_75 = arith.extui %eq3A_74 : i1 to i32
    %cond3A_76 = arith.constant 0 : i32
    %cond3A_77 = arith.cmpi ne, %convert_element_type3A_75, %cond3A_76 : i32
    scf.if %cond3A_77 {
      %mul3A_79 = arith.constant 10000 : i32
      %mul3A_80 = arith.muli %add3A_43, %mul3A_79 : i32
      %add3A_81 = arith.constant 9984 : i32
      %add3A_82 = arith.addi %mul3A_80, %add3A_81 : i32
      "tpu.region"() ({
        %run_scoped3A = tpu.sem_alloc : memref<!tpu.dma_semaphore, #tpu.memory_space<semaphore_mem>>
        %dma_start3A = arith.constant 0 : i32
        %dma_start3A_83 = tpu.memref_slice %arg5[%add3A_82, %dma_start3A] : memref<40000x128xf32, #tpu.memory_space<hbm>> -> memref<16x128xf32, #tpu.memory_space<hbm>>
        %dma_start3A_84 = arith.constant 9984 : i32
        %dma_start3A_85 = arith.constant 0 : i32
        %dma_start3A_86 = tpu.memref_slice %arg10[%dma_start3A_84, %dma_start3A_85] : memref<10240x128xf32, #tpu.memory_space<vmem_shared>> -> memref<16x128xf32, #tpu.memory_space<vmem_shared>>
        tpu.enqueue_dma source(%dma_start3A_86 : memref<16x128xf32, #tpu.memory_space<vmem_shared>>) target(%dma_start3A_83 : memref<16x128xf32, #tpu.memory_space<hbm>>) target_semaphore(%run_scoped3A : memref<!tpu.dma_semaphore, #tpu.memory_space<semaphore_mem>>)
        %dma_wait3A = arith.constant 0 : i32
        %dma_wait3A_87 = tpu.memref_slice %arg5[%add3A_82, %dma_wait3A] : memref<40000x128xf32, #tpu.memory_space<hbm>> -> memref<16x128xf32, #tpu.memory_space<hbm>>
        %dma_wait3A_88 = arith.constant 9984 : i32
        %dma_wait3A_89 = arith.constant 0 : i32
        %dma_wait3A_90 = tpu.memref_slice %arg10[%dma_wait3A_88, %dma_wait3A_89] : memref<10240x128xf32, #tpu.memory_space<vmem_shared>> -> memref<16x128xf32, #tpu.memory_space<vmem_shared>>
        tpu.wait_dma2 semaphore(%run_scoped3A : memref<!tpu.dma_semaphore, #tpu.memory_space<semaphore_mem>>) src(%dma_wait3A_90 : memref<16x128xf32, #tpu.memory_space<vmem_shared>>) dst(%dma_wait3A_87 : memref<16x128xf32, #tpu.memory_space<hbm>>)
        tpu.yield
      }) : () -> ()
    } else {
    }
    %barrier3A_78 = arith.constant 0 : index
    tpu.barrier barrier_id(%barrier3A_78)
    return
  }
}

#map = affine_map<(d0, d1) -> (0, 0)>
#map1 = affine_map<(d0, d1) -> (0, 0, 0)>
module attributes {stable_mosaic.version = 14 : i64} {
  func.func @body(%arg0: i32, %arg1: i32, %arg2: memref<40000x128xf32, #tpu.memory_space<hbm>>, %arg3: memref<16x80x128xi32, #tpu.memory_space<hbm>>, %arg4: memref<16x80x128xi32, #tpu.memory_space<hbm>>, %arg5: memref<40000x128xf32, #tpu.memory_space<hbm>>, %arg6: memref<80x128xi32, #tpu.memory_space<vmem>>, %arg7: memref<80x128xi32, #tpu.memory_space<vmem>>, %arg8: memref<128x128xf32, #tpu.memory_space<vmem>>, %arg9: memref<32x128xf32, #tpu.memory_space<vmem>>, %arg10: memref<10240x128xf32, #tpu.memory_space<vmem_shared>>) attributes {dimension_semantics = [#tpu.dimension_semantics<core_parallel>, #tpu.dimension_semantics<subcore_parallel>], iteration_bounds = array<i64: 2, 16>, scalar_prefetch = 0 : i64, scratch_operands = 5 : i64, tpu.core_type = #tpu.core_type<sc_vector_subcore>, window_params = [{transform_indices = #map}, {transform_indices = #map1}, {transform_indices = #map1}, {transform_indices = #map}]} {
    "tpu.region"() ({
      %run_scoped3A = tpu.sem_alloc : memref<!tpu.dma_semaphore, #tpu.memory_space<semaphore_mem>>
      %dma_start3A = arith.constant 0 : i32
      %dma_start3A_79 = arith.constant 0 : i32
      %dma_start3A_80 = tpu.memref_slice %arg3[%arg1, %dma_start3A, %dma_start3A_79] : memref<16x80x128xi32, #tpu.memory_space<hbm>> -> memref<1x80x128xi32, #tpu.memory_space<hbm>>
      %dma_start3A_81 = tpu.memref_squeeze %dma_start3A_80 : memref<1x80x128xi32, #tpu.memory_space<hbm>> -> memref<80x128xi32, #tpu.memory_space<hbm>>
      %dma_start3A_82 = arith.constant 0 : i32
      %dma_start3A_83 = arith.constant 0 : i32
      %dma_start3A_84 = tpu.memref_slice %arg3[%arg1, %dma_start3A_82, %dma_start3A_83] : memref<16x80x128xi32, #tpu.memory_space<hbm>> -> memref<1x80x128xi32, #tpu.memory_space<hbm>>
      %dma_start3A_85 = tpu.memref_squeeze %dma_start3A_84 : memref<1x80x128xi32, #tpu.memory_space<hbm>> -> memref<80x128xi32, #tpu.memory_space<hbm>>
      tpu.enqueue_dma source(%dma_start3A_85 : memref<80x128xi32, #tpu.memory_space<hbm>>) target(%arg6 : memref<80x128xi32, #tpu.memory_space<vmem>>) target_semaphore(%run_scoped3A : memref<!tpu.dma_semaphore, #tpu.memory_space<semaphore_mem>>)
      %dma_wait3A = arith.constant 0 : i32
      %dma_wait3A_86 = arith.constant 0 : i32
      %dma_wait3A_87 = tpu.memref_slice %arg3[%arg1, %dma_wait3A, %dma_wait3A_86] : memref<16x80x128xi32, #tpu.memory_space<hbm>> -> memref<1x80x128xi32, #tpu.memory_space<hbm>>
      %dma_wait3A_88 = tpu.memref_squeeze %dma_wait3A_87 : memref<1x80x128xi32, #tpu.memory_space<hbm>> -> memref<80x128xi32, #tpu.memory_space<hbm>>
      %dma_wait3A_89 = arith.constant 0 : i32
      %dma_wait3A_90 = arith.constant 0 : i32
      %dma_wait3A_91 = tpu.memref_slice %arg3[%arg1, %dma_wait3A_89, %dma_wait3A_90] : memref<16x80x128xi32, #tpu.memory_space<hbm>> -> memref<1x80x128xi32, #tpu.memory_space<hbm>>
      %dma_wait3A_92 = tpu.memref_squeeze %dma_wait3A_91 : memref<1x80x128xi32, #tpu.memory_space<hbm>> -> memref<80x128xi32, #tpu.memory_space<hbm>>
      tpu.wait_dma2 semaphore(%run_scoped3A : memref<!tpu.dma_semaphore, #tpu.memory_space<semaphore_mem>>) src(%dma_wait3A_92 : memref<80x128xi32, #tpu.memory_space<hbm>>) dst(%arg6 : memref<80x128xi32, #tpu.memory_space<vmem>>)
      tpu.yield
    }) : () -> ()
    "tpu.region"() ({
      %run_scoped3A = tpu.sem_alloc : memref<!tpu.dma_semaphore, #tpu.memory_space<semaphore_mem>>
      %dma_start3A = arith.constant 0 : i32
      %dma_start3A_79 = arith.constant 0 : i32
      %dma_start3A_80 = tpu.memref_slice %arg4[%arg1, %dma_start3A, %dma_start3A_79] : memref<16x80x128xi32, #tpu.memory_space<hbm>> -> memref<1x80x128xi32, #tpu.memory_space<hbm>>
      %dma_start3A_81 = tpu.memref_squeeze %dma_start3A_80 : memref<1x80x128xi32, #tpu.memory_space<hbm>> -> memref<80x128xi32, #tpu.memory_space<hbm>>
      %dma_start3A_82 = arith.constant 0 : i32
      %dma_start3A_83 = arith.constant 0 : i32
      %dma_start3A_84 = tpu.memref_slice %arg4[%arg1, %dma_start3A_82, %dma_start3A_83] : memref<16x80x128xi32, #tpu.memory_space<hbm>> -> memref<1x80x128xi32, #tpu.memory_space<hbm>>
      %dma_start3A_85 = tpu.memref_squeeze %dma_start3A_84 : memref<1x80x128xi32, #tpu.memory_space<hbm>> -> memref<80x128xi32, #tpu.memory_space<hbm>>
      tpu.enqueue_dma source(%dma_start3A_85 : memref<80x128xi32, #tpu.memory_space<hbm>>) target(%arg7 : memref<80x128xi32, #tpu.memory_space<vmem>>) target_semaphore(%run_scoped3A : memref<!tpu.dma_semaphore, #tpu.memory_space<semaphore_mem>>)
      %dma_wait3A = arith.constant 0 : i32
      %dma_wait3A_86 = arith.constant 0 : i32
      %dma_wait3A_87 = tpu.memref_slice %arg4[%arg1, %dma_wait3A, %dma_wait3A_86] : memref<16x80x128xi32, #tpu.memory_space<hbm>> -> memref<1x80x128xi32, #tpu.memory_space<hbm>>
      %dma_wait3A_88 = tpu.memref_squeeze %dma_wait3A_87 : memref<1x80x128xi32, #tpu.memory_space<hbm>> -> memref<80x128xi32, #tpu.memory_space<hbm>>
      %dma_wait3A_89 = arith.constant 0 : i32
      %dma_wait3A_90 = arith.constant 0 : i32
      %dma_wait3A_91 = tpu.memref_slice %arg4[%arg1, %dma_wait3A_89, %dma_wait3A_90] : memref<16x80x128xi32, #tpu.memory_space<hbm>> -> memref<1x80x128xi32, #tpu.memory_space<hbm>>
      %dma_wait3A_92 = tpu.memref_squeeze %dma_wait3A_91 : memref<1x80x128xi32, #tpu.memory_space<hbm>> -> memref<80x128xi32, #tpu.memory_space<hbm>>
      tpu.wait_dma2 semaphore(%run_scoped3A : memref<!tpu.dma_semaphore, #tpu.memory_space<semaphore_mem>>) src(%dma_wait3A_92 : memref<80x128xi32, #tpu.memory_space<hbm>>) dst(%arg7 : memref<80x128xi32, #tpu.memory_space<vmem>>)
      tpu.yield
    }) : () -> ()
    %broadcast_in_dim3A = arith.constant 0.000000e+00 : f32
    %broadcast_in_dim3A_0 = vector.broadcast %broadcast_in_dim3A : f32 to vector<16xf32>
    %scan3A = arith.constant 0 : i32
    %scan3A_1 = arith.constant 0 : i32
    %scan3A_2 = arith.constant 32 : i32
    %scan3A_3 = arith.addi %scan3A_1, %scan3A_2 : i32
    %scan3A_4 = arith.constant 1 : i32
    scf.for %scan3A_79 = %scan3A_1 to %scan3A_3 step %scan3A_4  : i32 {
      %swap3A = arith.index_cast %scan3A_79 : i32 to index
      %swap3A_80 = arith.constant 0 : index
      %swap3A_81 = tpu.vector_load %arg9[%swap3A, %swap3A_80] {strides = array<i32>} : memref<32x128xf32, #tpu.memory_space<vmem>>, vector<1x16xf32>,
      %swap3A_82 = vector.shape_cast %swap3A_81 : vector<1x16xf32> to vector<16xf32>
      %swap3A_83 = vector.shape_cast %broadcast_in_dim3A_0 : vector<16xf32> to vector<1x16xf32>
      tpu.vector_store %arg9[%swap3A, %swap3A_80], %swap3A_83 {strides = array<i32>} : memref<32x128xf32, #tpu.memory_space<vmem>>, vector<1x16xf32>,
      %swap3A_84 = arith.index_cast %scan3A_79 : i32 to index
      %swap3A_85 = arith.constant 16 : index
      %swap3A_86 = tpu.vector_load %arg9[%swap3A_84, %swap3A_85] {strides = array<i32>} : memref<32x128xf32, #tpu.memory_space<vmem>>, vector<1x16xf32>,
      %swap3A_87 = vector.shape_cast %swap3A_86 : vector<1x16xf32> to vector<16xf32>
      %swap3A_88 = vector.shape_cast %broadcast_in_dim3A_0 : vector<16xf32> to vector<1x16xf32>
      tpu.vector_store %arg9[%swap3A_84, %swap3A_85], %swap3A_88 {strides = array<i32>} : memref<32x128xf32, #tpu.memory_space<vmem>>, vector<1x16xf32>,
      %swap3A_89 = arith.index_cast %scan3A_79 : i32 to index
      %swap3A_90 = arith.constant 32 : index
      %swap3A_91 = tpu.vector_load %arg9[%swap3A_89, %swap3A_90] {strides = array<i32>} : memref<32x128xf32, #tpu.memory_space<vmem>>, vector<1x16xf32>,
      %swap3A_92 = vector.shape_cast %swap3A_91 : vector<1x16xf32> to vector<16xf32>
      %swap3A_93 = vector.shape_cast %broadcast_in_dim3A_0 : vector<16xf32> to vector<1x16xf32>
      tpu.vector_store %arg9[%swap3A_89, %swap3A_90], %swap3A_93 {strides = array<i32>} : memref<32x128xf32, #tpu.memory_space<vmem>>, vector<1x16xf32>,
      %swap3A_94 = arith.index_cast %scan3A_79 : i32 to index
      %swap3A_95 = arith.constant 48 : index
      %swap3A_96 = tpu.vector_load %arg9[%swap3A_94, %swap3A_95] {strides = array<i32>} : memref<32x128xf32, #tpu.memory_space<vmem>>, vector<1x16xf32>,
      %swap3A_97 = vector.shape_cast %swap3A_96 : vector<1x16xf32> to vector<16xf32>
      %swap3A_98 = vector.shape_cast %broadcast_in_dim3A_0 : vector<16xf32> to vector<1x16xf32>
      tpu.vector_store %arg9[%swap3A_94, %swap3A_95], %swap3A_98 {strides = array<i32>} : memref<32x128xf32, #tpu.memory_space<vmem>>, vector<1x16xf32>,
      %swap3A_99 = arith.index_cast %scan3A_79 : i32 to index
      %swap3A_100 = arith.constant 64 : index
      %swap3A_101 = tpu.vector_load %arg9[%swap3A_99, %swap3A_100] {strides = array<i32>} : memref<32x128xf32, #tpu.memory_space<vmem>>, vector<1x16xf32>,
      %swap3A_102 = vector.shape_cast %swap3A_101 : vector<1x16xf32> to vector<16xf32>
      %swap3A_103 = vector.shape_cast %broadcast_in_dim3A_0 : vector<16xf32> to vector<1x16xf32>
      tpu.vector_store %arg9[%swap3A_99, %swap3A_100], %swap3A_103 {strides = array<i32>} : memref<32x128xf32, #tpu.memory_space<vmem>>, vector<1x16xf32>,
      %swap3A_104 = arith.index_cast %scan3A_79 : i32 to index
      %swap3A_105 = arith.constant 80 : index
      %swap3A_106 = tpu.vector_load %arg9[%swap3A_104, %swap3A_105] {strides = array<i32>} : memref<32x128xf32, #tpu.memory_space<vmem>>, vector<1x16xf32>,
      %swap3A_107 = vector.shape_cast %swap3A_106 : vector<1x16xf32> to vector<16xf32>
      %swap3A_108 = vector.shape_cast %broadcast_in_dim3A_0 : vector<16xf32> to vector<1x16xf32>
      tpu.vector_store %arg9[%swap3A_104, %swap3A_105], %swap3A_108 {strides = array<i32>} : memref<32x128xf32, #tpu.memory_space<vmem>>, vector<1x16xf32>,
      %swap3A_109 = arith.index_cast %scan3A_79 : i32 to index
      %swap3A_110 = arith.constant 96 : index
      %swap3A_111 = tpu.vector_load %arg9[%swap3A_109, %swap3A_110] {strides = array<i32>} : memref<32x128xf32, #tpu.memory_space<vmem>>, vector<1x16xf32>,
      %swap3A_112 = vector.shape_cast %swap3A_111 : vector<1x16xf32> to vector<16xf32>
      %swap3A_113 = vector.shape_cast %broadcast_in_dim3A_0 : vector<16xf32> to vector<1x16xf32>
      tpu.vector_store %arg9[%swap3A_109, %swap3A_110], %swap3A_113 {strides = array<i32>} : memref<32x128xf32, #tpu.memory_space<vmem>>, vector<1x16xf32>,
      %swap3A_114 = arith.index_cast %scan3A_79 : i32 to index
      %swap3A_115 = arith.constant 112 : index
      %swap3A_116 = tpu.vector_load %arg9[%swap3A_114, %swap3A_115] {strides = array<i32>} : memref<32x128xf32, #tpu.memory_space<vmem>>, vector<1x16xf32>,
      %swap3A_117 = vector.shape_cast %swap3A_116 : vector<1x16xf32> to vector<16xf32>
      %swap3A_118 = vector.shape_cast %broadcast_in_dim3A_0 : vector<16xf32> to vector<1x16xf32>
      tpu.vector_store %arg9[%swap3A_114, %swap3A_115], %swap3A_118 {strides = array<i32>} : memref<32x128xf32, #tpu.memory_space<vmem>>, vector<1x16xf32>,
    }
    %scan3A_5 = arith.constant 32 : i32
    %mul3A = arith.constant 2 : i32
    %mul3A_6 = arith.muli %arg0, %mul3A : i32
    %add3A = arith.constant 0 : i32
    %add3A_7 = arith.addi %mul3A_6, %add3A : i32
    %scan3A_8 = arith.constant 0 : i32
    %scan3A_9 = arith.constant 0 : i32
    %scan3A_10 = arith.constant 20 : i32
    %scan3A_11 = arith.addi %scan3A_9, %scan3A_10 : i32
    %scan3A_12 = arith.constant 1 : i32
    scf.for %scan3A_79 = %scan3A_9 to %scan3A_11 step %scan3A_12  : i32 {
      %mul3A_80 = arith.constant 640 : i32
      %mul3A_81 = arith.muli %arg1, %mul3A_80 : i32
      %mul3A_82 = arith.constant 32 : i32
      %mul3A_83 = arith.muli %scan3A_79, %mul3A_82 : i32
      %add3A_84 = arith.addi %mul3A_81, %mul3A_83 : i32
      "tpu.region"() ({
        %run_scoped3A = tpu.sem_alloc : memref<!tpu.dma_semaphore, #tpu.memory_space<semaphore_mem>>
        %dma_start3A = arith.constant 0 : i32
        %dma_start3A_85 = tpu.memref_slice %arg10[%add3A_84, %dma_start3A] : memref<10240x128xf32, #tpu.memory_space<vmem_shared>> -> memref<32x128xf32, #tpu.memory_space<vmem_shared>>
        %dma_start3A_86 = arith.constant 0 : i32
        %dma_start3A_87 = tpu.memref_slice %arg10[%add3A_84, %dma_start3A_86] : memref<10240x128xf32, #tpu.memory_space<vmem_shared>> -> memref<32x128xf32, #tpu.memory_space<vmem_shared>>
        tpu.enqueue_dma source(%arg9 : memref<32x128xf32, #tpu.memory_space<vmem>>) target(%dma_start3A_87 : memref<32x128xf32, #tpu.memory_space<vmem_shared>>) target_semaphore(%run_scoped3A : memref<!tpu.dma_semaphore, #tpu.memory_space<semaphore_mem>>)
        %dma_wait3A = arith.constant 0 : i32
        %dma_wait3A_88 = tpu.memref_slice %arg10[%add3A_84, %dma_wait3A] : memref<10240x128xf32, #tpu.memory_space<vmem_shared>> -> memref<32x128xf32, #tpu.memory_space<vmem_shared>>
        %dma_wait3A_89 = arith.constant 0 : i32
        %dma_wait3A_90 = tpu.memref_slice %arg10[%add3A_84, %dma_wait3A_89] : memref<10240x128xf32, #tpu.memory_space<vmem_shared>> -> memref<32x128xf32, #tpu.memory_space<vmem_shared>>
        tpu.wait_dma2 semaphore(%run_scoped3A : memref<!tpu.dma_semaphore, #tpu.memory_space<semaphore_mem>>) src(%arg9 : memref<32x128xf32, #tpu.memory_space<vmem>>) dst(%dma_wait3A_90 : memref<32x128xf32, #tpu.memory_space<vmem_shared>>)
        tpu.yield
      }) : () -> ()
    }
    %scan3A_13 = arith.constant 20 : i32
    %mul3A_14 = arith.constant 20000 : i32
    %mul3A_15 = arith.muli %arg0, %mul3A_14 : i32
    %broadcast_in_dim3A_16 = vector.broadcast %mul3A_15 : i32 to vector<16xi32>
    %scan3A_17 = arith.constant 0 : i32
    %scan3A_18 = arith.constant 0 : i32
    %scan3A_19 = arith.constant 80 : i32
    %scan3A_20 = arith.addi %scan3A_18, %scan3A_19 : i32
    %scan3A_21 = arith.constant 1 : i32
    scf.for %scan3A_79 = %scan3A_18 to %scan3A_20 step %scan3A_21  : i32 {
      %get3A = arith.index_cast %scan3A_79 : i32 to index
      %get3A_80 = arith.constant 0 : index
      %get3A_81 = tpu.vector_load %arg6[%get3A, %get3A_80] {strides = array<i32>} : memref<80x128xi32, #tpu.memory_space<vmem>>, vector<1x16xi32>,
      %get3A_82 = vector.shape_cast %get3A_81 : vector<1x16xi32> to vector<16xi32>
      %add3A_83 = arith.addi %get3A_82, %broadcast_in_dim3A_16 : vector<16xi32>
      %swap3A = arith.index_cast %scan3A_79 : i32 to index
      %swap3A_84 = arith.constant 0 : index
      %swap3A_85 = tpu.vector_load %arg6[%swap3A, %swap3A_84] {strides = array<i32>} : memref<80x128xi32, #tpu.memory_space<vmem>>, vector<1x16xi32>,
      %swap3A_86 = vector.shape_cast %swap3A_85 : vector<1x16xi32> to vector<16xi32>
      %swap3A_87 = vector.shape_cast %add3A_83 : vector<16xi32> to vector<1x16xi32>
      tpu.vector_store %arg6[%swap3A, %swap3A_84], %swap3A_87 {strides = array<i32>} : memref<80x128xi32, #tpu.memory_space<vmem>>, vector<1x16xi32>,
      %get3A_88 = arith.index_cast %scan3A_79 : i32 to index
      %get3A_89 = arith.constant 16 : index
      %get3A_90 = tpu.vector_load %arg6[%get3A_88, %get3A_89] {strides = array<i32>} : memref<80x128xi32, #tpu.memory_space<vmem>>, vector<1x16xi32>,
      %get3A_91 = vector.shape_cast %get3A_90 : vector<1x16xi32> to vector<16xi32>
      %add3A_92 = arith.addi %get3A_91, %broadcast_in_dim3A_16 : vector<16xi32>
      %swap3A_93 = arith.index_cast %scan3A_79 : i32 to index
      %swap3A_94 = arith.constant 16 : index
      %swap3A_95 = tpu.vector_load %arg6[%swap3A_93, %swap3A_94] {strides = array<i32>} : memref<80x128xi32, #tpu.memory_space<vmem>>, vector<1x16xi32>,
      %swap3A_96 = vector.shape_cast %swap3A_95 : vector<1x16xi32> to vector<16xi32>
      %swap3A_97 = vector.shape_cast %add3A_92 : vector<16xi32> to vector<1x16xi32>
      tpu.vector_store %arg6[%swap3A_93, %swap3A_94], %swap3A_97 {strides = array<i32>} : memref<80x128xi32, #tpu.memory_space<vmem>>, vector<1x16xi32>,
      %get3A_98 = arith.index_cast %scan3A_79 : i32 to index
      %get3A_99 = arith.constant 32 : index
      %get3A_100 = tpu.vector_load %arg6[%get3A_98, %get3A_99] {strides = array<i32>} : memref<80x128xi32, #tpu.memory_space<vmem>>, vector<1x16xi32>,
      %get3A_101 = vector.shape_cast %get3A_100 : vector<1x16xi32> to vector<16xi32>
      %add3A_102 = arith.addi %get3A_101, %broadcast_in_dim3A_16 : vector<16xi32>
      %swap3A_103 = arith.index_cast %scan3A_79 : i32 to index
      %swap3A_104 = arith.constant 32 : index
      %swap3A_105 = tpu.vector_load %arg6[%swap3A_103, %swap3A_104] {strides = array<i32>} : memref<80x128xi32, #tpu.memory_space<vmem>>, vector<1x16xi32>,
      %swap3A_106 = vector.shape_cast %swap3A_105 : vector<1x16xi32> to vector<16xi32>
      %swap3A_107 = vector.shape_cast %add3A_102 : vector<16xi32> to vector<1x16xi32>
      tpu.vector_store %arg6[%swap3A_103, %swap3A_104], %swap3A_107 {strides = array<i32>} : memref<80x128xi32, #tpu.memory_space<vmem>>, vector<1x16xi32>,
      %get3A_108 = arith.index_cast %scan3A_79 : i32 to index
      %get3A_109 = arith.constant 48 : index
      %get3A_110 = tpu.vector_load %arg6[%get3A_108, %get3A_109] {strides = array<i32>} : memref<80x128xi32, #tpu.memory_space<vmem>>, vector<1x16xi32>,
      %get3A_111 = vector.shape_cast %get3A_110 : vector<1x16xi32> to vector<16xi32>
      %add3A_112 = arith.addi %get3A_111, %broadcast_in_dim3A_16 : vector<16xi32>
      %swap3A_113 = arith.index_cast %scan3A_79 : i32 to index
      %swap3A_114 = arith.constant 48 : index
      %swap3A_115 = tpu.vector_load %arg6[%swap3A_113, %swap3A_114] {strides = array<i32>} : memref<80x128xi32, #tpu.memory_space<vmem>>, vector<1x16xi32>,
      %swap3A_116 = vector.shape_cast %swap3A_115 : vector<1x16xi32> to vector<16xi32>
      %swap3A_117 = vector.shape_cast %add3A_112 : vector<16xi32> to vector<1x16xi32>
      tpu.vector_store %arg6[%swap3A_113, %swap3A_114], %swap3A_117 {strides = array<i32>} : memref<80x128xi32, #tpu.memory_space<vmem>>, vector<1x16xi32>,
      %get3A_118 = arith.index_cast %scan3A_79 : i32 to index
      %get3A_119 = arith.constant 64 : index
      %get3A_120 = tpu.vector_load %arg6[%get3A_118, %get3A_119] {strides = array<i32>} : memref<80x128xi32, #tpu.memory_space<vmem>>, vector<1x16xi32>,
      %get3A_121 = vector.shape_cast %get3A_120 : vector<1x16xi32> to vector<16xi32>
      %add3A_122 = arith.addi %get3A_121, %broadcast_in_dim3A_16 : vector<16xi32>
      %swap3A_123 = arith.index_cast %scan3A_79 : i32 to index
      %swap3A_124 = arith.constant 64 : index
      %swap3A_125 = tpu.vector_load %arg6[%swap3A_123, %swap3A_124] {strides = array<i32>} : memref<80x128xi32, #tpu.memory_space<vmem>>, vector<1x16xi32>,
      %swap3A_126 = vector.shape_cast %swap3A_125 : vector<1x16xi32> to vector<16xi32>
      %swap3A_127 = vector.shape_cast %add3A_122 : vector<16xi32> to vector<1x16xi32>
      tpu.vector_store %arg6[%swap3A_123, %swap3A_124], %swap3A_127 {strides = array<i32>} : memref<80x128xi32, #tpu.memory_space<vmem>>, vector<1x16xi32>,
      %get3A_128 = arith.index_cast %scan3A_79 : i32 to index
      %get3A_129 = arith.constant 80 : index
      %get3A_130 = tpu.vector_load %arg6[%get3A_128, %get3A_129] {strides = array<i32>} : memref<80x128xi32, #tpu.memory_space<vmem>>, vector<1x16xi32>,
      %get3A_131 = vector.shape_cast %get3A_130 : vector<1x16xi32> to vector<16xi32>
      %add3A_132 = arith.addi %get3A_131, %broadcast_in_dim3A_16 : vector<16xi32>
      %swap3A_133 = arith.index_cast %scan3A_79 : i32 to index
      %swap3A_134 = arith.constant 80 : index
      %swap3A_135 = tpu.vector_load %arg6[%swap3A_133, %swap3A_134] {strides = array<i32>} : memref<80x128xi32, #tpu.memory_space<vmem>>, vector<1x16xi32>,
      %swap3A_136 = vector.shape_cast %swap3A_135 : vector<1x16xi32> to vector<16xi32>
      %swap3A_137 = vector.shape_cast %add3A_132 : vector<16xi32> to vector<1x16xi32>
      tpu.vector_store %arg6[%swap3A_133, %swap3A_134], %swap3A_137 {strides = array<i32>} : memref<80x128xi32, #tpu.memory_space<vmem>>, vector<1x16xi32>,
      %get3A_138 = arith.index_cast %scan3A_79 : i32 to index
      %get3A_139 = arith.constant 96 : index
      %get3A_140 = tpu.vector_load %arg6[%get3A_138, %get3A_139] {strides = array<i32>} : memref<80x128xi32, #tpu.memory_space<vmem>>, vector<1x16xi32>,
      %get3A_141 = vector.shape_cast %get3A_140 : vector<1x16xi32> to vector<16xi32>
      %add3A_142 = arith.addi %get3A_141, %broadcast_in_dim3A_16 : vector<16xi32>
      %swap3A_143 = arith.index_cast %scan3A_79 : i32 to index
      %swap3A_144 = arith.constant 96 : index
      %swap3A_145 = tpu.vector_load %arg6[%swap3A_143, %swap3A_144] {strides = array<i32>} : memref<80x128xi32, #tpu.memory_space<vmem>>, vector<1x16xi32>,
      %swap3A_146 = vector.shape_cast %swap3A_145 : vector<1x16xi32> to vector<16xi32>
      %swap3A_147 = vector.shape_cast %add3A_142 : vector<16xi32> to vector<1x16xi32>
      tpu.vector_store %arg6[%swap3A_143, %swap3A_144], %swap3A_147 {strides = array<i32>} : memref<80x128xi32, #tpu.memory_space<vmem>>, vector<1x16xi32>,
      %get3A_148 = arith.index_cast %scan3A_79 : i32 to index
      %get3A_149 = arith.constant 112 : index
      %get3A_150 = tpu.vector_load %arg6[%get3A_148, %get3A_149] {strides = array<i32>} : memref<80x128xi32, #tpu.memory_space<vmem>>, vector<1x16xi32>,
      %get3A_151 = vector.shape_cast %get3A_150 : vector<1x16xi32> to vector<16xi32>
      %add3A_152 = arith.addi %get3A_151, %broadcast_in_dim3A_16 : vector<16xi32>
      %swap3A_153 = arith.index_cast %scan3A_79 : i32 to index
      %swap3A_154 = arith.constant 112 : index
      %swap3A_155 = tpu.vector_load %arg6[%swap3A_153, %swap3A_154] {strides = array<i32>} : memref<80x128xi32, #tpu.memory_space<vmem>>, vector<1x16xi32>,
      %swap3A_156 = vector.shape_cast %swap3A_155 : vector<1x16xi32> to vector<16xi32>
      %swap3A_157 = vector.shape_cast %add3A_152 : vector<16xi32> to vector<1x16xi32>
      tpu.vector_store %arg6[%swap3A_153, %swap3A_154], %swap3A_157 {strides = array<i32>} : memref<80x128xi32, #tpu.memory_space<vmem>>, vector<1x16xi32>,
    }
    %scan3A_22 = arith.constant 80 : i32
    %barrier3A = arith.constant 0 : index
    tpu.barrier barrier_id(%barrier3A)
    %scan3A_23 = arith.constant 0 : i32
    %scan3A_24 = arith.constant 0 : i32
    %scan3A_25 = arith.constant 80 : i32
    %scan3A_26 = arith.addi %scan3A_24, %scan3A_25 : i32
    %scan3A_27 = arith.constant 1 : i32
    scf.for %scan3A_79 = %scan3A_24 to %scan3A_26 step %scan3A_27  : i32 {
      "tpu.region"() ({
        %run_scoped3A = tpu.sem_alloc : memref<!tpu.dma_semaphore, #tpu.memory_space<semaphore_mem>>
        %dma_start3A = arith.constant 0 : i32
        %dma_start3A_80 = tpu.memref_slice %arg6[%scan3A_79, %dma_start3A] : memref<80x128xi32, #tpu.memory_space<vmem>> -> memref<1x128xi32, #tpu.memory_space<vmem>>
        %dma_start3A_81 = tpu.memref_squeeze %dma_start3A_80 : memref<1x128xi32, #tpu.memory_space<vmem>> -> memref<128xi32, #tpu.memory_space<vmem>>
        %dma_start3A_82 = arith.constant 0 : i32
        %dma_start3A_83 = arith.constant 0 : i32
        %dma_start3A_84 = tpu.memref_slice %arg2[%dma_start3A_82, %dma_start3A_83] : memref<40000x128xf32, #tpu.memory_space<hbm>> -> memref<40000x128xf32, #tpu.memory_space<hbm>>
        tpu.enqueue_indirect_dma source(%dma_start3A_84 : memref<40000x128xf32, #tpu.memory_space<hbm>>) target(%arg8 : memref<128x128xf32, #tpu.memory_space<vmem>>) offsets(%dma_start3A_81 : memref<128xi32, #tpu.memory_space<vmem>>) semaphore(%run_scoped3A : memref<!tpu.dma_semaphore, #tpu.memory_space<semaphore_mem>>)
        %dma_wait3A = arith.constant 0 : i32
        %dma_wait3A_85 = tpu.memref_slice %arg6[%scan3A_79, %dma_wait3A] : memref<80x128xi32, #tpu.memory_space<vmem>> -> memref<1x128xi32, #tpu.memory_space<vmem>>
        %dma_wait3A_86 = tpu.memref_squeeze %dma_wait3A_85 : memref<1x128xi32, #tpu.memory_space<vmem>> -> memref<128xi32, #tpu.memory_space<vmem>>
        %dma_wait3A_87 = arith.constant 0 : i32
        %dma_wait3A_88 = arith.constant 0 : i32
        %dma_wait3A_89 = tpu.memref_slice %arg2[%dma_wait3A_87, %dma_wait3A_88] : memref<40000x128xf32, #tpu.memory_space<hbm>> -> memref<40000x128xf32, #tpu.memory_space<hbm>>
        tpu.wait_indirect_dma semaphore(%run_scoped3A : memref<!tpu.dma_semaphore, #tpu.memory_space<semaphore_mem>>) src(%dma_wait3A_89 : memref<40000x128xf32, #tpu.memory_space<hbm>>) dst(%arg8 : memref<128x128xf32, #tpu.memory_space<vmem>>)
        tpu.yield
      }) : () -> ()
      "tpu.region"() ({
        %run_scoped3A = tpu.sem_alloc : memref<!tpu.dma_semaphore, #tpu.memory_space<semaphore_mem>>
        %dma_start3A = arith.constant 0 : i32
        %dma_start3A_80 = tpu.memref_slice %arg7[%scan3A_79, %dma_start3A] : memref<80x128xi32, #tpu.memory_space<vmem>> -> memref<1x128xi32, #tpu.memory_space<vmem>>
        %dma_start3A_81 = tpu.memref_squeeze %dma_start3A_80 : memref<1x128xi32, #tpu.memory_space<vmem>> -> memref<128xi32, #tpu.memory_space<vmem>>
        %dma_start3A_82 = arith.constant 0 : i32
        %dma_start3A_83 = arith.constant 0 : i32
        %dma_start3A_84 = tpu.memref_slice %arg10[%dma_start3A_82, %dma_start3A_83] : memref<10240x128xf32, #tpu.memory_space<vmem_shared>> -> memref<10240x128xf32, #tpu.memory_space<vmem_shared>>
        tpu.enqueue_indirect_dma source(%arg8 : memref<128x128xf32, #tpu.memory_space<vmem>>) target(%dma_start3A_84 : memref<10240x128xf32, #tpu.memory_space<vmem_shared>>) offsets(%dma_start3A_81 : memref<128xi32, #tpu.memory_space<vmem>>) semaphore(%run_scoped3A : memref<!tpu.dma_semaphore, #tpu.memory_space<semaphore_mem>>) {add = true}
        %dma_wait3A = arith.constant 0 : i32
        %dma_wait3A_85 = tpu.memref_slice %arg7[%scan3A_79, %dma_wait3A] : memref<80x128xi32, #tpu.memory_space<vmem>> -> memref<1x128xi32, #tpu.memory_space<vmem>>
        %dma_wait3A_86 = tpu.memref_squeeze %dma_wait3A_85 : memref<1x128xi32, #tpu.memory_space<vmem>> -> memref<128xi32, #tpu.memory_space<vmem>>
        %dma_wait3A_87 = arith.constant 0 : i32
        %dma_wait3A_88 = arith.constant 0 : i32
        %dma_wait3A_89 = tpu.memref_slice %arg10[%dma_wait3A_87, %dma_wait3A_88] : memref<10240x128xf32, #tpu.memory_space<vmem_shared>> -> memref<10240x128xf32, #tpu.memory_space<vmem_shared>>
        tpu.wait_indirect_dma semaphore(%run_scoped3A : memref<!tpu.dma_semaphore, #tpu.memory_space<semaphore_mem>>) src(%arg8 : memref<128x128xf32, #tpu.memory_space<vmem>>) dst(%dma_wait3A_89 : memref<10240x128xf32, #tpu.memory_space<vmem_shared>>)
        tpu.yield
      }) : () -> ()
    }
    %scan3A_28 = arith.constant 80 : i32
    %barrier3A_29 = arith.constant 0 : index
    tpu.barrier barrier_id(%barrier3A_29)
    %mul3A_30 = arith.constant 624 : i32
    %mul3A_31 = arith.muli %arg1, %mul3A_30 : i32
    %mul3A_32 = arith.constant 10000 : i32
    %mul3A_33 = arith.muli %add3A_7, %mul3A_32 : i32
    %mul3A_34 = arith.constant 624 : i32
    %mul3A_35 = arith.muli %arg1, %mul3A_34 : i32
    %add3A_36 = arith.addi %mul3A_33, %mul3A_35 : i32
    "tpu.region"() ({
      %run_scoped3A = tpu.sem_alloc : memref<!tpu.dma_semaphore, #tpu.memory_space<semaphore_mem>>
      %dma_start3A = arith.constant 0 : i32
      %dma_start3A_79 = tpu.memref_slice %arg5[%add3A_36, %dma_start3A] : memref<40000x128xf32, #tpu.memory_space<hbm>> -> memref<624x128xf32, #tpu.memory_space<hbm>>
      %dma_start3A_80 = arith.constant 0 : i32
      %dma_start3A_81 = tpu.memref_slice %arg10[%mul3A_31, %dma_start3A_80] : memref<10240x128xf32, #tpu.memory_space<vmem_shared>> -> memref<624x128xf32, #tpu.memory_space<vmem_shared>>
      tpu.enqueue_dma source(%dma_start3A_81 : memref<624x128xf32, #tpu.memory_space<vmem_shared>>) target(%dma_start3A_79 : memref<624x128xf32, #tpu.memory_space<hbm>>) target_semaphore(%run_scoped3A : memref<!tpu.dma_semaphore, #tpu.memory_space<semaphore_mem>>)
      %dma_wait3A = arith.constant 0 : i32
      %dma_wait3A_82 = tpu.memref_slice %arg5[%add3A_36, %dma_wait3A] : memref<40000x128xf32, #tpu.memory_space<hbm>> -> memref<624x128xf32, #tpu.memory_space<hbm>>
      %dma_wait3A_83 = arith.constant 0 : i32
      %dma_wait3A_84 = tpu.memref_slice %arg10[%mul3A_31, %dma_wait3A_83] : memref<10240x128xf32, #tpu.memory_space<vmem_shared>> -> memref<624x128xf32, #tpu.memory_space<vmem_shared>>
      tpu.wait_dma2 semaphore(%run_scoped3A : memref<!tpu.dma_semaphore, #tpu.memory_space<semaphore_mem>>) src(%dma_wait3A_84 : memref<624x128xf32, #tpu.memory_space<vmem_shared>>) dst(%dma_wait3A_82 : memref<624x128xf32, #tpu.memory_space<hbm>>)
      tpu.yield
    }) : () -> ()
    %eq3A = arith.constant 15 : i32
    %eq3A_37 = arith.cmpi eq, %arg1, %eq3A : i32
    %convert_element_type3A = arith.extui %eq3A_37 : i1 to i32
    %cond3A = arith.constant 0 : i32
    %cond3A_38 = arith.cmpi ne, %convert_element_type3A, %cond3A : i32
    scf.if %cond3A_38 {
      %mul3A_79 = arith.constant 10000 : i32
      %mul3A_80 = arith.muli %add3A_7, %mul3A_79 : i32
      %add3A_81 = arith.constant 9984 : i32
      %add3A_82 = arith.addi %mul3A_80, %add3A_81 : i32
      "tpu.region"() ({
        %run_scoped3A = tpu.sem_alloc : memref<!tpu.dma_semaphore, #tpu.memory_space<semaphore_mem>>
        %dma_start3A = arith.constant 0 : i32
        %dma_start3A_83 = tpu.memref_slice %arg5[%add3A_82, %dma_start3A] : memref<40000x128xf32, #tpu.memory_space<hbm>> -> memref<16x128xf32, #tpu.memory_space<hbm>>
        %dma_start3A_84 = arith.constant 9984 : i32
        %dma_start3A_85 = arith.constant 0 : i32
        %dma_start3A_86 = tpu.memref_slice %arg10[%dma_start3A_84, %dma_start3A_85] : memref<10240x128xf32, #tpu.memory_space<vmem_shared>> -> memref<16x128xf32, #tpu.memory_space<vmem_shared>>
        tpu.enqueue_dma source(%dma_start3A_86 : memref<16x128xf32, #tpu.memory_space<vmem_shared>>) target(%dma_start3A_83 : memref<16x128xf32, #tpu.memory_space<hbm>>) target_semaphore(%run_scoped3A : memref<!tpu.dma_semaphore, #tpu.memory_space<semaphore_mem>>)
        %dma_wait3A = arith.constant 0 : i32
        %dma_wait3A_87 = tpu.memref_slice %arg5[%add3A_82, %dma_wait3A] : memref<40000x128xf32, #tpu.memory_space<hbm>> -> memref<16x128xf32, #tpu.memory_space<hbm>>
        %dma_wait3A_88 = arith.constant 9984 : i32
        %dma_wait3A_89 = arith.constant 0 : i32
        %dma_wait3A_90 = tpu.memref_slice %arg10[%dma_wait3A_88, %dma_wait3A_89] : memref<10240x128xf32, #tpu.memory_space<vmem_shared>> -> memref<16x128xf32, #tpu.memory_space<vmem_shared>>
        tpu.wait_dma2 semaphore(%run_scoped3A : memref<!tpu.dma_semaphore, #tpu.memory_space<semaphore_mem>>) src(%dma_wait3A_90 : memref<16x128xf32, #tpu.memory_space<vmem_shared>>) dst(%dma_wait3A_87 : memref<16x128xf32, #tpu.memory_space<hbm>>)
        tpu.yield
      }) : () -> ()
    } else {
    }
    %barrier3A_39 = arith.constant 0 : index
    tpu.barrier barrier_id(%barrier3A_39)
    %mul3A_40 = arith.constant 2 : i32
    %mul3A_41 = arith.muli %arg0, %mul3A_40 : i32
    %add3A_42 = arith.constant 1 : i32
    %add3A_43 = arith.addi %mul3A_41, %add3A_42 : i32
    %scan3A_44 = arith.constant 0 : i32
    %scan3A_45 = arith.constant 0 : i32
    %scan3A_46 = arith.constant 20 : i32
    %scan3A_47 = arith.addi %scan3A_45, %scan3A_46 : i32
    %scan3A_48 = arith.constant 1 : i32
    scf.for %scan3A_79 = %scan3A_45 to %scan3A_47 step %scan3A_48  : i32 {
      %mul3A_80 = arith.constant 640 : i32
      %mul3A_81 = arith.muli %arg1, %mul3A_80 : i32
      %mul3A_82 = arith.constant 32 : i32
      %mul3A_83 = arith.muli %scan3A_79, %mul3A_82 : i32
      %add3A_84 = arith.addi %mul3A_81, %mul3A_83 : i32
      "tpu.region"() ({
        %run_scoped3A = tpu.sem_alloc : memref<!tpu.dma_semaphore, #tpu.memory_space<semaphore_mem>>
        %dma_start3A = arith.constant 0 : i32
        %dma_start3A_85 = tpu.memref_slice %arg10[%add3A_84, %dma_start3A] : memref<10240x128xf32, #tpu.memory_space<vmem_shared>> -> memref<32x128xf32, #tpu.memory_space<vmem_shared>>
        %dma_start3A_86 = arith.constant 0 : i32
        %dma_start3A_87 = tpu.memref_slice %arg10[%add3A_84, %dma_start3A_86] : memref<10240x128xf32, #tpu.memory_space<vmem_shared>> -> memref<32x128xf32, #tpu.memory_space<vmem_shared>>
        tpu.enqueue_dma source(%arg9 : memref<32x128xf32, #tpu.memory_space<vmem>>) target(%dma_start3A_87 : memref<32x128xf32, #tpu.memory_space<vmem_shared>>) target_semaphore(%run_scoped3A : memref<!tpu.dma_semaphore, #tpu.memory_space<semaphore_mem>>)
        %dma_wait3A = arith.constant 0 : i32
        %dma_wait3A_88 = tpu.memref_slice %arg10[%add3A_84, %dma_wait3A] : memref<10240x128xf32, #tpu.memory_space<vmem_shared>> -> memref<32x128xf32, #tpu.memory_space<vmem_shared>>
        %dma_wait3A_89 = arith.constant 0 : i32
        %dma_wait3A_90 = tpu.memref_slice %arg10[%add3A_84, %dma_wait3A_89] : memref<10240x128xf32, #tpu.memory_space<vmem_shared>> -> memref<32x128xf32, #tpu.memory_space<vmem_shared>>
        tpu.wait_dma2 semaphore(%run_scoped3A : memref<!tpu.dma_semaphore, #tpu.memory_space<semaphore_mem>>) src(%arg9 : memref<32x128xf32, #tpu.memory_space<vmem>>) dst(%dma_wait3A_90 : memref<32x128xf32, #tpu.memory_space<vmem_shared>>)
        tpu.yield
      }) : () -> ()
    }
    %scan3A_49 = arith.constant 20 : i32
    %broadcast_in_dim3A_50 = arith.constant 10000 : i32
    %broadcast_in_dim3A_51 = vector.broadcast %broadcast_in_dim3A_50 : i32 to vector<16xi32>
    %scan3A_52 = arith.constant 0 : i32
    %scan3A_53 = arith.constant 0 : i32
    %scan3A_54 = arith.constant 80 : i32
    %scan3A_55 = arith.addi %scan3A_53, %scan3A_54 : i32
    %scan3A_56 = arith.constant 1 : i32
    scf.for %scan3A_79 = %scan3A_53 to %scan3A_55 step %scan3A_56  : i32 {
      %get3A = arith.index_cast %scan3A_79 : i32 to index
      %get3A_80 = arith.constant 0 : index
      %get3A_81 = tpu.vector_load %arg6[%get3A, %get3A_80] {strides = array<i32>} : memref<80x128xi32, #tpu.memory_space<vmem>>, vector<1x16xi32>,
      %get3A_82 = vector.shape_cast %get3A_81 : vector<1x16xi32> to vector<16xi32>
      %add3A_83 = arith.addi %get3A_82, %broadcast_in_dim3A_51 : vector<16xi32>
      %swap3A = arith.index_cast %scan3A_79 : i32 to index
      %swap3A_84 = arith.constant 0 : index
      %swap3A_85 = tpu.vector_load %arg6[%swap3A, %swap3A_84] {strides = array<i32>} : memref<80x128xi32, #tpu.memory_space<vmem>>, vector<1x16xi32>,
      %swap3A_86 = vector.shape_cast %swap3A_85 : vector<1x16xi32> to vector<16xi32>
      %swap3A_87 = vector.shape_cast %add3A_83 : vector<16xi32> to vector<1x16xi32>
      tpu.vector_store %arg6[%swap3A, %swap3A_84], %swap3A_87 {strides = array<i32>} : memref<80x128xi32, #tpu.memory_space<vmem>>, vector<1x16xi32>,
      %get3A_88 = arith.index_cast %scan3A_79 : i32 to index
      %get3A_89 = arith.constant 16 : index
      %get3A_90 = tpu.vector_load %arg6[%get3A_88, %get3A_89] {strides = array<i32>} : memref<80x128xi32, #tpu.memory_space<vmem>>, vector<1x16xi32>,
      %get3A_91 = vector.shape_cast %get3A_90 : vector<1x16xi32> to vector<16xi32>
      %add3A_92 = arith.addi %get3A_91, %broadcast_in_dim3A_51 : vector<16xi32>
      %swap3A_93 = arith.index_cast %scan3A_79 : i32 to index
      %swap3A_94 = arith.constant 16 : index
      %swap3A_95 = tpu.vector_load %arg6[%swap3A_93, %swap3A_94] {strides = array<i32>} : memref<80x128xi32, #tpu.memory_space<vmem>>, vector<1x16xi32>,
      %swap3A_96 = vector.shape_cast %swap3A_95 : vector<1x16xi32> to vector<16xi32>
      %swap3A_97 = vector.shape_cast %add3A_92 : vector<16xi32> to vector<1x16xi32>
      tpu.vector_store %arg6[%swap3A_93, %swap3A_94], %swap3A_97 {strides = array<i32>} : memref<80x128xi32, #tpu.memory_space<vmem>>, vector<1x16xi32>,
      %get3A_98 = arith.index_cast %scan3A_79 : i32 to index
      %get3A_99 = arith.constant 32 : index
      %get3A_100 = tpu.vector_load %arg6[%get3A_98, %get3A_99] {strides = array<i32>} : memref<80x128xi32, #tpu.memory_space<vmem>>, vector<1x16xi32>,
      %get3A_101 = vector.shape_cast %get3A_100 : vector<1x16xi32> to vector<16xi32>
      %add3A_102 = arith.addi %get3A_101, %broadcast_in_dim3A_51 : vector<16xi32>
      %swap3A_103 = arith.index_cast %scan3A_79 : i32 to index
      %swap3A_104 = arith.constant 32 : index
      %swap3A_105 = tpu.vector_load %arg6[%swap3A_103, %swap3A_104] {strides = array<i32>} : memref<80x128xi32, #tpu.memory_space<vmem>>, vector<1x16xi32>,
      %swap3A_106 = vector.shape_cast %swap3A_105 : vector<1x16xi32> to vector<16xi32>
      %swap3A_107 = vector.shape_cast %add3A_102 : vector<16xi32> to vector<1x16xi32>
      tpu.vector_store %arg6[%swap3A_103, %swap3A_104], %swap3A_107 {strides = array<i32>} : memref<80x128xi32, #tpu.memory_space<vmem>>, vector<1x16xi32>,
      %get3A_108 = arith.index_cast %scan3A_79 : i32 to index
      %get3A_109 = arith.constant 48 : index
      %get3A_110 = tpu.vector_load %arg6[%get3A_108, %get3A_109] {strides = array<i32>} : memref<80x128xi32, #tpu.memory_space<vmem>>, vector<1x16xi32>,
      %get3A_111 = vector.shape_cast %get3A_110 : vector<1x16xi32> to vector<16xi32>
      %add3A_112 = arith.addi %get3A_111, %broadcast_in_dim3A_51 : vector<16xi32>
      %swap3A_113 = arith.index_cast %scan3A_79 : i32 to index
      %swap3A_114 = arith.constant 48 : index
      %swap3A_115 = tpu.vector_load %arg6[%swap3A_113, %swap3A_114] {strides = array<i32>} : memref<80x128xi32, #tpu.memory_space<vmem>>, vector<1x16xi32>,
      %swap3A_116 = vector.shape_cast %swap3A_115 : vector<1x16xi32> to vector<16xi32>
      %swap3A_117 = vector.shape_cast %add3A_112 : vector<16xi32> to vector<1x16xi32>
      tpu.vector_store %arg6[%swap3A_113, %swap3A_114], %swap3A_117 {strides = array<i32>} : memref<80x128xi32, #tpu.memory_space<vmem>>, vector<1x16xi32>,
      %get3A_118 = arith.index_cast %scan3A_79 : i32 to index
      %get3A_119 = arith.constant 64 : index
      %get3A_120 = tpu.vector_load %arg6[%get3A_118, %get3A_119] {strides = array<i32>} : memref<80x128xi32, #tpu.memory_space<vmem>>, vector<1x16xi32>,
      %get3A_121 = vector.shape_cast %get3A_120 : vector<1x16xi32> to vector<16xi32>
      %add3A_122 = arith.addi %get3A_121, %broadcast_in_dim3A_51 : vector<16xi32>
      %swap3A_123 = arith.index_cast %scan3A_79 : i32 to index
      %swap3A_124 = arith.constant 64 : index
      %swap3A_125 = tpu.vector_load %arg6[%swap3A_123, %swap3A_124] {strides = array<i32>} : memref<80x128xi32, #tpu.memory_space<vmem>>, vector<1x16xi32>,
      %swap3A_126 = vector.shape_cast %swap3A_125 : vector<1x16xi32> to vector<16xi32>
      %swap3A_127 = vector.shape_cast %add3A_122 : vector<16xi32> to vector<1x16xi32>
      tpu.vector_store %arg6[%swap3A_123, %swap3A_124], %swap3A_127 {strides = array<i32>} : memref<80x128xi32, #tpu.memory_space<vmem>>, vector<1x16xi32>,
      %get3A_128 = arith.index_cast %scan3A_79 : i32 to index
      %get3A_129 = arith.constant 80 : index
      %get3A_130 = tpu.vector_load %arg6[%get3A_128, %get3A_129] {strides = array<i32>} : memref<80x128xi32, #tpu.memory_space<vmem>>, vector<1x16xi32>,
      %get3A_131 = vector.shape_cast %get3A_130 : vector<1x16xi32> to vector<16xi32>
      %add3A_132 = arith.addi %get3A_131, %broadcast_in_dim3A_51 : vector<16xi32>
      %swap3A_133 = arith.index_cast %scan3A_79 : i32 to index
      %swap3A_134 = arith.constant 80 : index
      %swap3A_135 = tpu.vector_load %arg6[%swap3A_133, %swap3A_134] {strides = array<i32>} : memref<80x128xi32, #tpu.memory_space<vmem>>, vector<1x16xi32>,
      %swap3A_136 = vector.shape_cast %swap3A_135 : vector<1x16xi32> to vector<16xi32>
      %swap3A_137 = vector.shape_cast %add3A_132 : vector<16xi32> to vector<1x16xi32>
      tpu.vector_store %arg6[%swap3A_133, %swap3A_134], %swap3A_137 {strides = array<i32>} : memref<80x128xi32, #tpu.memory_space<vmem>>, vector<1x16xi32>,
      %get3A_138 = arith.index_cast %scan3A_79 : i32 to index
      %get3A_139 = arith.constant 96 : index
      %get3A_140 = tpu.vector_load %arg6[%get3A_138, %get3A_139] {strides = array<i32>} : memref<80x128xi32, #tpu.memory_space<vmem>>, vector<1x16xi32>,
      %get3A_141 = vector.shape_cast %get3A_140 : vector<1x16xi32> to vector<16xi32>
      %add3A_142 = arith.addi %get3A_141, %broadcast_in_dim3A_51 : vector<16xi32>
      %swap3A_143 = arith.index_cast %scan3A_79 : i32 to index
      %swap3A_144 = arith.constant 96 : index
      %swap3A_145 = tpu.vector_load %arg6[%swap3A_143, %swap3A_144] {strides = array<i32>} : memref<80x128xi32, #tpu.memory_space<vmem>>, vector<1x16xi32>,
      %swap3A_146 = vector.shape_cast %swap3A_145 : vector<1x16xi32> to vector<16xi32>
      %swap3A_147 = vector.shape_cast %add3A_142 : vector<16xi32> to vector<1x16xi32>
      tpu.vector_store %arg6[%swap3A_143, %swap3A_144], %swap3A_147 {strides = array<i32>} : memref<80x128xi32, #tpu.memory_space<vmem>>, vector<1x16xi32>,
      %get3A_148 = arith.index_cast %scan3A_79 : i32 to index
      %get3A_149 = arith.constant 112 : index
      %get3A_150 = tpu.vector_load %arg6[%get3A_148, %get3A_149] {strides = array<i32>} : memref<80x128xi32, #tpu.memory_space<vmem>>, vector<1x16xi32>,
      %get3A_151 = vector.shape_cast %get3A_150 : vector<1x16xi32> to vector<16xi32>
      %add3A_152 = arith.addi %get3A_151, %broadcast_in_dim3A_51 : vector<16xi32>
      %swap3A_153 = arith.index_cast %scan3A_79 : i32 to index
      %swap3A_154 = arith.constant 112 : index
      %swap3A_155 = tpu.vector_load %arg6[%swap3A_153, %swap3A_154] {strides = array<i32>} : memref<80x128xi32, #tpu.memory_space<vmem>>, vector<1x16xi32>,
      %swap3A_156 = vector.shape_cast %swap3A_155 : vector<1x16xi32> to vector<16xi32>
      %swap3A_157 = vector.shape_cast %add3A_152 : vector<16xi32> to vector<1x16xi32>
      tpu.vector_store %arg6[%swap3A_153, %swap3A_154], %swap3A_157 {strides = array<i32>} : memref<80x128xi32, #tpu.memory_space<vmem>>, vector<1x16xi32>,
    }
    %scan3A_57 = arith.constant 80 : i32
    %barrier3A_58 = arith.constant 0 : index
    tpu.barrier barrier_id(%barrier3A_58)
    %scan3A_59 = arith.constant 0 : i32
    %scan3A_60 = arith.constant 0 : i32
    %scan3A_61 = arith.constant 80 : i32
    %scan3A_62 = arith.addi %scan3A_60, %scan3A_61 : i32
    %scan3A_63 = arith.constant 1 : i32
    scf.for %scan3A_79 = %scan3A_60 to %scan3A_62 step %scan3A_63  : i32 {
      "tpu.region"() ({
        %run_scoped3A = tpu.sem_alloc : memref<!tpu.dma_semaphore, #tpu.memory_space<semaphore_mem>>
        %dma_start3A = arith.constant 0 : i32
        %dma_start3A_80 = tpu.memref_slice %arg6[%scan3A_79, %dma_start3A] : memref<80x128xi32, #tpu.memory_space<vmem>> -> memref<1x128xi32, #tpu.memory_space<vmem>>
        %dma_start3A_81 = tpu.memref_squeeze %dma_start3A_80 : memref<1x128xi32, #tpu.memory_space<vmem>> -> memref<128xi32, #tpu.memory_space<vmem>>
        %dma_start3A_82 = arith.constant 0 : i32
        %dma_start3A_83 = arith.constant 0 : i32
        %dma_start3A_84 = tpu.memref_slice %arg2[%dma_start3A_82, %dma_start3A_83] : memref<40000x128xf32, #tpu.memory_space<hbm>> -> memref<40000x128xf32, #tpu.memory_space<hbm>>
        tpu.enqueue_indirect_dma source(%dma_start3A_84 : memref<40000x128xf32, #tpu.memory_space<hbm>>) target(%arg8 : memref<128x128xf32, #tpu.memory_space<vmem>>) offsets(%dma_start3A_81 : memref<128xi32, #tpu.memory_space<vmem>>) semaphore(%run_scoped3A : memref<!tpu.dma_semaphore, #tpu.memory_space<semaphore_mem>>)
        %dma_wait3A = arith.constant 0 : i32
        %dma_wait3A_85 = tpu.memref_slice %arg6[%scan3A_79, %dma_wait3A] : memref<80x128xi32, #tpu.memory_space<vmem>> -> memref<1x128xi32, #tpu.memory_space<vmem>>
        %dma_wait3A_86 = tpu.memref_squeeze %dma_wait3A_85 : memref<1x128xi32, #tpu.memory_space<vmem>> -> memref<128xi32, #tpu.memory_space<vmem>>
        %dma_wait3A_87 = arith.constant 0 : i32
        %dma_wait3A_88 = arith.constant 0 : i32
        %dma_wait3A_89 = tpu.memref_slice %arg2[%dma_wait3A_87, %dma_wait3A_88] : memref<40000x128xf32, #tpu.memory_space<hbm>> -> memref<40000x128xf32, #tpu.memory_space<hbm>>
        tpu.wait_indirect_dma semaphore(%run_scoped3A : memref<!tpu.dma_semaphore, #tpu.memory_space<semaphore_mem>>) src(%dma_wait3A_89 : memref<40000x128xf32, #tpu.memory_space<hbm>>) dst(%arg8 : memref<128x128xf32, #tpu.memory_space<vmem>>)
        tpu.yield
      }) : () -> ()
      "tpu.region"() ({
        %run_scoped3A = tpu.sem_alloc : memref<!tpu.dma_semaphore, #tpu.memory_space<semaphore_mem>>
        %dma_start3A = arith.constant 0 : i32
        %dma_start3A_80 = tpu.memref_slice %arg7[%scan3A_79, %dma_start3A] : memref<80x128xi32, #tpu.memory_space<vmem>> -> memref<1x128xi32, #tpu.memory_space<vmem>>
        %dma_start3A_81 = tpu.memref_squeeze %dma_start3A_80 : memref<1x128xi32, #tpu.memory_space<vmem>> -> memref<128xi32, #tpu.memory_space<vmem>>
        %dma_start3A_82 = arith.constant 0 : i32
        %dma_start3A_83 = arith.constant 0 : i32
        %dma_start3A_84 = tpu.memref_slice %arg10[%dma_start3A_82, %dma_start3A_83] : memref<10240x128xf32, #tpu.memory_space<vmem_shared>> -> memref<10240x128xf32, #tpu.memory_space<vmem_shared>>
        tpu.enqueue_indirect_dma source(%arg8 : memref<128x128xf32, #tpu.memory_space<vmem>>) target(%dma_start3A_84 : memref<10240x128xf32, #tpu.memory_space<vmem_shared>>) offsets(%dma_start3A_81 : memref<128xi32, #tpu.memory_space<vmem>>) semaphore(%run_scoped3A : memref<!tpu.dma_semaphore, #tpu.memory_space<semaphore_mem>>) {add = true}
        %dma_wait3A = arith.constant 0 : i32
        %dma_wait3A_85 = tpu.memref_slice %arg7[%scan3A_79, %dma_wait3A] : memref<80x128xi32, #tpu.memory_space<vmem>> -> memref<1x128xi32, #tpu.memory_space<vmem>>
        %dma_wait3A_86 = tpu.memref_squeeze %dma_wait3A_85 : memref<1x128xi32, #tpu.memory_space<vmem>> -> memref<128xi32, #tpu.memory_space<vmem>>
        %dma_wait3A_87 = arith.constant 0 : i32
        %dma_wait3A_88 = arith.constant 0 : i32
        %dma_wait3A_89 = tpu.memref_slice %arg10[%dma_wait3A_87, %dma_wait3A_88] : memref<10240x128xf32, #tpu.memory_space<vmem_shared>> -> memref<10240x128xf32, #tpu.memory_space<vmem_shared>>
        tpu.wait_indirect_dma semaphore(%run_scoped3A : memref<!tpu.dma_semaphore, #tpu.memory_space<semaphore_mem>>) src(%arg8 : memref<128x128xf32, #tpu.memory_space<vmem>>) dst(%dma_wait3A_89 : memref<10240x128xf32, #tpu.memory_space<vmem_shared>>)
        tpu.yield
      }) : () -> ()
    }
    %scan3A_64 = arith.constant 80 : i32
    %barrier3A_65 = arith.constant 0 : index
    tpu.barrier barrier_id(%barrier3A_65)
    %mul3A_66 = arith.constant 624 : i32
    %mul3A_67 = arith.muli %arg1, %mul3A_66 : i32
    %mul3A_68 = arith.constant 10000 : i32
    %mul3A_69 = arith.muli %add3A_43, %mul3A_68 : i32
    %mul3A_70 = arith.constant 624 : i32
    %mul3A_71 = arith.muli %arg1, %mul3A_70 : i32
    %add3A_72 = arith.addi %mul3A_69, %mul3A_71 : i32
    "tpu.region"() ({
      %run_scoped3A = tpu.sem_alloc : memref<!tpu.dma_semaphore, #tpu.memory_space<semaphore_mem>>
      %dma_start3A = arith.constant 0 : i32
      %dma_start3A_79 = tpu.memref_slice %arg5[%add3A_72, %dma_start3A] : memref<40000x128xf32, #tpu.memory_space<hbm>> -> memref<624x128xf32, #tpu.memory_space<hbm>>
      %dma_start3A_80 = arith.constant 0 : i32
      %dma_start3A_81 = tpu.memref_slice %arg10[%mul3A_67, %dma_start3A_80] : memref<10240x128xf32, #tpu.memory_space<vmem_shared>> -> memref<624x128xf32, #tpu.memory_space<vmem_shared>>
      tpu.enqueue_dma source(%dma_start3A_81 : memref<624x128xf32, #tpu.memory_space<vmem_shared>>) target(%dma_start3A_79 : memref<624x128xf32, #tpu.memory_space<hbm>>) target_semaphore(%run_scoped3A : memref<!tpu.dma_semaphore, #tpu.memory_space<semaphore_mem>>)
      %dma_wait3A = arith.constant 0 : i32
      %dma_wait3A_82 = tpu.memref_slice %arg5[%add3A_72, %dma_wait3A] : memref<40000x128xf32, #tpu.memory_space<hbm>> -> memref<624x128xf32, #tpu.memory_space<hbm>>
      %dma_wait3A_83 = arith.constant 0 : i32
      %dma_wait3A_84 = tpu.memref_slice %arg10[%mul3A_67, %dma_wait3A_83] : memref<10240x128xf32, #tpu.memory_space<vmem_shared>> -> memref<624x128xf32, #tpu.memory_space<vmem_shared>>
      tpu.wait_dma2 semaphore(%run_scoped3A : memref<!tpu.dma_semaphore, #tpu.memory_space<semaphore_mem>>) src(%dma_wait3A_84 : memref<624x128xf32, #tpu.memory_space<vmem_shared>>) dst(%dma_wait3A_82 : memref<624x128xf32, #tpu.memory_space<hbm>>)
      tpu.yield
    }) : () -> ()
    %eq3A_73 = arith.constant 15 : i32
    %eq3A_74 = arith.cmpi eq, %arg1, %eq3A_73 : i32
    %convert_element_type3A_75 = arith.extui %eq3A_74 : i1 to i32
    %cond3A_76 = arith.constant 0 : i32
    %cond3A_77 = arith.cmpi ne, %convert_element_type3A_75, %cond3A_76 : i32
    scf.if %cond3A_77 {
      %mul3A_79 = arith.constant 10000 : i32
      %mul3A_80 = arith.muli %add3A_43, %mul3A_79 : i32
      %add3A_81 = arith.constant 9984 : i32
      %add3A_82 = arith.addi %mul3A_80, %add3A_81 : i32
      "tpu.region"() ({
        %run_scoped3A = tpu.sem_alloc : memref<!tpu.dma_semaphore, #tpu.memory_space<semaphore_mem>>
        %dma_start3A = arith.constant 0 : i32
        %dma_start3A_83 = tpu.memref_slice %arg5[%add3A_82, %dma_start3A] : memref<40000x128xf32, #tpu.memory_space<hbm>> -> memref<16x128xf32, #tpu.memory_space<hbm>>
        %dma_start3A_84 = arith.constant 9984 : i32
        %dma_start3A_85 = arith.constant 0 : i32
        %dma_start3A_86 = tpu.memref_slice %arg10[%dma_start3A_84, %dma_start3A_85] : memref<10240x128xf32, #tpu.memory_space<vmem_shared>> -> memref<16x128xf32, #tpu.memory_space<vmem_shared>>
        tpu.enqueue_dma source(%dma_start3A_86 : memref<16x128xf32, #tpu.memory_space<vmem_shared>>) target(%dma_start3A_83 : memref<16x128xf32, #tpu.memory_space<hbm>>) target_semaphore(%run_scoped3A : memref<!tpu.dma_semaphore, #tpu.memory_space<semaphore_mem>>)
        %dma_wait3A = arith.constant 0 : i32
        %dma_wait3A_87 = tpu.memref_slice %arg5[%add3A_82, %dma_wait3A] : memref<40000x128xf32, #tpu.memory_space<hbm>> -> memref<16x128xf32, #tpu.memory_space<hbm>>
        %dma_wait3A_88 = arith.constant 9984 : i32
        %dma_wait3A_89 = arith.constant 0 : i32
        %dma_wait3A_90 = tpu.memref_slice %arg10[%dma_wait3A_88, %dma_wait3A_89] : memref<10240x128xf32, #tpu.memory_space<vmem_shared>> -> memref<16x128xf32, #tpu.memory_space<vmem_shared>>
        tpu.wait_dma2 semaphore(%run_scoped3A : memref<!tpu.dma_semaphore, #tpu.memory_space<semaphore_mem>>) src(%dma_wait3A_90 : memref<16x128xf32, #tpu.memory_space<vmem_shared>>) dst(%dma_wait3A_87 : memref<16x128xf32, #tpu.memory_space<hbm>>)
        tpu.yield
      }) : () -> ()
    } else {
    }
    %barrier3A_78 = arith.constant 0 : index
    tpu.barrier barrier_id(%barrier3A_78)
    return
  }
}

module attributes {stable_mosaic.version = 14 : i64} {
  func.func @body(%arg0: i32, %arg1: memref<1000x256xf32, #tpu.memory_space<vmem>>, %arg2: memref<1000x256xf32, #tpu.memory_space<vmem>>, %arg3: memref<256x512xf32, #tpu.memory_space<vmem>>, %arg4: memref<1x512xf32, #tpu.memory_space<vmem>>, %arg5: memref<512x512xf32, #tpu.memory_space<vmem>>, %arg6: memref<1x512xf32, #tpu.memory_space<vmem>>, %arg7: memref<1000x512xf32, #tpu.memory_space<vmem>>) attributes {dimension_semantics = [#tpu.dimension_semantics<arbitrary>], iteration_bounds = array<i64: 10>, scalar_prefetch = 0 : i64, scratch_operands = 0 : i64, tpu.core_type = #tpu.core_type<tc>, window_params = [{transform_indices = @transform_0, window_bounds = array<i64: 1000, 256>}, {transform_indices = @transform_1, window_bounds = array<i64: 1000, 256>}, {pipeline_mode = #tpu.pipeline_mode<synchronous>, transform_indices = @transform_2, window_bounds = array<i64: 256, 512>}, {pipeline_mode = #tpu.pipeline_mode<synchronous>, transform_indices = @transform_3, window_bounds = array<i64: 1, 512>}, {pipeline_mode = #tpu.pipeline_mode<synchronous>, transform_indices = @transform_4, window_bounds = array<i64: 512, 512>}, {pipeline_mode = #tpu.pipeline_mode<synchronous>, transform_indices = @transform_5, window_bounds = array<i64: 1, 512>}, {transform_indices = @transform_6, window_bounds = array<i64: 1000, 512>}]} {
    %get3A = arith.constant 0 : index
    %get3A_0 = arith.constant 0 : index
    %get3A_1 = vector.load %arg1[%get3A, %get3A_0] : memref<1000x256xf32, #tpu.memory_space<vmem>>, vector<1000x256xf32>
    %get3A_2 = arith.constant 0 : index
    %get3A_3 = arith.constant 0 : index
    %get3A_4 = vector.load %arg2[%get3A_2, %get3A_3] : memref<1000x256xf32, #tpu.memory_space<vmem>>, vector<1000x256xf32>
    %add3A = arith.addf %get3A_1, %get3A_4 : vector<1000x256xf32>
    %get3A_5 = arith.constant 0 : index
    %get3A_6 = arith.constant 0 : index
    %get3A_7 = vector.load %arg3[%get3A_5, %get3A_6] : memref<256x512xf32, #tpu.memory_space<vmem>>, vector<256x512xf32>
    %dot_general3A = arith.constant dense<0.000000e+00> : vector<1000x512xf32>
    %dot_general3A_8 = tpu.matmul %add3A, %get3A_7, %dot_general3A {dimension_numbers = #tpu.dot_dimension_numbers<[1], [0], [0], [1], [0, 0, 1, 1], [], []>, transpose_lhs_hint = false} : vector<1000x256xf32>, vector<256x512xf32>, vector<1000x512xf32> -> vector<1000x512xf32>
    %get3A_9 = arith.constant 0 : index
    %get3A_10 = arith.constant 0 : index
    %get3A_11 = vector.load %arg4[%get3A_9, %get3A_10] : memref<1x512xf32, #tpu.memory_space<vmem>>, vector<1x512xf32>
    %add3A_12 = vector.broadcast %get3A_11 : vector<1x512xf32> to vector<1000x512xf32>
    %add3A_13 = arith.addf %dot_general3A_8, %add3A_12 : vector<1000x512xf32>
    %max3A = arith.constant 0.000000e+00 : f32
    %max3A_14 = vector.broadcast %max3A : f32 to vector<1000x512xf32>
    %max3A_15 = arith.maximumf %add3A_13, %max3A_14 : vector<1000x512xf32>
    %get3A_16 = arith.constant 0 : index
    %get3A_17 = arith.constant 0 : index
    %get3A_18 = vector.load %arg5[%get3A_16, %get3A_17] : memref<512x512xf32, #tpu.memory_space<vmem>>, vector<512x512xf32>
    %dot_general3A_19 = arith.constant dense<0.000000e+00> : vector<1000x512xf32>
    %dot_general3A_20 = tpu.matmul %max3A_15, %get3A_18, %dot_general3A_19 {dimension_numbers = #tpu.dot_dimension_numbers<[1], [0], [0], [1], [0, 0, 1, 1], [], []>, transpose_lhs_hint = false} : vector<1000x512xf32>, vector<512x512xf32>, vector<1000x512xf32> -> vector<1000x512xf32>
    %get3A_21 = arith.constant 0 : index
    %get3A_22 = arith.constant 0 : index
    %get3A_23 = vector.load %arg6[%get3A_21, %get3A_22] : memref<1x512xf32, #tpu.memory_space<vmem>>, vector<1x512xf32>
    %add3A_24 = vector.broadcast %get3A_23 : vector<1x512xf32> to vector<1000x512xf32>
    %add3A_25 = arith.addf %dot_general3A_20, %add3A_24 : vector<1000x512xf32>
    %swap3A = arith.constant 0 : index
    %swap3A_26 = arith.constant 0 : index
    %swap3A_27 = vector.load %arg7[%swap3A, %swap3A_26] : memref<1000x512xf32, #tpu.memory_space<vmem>>, vector<1000x512xf32>
    tpu.vector_store %arg7[%swap3A, %swap3A_26], %add3A_25 {strides = array<i32>} : memref<1000x512xf32, #tpu.memory_space<vmem>>, vector<1000x512xf32>,
    return
  }
  func.func @transform_0(%arg0: i32) -> (i32, i32) {
    %c0_i32 = arith.constant 0 : i32
    %c0_i32_0 = arith.constant 0 : i32
    return %arg0, %c0_i32 : i32, i32
  }
  func.func @transform_1(%arg0: i32) -> (i32, i32) {
    %c0_i32 = arith.constant 0 : i32
    %c0_i32_0 = arith.constant 0 : i32
    return %arg0, %c0_i32 : i32, i32
  }
  func.func @transform_2(%arg0: i32) -> (i32, i32) {
    %c0_i32 = arith.constant 0 : i32
    %c0_i32_0 = arith.constant 0 : i32
    %c0_i32_1 = arith.constant 0 : i32
    return %c0_i32, %c0_i32_0 : i32, i32
  }
  func.func @transform_3(%arg0: i32) -> (i32, i32) {
    %c0_i32 = arith.constant 0 : i32
    %c0_i32_0 = arith.constant 0 : i32
    %c0_i32_1 = arith.constant 0 : i32
    return %c0_i32, %c0_i32_0 : i32, i32
  }
  func.func @transform_4(%arg0: i32) -> (i32, i32) {
    %c0_i32 = arith.constant 0 : i32
    %c0_i32_0 = arith.constant 0 : i32
    %c0_i32_1 = arith.constant 0 : i32
    return %c0_i32, %c0_i32_0 : i32, i32
  }
  func.func @transform_5(%arg0: i32) -> (i32, i32) {
    %c0_i32 = arith.constant 0 : i32
    %c0_i32_0 = arith.constant 0 : i32
    %c0_i32_1 = arith.constant 0 : i32
    return %c0_i32, %c0_i32_0 : i32, i32
  }
  func.func @transform_6(%arg0: i32) -> (i32, i32) {
    %c0_i32 = arith.constant 0 : i32
    %c0_i32_0 = arith.constant 0 : i32
    return %arg0, %c0_i32 : i32, i32
  }
}

module attributes {stable_mosaic.version = 14 : i64} {
  func.func @body(%arg0: i32, %arg1: memref<1000x512xf32, #tpu.memory_space<vmem>>, %arg2: memref<1000x512xf32, #tpu.memory_space<vmem>>, %arg3: memref<512x512xf32, #tpu.memory_space<vmem>>, %arg4: memref<1x512xf32, #tpu.memory_space<vmem>>, %arg5: memref<512x512xf32, #tpu.memory_space<vmem>>, %arg6: memref<1x512xf32, #tpu.memory_space<vmem>>, %arg7: memref<1000x512xf32, #tpu.memory_space<vmem>>) attributes {dimension_semantics = [#tpu.dimension_semantics<arbitrary>], iteration_bounds = array<i64: 10>, scalar_prefetch = 0 : i64, scratch_operands = 0 : i64, tpu.core_type = #tpu.core_type<tc>, window_params = [{transform_indices = @transform_0, window_bounds = array<i64: 1000, 512>}, {transform_indices = @transform_1, window_bounds = array<i64: 1000, 512>}, {pipeline_mode = #tpu.pipeline_mode<synchronous>, transform_indices = @transform_2, window_bounds = array<i64: 512, 512>}, {pipeline_mode = #tpu.pipeline_mode<synchronous>, transform_indices = @transform_3, window_bounds = array<i64: 1, 512>}, {pipeline_mode = #tpu.pipeline_mode<synchronous>, transform_indices = @transform_4, window_bounds = array<i64: 512, 512>}, {pipeline_mode = #tpu.pipeline_mode<synchronous>, transform_indices = @transform_5, window_bounds = array<i64: 1, 512>}, {transform_indices = @transform_6, window_bounds = array<i64: 1000, 512>}]} {
    %get3A = arith.constant 0 : index
    %get3A_0 = arith.constant 0 : index
    %get3A_1 = vector.load %arg1[%get3A, %get3A_0] : memref<1000x512xf32, #tpu.memory_space<vmem>>, vector<1000x512xf32>
    %get3A_2 = arith.constant 0 : index
    %get3A_3 = arith.constant 0 : index
    %get3A_4 = vector.load %arg2[%get3A_2, %get3A_3] : memref<1000x512xf32, #tpu.memory_space<vmem>>, vector<1000x512xf32>
    %add3A = arith.addf %get3A_1, %get3A_4 : vector<1000x512xf32>
    %get3A_5 = arith.constant 0 : index
    %get3A_6 = arith.constant 0 : index
    %get3A_7 = vector.load %arg3[%get3A_5, %get3A_6] : memref<512x512xf32, #tpu.memory_space<vmem>>, vector<512x512xf32>
    %dot_general3A = arith.constant dense<0.000000e+00> : vector<1000x512xf32>
    %dot_general3A_8 = tpu.matmul %add3A, %get3A_7, %dot_general3A {dimension_numbers = #tpu.dot_dimension_numbers<[1], [0], [0], [1], [0, 0, 1, 1], [], []>, transpose_lhs_hint = false} : vector<1000x512xf32>, vector<512x512xf32>, vector<1000x512xf32> -> vector<1000x512xf32>
    %get3A_9 = arith.constant 0 : index
    %get3A_10 = arith.constant 0 : index
    %get3A_11 = vector.load %arg4[%get3A_9, %get3A_10] : memref<1x512xf32, #tpu.memory_space<vmem>>, vector<1x512xf32>
    %add3A_12 = vector.broadcast %get3A_11 : vector<1x512xf32> to vector<1000x512xf32>
    %add3A_13 = arith.addf %dot_general3A_8, %add3A_12 : vector<1000x512xf32>
    %max3A = arith.constant 0.000000e+00 : f32
    %max3A_14 = vector.broadcast %max3A : f32 to vector<1000x512xf32>
    %max3A_15 = arith.maximumf %add3A_13, %max3A_14 : vector<1000x512xf32>
    %get3A_16 = arith.constant 0 : index
    %get3A_17 = arith.constant 0 : index
    %get3A_18 = vector.load %arg5[%get3A_16, %get3A_17] : memref<512x512xf32, #tpu.memory_space<vmem>>, vector<512x512xf32>
    %dot_general3A_19 = arith.constant dense<0.000000e+00> : vector<1000x512xf32>
    %dot_general3A_20 = tpu.matmul %max3A_15, %get3A_18, %dot_general3A_19 {dimension_numbers = #tpu.dot_dimension_numbers<[1], [0], [0], [1], [0, 0, 1, 1], [], []>, transpose_lhs_hint = false} : vector<1000x512xf32>, vector<512x512xf32>, vector<1000x512xf32> -> vector<1000x512xf32>
    %get3A_21 = arith.constant 0 : index
    %get3A_22 = arith.constant 0 : index
    %get3A_23 = vector.load %arg6[%get3A_21, %get3A_22] : memref<1x512xf32, #tpu.memory_space<vmem>>, vector<1x512xf32>
    %add3A_24 = vector.broadcast %get3A_23 : vector<1x512xf32> to vector<1000x512xf32>
    %add3A_25 = arith.addf %dot_general3A_20, %add3A_24 : vector<1000x512xf32>
    %swap3A = arith.constant 0 : index
    %swap3A_26 = arith.constant 0 : index
    %swap3A_27 = vector.load %arg7[%swap3A, %swap3A_26] : memref<1000x512xf32, #tpu.memory_space<vmem>>, vector<1000x512xf32>
    tpu.vector_store %arg7[%swap3A, %swap3A_26], %add3A_25 {strides = array<i32>} : memref<1000x512xf32, #tpu.memory_space<vmem>>, vector<1000x512xf32>,
    return
  }
  func.func @transform_0(%arg0: i32) -> (i32, i32) {
    %c0_i32 = arith.constant 0 : i32
    %c0_i32_0 = arith.constant 0 : i32
    return %arg0, %c0_i32 : i32, i32
  }
  func.func @transform_1(%arg0: i32) -> (i32, i32) {
    %c0_i32 = arith.constant 0 : i32
    %c0_i32_0 = arith.constant 0 : i32
    return %arg0, %c0_i32 : i32, i32
  }
  func.func @transform_2(%arg0: i32) -> (i32, i32) {
    %c0_i32 = arith.constant 0 : i32
    %c0_i32_0 = arith.constant 0 : i32
    %c0_i32_1 = arith.constant 0 : i32
    return %c0_i32, %c0_i32_0 : i32, i32
  }
  func.func @transform_3(%arg0: i32) -> (i32, i32) {
    %c0_i32 = arith.constant 0 : i32
    %c0_i32_0 = arith.constant 0 : i32
    %c0_i32_1 = arith.constant 0 : i32
    return %c0_i32, %c0_i32_0 : i32, i32
  }
  func.func @transform_4(%arg0: i32) -> (i32, i32) {
    %c0_i32 = arith.constant 0 : i32
    %c0_i32_0 = arith.constant 0 : i32
    %c0_i32_1 = arith.constant 0 : i32
    return %c0_i32, %c0_i32_0 : i32, i32
  }
  func.func @transform_5(%arg0: i32) -> (i32, i32) {
    %c0_i32 = arith.constant 0 : i32
    %c0_i32_0 = arith.constant 0 : i32
    %c0_i32_1 = arith.constant 0 : i32
    return %c0_i32, %c0_i32_0 : i32, i32
  }
  func.func @transform_6(%arg0: i32) -> (i32, i32) {
    %c0_i32 = arith.constant 0 : i32
    %c0_i32_0 = arith.constant 0 : i32
    return %arg0, %c0_i32 : i32, i32
  }
}

module attributes {stable_mosaic.version = 14 : i64} {
  func.func @body(%arg0: i32, %arg1: memref<1000x512xf32, #tpu.memory_space<vmem>>, %arg2: memref<2x512xf32, #tpu.memory_space<vmem>>) attributes {dimension_semantics = [#tpu.dimension_semantics<arbitrary>], iteration_bounds = array<i64: 10>, scalar_prefetch = 0 : i64, scratch_operands = 0 : i64, tpu.core_type = #tpu.core_type<tc>, window_params = [{transform_indices = @transform_0, window_bounds = array<i64: 1000, 512>}, {pipeline_mode = #tpu.pipeline_mode<synchronous>, transform_indices = @transform_1, window_bounds = array<i64: 2, 512>}]} {
    %get3A = arith.constant 0 : index
    %get3A_0 = arith.constant 0 : index
    %get3A_1 = vector.load %arg1[%get3A, %get3A_0] : memref<1000x512xf32, #tpu.memory_space<vmem>>, vector<1000x512xf32>
    %reduce_sum3A = arith.constant dense<0.000000e+00> : vector<512xf32>
    %reduce_sum3A_2 = vector.multi_reduction <add>, %get3A_1, %reduce_sum3A [0] : vector<1000x512xf32> to vector<512xf32>
    %broadcast_in_dim3A = vector.shape_cast %reduce_sum3A_2 : vector<512xf32> to vector<1x512xf32>
    %mul3A = arith.mulf %get3A_1, %get3A_1 : vector<1000x512xf32>
    %reduce_sum3A_3 = arith.constant dense<0.000000e+00> : vector<512xf32>
    %reduce_sum3A_4 = vector.multi_reduction <add>, %mul3A, %reduce_sum3A_3 [0] : vector<1000x512xf32> to vector<512xf32>
    %broadcast_in_dim3A_5 = vector.shape_cast %reduce_sum3A_4 : vector<512xf32> to vector<1x512xf32>
    %concatenate3A = tpu.concatenate %broadcast_in_dim3A, %broadcast_in_dim3A_5 in 0 : vector<1x512xf32>, vector<1x512xf32> -> vector<2x512xf32>
    %eq3A = arith.constant 0 : i32
    %eq3A_6 = arith.cmpi eq, %arg0, %eq3A : i32
    %convert_element_type3A = arith.extui %eq3A_6 : i1 to i32
    %cond3A = arith.constant 0 : i32
    %cond3A_7 = arith.cmpi ne, %convert_element_type3A, %cond3A : i32
    scf.if %cond3A_7 {
      %swap3A = arith.constant 0 : index
      %swap3A_12 = arith.constant 0 : index
      %swap3A_13 = vector.load %arg2[%swap3A, %swap3A_12] : memref<2x512xf32, #tpu.memory_space<vmem>>, vector<2x512xf32>
      tpu.vector_store %arg2[%swap3A, %swap3A_12], %concatenate3A {strides = array<i32>} : memref<2x512xf32, #tpu.memory_space<vmem>>, vector<2x512xf32>,
    } else {
    }
    %ne3A = arith.constant 0 : i32
    %ne3A_8 = arith.cmpi ne, %arg0, %ne3A : i32
    %convert_element_type3A_9 = arith.extui %ne3A_8 : i1 to i32
    %cond3A_10 = arith.constant 0 : i32
    %cond3A_11 = arith.cmpi ne, %convert_element_type3A_9, %cond3A_10 : i32
    scf.if %cond3A_11 {
      %get3A_12 = arith.constant 0 : index
      %get3A_13 = arith.constant 0 : index
      %get3A_14 = vector.load %arg2[%get3A_12, %get3A_13] : memref<2x512xf32, #tpu.memory_space<vmem>>, vector<2x512xf32>
      %add3A = arith.addf %get3A_14, %concatenate3A : vector<2x512xf32>
      %swap3A = arith.constant 0 : index
      %swap3A_15 = arith.constant 0 : index
      %swap3A_16 = vector.load %arg2[%swap3A, %swap3A_15] : memref<2x512xf32, #tpu.memory_space<vmem>>, vector<2x512xf32>
      tpu.vector_store %arg2[%swap3A, %swap3A_15], %add3A {strides = array<i32>} : memref<2x512xf32, #tpu.memory_space<vmem>>, vector<2x512xf32>,
    } else {
    }
    return
  }
  func.func @transform_0(%arg0: i32) -> (i32, i32) {
    %c0_i32 = arith.constant 0 : i32
    %c0_i32_0 = arith.constant 0 : i32
    return %arg0, %c0_i32 : i32, i32
  }
  func.func @transform_1(%arg0: i32) -> (i32, i32) {
    %c0_i32 = arith.constant 0 : i32
    %c0_i32_0 = arith.constant 0 : i32
    %c0_i32_1 = arith.constant 0 : i32
    return %c0_i32, %c0_i32_0 : i32, i32
  }
}

module attributes {stable_mosaic.version = 14 : i64} {
  func.func @body(%arg0: i32, %arg1: memref<1000x512xf32, #tpu.memory_space<vmem>>, %arg2: memref<2x512xf32, #tpu.memory_space<vmem>>, %arg3: memref<1x512xf32, #tpu.memory_space<vmem>>, %arg4: memref<1x512xf32, #tpu.memory_space<vmem>>, %arg5: memref<1x1x1000xi32, #tpu.memory_space<vmem>>, %arg6: memref<1000x512xf32, #tpu.memory_space<vmem>>, %arg7: memref<64x512xf32, #tpu.memory_space<vmem>>) attributes {dimension_semantics = [#tpu.dimension_semantics<arbitrary>], iteration_bounds = array<i64: 10>, scalar_prefetch = 0 : i64, scratch_operands = 0 : i64, tpu.core_type = #tpu.core_type<tc>, window_params = [{transform_indices = @transform_0, window_bounds = array<i64: 1000, 512>}, {pipeline_mode = #tpu.pipeline_mode<synchronous>, transform_indices = @transform_1, window_bounds = array<i64: 2, 512>}, {pipeline_mode = #tpu.pipeline_mode<synchronous>, transform_indices = @transform_2, window_bounds = array<i64: 1, 512>}, {pipeline_mode = #tpu.pipeline_mode<synchronous>, transform_indices = @transform_3, window_bounds = array<i64: 1, 512>}, {transform_indices = @transform_4, window_bounds = array<i64: 1, 1, 1000>}, {transform_indices = @transform_5, window_bounds = array<i64: 1000, 512>}, {pipeline_mode = #tpu.pipeline_mode<synchronous>, transform_indices = @transform_6, window_bounds = array<i64: 64, 512>}]} {
    %get3A = arith.constant 0 : index
    %get3A_0 = arith.constant 0 : index
    %get3A_1 = vector.load %arg2[%get3A, %get3A_0] : memref<2x512xf32, #tpu.memory_space<vmem>>, vector<1x512xf32>
    %get3A_2 = vector.shape_cast %get3A_1 : vector<1x512xf32> to vector<512xf32>
    %div3A = arith.constant 1.000000e+04 : f32
    %div3A_3 = vector.broadcast %div3A : f32 to vector<512xf32>
    %div3A_4 = arith.divf %get3A_2, %div3A_3 : vector<512xf32>
    %get3A_5 = arith.constant 1 : index
    %get3A_6 = arith.constant 0 : index
    %get3A_7 = vector.load %arg2[%get3A_5, %get3A_6] : memref<2x512xf32, #tpu.memory_space<vmem>>, vector<1x512xf32>
    %get3A_8 = vector.shape_cast %get3A_7 : vector<1x512xf32> to vector<512xf32>
    %div3A_9 = arith.constant 1.000000e+04 : f32
    %div3A_10 = vector.broadcast %div3A_9 : f32 to vector<512xf32>
    %div3A_11 = arith.divf %get3A_8, %div3A_10 : vector<512xf32>
    %mul3A = arith.mulf %div3A_4, %div3A_4 : vector<512xf32>
    %sub3A = arith.subf %div3A_11, %mul3A : vector<512xf32>
    %get3A_12 = arith.constant 0 : index
    %get3A_13 = arith.constant 0 : index
    %get3A_14 = vector.load %arg3[%get3A_12, %get3A_13] : memref<1x512xf32, #tpu.memory_space<vmem>>, vector<1x512xf32>
    %get3A_15 = vector.shape_cast %get3A_14 : vector<1x512xf32> to vector<512xf32>
    %add3A = arith.constant 9.99999974E-6 : f32
    %add3A_16 = vector.broadcast %add3A : f32 to vector<512xf32>
    %add3A_17 = arith.addf %sub3A, %add3A_16 : vector<512xf32>
    %rsqrt3A = math.rsqrt %add3A_17 : vector<512xf32>
    %mul3A_18 = arith.mulf %get3A_15, %rsqrt3A : vector<512xf32>
    %get3A_19 = arith.constant 0 : index
    %get3A_20 = arith.constant 0 : index
    %get3A_21 = vector.load %arg4[%get3A_19, %get3A_20] : memref<1x512xf32, #tpu.memory_space<vmem>>, vector<1x512xf32>
    %get3A_22 = vector.shape_cast %get3A_21 : vector<1x512xf32> to vector<512xf32>
    %mul3A_23 = arith.mulf %div3A_4, %mul3A_18 : vector<512xf32>
    %sub3A_24 = arith.subf %get3A_22, %mul3A_23 : vector<512xf32>
    %get3A_25 = arith.constant 0 : index
    %get3A_26 = arith.constant 0 : index
    %get3A_27 = vector.load %arg1[%get3A_25, %get3A_26] : memref<1000x512xf32, #tpu.memory_space<vmem>>, vector<1000x512xf32>
    %broadcast_in_dim3A = vector.shape_cast %mul3A_18 : vector<512xf32> to vector<1x512xf32>
    %mul3A_28 = vector.broadcast %broadcast_in_dim3A : vector<1x512xf32> to vector<1000x512xf32>
    %mul3A_29 = arith.mulf %get3A_27, %mul3A_28 : vector<1000x512xf32>
    %broadcast_in_dim3A_30 = vector.shape_cast %sub3A_24 : vector<512xf32> to vector<1x512xf32>
    %add3A_31 = vector.broadcast %broadcast_in_dim3A_30 : vector<1x512xf32> to vector<1000x512xf32>
    %add3A_32 = arith.addf %mul3A_29, %add3A_31 : vector<1000x512xf32>
    %swap3A = arith.constant 0 : index
    %swap3A_33 = arith.constant 0 : index
    %swap3A_34 = vector.load %arg6[%swap3A, %swap3A_33] : memref<1000x512xf32, #tpu.memory_space<vmem>>, vector<1000x512xf32>
    tpu.vector_store %arg6[%swap3A, %swap3A_33], %add3A_32 {strides = array<i32>} : memref<1000x512xf32, #tpu.memory_space<vmem>>, vector<1000x512xf32>,
    %get3A_35 = arith.constant 0 : index
    %get3A_36 = arith.constant 0 : index
    %get3A_37 = arith.constant 0 : index
    %get3A_38 = vector.load %arg5[%get3A_35, %get3A_36, %get3A_37] : memref<1x1x1000xi32, #tpu.memory_space<vmem>>, vector<1x1x1000xi32>
    %get3A_39 = vector.shape_cast %get3A_38 : vector<1x1x1000xi32> to vector<1000xi32>
    %iota3A = tpu.iota {dimensions = array<i32: 0>} : vector<64x1000xi32>
    %broadcast_in_dim3A_40 = vector.shape_cast %get3A_39 : vector<1000xi32> to vector<1x1000xi32>
    %eq3A = vector.broadcast %broadcast_in_dim3A_40 : vector<1x1000xi32> to vector<64x1000xi32>
    %eq3A_41 = arith.cmpi eq, %iota3A, %eq3A : vector<64x1000xi32>
    %convert_element_type3A = arith.extui %eq3A_41 : vector<64x1000xi1> to vector<64x1000xi32>
    %convert_element_type3A_42 = arith.sitofp %convert_element_type3A : vector<64x1000xi32> to vector<64x1000xf32>
    %dot_general3A = arith.constant dense<0.000000e+00> : vector<64x512xf32>
    %dot_general3A_43 = tpu.matmul %convert_element_type3A_42, %add3A_32, %dot_general3A {dimension_numbers = #tpu.dot_dimension_numbers<[1], [0], [0], [1], [0, 0, 1, 1], [], []>, transpose_lhs_hint = false} : vector<64x1000xf32>, vector<1000x512xf32>, vector<64x512xf32> -> vector<64x512xf32>
    %eq3A_44 = arith.constant 0 : i32
    %eq3A_45 = arith.cmpi eq, %arg0, %eq3A_44 : i32
    %convert_element_type3A_46 = arith.extui %eq3A_45 : i1 to i32
    %cond3A = arith.constant 0 : i32
    %cond3A_47 = arith.cmpi ne, %convert_element_type3A_46, %cond3A : i32
    scf.if %cond3A_47 {
      %swap3A_52 = arith.constant 0 : index
      %swap3A_53 = arith.constant 0 : index
      %swap3A_54 = vector.load %arg7[%swap3A_52, %swap3A_53] : memref<64x512xf32, #tpu.memory_space<vmem>>, vector<64x512xf32>
      tpu.vector_store %arg7[%swap3A_52, %swap3A_53], %dot_general3A_43 {strides = array<i32>} : memref<64x512xf32, #tpu.memory_space<vmem>>, vector<64x512xf32>,
    } else {
    }
    %ne3A = arith.constant 0 : i32
    %ne3A_48 = arith.cmpi ne, %arg0, %ne3A : i32
    %convert_element_type3A_49 = arith.extui %ne3A_48 : i1 to i32
    %cond3A_50 = arith.constant 0 : i32
    %cond3A_51 = arith.cmpi ne, %convert_element_type3A_49, %cond3A_50 : i32
    scf.if %cond3A_51 {
      %get3A_52 = arith.constant 0 : index
      %get3A_53 = arith.constant 0 : index
      %get3A_54 = vector.load %arg7[%get3A_52, %get3A_53] : memref<64x512xf32, #tpu.memory_space<vmem>>, vector<64x512xf32>
      %add3A_55 = arith.addf %get3A_54, %dot_general3A_43 : vector<64x512xf32>
      %swap3A_56 = arith.constant 0 : index
      %swap3A_57 = arith.constant 0 : index
      %swap3A_58 = vector.load %arg7[%swap3A_56, %swap3A_57] : memref<64x512xf32, #tpu.memory_space<vmem>>, vector<64x512xf32>
      tpu.vector_store %arg7[%swap3A_56, %swap3A_57], %add3A_55 {strides = array<i32>} : memref<64x512xf32, #tpu.memory_space<vmem>>, vector<64x512xf32>,
    } else {
    }
    return
  }
  func.func @transform_0(%arg0: i32) -> (i32, i32) {
    %c0_i32 = arith.constant 0 : i32
    %c0_i32_0 = arith.constant 0 : i32
    return %arg0, %c0_i32 : i32, i32
  }
  func.func @transform_1(%arg0: i32) -> (i32, i32) {
    %c0_i32 = arith.constant 0 : i32
    %c0_i32_0 = arith.constant 0 : i32
    %c0_i32_1 = arith.constant 0 : i32
    return %c0_i32, %c0_i32_0 : i32, i32
  }
  func.func @transform_2(%arg0: i32) -> (i32, i32) {
    %c0_i32 = arith.constant 0 : i32
    %c0_i32_0 = arith.constant 0 : i32
    %c0_i32_1 = arith.constant 0 : i32
    return %c0_i32, %c0_i32_0 : i32, i32
  }
  func.func @transform_3(%arg0: i32) -> (i32, i32) {
    %c0_i32 = arith.constant 0 : i32
    %c0_i32_0 = arith.constant 0 : i32
    %c0_i32_1 = arith.constant 0 : i32
    return %c0_i32, %c0_i32_0 : i32, i32
  }
  func.func @transform_4(%arg0: i32) -> (i32, i32, i32) {
    %c0_i32 = arith.constant 0 : i32
    %c0_i32_0 = arith.constant 0 : i32
    %c0_i32_1 = arith.constant 0 : i32
    return %arg0, %c0_i32, %c0_i32_0 : i32, i32, i32
  }
  func.func @transform_5(%arg0: i32) -> (i32, i32) {
    %c0_i32 = arith.constant 0 : i32
    %c0_i32_0 = arith.constant 0 : i32
    return %arg0, %c0_i32 : i32, i32
  }
  func.func @transform_6(%arg0: i32) -> (i32, i32) {
    %c0_i32 = arith.constant 0 : i32
    %c0_i32_0 = arith.constant 0 : i32
    %c0_i32_1 = arith.constant 0 : i32
    return %c0_i32, %c0_i32_0 : i32, i32
  }
}

</mosaic_0001>

<sc_bundles>
// kernel: gather_offload_async_start.1
scs
__scs_entry_jumppad:
0x0: {  	(pc) =	sbr.rel $0x88, $3  }
0x1: {  	(tag) =	ssettag $0x0;
	lr =	simm.s32 $0x1  }
0x2: {  	[smem:$0x3F92] =	sst lr;
	_ =	strace $0xD0000000  }
0x3: {  	_ = 	snop  }
0x4: {  	_ = 	snop  }
0x5: {  	_ = 	snop  }
0x6: {  	_ = 	snop  }
0x7: {  	_ = 	snop  }
__scs_overlays_trampoline_lowered:
0x8: {  	[smem:$0x3FA1] =	sst s0  }
0x9: {  	[smem:$0x3FA2] =	sst s1  }
0xa: {  	[smem:$0x3FA3] =	sst s2  }
0xb: {  	[smem:$0x3FA4] =	sst s3  }
0xc: {  	[smem:$0x3FA5] =	sst s4  }
0xd: {  	[smem:$0x3FA6] =	sst s5  }
0xe: {  	[smem:$0x3FA7] =	sst s6  }
0xf: {  	[smem:$0x3FA8] =	sst s7  }
0x10: {  	[smem:$0x3FA9] =	sst s8  }
0x11: {  	[smem:$0x3FAA] =	sst s9;
	s0 =	simm.s32 @!p0 $0x0  }
0x12: {  	s1 =	sld [smem:$0x3F90];
	s0 =	simm.s32 @p0 $0x1  }
0x13: {  	[smem:$0x3FAB] =	sst s0;
	s0 =	simm.s32 @!p1 $0x0  }
0x14: {  	s2 =	sld [smem:$0x3F8F];
	s0 =	simm.s32 @p1 $0x1  }
0x15: {  	[smem:$0x3FAC] =	sst s0;
	s0 =	simm.s32 @!p2 $0x0  }
0x16: {  	s3 =	sld [smem:$0x3FDB];
	s0 =	simm.s32 @p2 $0x1  }
0x17: {  	s4 =	simm.s32 $0x1BF5;
	[smem:$0x3FAE] =	sst s0  }
0x18: {  	s0 =	sld [smem:$0x3F91];
	_ =	swait.ge [sflag:s4], $0x0  }
0x19: {  	s7 =	sld [smem:$0x3F92]  }
0x1a: {  	s8 =	sadd.s32 $0xFFFFE003, lr  }
0x1b: {  	s9 =	sadd.s32 $0xFFFFFEF7, lr;
	s5 =	simm.s32 $0xFFFFFFFF;
	p2 =	slt.u32 s8, $0xFFFFF086  }
0x1c: {  	p1 =	slt.u32 s9, $0xF7A;
	s5 =	simm.s32 @!p2 $0x0  }
0x1d: {  	s5 =	simm.s32 @p1 $0x1;
	p0 =	seq.s32 s7, s2  }
0x1e: {  	s7 =	smul.u32 @!p0 $0xF7A, s2;
	p2 =	seq.s32 @!p0 s5, $0x0  }
0x1f: {  	s9 =	smul.u32 $0xF7A, s1;
	s8 =	simm.s32 @!p0 $0x1BF5;
	p2 =	por !p2, p0  }
0x20: {  	[sflag:s8] =	ssyncset.s32 @!p0 $0xFFFFF086;
	s6 =	sadd.s32 @!p0 s3, s7;
	s7 =	simm.s32 @!p0 $0x108  }
0x21: {  	s3 =	sadd.s32 s3, s9;
	s6 =	sadd.s32 @!p0 $0x88, s6;
	s7 =	simm.s32 @p2 $0x1082  }
0x22: {  	[simem:s7], [sflag:s8] =	dma.local @!p0 [hbm:s6], $0xF7A  }
0x23: {  	s9 =	sor.u32 $0xD0000000, s2;
	s6 =	simm.s32 $0x108;
	_ =	swait.ge @!p0 [sflag:s8], $0x0  }
0x24: {  	s3 =	sadd.s32 $0x88, s3;
	s6 =	simm.s32 @!p1 $0x1082;
	[sflag:s4] =	ssyncset.s32 $0xFFFFF086  }
0x25: {  	[simem:s6], [sflag:s4] =	dma.local [hbm:s3], $0xF7A  }
0x26: {  	[smem:$0x3F92] =	sst s1;
	(tag) =	ssettag s2;
	_ =	strace s9  }
0x27: {  	s1 =	sld [smem:$0x3FA2]  }
0x28: {  	s2 =	sld [smem:$0x3FA3]  }
0x29: {  	s4 =	sld [smem:$0x3FA5]  }
0x2a: {  	p0 =	seq.s32 s5, $0x0;
	s5 =	sld [smem:$0x3FA6]  }
0x2b: {  	s6 =	sld [smem:$0x3FA7]  }
0x2c: {  	s7 =	sld [smem:$0x3FA8]  }
0x2d: {  	s3 =	simm.s32 $0x108;
	s8 =	sld [smem:$0x3FA9]  }
0x2e: {  	s3 =	simm.s32 @!p0 $0x1082;
	s9 =	sld [smem:$0x3FAA]  }
0x2f: {  	lr =	sadd.s32 s0, s3;
	s0 =	sld [smem:$0x3FA1]  }
0x30: {  	s3 =	sld [smem:$0x3FA4]  }
0x31: {  	[smem:$0x3FAD] =	sst s10  }
0x32: {  	s10 =	sld [smem:$0x3FAB];
	_ =	sdelay $0x3  }
0x33: {  	p0 =	seq.s32 s10, $0x1;
	s10 =	sld [smem:$0x3FAD];
	_ =	sdelay $0x3  }
0x34: {  	[smem:$0x3FAD] =	sst s10  }
0x35: {  	s10 =	sld [smem:$0x3FAC];
	_ =	sdelay $0x3  }
0x36: {  	p1 =	seq.s32 s10, $0x1;
	s10 =	sld [smem:$0x3FAD];
	_ =	sdelay $0x3  }
0x37: {  	[smem:$0x3FAD] =	sst s10  }
0x38: {  	s10 =	sld [smem:$0x3FAE]  }
0x39: {  	_ = 	snop;
	(pc) =	sbr.ind lr, $3  }
0x3a: {  	_ = 	snop  }
0x3b: {  	_ = 	snop  }
0x3c: {  	p2 =	seq.s32 s10, $0x1;
	s10 =	sld [smem:$0x3FAD]  }
0x3d: {  	_ =	shalt  }
0x3e: {  	_ =	shalt  }
0x3f: {  	_ =	shalt  }
0x40: {  	_ =	shalt  }
0x41: {  	_ =	shalt  }
0x42: {  	_ =	shalt  }
0x43: {  	_ =	shalt  }
0x44: {  	_ =	shalt  }
0x45: {  	_ =	shalt  }
0x46: {  	_ =	shalt  }
0x47: {  	_ =	shalt  }
0x48: {  	_ =	shalt  }
0x49: {  	_ =	shalt  }
0x4a: {  	_ =	shalt  }
0x4b: {  	_ =	shalt  }
0x4c: {  	_ =	shalt  }
0x4d: {  	_ =	shalt  }
0x4e: {  	_ =	shalt  }
0x4f: {  	_ =	shalt  }
0x50: {  	_ =	shalt  }
0x51: {  	_ =	shalt  }
0x52: {  	_ =	shalt  }
0x53: {  	_ =	shalt  }
0x54: {  	_ =	shalt  }
0x55: {  	_ =	shalt  }
0x56: {  	_ =	shalt  }
0x57: {  	_ =	shalt  }
0x58: {  	_ =	shalt  }
0x59: {  	_ =	shalt  }
0x5a: {  	_ =	shalt  }
0x5b: {  	_ =	shalt  }
0x5c: {  	_ =	shalt  }
0x5d: {  	_ =	shalt  }
0x5e: {  	_ =	shalt  }
0x5f: {  	_ =	shalt  }
0x60: {  	_ =	shalt  }
0x61: {  	_ =	shalt  }
0x62: {  	_ =	shalt  }
0x63: {  	_ =	shalt  }
0x64: {  	_ =	shalt  }
0x65: {  	_ =	shalt  }
0x66: {  	_ =	shalt  }
0x67: {  	_ =	shalt  }
0x68: {  	_ =	shalt  }
0x69: {  	_ =	shalt  }
0x6a: {  	_ =	shalt  }
0x6b: {  	_ =	shalt  }
0x6c: {  	_ =	shalt  }
0x6d: {  	_ =	shalt  }
0x6e: {  	_ =	shalt  }
0x6f: {  	_ =	shalt  }
0x70: {  	_ =	shalt  }
0x71: {  	_ =	shalt  }
0x72: {  	_ =	shalt  }
0x73: {  	_ =	shalt  }
0x74: {  	_ =	shalt  }
0x75: {  	_ =	shalt  }
0x76: {  	_ =	shalt  }
0x77: {  	_ =	shalt  }
0x78: {  	_ =	shalt  }
0x79: {  	_ =	shalt  }
0x7a: {  	_ =	shalt  }
0x7b: {  	_ =	shalt  }
0x7c: {  	_ =	shalt  }
0x7d: {  	_ =	shalt  }
0x7e: {  	_ =	shalt  }
0x7f: {  	_ =	shalt  }
0x80: {  	_ =	shalt  }
0x81: {  	_ =	shalt  }
0x82: {  	_ =	shalt  }
0x83: {  	_ =	shalt  }
0x84: {  	_ =	shalt  }
0x85: {  	_ =	shalt  }
0x86: {  	_ =	shalt  }
0x87: {  	_ =	shalt  }
.Lfunc_end0:
.L_simem_size_0:
called_computation.1_lowered:
.L_overlay_start_0:
0x88: {  	s2 =	sld [smem:$0x3FD9]  }
0x89: {  	s3 =	sld [smem:$0x3FFE];
	_ =	sdelay $0x1  }
0x8a: {  	s1 =	srdreg.scid  }
0x8b: {  	s0 =	sand.u32 $0x1, s1  }
0x8c: {  	s16 =	sshll.u32 s0, $0xA;
	s2 =	sadd.s32 s3, s2  }
0x8d: {  	s2 =	sadd.s32 s2, s16  }
0x8e: {  	[smem:$0x3FB9] =	sst s2  }
0x8f: {  	_ = 	snop  }
0x90: {  	(tm) =	ssettm $0x1  }
0x91: {  	s17 =	sld [smem:$0x3FFB];
	_ =	sdelay $0x3  }
0x92: {  	_ =	strace s17  }
0x93: {  	s2 =	sld [smem:$0x3FFC];
	_ =	sdelay $0x3  }
0x94: {  	_ =	strace s2  }
0x95: {  	s2 =	sld [smem:$0x3FFD];
	_ =	sdelay $0x3  }
0x96: {  	_ =	strace s2  }
0x97: {  	_ =	strace $0x8FFFFFFF  }
0x98: {  	s18 =	sld [smem:$0x3FDB];
	_ =	sdelay $0x1  }
0x99: {  	s19 =	simm.s32 $_scs_section_size  }
0x9a: {  	s4 =	simm.s32 $_size__tile_overlayer_lowered;
	s5 =	simm.s32 $_tile_overlayer_lowered  }
0x9b: {  	s22 =	simm.s32 $0x1BFF;
	s21 =	sshll.u32 s5, $0x1;
	s2 =	sadd.s32 s19, s18  }
0x9c: {  	s6 =	simm.s32 $0x0;
	s20 =	sshll.u32 s4, $0x1;
	s4 =	sadd.s32 s21, s2  }
0x9d: {  	[timem:s6], [sflag:s22] =	dma.local [hbm:s4], s20  }
0x9e: {  	_ =	swait.ge [sflag:s22], s20  }
0x9f: {  	s3 =	ssub.s32 $0x0, s20;
	[sflag:s22] =	ssyncset.done $0x0  }
0xa0: {  	[sflag:s22] =	ssyncadd.s32 s3;
	_ =	sdelay $0x1  }
0xa1: {  	s23 =	simm.s32 $0x1B8B  }
0xa2: {  	_ =	swait.ge [sflag:s23], $0x1  }
0xa3: {  	[sflag:s23] =	ssyncset.done $0x0  }
0xa4: {  	s25 =	simm.s32 $0x1B8E;
	s24 =	sld [smem:$0x3FFE];
	[sflag:s23] =	ssyncadd.s32 $0xFFFFFFFF  }
0xa5: {  	s26 =	simm.s32 $execute0_lowered;
	[smem:$0x3FD2] =	sst s25  }
0xa6: {  	s4 =	sshll.u32 s26, $0x1;
	_ =	strace $0x80000046;
	[dreg:$0x1] =	wrdreg $0xFFFFFFFF  }
0xa7: {  	s28 =	simm.s32 $_size_execute0_lowered;
	s2 =	sadd.s32 s2, s4;
	[dreg:$0x0] =	wrdreg $0x0  }
0xa8: {  	s4 =	sshll.u32 s28, $0x1;
	[dreg:$0x2] =	wrdreg s2  }
0xa9: {  	[dreg:$0x3] =	wrdreg s4  }
0xaa: {  	[dreg:$0x4] =	wrdreg $0xC0  }
0xab: {  	_ =	task [dreg:s6], $0x5FFFF  }
0xac: {  	[dreg:$0x1] =	wrdreg $0xFFFFFFFF  }
0xad: {  	[dreg:$0x0] =	wrdreg $0x60  }
0xae: {  	[dreg:$0x2] =	wrdreg s24  }
0xaf: {  	[dreg:$0x3] =	wrdreg $0x9  }
0xb0: {  	_ =	task.clear_ibuf [dreg:s6], $0x4FFFF;
	_ =	strace $0x90000046  }
0xb1: {  	s29 =	simm.s32 $0x9;
	_ =	strace $0x80000048  }
0xb2: {  	_ =	swait.ge [sflag:s29], $0x1  }
0xb3: {  	[sflag:s29] =	ssyncadd.s32 $0xFFFFFFFF  }
0xb4: {  	_ =	strace $0x90000048  }
0xb5: {  	_ =	sfence  }
0xb6: {  	s30 =	sld [smem:$0x0];
	_ =	sdelay $0x2  }
0xb7: {  	s31 =	sshll.u32 s1, $0xD;
	s1 =	sshrl.u32 s1, $0x2  }
0xb8: {  	s3 =	sand.u32 $0x4000, s31;
	s1 =	sadd.s32 s1, s30  }
0xb9: {  	s0 =	sor.u32 s3, s0;
	s1 =	sshll.u32 s1, $0x11  }
0xba: {  	s0 =	sor.u32 s1, s0  }
0xbb: {  	s0 =	sadd.s32 $0x8F2B, s0  }
0xbc: {  	[sflag:s0] =	ssyncadd.remote.s32 $0x1  }
0xbd: {  	_ =	sfence.sel $0xFFFF  }
0xbe: {  	[dreg:$0x0] =	wrdreg $0xFFFFFFFF;
	(pc) =	sbr.abs _section_cstart, $3  }
0xbf: {  	[dreg:$0x1] =	wrdreg $0xFFFFFFFF  }
0xc0: {  	_ =	task.clear_ibuf [dreg:s6], $0x2FFFF;
	_ =	strace $0x9FFFFFFF  }
0xc1: {  	(tm) =	ssettm $0x7FFFFFFF  }
tec
execute0_lowered:
.L_overlay_start_1:
0x0: {  	(tag) =	ssettag $0x1  }
0x1: {  	s0 =	srdreg.scid;
	s5 =	rddreg [dreg:$0x0]  }
0x2: {  	s1 =	stileid.u32;
	s6 =	simm.s32 $0x1;
	s9 =	simm.s32 $0x1  }
0x3: {  	s10 =	simm.s32 $0x3;
	s13 =	simm.s32 $0x0;
	s2 =	sshll.u32 s0, $0xC  }
0x4: {  	s12 =	simm.s32 $0x0;
	s3 =	sshll.u32 s1, $0xD;
	s2 =	sand.u32 $0x1000, s2  }
0x5: {  	s0 =	rddreg [dreg:$0x1];
	_ =	strace $0x80000047;
	s2 =	sor.u32 s3, s2  }
0x6: {  	s4 =	sadd.s32 $0xD200, s5;
	[sflag:s6] =	ssyncpa.u1 $0x0;
	s8 =	ssub.s32 $0x28000, s2  }
.Ltmp0:
0x7: {  	s3 =	sadd.s32 $0x8200, s5;
	s7 =	sand.u32 $0x1F000, s8;
	(pc) =	sbr.rel .LBB2_1-.Ltmp0, $4  }
0x8: {  	s5 =	sadd.s32 $0x12200, s5;
	s11 =	smov.u32 s2;
	p0 =	sne.s32 s7, $0x0  }
0x9: {  	s8 =	sshrl.u32 s8, $0x11;
	s7 =	simm.s32 $0x2;
	s9 =	simm.s32 @!p0 $0x0  }
0xa: {  	[sflag:s7] =	ssyncpa.u1 $0x0;
	p0 =	por $0x0, $0x0;
	s8 =	sadd.s32 s9, s8  }
0xb: {  	vm0 =	vmmov $0xffff;
	[sflag:s10] =	ssyncpa.u1 $0x0;
	s10 =	simm.s32 $0x0;
	s9 =	sadd.s32 $0x1, s8  }
.LBB2_4:
0xc: {  	v2 =	vnsel vm1, $0x0, v2  }
0xd: {  	vm1 =	vgt.s32 v0, $0x0;
	v2 =	vmin.u32 v2, $0x27FFF  }
0xe: {  	v0 =	vnsel vm1, $0x0, v0  }
0xf: {  	v0 =	vmin.u32 v0, $0x27FFF  }
0x10: {  	[tilespmem:s15], [sflag:$0x1] =	stream.indirect_vreg.gather [hbm4b:s3+s10], $0x1, v1, vm0, $0x4038;
	[tilespmem:$0x4000] =	vst v63  }
0x11: {  	(ifvalue) =	ssetifvalue $0x7FFFFFFF  }
0x12: {  	[tilespmem:s16], [sflag:$0x1] =	stream.indirect_vreg.gather [hbm4b:s3+s10], $0x1, v2, vm0, $0x4038;
	[tilespmem:$0x4000] =	vst v63  }
0x13: {  	s29 =	sadd.s32 $0x10, s16;
	(ifvalue) =	ssetifvalue $0x7FFFFFFF  }
0x14: {  	[tilespmem:s29], [sflag:$0x1] =	stream.indirect_vreg.gather [hbm4b:s3+s10], $0x1, v0, vm0, $0x4038;
	[tilespmem:$0x4000] =	vst v63  }
0x15: {  	_ =	swait.ge [sflag:s6], $0x1000  }
0x16: {  	s30 =	sshrl.u32 s13, $0x3;
	[sflag:s6] =	ssyncset.done $0x0  }
0x17: {  	s31 =	sand.u32 $0x7, s13;
	s15 =	sadd.s32 s5, s30;
	[sflag:s6] =	ssyncadd.s32 $0xFFFFF000  }
0x18: {  	[hbm4b:s15+s31] =	stream.linear.scatter [tilespmem:s14], [sflag:$0x3], $0x1000, $0x38;
	[tilespmem:$0x4000] =	vst v63  }
.LBB2_5:
0x19: {  	s15 =	sadd.s32 $0x20000, s11  }
0x1a: {  	p2 =	sgt.s32 s15, $0x27FFF  }
0x1b: {  	s15 =	smov.u32 @p2 s2;
	p2 =	sne.s32 s12, s9  }
.Ltmp1:
0x1c: {  	p1 =	slt.u32 s12, $0x2;
	(pc) =	sbr.rel @!p2 .LBB2_6-.Ltmp1, $4  }
0x1d: {  	s14 =	simm.s32 @!p1 $0x3  }
0x1e: {  	s16 =	sadd.s32 $0x1, s12;
	_ =	swait.ge @!p1 [sflag:s14], $0x1000  }
0x1f: {  	s13 =	smov.u32 s11;
	p0 =	por !p0, !p0;
	[sflag:s14] =	ssyncset.done @!p1 $0x0  }
0x20: {  	s12 =	smov.u32 s16;
	s11 =	smov.u32 s15;
	[sflag:s14] =	ssyncadd.s32 @!p1 $0xFFFFF000  }
.LBB2_1:
0x21: {  	p1 =	sge.u32 s12, s8  }
0x22: {  	s14 =	sxor.u32 @!p1 $0xFFFFFFFF, s12  }
0x23: {  	s31 =	sadd.s32 $0xFFFFFFFF, s12;
	s15 =	sshrl.u32 @!p1 s11, $0x3;
	s14 =	sshll.u32 @!p1 s14, $0xC  }
0x24: {  	s16 =	sand.u32 @!p1 $0x7, s11;
	s15 =	sadd.s32 @!p1 s4, s15;
	s14 =	sand.u32 @!p1 $0x1000, s14  }
0x25: {  	[tilespmem:s14], [sflag:$0x2] =	stream.linear.gather @!p1 [hbm4b:s15+s16], $0x1000, $0x38;
	[tilespmem:$0x4000] =	vst v63  }
0x26: {  	p1 =	sge.u32 s31, s8  }
.Ltmp2:
0x27: {  	_ = 	snop;
	(pc) =	sbr.rel @p1 .LBB2_5-.Ltmp2, $1  }
0x28: {  	_ =	sdelay $0x3  }
0x29: {  	s14 =	simm.s32 $0x1  }
0x2a: {  	_ =	swait.ge [sflag:s7], $0x1000;
	s14 =	simm.s32 @!p0 $0x0  }
0x2b: {  	[sflag:s7] =	ssyncset.done $0x0;
	s14 =	sshll.u32 s14, $0xC  }
0x2c: {  	[sflag:s7] =	ssyncadd.s32 $0xFFFFF000;
	(ifvalue) =	ssetifvalue $0x7FFFFFFF;
	v0 =	vld.msk [tilespmem:s14+$0x0 ss:$0x1], $0xffff;
	_ =	sdelay $0x4  }
0x2d: {  	s15 =	sadd.s32 $0x10, s14;
	vm1 =	vgt.s32 v0, $0x0  }
0x2e: {  	v2 =	vld.msk [tilespmem:s15+$0x0 ss:$0x1], $0xffff;
	v1 =	vnsel vm1, $0x0, v0  }
0x2f: {  	v1 =	vmin.u32 v1, $0x27FFF;
	_ =	sdelay $0x1  }
0x30: {  	s16 =	sshll.u32 s12, $0xC;
	s18 =	simm.s32 $0x20  }
0x31: {  	s16 =	sand.u32 $0x1000, s16;
	s17 =	sadd.s32 $0x10, s15;
	s15 =	sor.u32 $0x2000, s14  }
0x32: {  	s14 =	sor.u32 $0x2000, s16;
	s16 =	sadd.s32 $0x10, s15;
	v0 =	vld.msk [tilespmem:s17+$0x0 ss:$0x1], $0xffff;
	vm1 =	vgt.s32 v2, $0x0;
	(ifvalue) =	ssetifvalue $0x7FFFFFFF  }
.LBB2_3:
0x33: {  	[tilespmem:s15], [sflag:$0x1] =	stream.indirect_vreg.gather [hbm4b:s3+s10], $0x1, v1, vm0, $0x4038;
	[tilespmem:$0x4000] =	vst v63  }
0x34: {  	s18 =	sadd.s32 $0x10, s18  }
0x35: {  	v2 =	vnsel vm1, $0x0, v2;
	p1 =	slt.u32 s18, $0xFF0  }
.Ltmp3:
0x36: {  	s15 =	smov.u32 s16;
	v1 =	vmin.u32 v2, $0x27FFF;
	(pc) =	sbr.rel @p1 .LBB2_3-.Ltmp3, $3  }
0x37: {  	_ =	sdelay $0x1  }
0x38: {  	s17 =	sadd.s32 $0x10, s17  }
0x39: {  	vm1 =	vgt.s32 v0, $0x0;
	s16 =	sadd.s32 $0x10, s16;
	v2 =	vmov v0;
	(ifvalue) =	ssetifvalue $0x7FFFFFFF;
	v0 =	vld.msk [tilespmem:s17+$0x0 ss:$0x1], $0xffff  }
.Ltmp4:
0x3a: {  	_ = 	snop;
	(pc) =	sbr.rel .LBB2_4-.Ltmp4, $1  }
0x3b: {  	_ =	sdelay $0x3  }
.LBB2_6:
0x3c: {  	_ =	sfence.sel $0x180000  }
0x3d: {  	s2 =	simm.s32 $0x2;
	[bflag:$0x0] =	sbarrier.arrive $0xFFFF  }
0x3e: {  	s30 =	simm.s32 $0x3;
	[sflag:s2] =	ssyncpa.u1 $0x1  }
0x3f: {  	s31 =	simm.s32 $0x1;
	[sflag:s30] =	ssyncpa.u1 $0x1  }
0x40: {  	[sflag:s31] =	ssyncpa.u1 $0x1  }
0x41: {  	p0 =	sne.s32 s1, $0x0;
	_ =	strace $0x90000047  }
0x42: {  	s0 =	sadd.s32 @!p0 $0x100000, s0;
	[bflag:$0x2] =	sbarrier.arrive $0xFFFF  }
0x43: {  	[sflag:s0] =	ssyncadd.tile.s32 @!p0 $0x1;
	_ =	shalt  }
.Lfunc_end2:
_tile_overlayer_lowered:
.L_overlay_start_2:
0x44: {  	(tag) =	ssettag $0x2  }
0x45: {  	s0 =	rddreg [dreg:$0x0];
	s2 =	stileid.u32  }
0x46: {  	s1 =	rddreg [dreg:$0x1];
	p0 =	sne.s32 s2, $0x0  }
0x47: {  	s3 =	rddreg [dreg:$0x2];
	[bflag:$0x3] =	sbarrier.arrive $0xFFFF;
	s2 =	simm.s32 @!p0 $0x1C01  }
0x48: {  	[timem:s3], [sflag:s2] =	dma.local @!p0 [hbm:s0], s1  }
0x49: {  	s0 =	simm.s32 @!p0 $0x1  }
0x4a: {  	_ =	swait.ge @!p0 [sflag:s0], s1  }
0x4b: {  	s1 =	ssub.s32 @!p0 $0x0, s1;
	[sflag:s0] =	ssyncset.done @!p0 $0x0  }
0x4c: {  	[sflag:s0] =	ssyncadd.s32 @!p0 s1  }
0x4d: {  	[bflag:$0x3] =	sbarrier.arrive $0xFFFF  }
0x4e: {  	_ =	shalt  }

// kernel: gather_offload_async_start
scs
__scs_entry_jumppad:
0x0: {  	(pc) =	sbr.rel $0x88, $3  }
0x1: {  	(tag) =	ssettag $0x0;
	lr =	simm.s32 $0x1  }
0x2: {  	[smem:$0x3F92] =	sst lr;
	_ =	strace $0xD0000000  }
0x3: {  	_ = 	snop  }
0x4: {  	_ = 	snop  }
0x5: {  	_ = 	snop  }
0x6: {  	_ = 	snop  }
0x7: {  	_ = 	snop  }
__scs_overlays_trampoline_lowered:
0x8: {  	[smem:$0x3FA1] =	sst s0  }
0x9: {  	[smem:$0x3FA2] =	sst s1  }
0xa: {  	[smem:$0x3FA3] =	sst s2  }
0xb: {  	[smem:$0x3FA4] =	sst s3  }
0xc: {  	[smem:$0x3FA5] =	sst s4  }
0xd: {  	[smem:$0x3FA6] =	sst s5  }
0xe: {  	[smem:$0x3FA7] =	sst s6  }
0xf: {  	[smem:$0x3FA8] =	sst s7  }
0x10: {  	[smem:$0x3FA9] =	sst s8  }
0x11: {  	[smem:$0x3FAA] =	sst s9;
	s0 =	simm.s32 @!p0 $0x0  }
0x12: {  	s1 =	sld [smem:$0x3F90];
	s0 =	simm.s32 @p0 $0x1  }
0x13: {  	[smem:$0x3FAB] =	sst s0;
	s0 =	simm.s32 @!p1 $0x0  }
0x14: {  	s2 =	sld [smem:$0x3F8F];
	s0 =	simm.s32 @p1 $0x1  }
0x15: {  	[smem:$0x3FAC] =	sst s0;
	s0 =	simm.s32 @!p2 $0x0  }
0x16: {  	s3 =	sld [smem:$0x3FDB];
	s0 =	simm.s32 @p2 $0x1  }
0x17: {  	s4 =	simm.s32 $0x1BF5;
	[smem:$0x3FAE] =	sst s0  }
0x18: {  	s0 =	sld [smem:$0x3F91];
	_ =	swait.ge [sflag:s4], $0x0  }
0x19: {  	s7 =	sld [smem:$0x3F92]  }
0x1a: {  	s8 =	sadd.s32 $0xFFFFE003, lr  }
0x1b: {  	s9 =	sadd.s32 $0xFFFFFEF7, lr;
	s5 =	simm.s32 $0xFFFFFFFF;
	p2 =	slt.u32 s8, $0xFFFFF086  }
0x1c: {  	p1 =	slt.u32 s9, $0xF7A;
	s5 =	simm.s32 @!p2 $0x0  }
0x1d: {  	s5 =	simm.s32 @p1 $0x1;
	p0 =	seq.s32 s7, s2  }
0x1e: {  	s7 =	smul.u32 @!p0 $0xF7A, s2;
	p2 =	seq.s32 @!p0 s5, $0x0  }
0x1f: {  	s9 =	smul.u32 $0xF7A, s1;
	s8 =	simm.s32 @!p0 $0x1BF5;
	p2 =	por !p2, p0  }
0x20: {  	[sflag:s8] =	ssyncset.s32 @!p0 $0xFFFFF086;
	s6 =	sadd.s32 @!p0 s3, s7;
	s7 =	simm.s32 @!p0 $0x108  }
0x21: {  	s3 =	sadd.s32 s3, s9;
	s6 =	sadd.s32 @!p0 $0x88, s6;
	s7 =	simm.s32 @p2 $0x1082  }
0x22: {  	[simem:s7], [sflag:s8] =	dma.local @!p0 [hbm:s6], $0xF7A  }
0x23: {  	s9 =	sor.u32 $0xD0000000, s2;
	s6 =	simm.s32 $0x108;
	_ =	swait.ge @!p0 [sflag:s8], $0x0  }
0x24: {  	s3 =	sadd.s32 $0x88, s3;
	s6 =	simm.s32 @!p1 $0x1082;
	[sflag:s4] =	ssyncset.s32 $0xFFFFF086  }
0x25: {  	[simem:s6], [sflag:s4] =	dma.local [hbm:s3], $0xF7A  }
0x26: {  	[smem:$0x3F92] =	sst s1;
	(tag) =	ssettag s2;
	_ =	strace s9  }
0x27: {  	s1 =	sld [smem:$0x3FA2]  }
0x28: {  	s2 =	sld [smem:$0x3FA3]  }
0x29: {  	s4 =	sld [smem:$0x3FA5]  }
0x2a: {  	p0 =	seq.s32 s5, $0x0;
	s5 =	sld [smem:$0x3FA6]  }
0x2b: {  	s6 =	sld [smem:$0x3FA7]  }
0x2c: {  	s7 =	sld [smem:$0x3FA8]  }
0x2d: {  	s3 =	simm.s32 $0x108;
	s8 =	sld [smem:$0x3FA9]  }
0x2e: {  	s3 =	simm.s32 @!p0 $0x1082;
	s9 =	sld [smem:$0x3FAA]  }
0x2f: {  	lr =	sadd.s32 s0, s3;
	s0 =	sld [smem:$0x3FA1]  }
0x30: {  	s3 =	sld [smem:$0x3FA4]  }
0x31: {  	[smem:$0x3FAD] =	sst s10  }
0x32: {  	s10 =	sld [smem:$0x3FAB];
	_ =	sdelay $0x3  }
0x33: {  	p0 =	seq.s32 s10, $0x1;
	s10 =	sld [smem:$0x3FAD];
	_ =	sdelay $0x3  }
0x34: {  	[smem:$0x3FAD] =	sst s10  }
0x35: {  	s10 =	sld [smem:$0x3FAC];
	_ =	sdelay $0x3  }
0x36: {  	p1 =	seq.s32 s10, $0x1;
	s10 =	sld [smem:$0x3FAD];
	_ =	sdelay $0x3  }
0x37: {  	[smem:$0x3FAD] =	sst s10  }
0x38: {  	s10 =	sld [smem:$0x3FAE]  }
0x39: {  	_ = 	snop;
	(pc) =	sbr.ind lr, $3  }
0x3a: {  	_ = 	snop  }
0x3b: {  	_ = 	snop  }
0x3c: {  	p2 =	seq.s32 s10, $0x1;
	s10 =	sld [smem:$0x3FAD]  }
0x3d: {  	_ =	shalt  }
0x3e: {  	_ =	shalt  }
0x3f: {  	_ =	shalt  }
0x40: {  	_ =	shalt  }
0x41: {  	_ =	shalt  }
0x42: {  	_ =	shalt  }
0x43: {  	_ =	shalt  }
0x44: {  	_ =	shalt  }
0x45: {  	_ =	shalt  }
0x46: {  	_ =	shalt  }
0x47: {  	_ =	shalt  }
0x48: {  	_ =	shalt  }
0x49: {  	_ =	shalt  }
0x4a: {  	_ =	shalt  }
0x4b: {  	_ =	shalt  }
0x4c: {  	_ =	shalt  }
0x4d: {  	_ =	shalt  }
0x4e: {  	_ =	shalt  }
0x4f: {  	_ =	shalt  }
0x50: {  	_ =	shalt  }
0x51: {  	_ =	shalt  }
0x52: {  	_ =	shalt  }
0x53: {  	_ =	shalt  }
0x54: {  	_ =	shalt  }
0x55: {  	_ =	shalt  }
0x56: {  	_ =	shalt  }
0x57: {  	_ =	shalt  }
0x58: {  	_ =	shalt  }
0x59: {  	_ =	shalt  }
0x5a: {  	_ =	shalt  }
0x5b: {  	_ =	shalt  }
0x5c: {  	_ =	shalt  }
0x5d: {  	_ =	shalt  }
0x5e: {  	_ =	shalt  }
0x5f: {  	_ =	shalt  }
0x60: {  	_ =	shalt  }
0x61: {  	_ =	shalt  }
0x62: {  	_ =	shalt  }
0x63: {  	_ =	shalt  }
0x64: {  	_ =	shalt  }
0x65: {  	_ =	shalt  }
0x66: {  	_ =	shalt  }
0x67: {  	_ =	shalt  }
0x68: {  	_ =	shalt  }
0x69: {  	_ =	shalt  }
0x6a: {  	_ =	shalt  }
0x6b: {  	_ =	shalt  }
0x6c: {  	_ =	shalt  }
0x6d: {  	_ =	shalt  }
0x6e: {  	_ =	shalt  }
0x6f: {  	_ =	shalt  }
0x70: {  	_ =	shalt  }
0x71: {  	_ =	shalt  }
0x72: {  	_ =	shalt  }
0x73: {  	_ =	shalt  }
0x74: {  	_ =	shalt  }
0x75: {  	_ =	shalt  }
0x76: {  	_ =	shalt  }
0x77: {  	_ =	shalt  }
0x78: {  	_ =	shalt  }
0x79: {  	_ =	shalt  }
0x7a: {  	_ =	shalt  }
0x7b: {  	_ =	shalt  }
0x7c: {  	_ =	shalt  }
0x7d: {  	_ =	shalt  }
0x7e: {  	_ =	shalt  }
0x7f: {  	_ =	shalt  }
0x80: {  	_ =	shalt  }
0x81: {  	_ =	shalt  }
0x82: {  	_ =	shalt  }
0x83: {  	_ =	shalt  }
0x84: {  	_ =	shalt  }
0x85: {  	_ =	shalt  }
0x86: {  	_ =	shalt  }
0x87: {  	_ =	shalt  }
.Lfunc_end0:
.L_simem_size_0:
called_computation_lowered:
.L_overlay_start_0:
0x88: {  	s2 =	sld [smem:$0x3FD9]  }
0x89: {  	s3 =	sld [smem:$0x3FFE];
	_ =	sdelay $0x1  }
0x8a: {  	s1 =	srdreg.scid  }
0x8b: {  	s0 =	sand.u32 $0x1, s1  }
0x8c: {  	s16 =	sshll.u32 s0, $0xA;
	s2 =	sadd.s32 s3, s2  }
0x8d: {  	s2 =	sadd.s32 s2, s16  }
0x8e: {  	[smem:$0x3FB9] =	sst s2  }
0x8f: {  	_ = 	snop  }
0x90: {  	(tm) =	ssettm $0x1  }
0x91: {  	s17 =	sld [smem:$0x3FFB];
	_ =	sdelay $0x3  }
0x92: {  	_ =	strace s17  }
0x93: {  	s2 =	sld [smem:$0x3FFC];
	_ =	sdelay $0x3  }
0x94: {  	_ =	strace s2  }
0x95: {  	s2 =	sld [smem:$0x3FFD];
	_ =	sdelay $0x3  }
0x96: {  	_ =	strace s2  }
0x97: {  	_ =	strace $0x8FFFFFFF  }
0x98: {  	s18 =	sld [smem:$0x3FDB];
	_ =	sdelay $0x1  }
0x99: {  	s19 =	simm.s32 $_scs_section_size  }
0x9a: {  	s4 =	simm.s32 $_size__tile_overlayer_lowered;
	s5 =	simm.s32 $_tile_overlayer_lowered  }
0x9b: {  	s22 =	simm.s32 $0x1BFF;
	s21 =	sshll.u32 s5, $0x1;
	s2 =	sadd.s32 s19, s18  }
0x9c: {  	s6 =	simm.s32 $0x0;
	s20 =	sshll.u32 s4, $0x1;
	s4 =	sadd.s32 s21, s2  }
0x9d: {  	[timem:s6], [sflag:s22] =	dma.local [hbm:s4], s20  }
0x9e: {  	_ =	swait.ge [sflag:s22], s20  }
0x9f: {  	s3 =	ssub.s32 $0x0, s20;
	[sflag:s22] =	ssyncset.done $0x0  }
0xa0: {  	[sflag:s22] =	ssyncadd.s32 s3;
	_ =	sdelay $0x1  }
0xa1: {  	s23 =	simm.s32 $0x1B8B  }
0xa2: {  	_ =	swait.ge [sflag:s23], $0x1  }
0xa3: {  	[sflag:s23] =	ssyncset.done $0x0  }
0xa4: {  	s25 =	simm.s32 $0x1B8E;
	s24 =	sld [smem:$0x3FFE];
	[sflag:s23] =	ssyncadd.s32 $0xFFFFFFFF  }
0xa5: {  	s26 =	simm.s32 $execute0_lowered;
	[smem:$0x3FD2] =	sst s25  }
0xa6: {  	s4 =	sshll.u32 s26, $0x1;
	_ =	strace $0x80000049;
	[dreg:$0x1] =	wrdreg $0xFFFFFFFF  }
0xa7: {  	s28 =	simm.s32 $_size_execute0_lowered;
	s2 =	sadd.s32 s2, s4;
	[dreg:$0x0] =	wrdreg $0x0  }
0xa8: {  	s4 =	sshll.u32 s28, $0x1;
	[dreg:$0x2] =	wrdreg s2  }
0xa9: {  	[dreg:$0x3] =	wrdreg s4  }
0xaa: {  	[dreg:$0x4] =	wrdreg $0xC0  }
0xab: {  	_ =	task [dreg:s6], $0x5FFFF  }
0xac: {  	[dreg:$0x1] =	wrdreg $0xFFFFFFFF  }
0xad: {  	[dreg:$0x0] =	wrdreg $0x60  }
0xae: {  	[dreg:$0x2] =	wrdreg s24  }
0xaf: {  	[dreg:$0x3] =	wrdreg $0x9  }
0xb0: {  	_ =	task.clear_ibuf [dreg:s6], $0x4FFFF;
	_ =	strace $0x90000049  }
0xb1: {  	s29 =	simm.s32 $0x9;
	_ =	strace $0x8000004B  }
0xb2: {  	_ =	swait.ge [sflag:s29], $0x1  }
0xb3: {  	[sflag:s29] =	ssyncadd.s32 $0xFFFFFFFF  }
0xb4: {  	_ =	strace $0x9000004B  }
0xb5: {  	_ =	sfence  }
0xb6: {  	s30 =	sld [smem:$0x0];
	_ =	sdelay $0x2  }
0xb7: {  	s31 =	sshll.u32 s1, $0xD;
	s1 =	sshrl.u32 s1, $0x2  }
0xb8: {  	s3 =	sand.u32 $0x4000, s31;
	s1 =	sadd.s32 s1, s30  }
0xb9: {  	s0 =	sor.u32 s3, s0;
	s1 =	sshll.u32 s1, $0x11  }
0xba: {  	s0 =	sor.u32 s1, s0  }
0xbb: {  	s0 =	sadd.s32 $0x8F2B, s0  }
0xbc: {  	[sflag:s0] =	ssyncadd.remote.s32 $0x1  }
0xbd: {  	_ =	sfence.sel $0xFFFF  }
0xbe: {  	[dreg:$0x0] =	wrdreg $0xFFFFFFFF;
	(pc) =	sbr.abs _section_cstart, $3  }
0xbf: {  	[dreg:$0x1] =	wrdreg $0xFFFFFFFF  }
0xc0: {  	_ =	task.clear_ibuf [dreg:s6], $0x2FFFF;
	_ =	strace $0x9FFFFFFF  }
0xc1: {  	(tm) =	ssettm $0x7FFFFFFF  }
tec
execute0_lowered:
.L_overlay_start_1:
0x0: {  	(tag) =	ssettag $0x1  }
0x1: {  	s0 =	srdreg.scid;
	s5 =	rddreg [dreg:$0x0]  }
0x2: {  	s1 =	stileid.u32;
	s6 =	simm.s32 $0x1;
	s9 =	simm.s32 $0x1  }
0x3: {  	s10 =	simm.s32 $0x3;
	s13 =	simm.s32 $0x0;
	s2 =	sshll.u32 s0, $0xC  }
0x4: {  	s12 =	simm.s32 $0x0;
	s3 =	sshll.u32 s1, $0xD;
	s2 =	sand.u32 $0x1000, s2  }
0x5: {  	s0 =	rddreg [dreg:$0x1];
	_ =	strace $0x8000004A;
	s2 =	sor.u32 s3, s2  }
0x6: {  	s4 =	sadd.s32 $0xD200, s5;
	[sflag:s6] =	ssyncpa.u1 $0x0;
	s8 =	ssub.s32 $0x28000, s2  }
.Ltmp0:
0x7: {  	s3 =	sadd.s32 $0x17200, s5;
	s7 =	sand.u32 $0x1F000, s8;
	(pc) =	sbr.rel .LBB2_1-.Ltmp0, $4  }
0x8: {  	s5 =	sadd.s32 $0x8200, s5;
	s11 =	smov.u32 s2;
	p0 =	sne.s32 s7, $0x0  }
0x9: {  	s8 =	sshrl.u32 s8, $0x11;
	s7 =	simm.s32 $0x2;
	s9 =	simm.s32 @!p0 $0x0  }
0xa: {  	[sflag:s7] =	ssyncpa.u1 $0x0;
	p0 =	por $0x0, $0x0;
	s8 =	sadd.s32 s9, s8  }
0xb: {  	vm0 =	vmmov $0xffff;
	[sflag:s10] =	ssyncpa.u1 $0x0;
	s10 =	simm.s32 $0x0;
	s9 =	sadd.s32 $0x1, s8  }
.LBB2_4:
0xc: {  	v2 =	vnsel vm1, $0x0, v2  }
0xd: {  	vm1 =	vgt.s32 v0, $0x0;
	v2 =	vmin.u32 v2, $0x27FFF  }
0xe: {  	v0 =	vnsel vm1, $0x0, v0  }
0xf: {  	v0 =	vmin.u32 v0, $0x27FFF  }
0x10: {  	[tilespmem:s15], [sflag:$0x1] =	stream.indirect_vreg.gather [hbm4b:s3+s10], $0x1, v1, vm0, $0x4038;
	[tilespmem:$0x4000] =	vst v63  }
0x11: {  	(ifvalue) =	ssetifvalue $0x7FFFFFFF  }
0x12: {  	[tilespmem:s16], [sflag:$0x1] =	stream.indirect_vreg.gather [hbm4b:s3+s10], $0x1, v2, vm0, $0x4038;
	[tilespmem:$0x4000] =	vst v63  }
0x13: {  	s29 =	sadd.s32 $0x10, s16;
	(ifvalue) =	ssetifvalue $0x7FFFFFFF  }
0x14: {  	[tilespmem:s29], [sflag:$0x1] =	stream.indirect_vreg.gather [hbm4b:s3+s10], $0x1, v0, vm0, $0x4038;
	[tilespmem:$0x4000] =	vst v63  }
0x15: {  	_ =	swait.ge [sflag:s6], $0x1000  }
0x16: {  	s30 =	sshrl.u32 s13, $0x3;
	[sflag:s6] =	ssyncset.done $0x0  }
0x17: {  	s31 =	sand.u32 $0x7, s13;
	s15 =	sadd.s32 s5, s30;
	[sflag:s6] =	ssyncadd.s32 $0xFFFFF000  }
0x18: {  	[hbm4b:s15+s31] =	stream.linear.scatter [tilespmem:s14], [sflag:$0x3], $0x1000, $0x38;
	[tilespmem:$0x4000] =	vst v63  }
.LBB2_5:
0x19: {  	s15 =	sadd.s32 $0x20000, s11  }
0x1a: {  	p2 =	sgt.s32 s15, $0x27FFF  }
0x1b: {  	s15 =	smov.u32 @p2 s2;
	p2 =	sne.s32 s12, s9  }
.Ltmp1:
0x1c: {  	p1 =	slt.u32 s12, $0x2;
	(pc) =	sbr.rel @!p2 .LBB2_6-.Ltmp1, $4  }
0x1d: {  	s14 =	simm.s32 @!p1 $0x3  }
0x1e: {  	s16 =	sadd.s32 $0x1, s12;
	_ =	swait.ge @!p1 [sflag:s14], $0x1000  }
0x1f: {  	s13 =	smov.u32 s11;
	p0 =	por !p0, !p0;
	[sflag:s14] =	ssyncset.done @!p1 $0x0  }
0x20: {  	s12 =	smov.u32 s16;
	s11 =	smov.u32 s15;
	[sflag:s14] =	ssyncadd.s32 @!p1 $0xFFFFF000  }
.LBB2_1:
0x21: {  	p1 =	sge.u32 s12, s8  }
0x22: {  	s14 =	sxor.u32 @!p1 $0xFFFFFFFF, s12  }
0x23: {  	s31 =	sadd.s32 $0xFFFFFFFF, s12;
	s15 =	sshrl.u32 @!p1 s11, $0x3;
	s14 =	sshll.u32 @!p1 s14, $0xC  }
0x24: {  	s16 =	sand.u32 @!p1 $0x7, s11;
	s15 =	sadd.s32 @!p1 s4, s15;
	s14 =	sand.u32 @!p1 $0x1000, s14  }
0x25: {  	[tilespmem:s14], [sflag:$0x2] =	stream.linear.gather @!p1 [hbm4b:s15+s16], $0x1000, $0x38;
	[tilespmem:$0x4000] =	vst v63  }
0x26: {  	p1 =	sge.u32 s31, s8  }
.Ltmp2:
0x27: {  	_ = 	snop;
	(pc) =	sbr.rel @p1 .LBB2_5-.Ltmp2, $1  }
0x28: {  	_ =	sdelay $0x3  }
0x29: {  	s14 =	simm.s32 $0x1  }
0x2a: {  	_ =	swait.ge [sflag:s7], $0x1000;
	s14 =	simm.s32 @!p0 $0x0  }
0x2b: {  	[sflag:s7] =	ssyncset.done $0x0;
	s14 =	sshll.u32 s14, $0xC  }
0x2c: {  	[sflag:s7] =	ssyncadd.s32 $0xFFFFF000;
	(ifvalue) =	ssetifvalue $0x7FFFFFFF;
	v0 =	vld.msk [tilespmem:s14+$0x0 ss:$0x1], $0xffff;
	_ =	sdelay $0x4  }
0x2d: {  	s15 =	sadd.s32 $0x10, s14;
	vm1 =	vgt.s32 v0, $0x0  }
0x2e: {  	v2 =	vld.msk [tilespmem:s15+$0x0 ss:$0x1], $0xffff;
	v1 =	vnsel vm1, $0x0, v0  }
0x2f: {  	v1 =	vmin.u32 v1, $0x27FFF;
	_ =	sdelay $0x1  }
0x30: {  	s16 =	sshll.u32 s12, $0xC;
	s18 =	simm.s32 $0x20  }
0x31: {  	s16 =	sand.u32 $0x1000, s16;
	s17 =	sadd.s32 $0x10, s15;
	s15 =	sor.u32 $0x2000, s14  }
0x32: {  	s14 =	sor.u32 $0x2000, s16;
	s16 =	sadd.s32 $0x10, s15;
	v0 =	vld.msk [tilespmem:s17+$0x0 ss:$0x1], $0xffff;
	vm1 =	vgt.s32 v2, $0x0;
	(ifvalue) =	ssetifvalue $0x7FFFFFFF  }
.LBB2_3:
0x33: {  	[tilespmem:s15], [sflag:$0x1] =	stream.indirect_vreg.gather [hbm4b:s3+s10], $0x1, v1, vm0, $0x4038;
	[tilespmem:$0x4000] =	vst v63  }
0x34: {  	s18 =	sadd.s32 $0x10, s18  }
0x35: {  	v2 =	vnsel vm1, $0x0, v2;
	p1 =	slt.u32 s18, $0xFF0  }
.Ltmp3:
0x36: {  	s15 =	smov.u32 s16;
	v1 =	vmin.u32 v2, $0x27FFF;
	(pc) =	sbr.rel @p1 .LBB2_3-.Ltmp3, $3  }
0x37: {  	_ =	sdelay $0x1  }
0x38: {  	s17 =	sadd.s32 $0x10, s17  }
0x39: {  	vm1 =	vgt.s32 v0, $0x0;
	s16 =	sadd.s32 $0x10, s16;
	v2 =	vmov v0;
	(ifvalue) =	ssetifvalue $0x7FFFFFFF;
	v0 =	vld.msk [tilespmem:s17+$0x0 ss:$0x1], $0xffff  }
.Ltmp4:
0x3a: {  	_ = 	snop;
	(pc) =	sbr.rel .LBB2_4-.Ltmp4, $1  }
0x3b: {  	_ =	sdelay $0x3  }
.LBB2_6:
0x3c: {  	_ =	sfence.sel $0x180000  }
0x3d: {  	s2 =	simm.s32 $0x2;
	[bflag:$0x0] =	sbarrier.arrive $0xFFFF  }
0x3e: {  	s30 =	simm.s32 $0x3;
	[sflag:s2] =	ssyncpa.u1 $0x1  }
0x3f: {  	s31 =	simm.s32 $0x1;
	[sflag:s30] =	ssyncpa.u1 $0x1  }
0x40: {  	[sflag:s31] =	ssyncpa.u1 $0x1  }
0x41: {  	p0 =	sne.s32 s1, $0x0;
	_ =	strace $0x9000004A  }
0x42: {  	s0 =	sadd.s32 @!p0 $0x100000, s0;
	[bflag:$0x2] =	sbarrier.arrive $0xFFFF  }
0x43: {  	[sflag:s0] =	ssyncadd.tile.s32 @!p0 $0x1;
	_ =	shalt  }
.Lfunc_end2:
_tile_overlayer_lowered:
.L_overlay_start_2:
0x44: {  	(tag) =	ssettag $0x2  }
0x45: {  	s0 =	rddreg [dreg:$0x0];
	s2 =	stileid.u32  }
0x46: {  	s1 =	rddreg [dreg:$0x1];
	p0 =	sne.s32 s2, $0x0  }
0x47: {  	s3 =	rddreg [dreg:$0x2];
	[bflag:$0x3] =	sbarrier.arrive $0xFFFF;
	s2 =	simm.s32 @!p0 $0x1C01  }
0x48: {  	[timem:s3], [sflag:s2] =	dma.local @!p0 [hbm:s0], s1  }
0x49: {  	s0 =	simm.s32 @!p0 $0x1  }
0x4a: {  	_ =	swait.ge @!p0 [sflag:s0], s1  }
0x4b: {  	s1 =	ssub.s32 @!p0 $0x0, s1;
	[sflag:s0] =	ssyncset.done @!p0 $0x0  }
0x4c: {  	[sflag:s0] =	ssyncadd.s32 @!p0 s1  }
0x4d: {  	[bflag:$0x3] =	sbarrier.arrive $0xFFFF  }
0x4e: {  	_ =	shalt  }

// kernel: kernel.14.cloned.1.call-start
scs
__scs_entry_jumppad:
0x0: {  	(pc) =	sbr.rel $0x88, $3  }
0x1: {  	(tag) =	ssettag $0x0;
	lr =	simm.s32 $0x1  }
0x2: {  	[smem:$0x3F92] =	sst lr;
	_ =	strace $0xD0000000  }
0x3: {  	_ = 	snop  }
0x4: {  	_ = 	snop  }
0x5: {  	_ = 	snop  }
0x6: {  	_ = 	snop  }
0x7: {  	_ = 	snop  }
__scs_overlays_trampoline_lowered:
0x8: {  	[smem:$0x3FA1] =	sst s0  }
0x9: {  	[smem:$0x3FA2] =	sst s1  }
0xa: {  	[smem:$0x3FA3] =	sst s2  }
0xb: {  	[smem:$0x3FA4] =	sst s3  }
0xc: {  	[smem:$0x3FA5] =	sst s4  }
0xd: {  	[smem:$0x3FA6] =	sst s5  }
0xe: {  	[smem:$0x3FA7] =	sst s6  }
0xf: {  	[smem:$0x3FA8] =	sst s7  }
0x10: {  	[smem:$0x3FA9] =	sst s8  }
0x11: {  	[smem:$0x3FAA] =	sst s9;
	s0 =	simm.s32 @!p0 $0x0  }
0x12: {  	s1 =	sld [smem:$0x3F90];
	s0 =	simm.s32 @p0 $0x1  }
0x13: {  	[smem:$0x3FAB] =	sst s0;
	s0 =	simm.s32 @!p1 $0x0  }
0x14: {  	s2 =	sld [smem:$0x3F8F];
	s0 =	simm.s32 @p1 $0x1  }
0x15: {  	[smem:$0x3FAC] =	sst s0;
	s0 =	simm.s32 @!p2 $0x0  }
0x16: {  	s3 =	sld [smem:$0x3FDB];
	s0 =	simm.s32 @p2 $0x1  }
0x17: {  	s4 =	simm.s32 $0x1BF5;
	[smem:$0x3FAE] =	sst s0  }
0x18: {  	s0 =	sld [smem:$0x3F91];
	_ =	swait.ge [sflag:s4], $0x0  }
0x19: {  	s7 =	sld [smem:$0x3F92]  }
0x1a: {  	s8 =	sadd.s32 $0xFFFFE003, lr  }
0x1b: {  	s9 =	sadd.s32 $0xFFFFFEF7, lr;
	s5 =	simm.s32 $0xFFFFFFFF;
	p2 =	slt.u32 s8, $0xFFFFF086  }
0x1c: {  	p1 =	slt.u32 s9, $0xF7A;
	s5 =	simm.s32 @!p2 $0x0  }
0x1d: {  	s5 =	simm.s32 @p1 $0x1;
	p0 =	seq.s32 s7, s2  }
0x1e: {  	s7 =	smul.u32 @!p0 $0xF7A, s2;
	p2 =	seq.s32 @!p0 s5, $0x0  }
0x1f: {  	s9 =	smul.u32 $0xF7A, s1;
	s8 =	simm.s32 @!p0 $0x1BF5;
	p2 =	por !p2, p0  }
0x20: {  	[sflag:s8] =	ssyncset.s32 @!p0 $0xFFFFF086;
	s6 =	sadd.s32 @!p0 s3, s7;
	s7 =	simm.s32 @!p0 $0x108  }
0x21: {  	s3 =	sadd.s32 s3, s9;
	s6 =	sadd.s32 @!p0 $0x88, s6;
	s7 =	simm.s32 @p2 $0x1082  }
0x22: {  	[simem:s7], [sflag:s8] =	dma.local @!p0 [hbm:s6], $0xF7A  }
0x23: {  	s9 =	sor.u32 $0xD0000000, s2;
	s6 =	simm.s32 $0x108;
	_ =	swait.ge @!p0 [sflag:s8], $0x0  }
0x24: {  	s3 =	sadd.s32 $0x88, s3;
	s6 =	simm.s32 @!p1 $0x1082;
	[sflag:s4] =	ssyncset.s32 $0xFFFFF086  }
0x25: {  	[simem:s6], [sflag:s4] =	dma.local [hbm:s3], $0xF7A  }
0x26: {  	[smem:$0x3F92] =	sst s1;
	(tag) =	ssettag s2;
	_ =	strace s9  }
0x27: {  	s1 =	sld [smem:$0x3FA2]  }
0x28: {  	s2 =	sld [smem:$0x3FA3]  }
0x29: {  	s4 =	sld [smem:$0x3FA5]  }
0x2a: {  	p0 =	seq.s32 s5, $0x0;
	s5 =	sld [smem:$0x3FA6]  }
0x2b: {  	s6 =	sld [smem:$0x3FA7]  }
0x2c: {  	s7 =	sld [smem:$0x3FA8]  }
0x2d: {  	s3 =	simm.s32 $0x108;
	s8 =	sld [smem:$0x3FA9]  }
0x2e: {  	s3 =	simm.s32 @!p0 $0x1082;
	s9 =	sld [smem:$0x3FAA]  }
0x2f: {  	lr =	sadd.s32 s0, s3;
	s0 =	sld [smem:$0x3FA1]  }
0x30: {  	s3 =	sld [smem:$0x3FA4]  }
0x31: {  	[smem:$0x3FAD] =	sst s10  }
0x32: {  	s10 =	sld [smem:$0x3FAB];
	_ =	sdelay $0x3  }
0x33: {  	p0 =	seq.s32 s10, $0x1;
	s10 =	sld [smem:$0x3FAD];
	_ =	sdelay $0x3  }
0x34: {  	[smem:$0x3FAD] =	sst s10  }
0x35: {  	s10 =	sld [smem:$0x3FAC];
	_ =	sdelay $0x3  }
0x36: {  	p1 =	seq.s32 s10, $0x1;
	s10 =	sld [smem:$0x3FAD];
	_ =	sdelay $0x3  }
0x37: {  	[smem:$0x3FAD] =	sst s10  }
0x38: {  	s10 =	sld [smem:$0x3FAE]  }
0x39: {  	_ = 	snop;
	(pc) =	sbr.ind lr, $3  }
0x3a: {  	_ = 	snop  }
0x3b: {  	_ = 	snop  }
0x3c: {  	p2 =	seq.s32 s10, $0x1;
	s10 =	sld [smem:$0x3FAD]  }
0x3d: {  	_ =	shalt  }
0x3e: {  	_ =	shalt  }
0x3f: {  	_ =	shalt  }
0x40: {  	_ =	shalt  }
0x41: {  	_ =	shalt  }
0x42: {  	_ =	shalt  }
0x43: {  	_ =	shalt  }
0x44: {  	_ =	shalt  }
0x45: {  	_ =	shalt  }
0x46: {  	_ =	shalt  }
0x47: {  	_ =	shalt  }
0x48: {  	_ =	shalt  }
0x49: {  	_ =	shalt  }
0x4a: {  	_ =	shalt  }
0x4b: {  	_ =	shalt  }
0x4c: {  	_ =	shalt  }
0x4d: {  	_ =	shalt  }
0x4e: {  	_ =	shalt  }
0x4f: {  	_ =	shalt  }
0x50: {  	_ =	shalt  }
0x51: {  	_ =	shalt  }
0x52: {  	_ =	shalt  }
0x53: {  	_ =	shalt  }
0x54: {  	_ =	shalt  }
0x55: {  	_ =	shalt  }
0x56: {  	_ =	shalt  }
0x57: {  	_ =	shalt  }
0x58: {  	_ =	shalt  }
0x59: {  	_ =	shalt  }
0x5a: {  	_ =	shalt  }
0x5b: {  	_ =	shalt  }
0x5c: {  	_ =	shalt  }
0x5d: {  	_ =	shalt  }
0x5e: {  	_ =	shalt  }
0x5f: {  	_ =	shalt  }
0x60: {  	_ =	shalt  }
0x61: {  	_ =	shalt  }
0x62: {  	_ =	shalt  }
0x63: {  	_ =	shalt  }
0x64: {  	_ =	shalt  }
0x65: {  	_ =	shalt  }
0x66: {  	_ =	shalt  }
0x67: {  	_ =	shalt  }
0x68: {  	_ =	shalt  }
0x69: {  	_ =	shalt  }
0x6a: {  	_ =	shalt  }
0x6b: {  	_ =	shalt  }
0x6c: {  	_ =	shalt  }
0x6d: {  	_ =	shalt  }
0x6e: {  	_ =	shalt  }
0x6f: {  	_ =	shalt  }
0x70: {  	_ =	shalt  }
0x71: {  	_ =	shalt  }
0x72: {  	_ =	shalt  }
0x73: {  	_ =	shalt  }
0x74: {  	_ =	shalt  }
0x75: {  	_ =	shalt  }
0x76: {  	_ =	shalt  }
0x77: {  	_ =	shalt  }
0x78: {  	_ =	shalt  }
0x79: {  	_ =	shalt  }
0x7a: {  	_ =	shalt  }
0x7b: {  	_ =	shalt  }
0x7c: {  	_ =	shalt  }
0x7d: {  	_ =	shalt  }
0x7e: {  	_ =	shalt  }
0x7f: {  	_ =	shalt  }
0x80: {  	_ =	shalt  }
0x81: {  	_ =	shalt  }
0x82: {  	_ =	shalt  }
0x83: {  	_ =	shalt  }
0x84: {  	_ =	shalt  }
0x85: {  	_ =	shalt  }
0x86: {  	_ =	shalt  }
0x87: {  	_ =	shalt  }
.Lfunc_end0:
.L_simem_size_0:
called_computation.2_lowered:
.L_overlay_start_0:
0x88: {  	s2 =	sld [smem:$0x3FD9]  }
0x89: {  	s3 =	sld [smem:$0x3FFE];
	_ =	sdelay $0x1  }
0x8a: {  	s1 =	srdreg.scid  }
0x8b: {  	s0 =	sand.u32 $0x1, s1  }
0x8c: {  	s14 =	sshll.u32 s0, $0xA;
	s2 =	sadd.s32 s3, s2  }
0x8d: {  	s2 =	sadd.s32 s2, s14  }
0x8e: {  	[smem:$0x3FB9] =	sst s2  }
0x8f: {  	_ = 	snop  }
0x90: {  	s2 =	sld [smem:$0x3FD0];
	_ =	sdelay $0x2  }
0x91: {  	s15 =	simm.s32 $0xA;
	s4 =	simm.s32 $0x10  }
0x92: {  	[smem:s4], [sflag:s15] =	dma.local [hbm:s2], $0x1  }
0x93: {  	_ =	swait.eq [sflag:s15], $0x1  }
0x94: {  	[sflag:s15] =	ssyncset.done $0x0  }
0x95: {  	[sflag:s15] =	ssyncadd.s32 $0xFFFFFFFF  }
0x96: {  	s16 =	sld [smem:$0x11];
	(tm) =	ssettm $0x1  }
0x97: {  	s17 =	sld [smem:$0x3FFB];
	_ =	sdelay $0x3  }
0x98: {  	_ =	strace s17  }
0x99: {  	s3 =	sld [smem:$0x3FFC];
	_ =	sdelay $0x3  }
0x9a: {  	_ =	strace s3  }
0x9b: {  	s3 =	sld [smem:$0x3FFD];
	_ =	sdelay $0x3  }
0x9c: {  	_ =	strace s3  }
0x9d: {  	_ =	strace $0x8FFFFFFF  }
0x9e: {  	s18 =	sld [smem:$0x3FDB];
	_ =	sdelay $0x1  }
0x9f: {  	s19 =	simm.s32 $_scs_section_size  }
0xa0: {  	s5 =	simm.s32 $_size__tile_overlayer_lowered;
	s6 =	simm.s32 $_tile_overlayer_lowered  }
0xa1: {  	s22 =	simm.s32 $0x1BFF;
	s21 =	sshll.u32 s6, $0x1;
	s3 =	sadd.s32 s19, s18  }
0xa2: {  	s7 =	simm.s32 $0x0;
	s20 =	sshll.u32 s5, $0x1;
	s5 =	sadd.s32 s21, s3  }
0xa3: {  	[timem:s7], [sflag:s22] =	dma.local [hbm:s5], s20  }
0xa4: {  	_ =	swait.ge [sflag:s22], s20  }
0xa5: {  	s4 =	ssub.s32 $0x0, s20;
	[sflag:s22] =	ssyncset.done $0x0  }
0xa6: {  	[sflag:s22] =	ssyncadd.s32 s4;
	_ =	sdelay $0x1  }
0xa7: {  	s23 =	simm.s32 $0x1B8B  }
0xa8: {  	_ =	swait.ge [sflag:s23], $0x1  }
0xa9: {  	[sflag:s23] =	ssyncset.done $0x0  }
0xaa: {  	s25 =	simm.s32 $0x1B8E;
	s24 =	sld [smem:$0x3FFE];
	[sflag:s23] =	ssyncadd.s32 $0xFFFFFFFF  }
0xab: {  	s26 =	simm.s32 $execute0_lowered;
	[smem:$0x3FD2] =	sst s25  }
0xac: {  	s5 =	sshll.u32 s26, $0x1;
	_ =	strace $0x8000004C;
	[dreg:$0x1] =	wrdreg $0xFFFFFFFF  }
0xad: {  	s28 =	simm.s32 $_size_execute0_lowered;
	s3 =	sadd.s32 s3, s5;
	[dreg:$0x0] =	wrdreg $0x0  }
0xae: {  	s5 =	sshll.u32 s28, $0x1;
	[dreg:$0x2] =	wrdreg s3  }
0xaf: {  	[dreg:$0x3] =	wrdreg s5  }
0xb0: {  	[dreg:$0x4] =	wrdreg $0xC0  }
0xb1: {  	_ =	task [dreg:s7], $0x5FFFF  }
0xb2: {  	[dreg:$0x1] =	wrdreg $0xFFFFFFFF  }
0xb3: {  	[dreg:$0x0] =	wrdreg $0x60  }
0xb4: {  	[dreg:$0x2] =	wrdreg s16  }
0xb5: {  	[dreg:$0x3] =	wrdreg s24  }
0xb6: {  	[dreg:$0x4] =	wrdreg $0xA0000  }
0xb7: {  	[dreg:$0x5] =	wrdreg $0x9  }
0xb8: {  	_ =	task.clear_ibuf [dreg:s7], $0x6FFFF;
	_ =	strace $0x9000004C  }
0xb9: {  	s29 =	simm.s32 $0x9;
	_ =	strace $0x8000004E  }
0xba: {  	_ =	swait.ge [sflag:s29], $0x1  }
0xbb: {  	[sflag:s29] =	ssyncadd.s32 $0xFFFFFFFF  }
0xbc: {  	_ =	strace $0x9000004E  }
0xbd: {  	_ =	sfence  }
0xbe: {  	s30 =	sld [smem:$0x0];
	_ =	sdelay $0x2  }
0xbf: {  	s31 =	sshll.u32 s1, $0xD;
	s1 =	sshrl.u32 s1, $0x2  }
0xc0: {  	s3 =	sand.u32 $0x4000, s31;
	s1 =	sadd.s32 s1, s30  }
0xc1: {  	s0 =	sor.u32 s3, s0;
	s1 =	sshll.u32 s1, $0x11  }
0xc2: {  	s0 =	sor.u32 s1, s0  }
0xc3: {  	s0 =	sadd.s32 $0x8F2B, s0  }
0xc4: {  	[sflag:s0] =	ssyncadd.remote.s32 $0x1  }
0xc5: {  	_ =	sfence.sel $0xFFFF  }
0xc6: {  	[dreg:$0x0] =	wrdreg $0xFFFFFFFF;
	(pc) =	sbr.abs _section_cstart, $3  }
0xc7: {  	[dreg:$0x1] =	wrdreg $0xFFFFFFFF  }
0xc8: {  	_ =	task.clear_ibuf [dreg:s7], $0x2FFFF;
	_ =	strace $0x9FFFFFFF  }
0xc9: {  	(tm) =	ssettm $0x7FFFFFFF  }
tec
execute0_lowered:
.L_overlay_start_1:
0x0: {  	(tag) =	ssettag $0x1  }
0x1: {  	s1 =	rddreg [dreg:$0x0];
	s11 =	stileid.u32  }
0x2: {  	s0 =	rddreg [dreg:$0x1];
	s19 =	smul.u32 $0x500, s11  }
0x3: {  	s3 =	rddreg [dreg:$0x2];
	s5 =	smul.u32 $0x50000, s11  }
0x4: {  	s4 =	srdreg.scid;
	s9 =	smul.u32 $0x4E000, s11  }
0x5: {  	s2 =	simm.s32 $0x0;
	s4 =	sand.u32 $0x1, s4;
	s10 =	smul.u32 $0x270, s11  }
0x6: {  	[smem:$0x7FF] =	sst s2;
	p0 =	sne.s32 s11, $0xF;
	s8 =	smul.u32 $0x2710, s4  }
0x7: {  	_ =	strace $0x8000004D;
	s6 =	ssub.s32 $0x2, s4;
	s4 =	smul.u32 $0x138800, s4  }
0x8: {  	s2 =	sadd.s32 s19, s0;
	s0 =	sadd.s32 $0xD200, s0;
	s7 =	sshrl.u32 s6, $0x1  }
0x9: {  	s21 =	sshrl.u32 s5, $0x2;
	s22 =	sshrl.u32 s9, $0x2;
	s6 =	ssub.s32 s6, s7  }
0xa: {  	s20 =	sadd.s32 $0x8200, s2;
	s2 =	sadd.s32 $0x3200, s2;
	s7 =	sadd.s32 s21, s3  }
0xb: {  	s23 =	sadd.s32 s10, s8;
	s4 =	sshrl.u32 s4, $0x3;
	[dreg:$0x4] =	wrdreg s20  }
0xc: {  	v0 =	vmov s8;
	s8 =	simm.s32 $0x0;
	[dreg:$0x5] =	wrdreg s2;
	s2 =	sadd.s32 s22, s3  }
0xd: {  	s5 =	sshll.u32 s23, $0x4;
	s24 =	smax.u32 s6, $0x1;
	s25 =	sadd.s32 $0x1000, s7  }
0xe: {  	s26 =	sadd.s32 $0x2000, s7;
	s13 =	sadd.s32 $0x3000, s7;
	s14 =	sadd.s32 $0x4000, s7  }
0xf: {  	s15 =	sadd.s32 $0x5000, s7;
	s16 =	sadd.s32 $0x6000, s7;
	s17 =	sadd.s32 $0x7000, s7  }
0x10: {  	s18 =	sadd.s32 $0x8000, s7;
	s19 =	sadd.s32 $0x9000, s7;
	s20 =	sadd.s32 $0xA000, s7  }
0x11: {  	s21 =	sadd.s32 $0xB000, s7;
	s22 =	sadd.s32 $0xC000, s7;
	s28 =	sadd.s32 $0xF000, s7  }
0x12: {  	s29 =	sadd.s32 $0x10000, s7;
	s30 =	sadd.s32 $0x11000, s7;
	[dreg:$0x8] =	wrdreg s24  }
0x13: {  	s31 =	sadd.s32 $0x12000, s7;
	s6 =	simm.s32 $0x5000;
	[dreg:$0x9] =	wrdreg s25  }
0x14: {  	s5 =	sadd.s32 s0, s5;
	s0 =	sadd.s32 s0, s4;
	[dreg:$0xa] =	wrdreg s26  }
0x15: {  	s23 =	sshrl.u32 s2, $0x3;
	s25 =	sadd.s32 $0xD000, s7;
	s26 =	sadd.s32 $0xE000, s7  }
0x16: {  	s2 =	simm.s32 $0x1;
	[dreg:$0x6] =	wrdreg s5;
	s0 =	sadd.s32 $0x27000, s0  }
0x17: {  	s4 =	simm.s32 $0x9000;
	s5 =	sadd.s32 $0x138000, s3;
	[dreg:$0x7] =	wrdreg s0  }
0x18: {  	v1 =	vimm.f32 $0.0e+00;
	s24 =	sshrl.u32 @!p0 s5, $0x3;
	s0 =	sadd.s32 $0x13000, s7;
	s5 =	simm.s32 $0x80  }
.LBB2_1:
0x19: {  	s9 =	simm.s32 $0x0;
	s10 =	rddreg [dreg:$0x4]  }
0x1a: {  	[tilespmem:s9], [sflag:$0x1] =	stream.linear.gather [hbm4b:s10+s9], $0x2800, $0x38;
	[tilespmem:$0x1E000] =	vst v63  }
0x1b: {  	_ =	swait.ge [sflag:s2], $0x2800  }
0x1c: {  	[sflag:s2] =	ssyncset.done $0x0  }
0x1d: {  	s11 =	simm.s32 $0x2800;
	s12 =	rddreg [dreg:$0x5];
	[sflag:s2] =	ssyncadd.s32 $0xFFFFD800  }
0x1e: {  	[tilespmem:s11], [sflag:$0x1] =	stream.linear.gather [hbm4b:s12+s9], $0x2800, $0x38;
	[tilespmem:$0x1E000] =	vst v63  }
0x1f: {  	_ =	swait.ge [sflag:s2], $0x2800  }
0x20: {  	[sflag:s2] =	ssyncset.done $0x0  }
0x21: {  	s10 =	simm.s32 $0x200;
	s9 =	simm.s32 $0x0;
	[sflag:s2] =	ssyncadd.s32 $0xFFFFD800  }
.LBB2_2:
0x22: {  	p1 =	sne.s32 s10, $0x3E00;
	[tilespmem:s9+$0x9070] =	vst v1  }
0x23: {  	[tilespmem:s9+$0x9000] =	vst v1  }
0x24: {  	[tilespmem:s9+$0x9010] =	vst v1  }
.Ltmp0:
0x25: {  	[tilespmem:s9+$0x9020] =	vst v1;
	(pc) =	sbr.rel @p1 .LBB2_2-.Ltmp0, $4  }
0x26: {  	[tilespmem:s9+$0x9030] =	vst v1  }
0x27: {  	[tilespmem:s9+$0x9040] =	vst v1  }
0x28: {  	[tilespmem:s9+$0x9050] =	vst v1  }
0x29: {  	[tilespmem:s9+$0x9060] =	vst v1;
	s9 =	sshra.s32 s10, $0x2;
	s10 =	sadd.s32 $0x200, s10  }
0x2a: {  	[tilespmem:s9+$0x9070] =	vst v1  }
0x2b: {  	[tilespmem:s9+$0x9000] =	vst v1  }
0x2c: {  	[tilespmem:s9+$0x9010] =	vst v1  }
0x2d: {  	[tilespmem:s9+$0x9020] =	vst v1  }
0x2e: {  	[tilespmem:s9+$0x9030] =	vst v1  }
0x2f: {  	[tilespmem:s9+$0x9040] =	vst v1  }
0x30: {  	[tilespmem:s9+$0x9050] =	vst v1  }
0x31: {  	[tilespmem:s9+$0x9060] =	vst v1  }
0x32: {  	[spmem:s7] =	stream.linear.scatter [tilespmem:s4], [sflag:$0x1], $0x1000, $0x38;
	[tilespmem:$0x1E000] =	vst v63  }
0x33: {  	_ =	swait.ge [sflag:s2], $0x1000  }
0x34: {  	[sflag:s2] =	ssyncset.done $0x0  }
0x35: {  	s11 =	rddreg [dreg:$0x9];
	[sflag:s2] =	ssyncadd.s32 $0xFFFFF000  }
0x36: {  	[spmem:s11] =	stream.linear.scatter [tilespmem:s4], [sflag:$0x1], $0x1000, $0x38;
	[tilespmem:$0x1E000] =	vst v63  }
0x37: {  	_ =	swait.ge [sflag:s2], $0x1000  }
0x38: {  	[sflag:s2] =	ssyncset.done $0x0  }
0x39: {  	s12 =	rddreg [dreg:$0xa];
	[sflag:s2] =	ssyncadd.s32 $0xFFFFF000  }
0x3a: {  	[spmem:s12] =	stream.linear.scatter [tilespmem:s4], [sflag:$0x1], $0x1000, $0x38;
	[tilespmem:$0x1E000] =	vst v63  }
0x3b: {  	_ =	swait.ge [sflag:s2], $0x1000  }
0x3c: {  	[sflag:s2] =	ssyncset.done $0x0  }
0x3d: {  	[sflag:s2] =	ssyncadd.s32 $0xFFFFF000  }
0x3e: {  	[spmem:s13] =	stream.linear.scatter [tilespmem:s4], [sflag:$0x1], $0x1000, $0x38;
	[tilespmem:$0x1E000] =	vst v63  }
0x3f: {  	_ =	swait.ge [sflag:s2], $0x1000  }
0x40: {  	[sflag:s2] =	ssyncset.done $0x0  }
0x41: {  	[sflag:s2] =	ssyncadd.s32 $0xFFFFF000  }
0x42: {  	[spmem:s14] =	stream.linear.scatter [tilespmem:s4], [sflag:$0x1], $0x1000, $0x38;
	[tilespmem:$0x1E000] =	vst v63  }
0x43: {  	_ =	swait.ge [sflag:s2], $0x1000  }
0x44: {  	[sflag:s2] =	ssyncset.done $0x0  }
0x45: {  	[sflag:s2] =	ssyncadd.s32 $0xFFFFF000  }
0x46: {  	[spmem:s15] =	stream.linear.scatter [tilespmem:s4], [sflag:$0x1], $0x1000, $0x38;
	[tilespmem:$0x1E000] =	vst v63  }
0x47: {  	_ =	swait.ge [sflag:s2], $0x1000  }
0x48: {  	[sflag:s2] =	ssyncset.done $0x0  }
0x49: {  	[sflag:s2] =	ssyncadd.s32 $0xFFFFF000  }
0x4a: {  	[spmem:s16] =	stream.linear.scatter [tilespmem:s4], [sflag:$0x1], $0x1000, $0x38;
	[tilespmem:$0x1E000] =	vst v63  }
0x4b: {  	_ =	swait.ge [sflag:s2], $0x1000  }
0x4c: {  	[sflag:s2] =	ssyncset.done $0x0  }
0x4d: {  	[sflag:s2] =	ssyncadd.s32 $0xFFFFF000  }
0x4e: {  	[spmem:s17] =	stream.linear.scatter [tilespmem:s4], [sflag:$0x1], $0x1000, $0x38;
	[tilespmem:$0x1E000] =	vst v63  }
0x4f: {  	_ =	swait.ge [sflag:s2], $0x1000  }
0x50: {  	[sflag:s2] =	ssyncset.done $0x0  }
0x51: {  	[sflag:s2] =	ssyncadd.s32 $0xFFFFF000  }
0x52: {  	[spmem:s18] =	stream.linear.scatter [tilespmem:s4], [sflag:$0x1], $0x1000, $0x38;
	[tilespmem:$0x1E000] =	vst v63  }
0x53: {  	_ =	swait.ge [sflag:s2], $0x1000  }
0x54: {  	[sflag:s2] =	ssyncset.done $0x0  }
0x55: {  	[sflag:s2] =	ssyncadd.s32 $0xFFFFF000  }
0x56: {  	[spmem:s19] =	stream.linear.scatter [tilespmem:s4], [sflag:$0x1], $0x1000, $0x38;
	[tilespmem:$0x1E000] =	vst v63  }
0x57: {  	_ =	swait.ge [sflag:s2], $0x1000  }
0x58: {  	[sflag:s2] =	ssyncset.done $0x0  }
0x59: {  	[sflag:s2] =	ssyncadd.s32 $0xFFFFF000  }
0x5a: {  	[spmem:s20] =	stream.linear.scatter [tilespmem:s4], [sflag:$0x1], $0x1000, $0x38;
	[tilespmem:$0x1E000] =	vst v63  }
0x5b: {  	_ =	swait.ge [sflag:s2], $0x1000  }
0x5c: {  	[sflag:s2] =	ssyncset.done $0x0  }
0x5d: {  	[sflag:s2] =	ssyncadd.s32 $0xFFFFF000  }
0x5e: {  	[spmem:s21] =	stream.linear.scatter [tilespmem:s4], [sflag:$0x1], $0x1000, $0x38;
	[tilespmem:$0x1E000] =	vst v63  }
0x5f: {  	_ =	swait.ge [sflag:s2], $0x1000  }
0x60: {  	[sflag:s2] =	ssyncset.done $0x0  }
0x61: {  	[sflag:s2] =	ssyncadd.s32 $0xFFFFF000  }
0x62: {  	[spmem:s22] =	stream.linear.scatter [tilespmem:s4], [sflag:$0x1], $0x1000, $0x38;
	[tilespmem:$0x1E000] =	vst v63  }
0x63: {  	_ =	swait.ge [sflag:s2], $0x1000  }
0x64: {  	[sflag:s2] =	ssyncset.done $0x0  }
0x65: {  	[sflag:s2] =	ssyncadd.s32 $0xFFFFF000  }
0x66: {  	[spmem:s25] =	stream.linear.scatter [tilespmem:s4], [sflag:$0x1], $0x1000, $0x38;
	[tilespmem:$0x1E000] =	vst v63  }
0x67: {  	_ =	swait.ge [sflag:s2], $0x1000  }
0x68: {  	[sflag:s2] =	ssyncset.done $0x0  }
0x69: {  	[sflag:s2] =	ssyncadd.s32 $0xFFFFF000  }
0x6a: {  	[spmem:s26] =	stream.linear.scatter [tilespmem:s4], [sflag:$0x1], $0x1000, $0x38;
	[tilespmem:$0x1E000] =	vst v63  }
0x6b: {  	_ =	swait.ge [sflag:s2], $0x1000  }
0x6c: {  	[sflag:s2] =	ssyncset.done $0x0  }
0x6d: {  	[sflag:s2] =	ssyncadd.s32 $0xFFFFF000  }
0x6e: {  	[spmem:s28] =	stream.linear.scatter [tilespmem:s4], [sflag:$0x1], $0x1000, $0x38;
	[tilespmem:$0x1E000] =	vst v63  }
0x6f: {  	_ =	swait.ge [sflag:s2], $0x1000  }
0x70: {  	[sflag:s2] =	ssyncset.done $0x0  }
0x71: {  	[sflag:s2] =	ssyncadd.s32 $0xFFFFF000  }
0x72: {  	[spmem:s29] =	stream.linear.scatter [tilespmem:s4], [sflag:$0x1], $0x1000, $0x38;
	[tilespmem:$0x1E000] =	vst v63  }
0x73: {  	_ =	swait.ge [sflag:s2], $0x1000  }
0x74: {  	[sflag:s2] =	ssyncset.done $0x0  }
0x75: {  	[sflag:s2] =	ssyncadd.s32 $0xFFFFF000  }
0x76: {  	[spmem:s30] =	stream.linear.scatter [tilespmem:s4], [sflag:$0x1], $0x1000, $0x38;
	[tilespmem:$0x1E000] =	vst v63  }
0x77: {  	_ =	swait.ge [sflag:s2], $0x1000  }
0x78: {  	[sflag:s2] =	ssyncset.done $0x0  }
0x79: {  	[sflag:s2] =	ssyncadd.s32 $0xFFFFF000  }
0x7a: {  	[spmem:s31] =	stream.linear.scatter [tilespmem:s4], [sflag:$0x1], $0x1000, $0x38;
	[tilespmem:$0x1E000] =	vst v63  }
0x7b: {  	_ =	swait.ge [sflag:s2], $0x1000  }
0x7c: {  	[sflag:s2] =	ssyncset.done $0x0  }
0x7d: {  	[sflag:s2] =	ssyncadd.s32 $0xFFFFF000  }
0x7e: {  	[spmem:s0] =	stream.linear.scatter [tilespmem:s4], [sflag:$0x1], $0x1000, $0x38;
	[tilespmem:$0x1E000] =	vst v63  }
0x7f: {  	_ =	swait.ge [sflag:s2], $0x1000  }
0x80: {  	[sflag:s2] =	ssyncset.done $0x0  }
0x81: {  	s9 =	simm.s32 $0x0;
	[sflag:s2] =	ssyncadd.s32 $0xFFFFF000  }
0x82: {  	v4 =	vld [tilespmem:s9+$0x0]  }
0x83: {  	v6 =	vld [tilespmem:s9+$0x10]  }
0x84: {  	v5 =	vld [tilespmem:s9+$0x20]  }
0x85: {  	v3 =	vld [tilespmem:s9+$0x30]  }
0x86: {  	v2 =	vld [tilespmem:s9+$0x40]  }
0x87: {  	v7 =	vadd.s32 v0, v4;
	v4 =	vld [tilespmem:s9+$0x50]  }
0x88: {  	s10 =	simm.s32 $0x200;
	[tilespmem:s9+$0x0] =	vst v7;
	v7 =	vadd.s32 v0, v6;
	v6 =	vld [tilespmem:s9+$0x60]  }
.LBB2_4:
0x89: {  	s11 =	sshra.s32 s10, $0x2;
	p1 =	sne.s32 s10, $0x9E00;
	[tilespmem:s9+$0x10] =	vst v7;
	v5 =	vadd.s32 v0, v5;
	v7 =	vld [tilespmem:s9+$0x70]  }
0x8a: {  	v8 =	vld [tilespmem:s11+$0x0];
	[tilespmem:s9+$0x20] =	vst v5;
	v3 =	vadd.s32 v0, v3  }
0x8b: {  	v9 =	vld [tilespmem:s11+$0x10];
	[tilespmem:s9+$0x30] =	vst v3;
	v2 =	vadd.s32 v0, v2  }
.Ltmp1:
0x8c: {  	v5 =	vld [tilespmem:s11+$0x20];
	[tilespmem:s9+$0x40] =	vst v2;
	v2 =	vadd.s32 v0, v4;
	(pc) =	sbr.rel @p1 .LBB2_4-.Ltmp1, $4  }
0x8d: {  	v3 =	vld [tilespmem:s11+$0x30];
	[tilespmem:s9+$0x50] =	vst v2;
	v4 =	vadd.s32 v0, v6  }
0x8e: {  	v2 =	vld [tilespmem:s11+$0x40];
	[tilespmem:s9+$0x60] =	vst v4;
	v6 =	vadd.s32 v0, v7  }
0x8f: {  	v7 =	vadd.s32 v0, v8;
	v4 =	vld [tilespmem:s11+$0x50];
	[tilespmem:s9+$0x70] =	vst v6;
	s9 =	smov.u32 s11  }
0x90: {  	s10 =	sadd.s32 $0x200, s10;
	[tilespmem:s9+$0x0] =	vst v7;
	v7 =	vadd.s32 v0, v9;
	v6 =	vld [tilespmem:s9+$0x60]  }
0x91: {  	[tilespmem:s9+$0x10] =	vst v7;
	v5 =	vadd.s32 v0, v5;
	v63 =	vld [tilespmem:s9+$0x70]  }
0x92: {  	[tilespmem:s9+$0x20] =	vst v5;
	v3 =	vadd.s32 v0, v3  }
0x93: {  	[tilespmem:s9+$0x30] =	vst v3;
	v2 =	vadd.s32 v0, v2  }
0x94: {  	[tilespmem:s9+$0x40] =	vst v2;
	v2 =	vadd.s32 v0, v4  }
0x95: {  	[tilespmem:s9+$0x50] =	vst v2;
	v2 =	vadd.s32 v0, v6  }
0x96: {  	[tilespmem:s9+$0x60] =	vst v2;
	v2 =	vadd.s32 v0, v63  }
0x97: {  	[tilespmem:s9+$0x70] =	vst v2  }
0x98: {  	s11 =	simm.s32 $0x0;
	[bflag:$0x0] =	sbarrier.arrive $0xFFFF  }
0x99: {  	[tilespmem:s6], [sflag:$0x1] =	stream.indirect.gather [hbm4b:s1+s5], $0x80, s11, s5, $0xb8;
	[tilespmem:$0x1E000] =	vst v63  }
0x9a: {  	_ =	swait.ge [sflag:s2], $0x4000  }
0x9b: {  	[sflag:s2] =	ssyncset.done $0x0  }
0x9c: {  	s12 =	simm.s32 $0x2800;
	[sflag:s2] =	ssyncadd.s32 $0xFFFFC000  }
0x9d: {  	[spmem:s3] =	stream.indirect.scatter.add.f32 [tilespmem:s6], [sflag:$0x1], $0x80, s12, s5, $0xb8;
	[tilespmem:$0x1E000] =	vst v63  }
0x9e: {  	_ =	swait.ge [sflag:s2], $0x4000  }
0x9f: {  	s10 =	simm.s32 $0x400;
	s9 =	simm.s32 $0x200;
	[sflag:s2] =	ssyncset.done $0x0  }
.LBB2_6:
0xa0: {  	s11 =	sshra.s32 s9, $0x2  }
0xa1: {  	[sflag:s2] =	ssyncadd.s32 $0xFFFFC000;
	s9 =	smov.u32 s10;
	s12 =	sadd.s32 $0x200, s10  }
0xa2: {  	[tilespmem:s6], [sflag:$0x1] =	stream.indirect.gather [hbm4b:s1+s5], $0x80, s11, s5, $0xb8;
	[tilespmem:$0x1E000] =	vst v63  }
0xa3: {  	p1 =	sne.s32 s10, $0x9E00;
	_ =	swait.ge [sflag:s2], $0x4000  }
.Ltmp2:
0xa4: {  	[sflag:s2] =	ssyncset.done $0x0;
	(pc) =	sbr.rel @p1 .LBB2_6-.Ltmp2, $4  }
0xa5: {  	s10 =	sadd.s32 $0x2800, s11;
	[sflag:s2] =	ssyncadd.s32 $0xFFFFC000  }
0xa6: {  	[spmem:s3] =	stream.indirect.scatter.add.f32 [tilespmem:s6], [sflag:$0x1], $0x80, s10, s5, $0xb8;
	[tilespmem:$0x1E000] =	vst v63  }
0xa7: {  	_ =	swait.ge [sflag:s2], $0x4000  }
0xa8: {  	s10 =	smov.u32 s12;
	[sflag:s2] =	ssyncset.done $0x0  }
0xa9: {  	s9 =	sshra.s32 s9, $0x2;
	[sflag:s2] =	ssyncadd.s32 $0xFFFFC000  }
0xaa: {  	[tilespmem:s6], [sflag:$0x1] =	stream.indirect.gather [hbm4b:s1+s5], $0x80, s9, s5, $0xb8;
	[tilespmem:$0x1E000] =	vst v63  }
0xab: {  	_ =	swait.ge [sflag:s2], $0x4000  }
0xac: {  	[sflag:s2] =	ssyncset.done $0x0  }
0xad: {  	s9 =	sadd.s32 $0x2800, s9;
	[sflag:s2] =	ssyncadd.s32 $0xFFFFC000  }
0xae: {  	[spmem:s3] =	stream.indirect.scatter.add.f32 [tilespmem:s6], [sflag:$0x1], $0x80, s9, s5, $0xb8;
	[tilespmem:$0x1E000] =	vst v63  }
0xaf: {  	_ =	swait.ge [sflag:s2], $0x4000  }
0xb0: {  	[sflag:s2] =	ssyncset.done $0x0  }
0xb1: {  	s11 =	stileid.u32;
	[sflag:s2] =	ssyncadd.s32 $0xFFFFC000  }
0xb2: {  	s9 =	sshll.u32 s11, $0x6;
	[bflag:$0x0] =	sbarrier.arrive $0xFFFF  }
0xb3: {  	s9 =	sor.u32 $0x1C01, s9;
	s10 =	rddreg [dreg:$0x6]  }
0xb4: {  	[hbm:s10], [sflag:s9] =	dma.local [spmem:s23], $0x2700  }
0xb5: {  	_ =	swait.ge [sflag:s2], $0x2700  }
0xb6: {  	[sflag:s2] =	ssyncset.done $0x0  }
0xb7: {  	s10 =	rddreg [dreg:$0x7];
	[sflag:s2] =	ssyncadd.s32 $0xFFFFD900  }
0xb8: {  	[hbm:s10], [sflag:s9] =	dma.local @!p0 [spmem:s24], $0x100  }
0xb9: {  	s9 =	simm.s32 @!p0 $0x1  }
0xba: {  	_ =	swait.ge @!p0 [sflag:s9], $0x100  }
0xbb: {  	s8 =	sadd.s32 $0x1, s8;
	s12 =	rddreg [dreg:$0x8]  }
0xbc: {  	p1 =	sne.s32 s8, s12  }
.Ltmp3:
0xbd: {  	_ = 	snop;
	(pc) =	sbr.rel @p1 .LBB2_1-.Ltmp3, $3  }
0xbe: {  	[sflag:s9] =	ssyncset.done @!p0 $0x0  }
0xbf: {  	[sflag:s9] =	ssyncadd.s32 @!p0 $0xFFFFFF00  }
0xc0: {  	[bflag:$0x0] =	sbarrier.arrive $0xFFFF;
	_ =	sdelay $0x1  }
0xc1: {  	_ =	sfence.sel $0x180000  }
0xc2: {  	[bflag:$0x0] =	sbarrier.arrive $0xFFFF  }
0xc3: {  	_ =	strace $0x9000004D  }
0xc4: {  	s0 =	stileid.u32;
	[bflag:$0x2] =	sbarrier.arrive $0xFFFF  }
0xc5: {  	p0 =	sne.s32 s0, $0x0;
	s0 =	rddreg [dreg:$0x3]  }
0xc6: {  	s0 =	sadd.s32 @!p0 $0x100000, s0  }
0xc7: {  	[sflag:s0] =	ssyncadd.tile.s32 @!p0 $0x1;
	_ =	shalt  }
.Lfunc_end2:
_tile_overlayer_lowered:
.L_overlay_start_2:
0xc8: {  	(tag) =	ssettag $0x2  }
0xc9: {  	s0 =	rddreg [dreg:$0x0];
	s2 =	stileid.u32  }
0xca: {  	s1 =	rddreg [dreg:$0x1];
	p0 =	sne.s32 s2, $0x0  }
0xcb: {  	s3 =	rddreg [dreg:$0x2];
	[bflag:$0x3] =	sbarrier.arrive $0xFFFF;
	s2 =	simm.s32 @!p0 $0x1C01  }
0xcc: {  	[timem:s3], [sflag:s2] =	dma.local @!p0 [hbm:s0], s1  }
0xcd: {  	s0 =	simm.s32 @!p0 $0x1  }
0xce: {  	_ =	swait.ge @!p0 [sflag:s0], s1  }
0xcf: {  	s1 =	ssub.s32 @!p0 $0x0, s1;
	[sflag:s0] =	ssyncset.done @!p0 $0x0  }
0xd0: {  	[sflag:s0] =	ssyncadd.s32 @!p0 s1  }
0xd1: {  	[bflag:$0x3] =	sbarrier.arrive $0xFFFF  }
0xd2: {  	_ =	shalt  }

// kernel: kernel.17.cloned.1.call-start
scs
__scs_entry_jumppad:
0x0: {  	(pc) =	sbr.rel $0x88, $3  }
0x1: {  	(tag) =	ssettag $0x0;
	lr =	simm.s32 $0x1  }
0x2: {  	[smem:$0x3F92] =	sst lr;
	_ =	strace $0xD0000000  }
0x3: {  	_ = 	snop  }
0x4: {  	_ = 	snop  }
0x5: {  	_ = 	snop  }
0x6: {  	_ = 	snop  }
0x7: {  	_ = 	snop  }
__scs_overlays_trampoline_lowered:
0x8: {  	[smem:$0x3FA1] =	sst s0  }
0x9: {  	[smem:$0x3FA2] =	sst s1  }
0xa: {  	[smem:$0x3FA3] =	sst s2  }
0xb: {  	[smem:$0x3FA4] =	sst s3  }
0xc: {  	[smem:$0x3FA5] =	sst s4  }
0xd: {  	[smem:$0x3FA6] =	sst s5  }
0xe: {  	[smem:$0x3FA7] =	sst s6  }
0xf: {  	[smem:$0x3FA8] =	sst s7  }
0x10: {  	[smem:$0x3FA9] =	sst s8  }
0x11: {  	[smem:$0x3FAA] =	sst s9;
	s0 =	simm.s32 @!p0 $0x0  }
0x12: {  	s1 =	sld [smem:$0x3F90];
	s0 =	simm.s32 @p0 $0x1  }
0x13: {  	[smem:$0x3FAB] =	sst s0;
	s0 =	simm.s32 @!p1 $0x0  }
0x14: {  	s2 =	sld [smem:$0x3F8F];
	s0 =	simm.s32 @p1 $0x1  }
0x15: {  	[smem:$0x3FAC] =	sst s0;
	s0 =	simm.s32 @!p2 $0x0  }
0x16: {  	s3 =	sld [smem:$0x3FDB];
	s0 =	simm.s32 @p2 $0x1  }
0x17: {  	s4 =	simm.s32 $0x1BF5;
	[smem:$0x3FAE] =	sst s0  }
0x18: {  	s0 =	sld [smem:$0x3F91];
	_ =	swait.ge [sflag:s4], $0x0  }
0x19: {  	s7 =	sld [smem:$0x3F92]  }
0x1a: {  	s8 =	sadd.s32 $0xFFFFE003, lr  }
0x1b: {  	s9 =	sadd.s32 $0xFFFFFEF7, lr;
	s5 =	simm.s32 $0xFFFFFFFF;
	p2 =	slt.u32 s8, $0xFFFFF086  }
0x1c: {  	p1 =	slt.u32 s9, $0xF7A;
	s5 =	simm.s32 @!p2 $0x0  }
0x1d: {  	s5 =	simm.s32 @p1 $0x1;
	p0 =	seq.s32 s7, s2  }
0x1e: {  	s7 =	smul.u32 @!p0 $0xF7A, s2;
	p2 =	seq.s32 @!p0 s5, $0x0  }
0x1f: {  	s9 =	smul.u32 $0xF7A, s1;
	s8 =	simm.s32 @!p0 $0x1BF5;
	p2 =	por !p2, p0  }
0x20: {  	[sflag:s8] =	ssyncset.s32 @!p0 $0xFFFFF086;
	s6 =	sadd.s32 @!p0 s3, s7;
	s7 =	simm.s32 @!p0 $0x108  }
0x21: {  	s3 =	sadd.s32 s3, s9;
	s6 =	sadd.s32 @!p0 $0x88, s6;
	s7 =	simm.s32 @p2 $0x1082  }
0x22: {  	[simem:s7], [sflag:s8] =	dma.local @!p0 [hbm:s6], $0xF7A  }
0x23: {  	s9 =	sor.u32 $0xD0000000, s2;
	s6 =	simm.s32 $0x108;
	_ =	swait.ge @!p0 [sflag:s8], $0x0  }
0x24: {  	s3 =	sadd.s32 $0x88, s3;
	s6 =	simm.s32 @!p1 $0x1082;
	[sflag:s4] =	ssyncset.s32 $0xFFFFF086  }
0x25: {  	[simem:s6], [sflag:s4] =	dma.local [hbm:s3], $0xF7A  }
0x26: {  	[smem:$0x3F92] =	sst s1;
	(tag) =	ssettag s2;
	_ =	strace s9  }
0x27: {  	s1 =	sld [smem:$0x3FA2]  }
0x28: {  	s2 =	sld [smem:$0x3FA3]  }
0x29: {  	s4 =	sld [smem:$0x3FA5]  }
0x2a: {  	p0 =	seq.s32 s5, $0x0;
	s5 =	sld [smem:$0x3FA6]  }
0x2b: {  	s6 =	sld [smem:$0x3FA7]  }
0x2c: {  	s7 =	sld [smem:$0x3FA8]  }
0x2d: {  	s3 =	simm.s32 $0x108;
	s8 =	sld [smem:$0x3FA9]  }
0x2e: {  	s3 =	simm.s32 @!p0 $0x1082;
	s9 =	sld [smem:$0x3FAA]  }
0x2f: {  	lr =	sadd.s32 s0, s3;
	s0 =	sld [smem:$0x3FA1]  }
0x30: {  	s3 =	sld [smem:$0x3FA4]  }
0x31: {  	[smem:$0x3FAD] =	sst s10  }
0x32: {  	s10 =	sld [smem:$0x3FAB];
	_ =	sdelay $0x3  }
0x33: {  	p0 =	seq.s32 s10, $0x1;
	s10 =	sld [smem:$0x3FAD];
	_ =	sdelay $0x3  }
0x34: {  	[smem:$0x3FAD] =	sst s10  }
0x35: {  	s10 =	sld [smem:$0x3FAC];
	_ =	sdelay $0x3  }
0x36: {  	p1 =	seq.s32 s10, $0x1;
	s10 =	sld [smem:$0x3FAD];
	_ =	sdelay $0x3  }
0x37: {  	[smem:$0x3FAD] =	sst s10  }
0x38: {  	s10 =	sld [smem:$0x3FAE]  }
0x39: {  	_ = 	snop;
	(pc) =	sbr.ind lr, $3  }
0x3a: {  	_ = 	snop  }
0x3b: {  	_ = 	snop  }
0x3c: {  	p2 =	seq.s32 s10, $0x1;
	s10 =	sld [smem:$0x3FAD]  }
0x3d: {  	_ =	shalt  }
0x3e: {  	_ =	shalt  }
0x3f: {  	_ =	shalt  }
0x40: {  	_ =	shalt  }
0x41: {  	_ =	shalt  }
0x42: {  	_ =	shalt  }
0x43: {  	_ =	shalt  }
0x44: {  	_ =	shalt  }
0x45: {  	_ =	shalt  }
0x46: {  	_ =	shalt  }
0x47: {  	_ =	shalt  }
0x48: {  	_ =	shalt  }
0x49: {  	_ =	shalt  }
0x4a: {  	_ =	shalt  }
0x4b: {  	_ =	shalt  }
0x4c: {  	_ =	shalt  }
0x4d: {  	_ =	shalt  }
0x4e: {  	_ =	shalt  }
0x4f: {  	_ =	shalt  }
0x50: {  	_ =	shalt  }
0x51: {  	_ =	shalt  }
0x52: {  	_ =	shalt  }
0x53: {  	_ =	shalt  }
0x54: {  	_ =	shalt  }
0x55: {  	_ =	shalt  }
0x56: {  	_ =	shalt  }
0x57: {  	_ =	shalt  }
0x58: {  	_ =	shalt  }
0x59: {  	_ =	shalt  }
0x5a: {  	_ =	shalt  }
0x5b: {  	_ =	shalt  }
0x5c: {  	_ =	shalt  }
0x5d: {  	_ =	shalt  }
0x5e: {  	_ =	shalt  }
0x5f: {  	_ =	shalt  }
0x60: {  	_ =	shalt  }
0x61: {  	_ =	shalt  }
0x62: {  	_ =	shalt  }
0x63: {  	_ =	shalt  }
0x64: {  	_ =	shalt  }
0x65: {  	_ =	shalt  }
0x66: {  	_ =	shalt  }
0x67: {  	_ =	shalt  }
0x68: {  	_ =	shalt  }
0x69: {  	_ =	shalt  }
0x6a: {  	_ =	shalt  }
0x6b: {  	_ =	shalt  }
0x6c: {  	_ =	shalt  }
0x6d: {  	_ =	shalt  }
0x6e: {  	_ =	shalt  }
0x6f: {  	_ =	shalt  }
0x70: {  	_ =	shalt  }
0x71: {  	_ =	shalt  }
0x72: {  	_ =	shalt  }
0x73: {  	_ =	shalt  }
0x74: {  	_ =	shalt  }
0x75: {  	_ =	shalt  }
0x76: {  	_ =	shalt  }
0x77: {  	_ =	shalt  }
0x78: {  	_ =	shalt  }
0x79: {  	_ =	shalt  }
0x7a: {  	_ =	shalt  }
0x7b: {  	_ =	shalt  }
0x7c: {  	_ =	shalt  }
0x7d: {  	_ =	shalt  }
0x7e: {  	_ =	shalt  }
0x7f: {  	_ =	shalt  }
0x80: {  	_ =	shalt  }
0x81: {  	_ =	shalt  }
0x82: {  	_ =	shalt  }
0x83: {  	_ =	shalt  }
0x84: {  	_ =	shalt  }
0x85: {  	_ =	shalt  }
0x86: {  	_ =	shalt  }
0x87: {  	_ =	shalt  }
.Lfunc_end0:
.L_simem_size_0:
called_computation.3_lowered:
.L_overlay_start_0:
0x88: {  	s2 =	sld [smem:$0x3FD9]  }
0x89: {  	s3 =	sld [smem:$0x3FFE];
	_ =	sdelay $0x1  }
0x8a: {  	s1 =	srdreg.scid  }
0x8b: {  	s0 =	sand.u32 $0x1, s1  }
0x8c: {  	s16 =	sshll.u32 s0, $0xA;
	s2 =	sadd.s32 s3, s2  }
0x8d: {  	s2 =	sadd.s32 s2, s16  }
0x8e: {  	[smem:$0x3FB9] =	sst s2  }
0x8f: {  	_ = 	snop  }
0x90: {  	(tm) =	ssettm $0x1  }
0x91: {  	s17 =	sld [smem:$0x3FFB];
	_ =	sdelay $0x3  }
0x92: {  	_ =	strace s17  }
0x93: {  	s2 =	sld [smem:$0x3FFC];
	_ =	sdelay $0x3  }
0x94: {  	_ =	strace s2  }
0x95: {  	s2 =	sld [smem:$0x3FFD];
	_ =	sdelay $0x3  }
0x96: {  	_ =	strace s2  }
0x97: {  	_ =	strace $0x8FFFFFFF  }
0x98: {  	s18 =	sld [smem:$0x3FDB];
	_ =	sdelay $0x1  }
0x99: {  	s19 =	simm.s32 $_scs_section_size  }
0x9a: {  	s4 =	simm.s32 $_size__tile_overlayer_lowered;
	s5 =	simm.s32 $_tile_overlayer_lowered  }
0x9b: {  	s22 =	simm.s32 $0x1BFF;
	s21 =	sshll.u32 s5, $0x1;
	s2 =	sadd.s32 s19, s18  }
0x9c: {  	s6 =	simm.s32 $0x0;
	s20 =	sshll.u32 s4, $0x1;
	s4 =	sadd.s32 s21, s2  }
0x9d: {  	[timem:s6], [sflag:s22] =	dma.local [hbm:s4], s20  }
0x9e: {  	_ =	swait.ge [sflag:s22], s20  }
0x9f: {  	s3 =	ssub.s32 $0x0, s20;
	[sflag:s22] =	ssyncset.done $0x0  }
0xa0: {  	[sflag:s22] =	ssyncadd.s32 s3;
	_ =	sdelay $0x1  }
0xa1: {  	s23 =	simm.s32 $0x1B8B  }
0xa2: {  	_ =	swait.ge [sflag:s23], $0x1  }
0xa3: {  	[sflag:s23] =	ssyncset.done $0x0  }
0xa4: {  	s25 =	simm.s32 $0x1B8E;
	s24 =	sld [smem:$0x3FFE];
	[sflag:s23] =	ssyncadd.s32 $0xFFFFFFFF  }
0xa5: {  	s26 =	simm.s32 $execute0_lowered;
	[smem:$0x3FD2] =	sst s25  }
0xa6: {  	s4 =	sshll.u32 s26, $0x1;
	_ =	strace $0x8000004F;
	[dreg:$0x1] =	wrdreg $0xFFFFFFFF  }
0xa7: {  	s28 =	simm.s32 $_size_execute0_lowered;
	s2 =	sadd.s32 s2, s4;
	[dreg:$0x0] =	wrdreg $0x0  }
0xa8: {  	s4 =	sshll.u32 s28, $0x1;
	[dreg:$0x2] =	wrdreg s2  }
0xa9: {  	[dreg:$0x3] =	wrdreg s4  }
0xaa: {  	[dreg:$0x4] =	wrdreg $0xC0  }
0xab: {  	_ =	task [dreg:s6], $0x5FFFF  }
0xac: {  	[dreg:$0x1] =	wrdreg $0xFFFFFFFF  }
0xad: {  	[dreg:$0x0] =	wrdreg $0x60  }
0xae: {  	[dreg:$0x2] =	wrdreg s24  }
0xaf: {  	[dreg:$0x3] =	wrdreg $0xA0000  }
0xb0: {  	[dreg:$0x4] =	wrdreg $0x9  }
0xb1: {  	_ =	task.clear_ibuf [dreg:s6], $0x5FFFF;
	_ =	strace $0x9000004F  }
0xb2: {  	s29 =	simm.s32 $0x9;
	_ =	strace $0x80000051  }
0xb3: {  	_ =	swait.ge [sflag:s29], $0x1  }
0xb4: {  	[sflag:s29] =	ssyncadd.s32 $0xFFFFFFFF  }
0xb5: {  	_ =	strace $0x90000051  }
0xb6: {  	_ =	sfence  }
0xb7: {  	s30 =	sld [smem:$0x0];
	_ =	sdelay $0x2  }
0xb8: {  	s31 =	sshll.u32 s1, $0xD;
	s1 =	sshrl.u32 s1, $0x2  }
0xb9: {  	s3 =	sand.u32 $0x4000, s31;
	s1 =	sadd.s32 s1, s30  }
0xba: {  	s0 =	sor.u32 s3, s0;
	s1 =	sshll.u32 s1, $0x11  }
0xbb: {  	s0 =	sor.u32 s1, s0  }
0xbc: {  	s0 =	sadd.s32 $0x8F2B, s0  }
0xbd: {  	[sflag:s0] =	ssyncadd.remote.s32 $0x1  }
0xbe: {  	_ =	sfence.sel $0xFFFF  }
0xbf: {  	[dreg:$0x0] =	wrdreg $0xFFFFFFFF;
	(pc) =	sbr.abs _section_cstart, $3  }
0xc0: {  	[dreg:$0x1] =	wrdreg $0xFFFFFFFF  }
0xc1: {  	_ =	task.clear_ibuf [dreg:s6], $0x2FFFF;
	_ =	strace $0x9FFFFFFF  }
0xc2: {  	(tm) =	ssettm $0x7FFFFFFF  }
0xc3: {  	_ =	shalt  }
tec
execute0_lowered:
.L_overlay_start_1:
0x0: {  	(tag) =	ssettag $0x1  }
0x1: {  	s0 =	rddreg [dreg:$0x0];
	s11 =	stileid.u32  }
0x2: {  	s2 =	rddreg [dreg:$0x1];
	s16 =	smul.u32 $0x500, s11  }
0x3: {  	s1 =	simm.s32 $0x0;
	s3 =	srdreg.scid;
	s5 =	smul.u32 $0x50000, s11  }
0x4: {  	[smem:$0x7FF] =	sst s1;
	s4 =	sadd.s32 $0xD200, s0;
	s9 =	smul.u32 $0x270, s11  }
0x5: {  	s3 =	sand.u32 $0x1, s3;
	s10 =	smul.u32 $0x4E000, s11;
	s22 =	sadd.s32 $0x138000, s2  }
0x6: {  	p0 =	sne.s32 s11, $0xF;
	s11 =	simm.s32 $0x0;
	s8 =	smul.u32 $0x4E20, s3  }
0x7: {  	_ =	strace $0x80000050;
	s6 =	ssub.s32 $0x2, s3;
	s3 =	smul.u32 $0x271000, s3  }
0x8: {  	[dreg:$0x7] =	wrdreg s22;
	s1 =	sadd.s32 s16, s0;
	s0 =	sadd.s32 $0xA9600, s0  }
0x9: {  	s7 =	sshrl.u32 s6, $0x1;
	s18 =	sshrl.u32 s5, $0x2;
	s19 =	sshrl.u32 s10, $0x2  }
0xa: {  	s5 =	simm.s32 $0x1;
	s10 =	simm.s32 $0x5000;
	s6 =	ssub.s32 s6, s7  }
0xb: {  	s17 =	sadd.s32 $0x8200, s1;
	s1 =	sadd.s32 $0x3200, s1;
	s7 =	sadd.s32 s18, s2  }
0xc: {  	s20 =	sadd.s32 s9, s8;
	s3 =	sshrl.u32 s3, $0x3;
	[dreg:$0x3] =	wrdreg s17  }
0xd: {  	v0 =	vmov s8;
	s8 =	simm.s32 $0x80;
	[dreg:$0x4] =	wrdreg s1;
	s1 =	sadd.s32 s19, s2  }
0xe: {  	s21 =	sshll.u32 s20, $0x4;
	s23 =	smax.u32 s6, $0x1;
	s15 =	sadd.s32 $0x1000, s7  }
0xf: {  	s16 =	sadd.s32 $0x2000, s7;
	s17 =	sadd.s32 $0x3000, s7;
	s24 =	sadd.s32 $0x4000, s7  }
0x10: {  	s25 =	sadd.s32 $0x5000, s7;
	s26 =	sadd.s32 $0x6000, s7;
	[dreg:$0x5] =	wrdreg s1  }
0x11: {  	s22 =	sadd.s32 $0x8000, s7;
	s28 =	sadd.s32 $0xD000, s7;
	[dreg:$0xb] =	wrdreg s23  }
0x12: {  	s29 =	sadd.s32 $0xE000, s7;
	s30 =	sadd.s32 $0xF000, s7;
	[dreg:$0xc] =	wrdreg s24  }
0x13: {  	s31 =	sadd.s32 $0x10000, s7;
	s6 =	simm.s32 $0x9000;
	[dreg:$0xd] =	wrdreg s25  }
0x14: {  	s1 =	sadd.s32 s0, s21;
	s0 =	sadd.s32 s0, s3;
	[dreg:$0xe] =	wrdreg s26  }
0x15: {  	s21 =	sadd.s32 $0x7000, s7;
	s3 =	sadd.s32 $0x27000, s0;
	[dreg:$0x6] =	wrdreg s1  }
0x16: {  	s23 =	sadd.s32 $0x9000, s7;
	s1 =	sadd.s32 $0x27100, s1;
	[dreg:$0x8] =	wrdreg s3  }
0x17: {  	s24 =	sadd.s32 $0xA000, s7;
	s0 =	sadd.s32 $0x4E100, s0;
	[dreg:$0x9] =	wrdreg s1  }
0x18: {  	s25 =	sadd.s32 $0xB000, s7;
	s26 =	sadd.s32 $0xC000, s7;
	[dreg:$0xa] =	wrdreg s0  }
0x19: {  	v1 =	vimm.f32 $0.0e+00;
	s0 =	sadd.s32 $0x11000, s7;
	s1 =	sadd.s32 $0x12000, s7;
	s3 =	sadd.s32 $0x13000, s7  }
.LBB2_1:
0x1a: {  	s9 =	simm.s32 $0x0;
	s12 =	rddreg [dreg:$0x3]  }
0x1b: {  	[tilespmem:s9], [sflag:$0x1] =	stream.linear.gather [hbm4b:s12+s9], $0x2800, $0x38;
	[tilespmem:$0x1E000] =	vst v63  }
0x1c: {  	_ =	swait.ge [sflag:s5], $0x2800  }
0x1d: {  	[sflag:s5] =	ssyncset.done $0x0  }
0x1e: {  	s13 =	simm.s32 $0x2800;
	s20 =	rddreg [dreg:$0x4];
	[sflag:s5] =	ssyncadd.s32 $0xFFFFD800  }
0x1f: {  	[tilespmem:s13], [sflag:$0x1] =	stream.linear.gather [hbm4b:s20+s9], $0x2800, $0x38;
	[tilespmem:$0x1E000] =	vst v63  }
0x20: {  	_ =	swait.ge [sflag:s5], $0x2800  }
0x21: {  	[sflag:s5] =	ssyncset.done $0x0  }
0x22: {  	s12 =	simm.s32 $0x200;
	s9 =	simm.s32 $0x0;
	[sflag:s5] =	ssyncadd.s32 $0xFFFFD800  }
.LBB2_2:
0x23: {  	p1 =	sne.s32 s12, $0x3E00;
	[tilespmem:s9+$0x9070] =	vst v1  }
0x24: {  	[tilespmem:s9+$0x9000] =	vst v1  }
0x25: {  	[tilespmem:s9+$0x9010] =	vst v1  }
.Ltmp0:
0x26: {  	[tilespmem:s9+$0x9020] =	vst v1;
	(pc) =	sbr.rel @p1 .LBB2_2-.Ltmp0, $4  }
0x27: {  	[tilespmem:s9+$0x9030] =	vst v1  }
0x28: {  	[tilespmem:s9+$0x9040] =	vst v1  }
0x29: {  	[tilespmem:s9+$0x9050] =	vst v1  }
0x2a: {  	[tilespmem:s9+$0x9060] =	vst v1;
	s9 =	sshra.s32 s12, $0x2;
	s12 =	sadd.s32 $0x200, s12  }
0x2b: {  	[tilespmem:s9+$0x9070] =	vst v1  }
0x2c: {  	[tilespmem:s9+$0x9000] =	vst v1  }
0x2d: {  	[tilespmem:s9+$0x9010] =	vst v1  }
0x2e: {  	[tilespmem:s9+$0x9020] =	vst v1  }
0x2f: {  	[tilespmem:s9+$0x9030] =	vst v1  }
0x30: {  	[tilespmem:s9+$0x9040] =	vst v1  }
0x31: {  	[tilespmem:s9+$0x9050] =	vst v1  }
0x32: {  	[tilespmem:s9+$0x9060] =	vst v1  }
0x33: {  	[spmem:s7] =	stream.linear.scatter [tilespmem:s6], [sflag:$0x1], $0x1000, $0x38;
	[tilespmem:$0x1E000] =	vst v63  }
0x34: {  	_ =	swait.ge [sflag:s5], $0x1000  }
0x35: {  	[sflag:s5] =	ssyncset.done $0x0  }
0x36: {  	[sflag:s5] =	ssyncadd.s32 $0xFFFFF000  }
0x37: {  	[spmem:s15] =	stream.linear.scatter [tilespmem:s6], [sflag:$0x1], $0x1000, $0x38;
	[tilespmem:$0x1E000] =	vst v63  }
0x38: {  	_ =	swait.ge [sflag:s5], $0x1000  }
0x39: {  	[sflag:s5] =	ssyncset.done $0x0  }
0x3a: {  	[sflag:s5] =	ssyncadd.s32 $0xFFFFF000  }
0x3b: {  	[spmem:s16] =	stream.linear.scatter [tilespmem:s6], [sflag:$0x1], $0x1000, $0x38;
	[tilespmem:$0x1E000] =	vst v63  }
0x3c: {  	_ =	swait.ge [sflag:s5], $0x1000  }
0x3d: {  	[sflag:s5] =	ssyncset.done $0x0  }
0x3e: {  	[sflag:s5] =	ssyncadd.s32 $0xFFFFF000  }
0x3f: {  	[spmem:s17] =	stream.linear.scatter [tilespmem:s6], [sflag:$0x1], $0x1000, $0x38;
	[tilespmem:$0x1E000] =	vst v63  }
0x40: {  	_ =	swait.ge [sflag:s5], $0x1000  }
0x41: {  	[sflag:s5] =	ssyncset.done $0x0  }
0x42: {  	s18 =	rddreg [dreg:$0xc];
	[sflag:s5] =	ssyncadd.s32 $0xFFFFF000  }
0x43: {  	[spmem:s18] =	stream.linear.scatter [tilespmem:s6], [sflag:$0x1], $0x1000, $0x38;
	[tilespmem:$0x1E000] =	vst v63  }
0x44: {  	_ =	swait.ge [sflag:s5], $0x1000  }
0x45: {  	[sflag:s5] =	ssyncset.done $0x0  }
0x46: {  	s19 =	rddreg [dreg:$0xd];
	[sflag:s5] =	ssyncadd.s32 $0xFFFFF000  }
0x47: {  	[spmem:s19] =	stream.linear.scatter [tilespmem:s6], [sflag:$0x1], $0x1000, $0x38;
	[tilespmem:$0x1E000] =	vst v63  }
0x48: {  	_ =	swait.ge [sflag:s5], $0x1000  }
0x49: {  	[sflag:s5] =	ssyncset.done $0x0  }
0x4a: {  	s20 =	rddreg [dreg:$0xe];
	[sflag:s5] =	ssyncadd.s32 $0xFFFFF000  }
0x4b: {  	[spmem:s20] =	stream.linear.scatter [tilespmem:s6], [sflag:$0x1], $0x1000, $0x38;
	[tilespmem:$0x1E000] =	vst v63  }
0x4c: {  	_ =	swait.ge [sflag:s5], $0x1000  }
0x4d: {  	[sflag:s5] =	ssyncset.done $0x0  }
0x4e: {  	[sflag:s5] =	ssyncadd.s32 $0xFFFFF000  }
0x4f: {  	[spmem:s21] =	stream.linear.scatter [tilespmem:s6], [sflag:$0x1], $0x1000, $0x38;
	[tilespmem:$0x1E000] =	vst v63  }
0x50: {  	_ =	swait.ge [sflag:s5], $0x1000  }
0x51: {  	[sflag:s5] =	ssyncset.done $0x0  }
0x52: {  	[sflag:s5] =	ssyncadd.s32 $0xFFFFF000  }
0x53: {  	[spmem:s22] =	stream.linear.scatter [tilespmem:s6], [sflag:$0x1], $0x1000, $0x38;
	[tilespmem:$0x1E000] =	vst v63  }
0x54: {  	_ =	swait.ge [sflag:s5], $0x1000  }
0x55: {  	[sflag:s5] =	ssyncset.done $0x0  }
0x56: {  	[sflag:s5] =	ssyncadd.s32 $0xFFFFF000  }
0x57: {  	[spmem:s23] =	stream.linear.scatter [tilespmem:s6], [sflag:$0x1], $0x1000, $0x38;
	[tilespmem:$0x1E000] =	vst v63  }
0x58: {  	_ =	swait.ge [sflag:s5], $0x1000  }
0x59: {  	[sflag:s5] =	ssyncset.done $0x0  }
0x5a: {  	[sflag:s5] =	ssyncadd.s32 $0xFFFFF000  }
0x5b: {  	[spmem:s24] =	stream.linear.scatter [tilespmem:s6], [sflag:$0x1], $0x1000, $0x38;
	[tilespmem:$0x1E000] =	vst v63  }
0x5c: {  	_ =	swait.ge [sflag:s5], $0x1000  }
0x5d: {  	[sflag:s5] =	ssyncset.done $0x0  }
0x5e: {  	[sflag:s5] =	ssyncadd.s32 $0xFFFFF000  }
0x5f: {  	[spmem:s25] =	stream.linear.scatter [tilespmem:s6], [sflag:$0x1], $0x1000, $0x38;
	[tilespmem:$0x1E000] =	vst v63  }
0x60: {  	_ =	swait.ge [sflag:s5], $0x1000  }
0x61: {  	[sflag:s5] =	ssyncset.done $0x0  }
0x62: {  	[sflag:s5] =	ssyncadd.s32 $0xFFFFF000  }
0x63: {  	[spmem:s26] =	stream.linear.scatter [tilespmem:s6], [sflag:$0x1], $0x1000, $0x38;
	[tilespmem:$0x1E000] =	vst v63  }
0x64: {  	_ =	swait.ge [sflag:s5], $0x1000  }
0x65: {  	[sflag:s5] =	ssyncset.done $0x0  }
0x66: {  	[sflag:s5] =	ssyncadd.s32 $0xFFFFF000  }
0x67: {  	[spmem:s28] =	stream.linear.scatter [tilespmem:s6], [sflag:$0x1], $0x1000, $0x38;
	[tilespmem:$0x1E000] =	vst v63  }
0x68: {  	_ =	swait.ge [sflag:s5], $0x1000  }
0x69: {  	[sflag:s5] =	ssyncset.done $0x0  }
0x6a: {  	[sflag:s5] =	ssyncadd.s32 $0xFFFFF000  }
0x6b: {  	[spmem:s29] =	stream.linear.scatter [tilespmem:s6], [sflag:$0x1], $0x1000, $0x38;
	[tilespmem:$0x1E000] =	vst v63  }
0x6c: {  	_ =	swait.ge [sflag:s5], $0x1000  }
0x6d: {  	[sflag:s5] =	ssyncset.done $0x0  }
0x6e: {  	[sflag:s5] =	ssyncadd.s32 $0xFFFFF000  }
0x6f: {  	[spmem:s30] =	stream.linear.scatter [tilespmem:s6], [sflag:$0x1], $0x1000, $0x38;
	[tilespmem:$0x1E000] =	vst v63  }
0x70: {  	_ =	swait.ge [sflag:s5], $0x1000  }
0x71: {  	[sflag:s5] =	ssyncset.done $0x0  }
0x72: {  	[sflag:s5] =	ssyncadd.s32 $0xFFFFF000  }
0x73: {  	[spmem:s31] =	stream.linear.scatter [tilespmem:s6], [sflag:$0x1], $0x1000, $0x38;
	[tilespmem:$0x1E000] =	vst v63  }
0x74: {  	_ =	swait.ge [sflag:s5], $0x1000  }
0x75: {  	[sflag:s5] =	ssyncset.done $0x0  }
0x76: {  	[sflag:s5] =	ssyncadd.s32 $0xFFFFF000  }
0x77: {  	[spmem:s0] =	stream.linear.scatter [tilespmem:s6], [sflag:$0x1], $0x1000, $0x38;
	[tilespmem:$0x1E000] =	vst v63  }
0x78: {  	_ =	swait.ge [sflag:s5], $0x1000  }
0x79: {  	[sflag:s5] =	ssyncset.done $0x0  }
0x7a: {  	[sflag:s5] =	ssyncadd.s32 $0xFFFFF000  }
0x7b: {  	[spmem:s1] =	stream.linear.scatter [tilespmem:s6], [sflag:$0x1], $0x1000, $0x38;
	[tilespmem:$0x1E000] =	vst v63  }
0x7c: {  	_ =	swait.ge [sflag:s5], $0x1000  }
0x7d: {  	[sflag:s5] =	ssyncset.done $0x0  }
0x7e: {  	[sflag:s5] =	ssyncadd.s32 $0xFFFFF000  }
0x7f: {  	[spmem:s3] =	stream.linear.scatter [tilespmem:s6], [sflag:$0x1], $0x1000, $0x38;
	[tilespmem:$0x1E000] =	vst v63  }
0x80: {  	_ =	swait.ge [sflag:s5], $0x1000  }
0x81: {  	[sflag:s5] =	ssyncset.done $0x0  }
0x82: {  	s12 =	simm.s32 $0x0;
	[sflag:s5] =	ssyncadd.s32 $0xFFFFF000  }
0x83: {  	v4 =	vld [tilespmem:s12+$0x0]  }
0x84: {  	v6 =	vld [tilespmem:s12+$0x10]  }
0x85: {  	v5 =	vld [tilespmem:s12+$0x20]  }
0x86: {  	v3 =	vld [tilespmem:s12+$0x30]  }
0x87: {  	v2 =	vld [tilespmem:s12+$0x40]  }
0x88: {  	v7 =	vadd.s32 v0, v4;
	v4 =	vld [tilespmem:s12+$0x50]  }
0x89: {  	s9 =	simm.s32 $0x200;
	[tilespmem:s12+$0x0] =	vst v7;
	v7 =	vadd.s32 v0, v6;
	v6 =	vld [tilespmem:s12+$0x60]  }
.LBB2_4:
0x8a: {  	s13 =	sshra.s32 s9, $0x2;
	p1 =	sne.s32 s9, $0x9E00;
	[tilespmem:s12+$0x10] =	vst v7;
	v5 =	vadd.s32 v0, v5;
	v7 =	vld [tilespmem:s12+$0x70]  }
0x8b: {  	v8 =	vld [tilespmem:s13+$0x0];
	[tilespmem:s12+$0x20] =	vst v5;
	v3 =	vadd.s32 v0, v3  }
0x8c: {  	v9 =	vld [tilespmem:s13+$0x10];
	[tilespmem:s12+$0x30] =	vst v3;
	v2 =	vadd.s32 v0, v2  }
.Ltmp1:
0x8d: {  	v5 =	vld [tilespmem:s13+$0x20];
	[tilespmem:s12+$0x40] =	vst v2;
	v2 =	vadd.s32 v0, v4;
	(pc) =	sbr.rel @p1 .LBB2_4-.Ltmp1, $4  }
0x8e: {  	v3 =	vld [tilespmem:s13+$0x30];
	[tilespmem:s12+$0x50] =	vst v2;
	v4 =	vadd.s32 v0, v6  }
0x8f: {  	v2 =	vld [tilespmem:s13+$0x40];
	[tilespmem:s12+$0x60] =	vst v4;
	v6 =	vadd.s32 v0, v7  }
0x90: {  	v7 =	vadd.s32 v0, v8;
	v4 =	vld [tilespmem:s13+$0x50];
	[tilespmem:s12+$0x70] =	vst v6;
	s12 =	smov.u32 s13  }
0x91: {  	s9 =	sadd.s32 $0x200, s9;
	[tilespmem:s12+$0x0] =	vst v7;
	v7 =	vadd.s32 v0, v9;
	v6 =	vld [tilespmem:s12+$0x60]  }
0x92: {  	[tilespmem:s12+$0x10] =	vst v7;
	v5 =	vadd.s32 v0, v5;
	v63 =	vld [tilespmem:s12+$0x70]  }
0x93: {  	[tilespmem:s12+$0x20] =	vst v5;
	v3 =	vadd.s32 v0, v3  }
0x94: {  	[tilespmem:s12+$0x30] =	vst v3;
	v2 =	vadd.s32 v0, v2  }
0x95: {  	[tilespmem:s12+$0x40] =	vst v2;
	v2 =	vadd.s32 v0, v4  }
0x96: {  	[tilespmem:s12+$0x50] =	vst v2;
	v2 =	vadd.s32 v0, v6  }
0x97: {  	[tilespmem:s12+$0x60] =	vst v2;
	v2 =	vadd.s32 v0, v63  }
0x98: {  	[tilespmem:s12+$0x70] =	vst v2  }
0x99: {  	s9 =	simm.s32 $0x0;
	[bflag:$0x0] =	sbarrier.arrive $0xFFFF  }
0x9a: {  	[tilespmem:s10], [sflag:$0x1] =	stream.indirect.gather [hbm4b:s4+s8], $0x80, s9, s8, $0xb8;
	[tilespmem:$0x1E000] =	vst v63  }
0x9b: {  	_ =	swait.ge [sflag:s5], $0x4000  }
0x9c: {  	[sflag:s5] =	ssyncset.done $0x0  }
0x9d: {  	s20 =	simm.s32 $0x2800;
	[sflag:s5] =	ssyncadd.s32 $0xFFFFC000  }
0x9e: {  	[spmem:s2] =	stream.indirect.scatter.add.f32 [tilespmem:s10], [sflag:$0x1], $0x80, s20, s8, $0xb8;
	[tilespmem:$0x1E000] =	vst v63  }
0x9f: {  	_ =	swait.ge [sflag:s5], $0x4000  }
0xa0: {  	s12 =	simm.s32 $0x400;
	s9 =	simm.s32 $0x200;
	[sflag:s5] =	ssyncset.done $0x0  }
.LBB2_6:
0xa1: {  	s13 =	sshra.s32 s9, $0x2  }
0xa2: {  	[sflag:s5] =	ssyncadd.s32 $0xFFFFC000;
	s9 =	smov.u32 s12;
	s14 =	sadd.s32 $0x200, s12  }
0xa3: {  	[tilespmem:s10], [sflag:$0x1] =	stream.indirect.gather [hbm4b:s4+s8], $0x80, s13, s8, $0xb8;
	[tilespmem:$0x1E000] =	vst v63  }
0xa4: {  	p1 =	sne.s32 s12, $0x9E00;
	_ =	swait.ge [sflag:s5], $0x4000  }
.Ltmp2:
0xa5: {  	[sflag:s5] =	ssyncset.done $0x0;
	(pc) =	sbr.rel @p1 .LBB2_6-.Ltmp2, $4  }
0xa6: {  	s12 =	sadd.s32 $0x2800, s13;
	[sflag:s5] =	ssyncadd.s32 $0xFFFFC000  }
0xa7: {  	[spmem:s2] =	stream.indirect.scatter.add.f32 [tilespmem:s10], [sflag:$0x1], $0x80, s12, s8, $0xb8;
	[tilespmem:$0x1E000] =	vst v63  }
0xa8: {  	_ =	swait.ge [sflag:s5], $0x4000  }
0xa9: {  	s12 =	smov.u32 s14;
	[sflag:s5] =	ssyncset.done $0x0  }
0xaa: {  	s9 =	sshra.s32 s9, $0x2;
	[sflag:s5] =	ssyncadd.s32 $0xFFFFC000  }
0xab: {  	[tilespmem:s10], [sflag:$0x1] =	stream.indirect.gather [hbm4b:s4+s8], $0x80, s9, s8, $0xb8;
	[tilespmem:$0x1E000] =	vst v63  }
0xac: {  	_ =	swait.ge [sflag:s5], $0x4000  }
0xad: {  	[sflag:s5] =	ssyncset.done $0x0  }
0xae: {  	s9 =	sadd.s32 $0x2800, s9;
	[sflag:s5] =	ssyncadd.s32 $0xFFFFC000  }
0xaf: {  	[spmem:s2] =	stream.indirect.scatter.add.f32 [tilespmem:s10], [sflag:$0x1], $0x80, s9, s8, $0xb8;
	[tilespmem:$0x1E000] =	vst v63  }
0xb0: {  	_ =	swait.ge [sflag:s5], $0x4000  }
0xb1: {  	[sflag:s5] =	ssyncset.done $0x0  }
0xb2: {  	[sflag:s5] =	ssyncadd.s32 $0xFFFFC000  }
0xb3: {  	s12 =	stileid.u32;
	[bflag:$0x0] =	sbarrier.arrive $0xFFFF  }
0xb4: {  	s9 =	sshll.u32 s12, $0x6;
	s13 =	rddreg [dreg:$0x5]  }
0xb5: {  	s12 =	sor.u32 $0x1C01, s9;
	s14 =	rddreg [dreg:$0x6];
	s13 =	sshrl.u32 s13, $0x3  }
0xb6: {  	[hbm:s14], [sflag:s12] =	dma.local [spmem:s13], $0x2700  }
0xb7: {  	_ =	swait.ge [sflag:s5], $0x2700  }
0xb8: {  	[sflag:s5] =	ssyncset.done $0x0;
	s9 =	rddreg [dreg:$0x7]  }
0xb9: {  	[sflag:s5] =	ssyncadd.s32 $0xFFFFD900;
	s14 =	sshrl.u32 @!p0 s9, $0x3;
	s9 =	rddreg [dreg:$0x8]  }
0xba: {  	[hbm:s9], [sflag:s12] =	dma.local @!p0 [spmem:s14], $0x100  }
0xbb: {  	s9 =	simm.s32 @!p0 $0x1  }
0xbc: {  	_ =	swait.ge @!p0 [sflag:s9], $0x100  }
0xbd: {  	[sflag:s9] =	ssyncset.done @!p0 $0x0  }
0xbe: {  	[sflag:s9] =	ssyncadd.s32 @!p0 $0xFFFFFF00  }
0xbf: {  	[bflag:$0x0] =	sbarrier.arrive $0xFFFF  }
0xc0: {  	[spmem:s7] =	stream.linear.scatter [tilespmem:s6], [sflag:$0x1], $0x1000, $0x38;
	[tilespmem:$0x1E000] =	vst v63  }
0xc1: {  	_ =	swait.ge [sflag:s5], $0x1000  }
0xc2: {  	[sflag:s5] =	ssyncset.done $0x0  }
0xc3: {  	[sflag:s5] =	ssyncadd.s32 $0xFFFFF000  }
0xc4: {  	[spmem:s15] =	stream.linear.scatter [tilespmem:s6], [sflag:$0x1], $0x1000, $0x38;
	[tilespmem:$0x1E000] =	vst v63  }
0xc5: {  	_ =	swait.ge [sflag:s5], $0x1000  }
0xc6: {  	[sflag:s5] =	ssyncset.done $0x0  }
0xc7: {  	[sflag:s5] =	ssyncadd.s32 $0xFFFFF000  }
0xc8: {  	[spmem:s16] =	stream.linear.scatter [tilespmem:s6], [sflag:$0x1], $0x1000, $0x38;
	[tilespmem:$0x1E000] =	vst v63  }
0xc9: {  	_ =	swait.ge [sflag:s5], $0x1000  }
0xca: {  	[sflag:s5] =	ssyncset.done $0x0  }
0xcb: {  	[sflag:s5] =	ssyncadd.s32 $0xFFFFF000  }
0xcc: {  	[spmem:s17] =	stream.linear.scatter [tilespmem:s6], [sflag:$0x1], $0x1000, $0x38;
	[tilespmem:$0x1E000] =	vst v63  }
0xcd: {  	_ =	swait.ge [sflag:s5], $0x1000  }
0xce: {  	[sflag:s5] =	ssyncset.done $0x0  }
0xcf: {  	s18 =	smov.u32 s15;
	s15 =	rddreg [dreg:$0xc];
	[sflag:s5] =	ssyncadd.s32 $0xFFFFF000  }
0xd0: {  	[spmem:s15] =	stream.linear.scatter [tilespmem:s6], [sflag:$0x1], $0x1000, $0x38;
	[tilespmem:$0x1E000] =	vst v63  }
0xd1: {  	_ =	swait.ge [sflag:s5], $0x1000  }
0xd2: {  	[sflag:s5] =	ssyncset.done $0x0  }
0xd3: {  	s19 =	smov.u32 s16;
	s16 =	rddreg [dreg:$0xd];
	[sflag:s5] =	ssyncadd.s32 $0xFFFFF000  }
0xd4: {  	[spmem:s16] =	stream.linear.scatter [tilespmem:s6], [sflag:$0x1], $0x1000, $0x38;
	[tilespmem:$0x1E000] =	vst v63  }
0xd5: {  	_ =	swait.ge [sflag:s5], $0x1000  }
0xd6: {  	[sflag:s5] =	ssyncset.done $0x0  }
0xd7: {  	s20 =	smov.u32 s17;
	s17 =	rddreg [dreg:$0xe];
	[sflag:s5] =	ssyncadd.s32 $0xFFFFF000  }
0xd8: {  	[spmem:s17] =	stream.linear.scatter [tilespmem:s6], [sflag:$0x1], $0x1000, $0x38;
	[tilespmem:$0x1E000] =	vst v63  }
0xd9: {  	_ =	swait.ge [sflag:s5], $0x1000  }
0xda: {  	[sflag:s5] =	ssyncset.done $0x0  }
0xdb: {  	[sflag:s5] =	ssyncadd.s32 $0xFFFFF000  }
0xdc: {  	[spmem:s21] =	stream.linear.scatter [tilespmem:s6], [sflag:$0x1], $0x1000, $0x38;
	[tilespmem:$0x1E000] =	vst v63  }
0xdd: {  	_ =	swait.ge [sflag:s5], $0x1000  }
0xde: {  	[sflag:s5] =	ssyncset.done $0x0  }
0xdf: {  	[sflag:s5] =	ssyncadd.s32 $0xFFFFF000  }
0xe0: {  	[spmem:s22] =	stream.linear.scatter [tilespmem:s6], [sflag:$0x1], $0x1000, $0x38;
	[tilespmem:$0x1E000] =	vst v63  }
0xe1: {  	_ =	swait.ge [sflag:s5], $0x1000  }
0xe2: {  	[sflag:s5] =	ssyncset.done $0x0  }
0xe3: {  	[sflag:s5] =	ssyncadd.s32 $0xFFFFF000  }
0xe4: {  	[spmem:s23] =	stream.linear.scatter [tilespmem:s6], [sflag:$0x1], $0x1000, $0x38;
	[tilespmem:$0x1E000] =	vst v63  }
0xe5: {  	_ =	swait.ge [sflag:s5], $0x1000  }
0xe6: {  	[sflag:s5] =	ssyncset.done $0x0  }
0xe7: {  	[sflag:s5] =	ssyncadd.s32 $0xFFFFF000  }
0xe8: {  	[spmem:s24] =	stream.linear.scatter [tilespmem:s6], [sflag:$0x1], $0x1000, $0x38;
	[tilespmem:$0x1E000] =	vst v63  }
0xe9: {  	_ =	swait.ge [sflag:s5], $0x1000  }
0xea: {  	[sflag:s5] =	ssyncset.done $0x0  }
0xeb: {  	[sflag:s5] =	ssyncadd.s32 $0xFFFFF000  }
0xec: {  	[spmem:s25] =	stream.linear.scatter [tilespmem:s6], [sflag:$0x1], $0x1000, $0x38;
	[tilespmem:$0x1E000] =	vst v63  }
0xed: {  	_ =	swait.ge [sflag:s5], $0x1000  }
0xee: {  	[sflag:s5] =	ssyncset.done $0x0  }
0xef: {  	[sflag:s5] =	ssyncadd.s32 $0xFFFFF000  }
0xf0: {  	[spmem:s26] =	stream.linear.scatter [tilespmem:s6], [sflag:$0x1], $0x1000, $0x38;
	[tilespmem:$0x1E000] =	vst v63  }
0xf1: {  	_ =	swait.ge [sflag:s5], $0x1000  }
0xf2: {  	[sflag:s5] =	ssyncset.done $0x0  }
0xf3: {  	[sflag:s5] =	ssyncadd.s32 $0xFFFFF000  }
0xf4: {  	[spmem:s28] =	stream.linear.scatter [tilespmem:s6], [sflag:$0x1], $0x1000, $0x38;
	[tilespmem:$0x1E000] =	vst v63  }
0xf5: {  	_ =	swait.ge [sflag:s5], $0x1000  }
0xf6: {  	[sflag:s5] =	ssyncset.done $0x0  }
0xf7: {  	[sflag:s5] =	ssyncadd.s32 $0xFFFFF000  }
0xf8: {  	[spmem:s29] =	stream.linear.scatter [tilespmem:s6], [sflag:$0x1], $0x1000, $0x38;
	[tilespmem:$0x1E000] =	vst v63  }
0xf9: {  	_ =	swait.ge [sflag:s5], $0x1000  }
0xfa: {  	[sflag:s5] =	ssyncset.done $0x0  }
0xfb: {  	[sflag:s5] =	ssyncadd.s32 $0xFFFFF000  }
0xfc: {  	[spmem:s30] =	stream.linear.scatter [tilespmem:s6], [sflag:$0x1], $0x1000, $0x38;
	[tilespmem:$0x1E000] =	vst v63  }
0xfd: {  	_ =	swait.ge [sflag:s5], $0x1000  }
0xfe: {  	[sflag:s5] =	ssyncset.done $0x0  }
0xff: {  	[sflag:s5] =	ssyncadd.s32 $0xFFFFF000  }
0x100: {  	[spmem:s31] =	stream.linear.scatter [tilespmem:s6], [sflag:$0x1], $0x1000, $0x38;
	[tilespmem:$0x1E000] =	vst v63  }
0x101: {  	_ =	swait.ge [sflag:s5], $0x1000  }
0x102: {  	[sflag:s5] =	ssyncset.done $0x0  }
0x103: {  	[sflag:s5] =	ssyncadd.s32 $0xFFFFF000  }
0x104: {  	[spmem:s0] =	stream.linear.scatter [tilespmem:s6], [sflag:$0x1], $0x1000, $0x38;
	[tilespmem:$0x1E000] =	vst v63  }
0x105: {  	_ =	swait.ge [sflag:s5], $0x1000  }
0x106: {  	[sflag:s5] =	ssyncset.done $0x0  }
0x107: {  	[sflag:s5] =	ssyncadd.s32 $0xFFFFF000  }
0x108: {  	[spmem:s1] =	stream.linear.scatter [tilespmem:s6], [sflag:$0x1], $0x1000, $0x38;
	[tilespmem:$0x1E000] =	vst v63  }
0x109: {  	_ =	swait.ge [sflag:s5], $0x1000  }
0x10a: {  	[sflag:s5] =	ssyncset.done $0x0  }
0x10b: {  	[sflag:s5] =	ssyncadd.s32 $0xFFFFF000  }
0x10c: {  	[spmem:s3] =	stream.linear.scatter [tilespmem:s6], [sflag:$0x1], $0x1000, $0x38;
	[tilespmem:$0x1E000] =	vst v63  }
0x10d: {  	_ =	swait.ge [sflag:s5], $0x1000  }
0x10e: {  	[sflag:s5] =	ssyncset.done $0x0  }
0x10f: {  	s9 =	simm.s32 $0x0;
	[sflag:s5] =	ssyncadd.s32 $0xFFFFF000  }
0x110: {  	v4 =	vld [tilespmem:s9+$0x0]  }
0x111: {  	v6 =	vld [tilespmem:s9+$0x10]  }
0x112: {  	v5 =	vld [tilespmem:s9+$0x20]  }
0x113: {  	v3 =	vld [tilespmem:s9+$0x30]  }
0x114: {  	v2 =	vld [tilespmem:s9+$0x40]  }
0x115: {  	v7 =	vadd.s32 $0x2710, v4;
	v4 =	vld [tilespmem:s9+$0x50]  }
0x116: {  	s15 =	simm.s32 $0x200;
	[tilespmem:s9+$0x0] =	vst v7;
	v7 =	vadd.s32 $0x2710, v6;
	v6 =	vld [tilespmem:s9+$0x60]  }
.LBB2_8:
0x117: {  	s16 =	sshra.s32 s15, $0x2;
	p1 =	sne.s32 s15, $0x9E00;
	[tilespmem:s9+$0x10] =	vst v7;
	v5 =	vadd.s32 $0x2710, v5;
	v7 =	vld [tilespmem:s9+$0x70]  }
0x118: {  	v8 =	vld [tilespmem:s16+$0x0];
	[tilespmem:s9+$0x20] =	vst v5;
	v3 =	vadd.s32 $0x2710, v3  }
0x119: {  	v9 =	vld [tilespmem:s16+$0x10];
	[tilespmem:s9+$0x30] =	vst v3;
	v2 =	vadd.s32 $0x2710, v2  }
.Ltmp3:
0x11a: {  	v5 =	vld [tilespmem:s16+$0x20];
	[tilespmem:s9+$0x40] =	vst v2;
	v2 =	vadd.s32 $0x2710, v4;
	(pc) =	sbr.rel @p1 .LBB2_8-.Ltmp3, $4  }
0x11b: {  	v3 =	vld [tilespmem:s16+$0x30];
	[tilespmem:s9+$0x50] =	vst v2;
	v4 =	vadd.s32 $0x2710, v6  }
0x11c: {  	v2 =	vld [tilespmem:s16+$0x40];
	[tilespmem:s9+$0x60] =	vst v4;
	v6 =	vadd.s32 $0x2710, v7  }
0x11d: {  	v7 =	vadd.s32 $0x2710, v8;
	v4 =	vld [tilespmem:s16+$0x50];
	[tilespmem:s9+$0x70] =	vst v6;
	s9 =	smov.u32 s16  }
0x11e: {  	s15 =	sadd.s32 $0x200, s15;
	[tilespmem:s9+$0x0] =	vst v7;
	v7 =	vadd.s32 $0x2710, v9;
	v6 =	vld [tilespmem:s9+$0x60]  }
0x11f: {  	[tilespmem:s9+$0x10] =	vst v7;
	v5 =	vadd.s32 $0x2710, v5;
	v63 =	vld [tilespmem:s9+$0x70]  }
0x120: {  	[tilespmem:s9+$0x20] =	vst v5;
	v3 =	vadd.s32 $0x2710, v3  }
0x121: {  	[tilespmem:s9+$0x30] =	vst v3;
	v2 =	vadd.s32 $0x2710, v2  }
0x122: {  	[tilespmem:s9+$0x40] =	vst v2;
	v2 =	vadd.s32 $0x2710, v4  }
0x123: {  	[tilespmem:s9+$0x50] =	vst v2;
	v2 =	vadd.s32 $0x2710, v6  }
0x124: {  	[tilespmem:s9+$0x60] =	vst v2;
	v2 =	vadd.s32 $0x2710, v63  }
0x125: {  	[tilespmem:s9+$0x70] =	vst v2  }
0x126: {  	s16 =	simm.s32 $0x0;
	[bflag:$0x0] =	sbarrier.arrive $0xFFFF  }
0x127: {  	[tilespmem:s10], [sflag:$0x1] =	stream.indirect.gather [hbm4b:s4+s8], $0x80, s16, s8, $0xb8;
	[tilespmem:$0x1E000] =	vst v63  }
0x128: {  	_ =	swait.ge [sflag:s5], $0x4000  }
0x129: {  	[sflag:s5] =	ssyncset.done $0x0  }
0x12a: {  	s17 =	simm.s32 $0x2800;
	[sflag:s5] =	ssyncadd.s32 $0xFFFFC000  }
0x12b: {  	[spmem:s2] =	stream.indirect.scatter.add.f32 [tilespmem:s10], [sflag:$0x1], $0x80, s17, s8, $0xb8;
	[tilespmem:$0x1E000] =	vst v63  }
0x12c: {  	_ =	swait.ge [sflag:s5], $0x4000  }
0x12d: {  	s15 =	simm.s32 $0x400;
	s9 =	simm.s32 $0x200;
	[sflag:s5] =	ssyncset.done $0x0  }
.LBB2_10:
0x12e: {  	s16 =	sshra.s32 s9, $0x2  }
0x12f: {  	[sflag:s5] =	ssyncadd.s32 $0xFFFFC000;
	s9 =	smov.u32 s15;
	s17 =	sadd.s32 $0x200, s15  }
0x130: {  	[tilespmem:s10], [sflag:$0x1] =	stream.indirect.gather [hbm4b:s4+s8], $0x80, s16, s8, $0xb8;
	[tilespmem:$0x1E000] =	vst v63  }
0x131: {  	p1 =	sne.s32 s15, $0x9E00;
	_ =	swait.ge [sflag:s5], $0x4000  }
.Ltmp4:
0x132: {  	[sflag:s5] =	ssyncset.done $0x0;
	(pc) =	sbr.rel @p1 .LBB2_10-.Ltmp4, $4  }
0x133: {  	s15 =	sadd.s32 $0x2800, s16;
	[sflag:s5] =	ssyncadd.s32 $0xFFFFC000  }
0x134: {  	[spmem:s2] =	stream.indirect.scatter.add.f32 [tilespmem:s10], [sflag:$0x1], $0x80, s15, s8, $0xb8;
	[tilespmem:$0x1E000] =	vst v63  }
0x135: {  	_ =	swait.ge [sflag:s5], $0x4000  }
0x136: {  	s15 =	smov.u32 s17;
	[sflag:s5] =	ssyncset.done $0x0  }
0x137: {  	s9 =	sshra.s32 s9, $0x2;
	[sflag:s5] =	ssyncadd.s32 $0xFFFFC000  }
0x138: {  	[tilespmem:s10], [sflag:$0x1] =	stream.indirect.gather [hbm4b:s4+s8], $0x80, s9, s8, $0xb8;
	[tilespmem:$0x1E000] =	vst v63  }
0x139: {  	_ =	swait.ge [sflag:s5], $0x4000  }
0x13a: {  	[sflag:s5] =	ssyncset.done $0x0  }
0x13b: {  	s9 =	sadd.s32 $0x2800, s9;
	[sflag:s5] =	ssyncadd.s32 $0xFFFFC000  }
0x13c: {  	[spmem:s2] =	stream.indirect.scatter.add.f32 [tilespmem:s10], [sflag:$0x1], $0x80, s9, s8, $0xb8;
	[tilespmem:$0x1E000] =	vst v63  }
0x13d: {  	_ =	swait.ge [sflag:s5], $0x4000  }
0x13e: {  	[sflag:s5] =	ssyncset.done $0x0  }
0x13f: {  	[sflag:s5] =	ssyncadd.s32 $0xFFFFC000  }
0x140: {  	[bflag:$0x0] =	sbarrier.arrive $0xFFFF  }
0x141: {  	s16 =	rddreg [dreg:$0x9]  }
0x142: {  	[hbm:s16], [sflag:s12] =	dma.local [spmem:s13], $0x2700  }
0x143: {  	_ =	swait.ge [sflag:s5], $0x2700  }
0x144: {  	[sflag:s5] =	ssyncset.done $0x0  }
0x145: {  	s9 =	rddreg [dreg:$0xa];
	[sflag:s5] =	ssyncadd.s32 $0xFFFFD900  }
0x146: {  	[hbm:s9], [sflag:s12] =	dma.local @!p0 [spmem:s14], $0x100  }
0x147: {  	s9 =	simm.s32 @!p0 $0x1  }
0x148: {  	_ =	swait.ge @!p0 [sflag:s9], $0x100  }
0x149: {  	s11 =	sadd.s32 $0x1, s11;
	s17 =	rddreg [dreg:$0xb]  }
0x14a: {  	p1 =	sne.s32 s11, s17  }
.Ltmp5:
0x14b: {  	_ = 	snop;
	(pc) =	sbr.rel @p1 .LBB2_1-.Ltmp5, $4  }
0x14c: {  	[sflag:s9] =	ssyncset.done @!p0 $0x0  }
0x14d: {  	[sflag:s9] =	ssyncadd.s32 @!p0 $0xFFFFFF00  }
0x14e: {  	[bflag:$0x0] =	sbarrier.arrive $0xFFFF  }
0x14f: {  	s15 =	smov.u32 s18;
	s16 =	smov.u32 s19;
	s17 =	smov.u32 s20  }
0x150: {  	_ =	sfence.sel $0x180000  }
0x151: {  	[bflag:$0x0] =	sbarrier.arrive $0xFFFF  }
0x152: {  	_ =	strace $0x90000050  }
0x153: {  	s0 =	stileid.u32;
	[bflag:$0x2] =	sbarrier.arrive $0xFFFF  }
0x154: {  	p0 =	sne.s32 s0, $0x0;
	s0 =	rddreg [dreg:$0x2]  }
0x155: {  	s0 =	sadd.s32 @!p0 $0x100000, s0  }
0x156: {  	[sflag:s0] =	ssyncadd.tile.s32 @!p0 $0x1;
	_ =	shalt  }
.Lfunc_end2:
_tile_overlayer_lowered:
.L_overlay_start_2:
0x157: {  	(tag) =	ssettag $0x2  }
0x158: {  	s0 =	rddreg [dreg:$0x0];
	s2 =	stileid.u32  }
0x159: {  	s1 =	rddreg [dreg:$0x1];
	p0 =	sne.s32 s2, $0x0  }
0x15a: {  	s3 =	rddreg [dreg:$0x2];
	[bflag:$0x3] =	sbarrier.arrive $0xFFFF;
	s2 =	simm.s32 @!p0 $0x1C01  }
0x15b: {  	[timem:s3], [sflag:s2] =	dma.local @!p0 [hbm:s0], s1  }
0x15c: {  	s0 =	simm.s32 @!p0 $0x1  }
0x15d: {  	_ =	swait.ge @!p0 [sflag:s0], s1  }
0x15e: {  	s1 =	ssub.s32 @!p0 $0x0, s1;
	[sflag:s0] =	ssyncset.done @!p0 $0x0  }
0x15f: {  	[sflag:s0] =	ssyncadd.s32 @!p0 s1  }
0x160: {  	[bflag:$0x3] =	sbarrier.arrive $0xFFFF  }
0x161: {  	_ =	shalt  }

// kernel: kernel.20.cloned.1.call-start
scs
__scs_entry_jumppad:
0x0: {  	(pc) =	sbr.rel $0x88, $3  }
0x1: {  	(tag) =	ssettag $0x0;
	lr =	simm.s32 $0x1  }
0x2: {  	[smem:$0x3F92] =	sst lr;
	_ =	strace $0xD0000000  }
0x3: {  	_ = 	snop  }
0x4: {  	_ = 	snop  }
0x5: {  	_ = 	snop  }
0x6: {  	_ = 	snop  }
0x7: {  	_ = 	snop  }
__scs_overlays_trampoline_lowered:
0x8: {  	[smem:$0x3FA1] =	sst s0  }
0x9: {  	[smem:$0x3FA2] =	sst s1  }
0xa: {  	[smem:$0x3FA3] =	sst s2  }
0xb: {  	[smem:$0x3FA4] =	sst s3  }
0xc: {  	[smem:$0x3FA5] =	sst s4  }
0xd: {  	[smem:$0x3FA6] =	sst s5  }
0xe: {  	[smem:$0x3FA7] =	sst s6  }
0xf: {  	[smem:$0x3FA8] =	sst s7  }
0x10: {  	[smem:$0x3FA9] =	sst s8  }
0x11: {  	[smem:$0x3FAA] =	sst s9;
	s0 =	simm.s32 @!p0 $0x0  }
0x12: {  	s1 =	sld [smem:$0x3F90];
	s0 =	simm.s32 @p0 $0x1  }
0x13: {  	[smem:$0x3FAB] =	sst s0;
	s0 =	simm.s32 @!p1 $0x0  }
0x14: {  	s2 =	sld [smem:$0x3F8F];
	s0 =	simm.s32 @p1 $0x1  }
0x15: {  	[smem:$0x3FAC] =	sst s0;
	s0 =	simm.s32 @!p2 $0x0  }
0x16: {  	s3 =	sld [smem:$0x3FDB];
	s0 =	simm.s32 @p2 $0x1  }
0x17: {  	s4 =	simm.s32 $0x1BF5;
	[smem:$0x3FAE] =	sst s0  }
0x18: {  	s0 =	sld [smem:$0x3F91];
	_ =	swait.ge [sflag:s4], $0x0  }
0x19: {  	s7 =	sld [smem:$0x3F92]  }
0x1a: {  	s8 =	sadd.s32 $0xFFFFE003, lr  }
0x1b: {  	s9 =	sadd.s32 $0xFFFFFEF7, lr;
	s5 =	simm.s32 $0xFFFFFFFF;
	p2 =	slt.u32 s8, $0xFFFFF086  }
0x1c: {  	p1 =	slt.u32 s9, $0xF7A;
	s5 =	simm.s32 @!p2 $0x0  }
0x1d: {  	s5 =	simm.s32 @p1 $0x1;
	p0 =	seq.s32 s7, s2  }
0x1e: {  	s7 =	smul.u32 @!p0 $0xF7A, s2;
	p2 =	seq.s32 @!p0 s5, $0x0  }
0x1f: {  	s9 =	smul.u32 $0xF7A, s1;
	s8 =	simm.s32 @!p0 $0x1BF5;
	p2 =	por !p2, p0  }
0x20: {  	[sflag:s8] =	ssyncset.s32 @!p0 $0xFFFFF086;
	s6 =	sadd.s32 @!p0 s3, s7;
	s7 =	simm.s32 @!p0 $0x108  }
0x21: {  	s3 =	sadd.s32 s3, s9;
	s6 =	sadd.s32 @!p0 $0x88, s6;
	s7 =	simm.s32 @p2 $0x1082  }
0x22: {  	[simem:s7], [sflag:s8] =	dma.local @!p0 [hbm:s6], $0xF7A  }
0x23: {  	s9 =	sor.u32 $0xD0000000, s2;
	s6 =	simm.s32 $0x108;
	_ =	swait.ge @!p0 [sflag:s8], $0x0  }
0x24: {  	s3 =	sadd.s32 $0x88, s3;
	s6 =	simm.s32 @!p1 $0x1082;
	[sflag:s4] =	ssyncset.s32 $0xFFFFF086  }
0x25: {  	[simem:s6], [sflag:s4] =	dma.local [hbm:s3], $0xF7A  }
0x26: {  	[smem:$0x3F92] =	sst s1;
	(tag) =	ssettag s2;
	_ =	strace s9  }
0x27: {  	s1 =	sld [smem:$0x3FA2]  }
0x28: {  	s2 =	sld [smem:$0x3FA3]  }
0x29: {  	s4 =	sld [smem:$0x3FA5]  }
0x2a: {  	p0 =	seq.s32 s5, $0x0;
	s5 =	sld [smem:$0x3FA6]  }
0x2b: {  	s6 =	sld [smem:$0x3FA7]  }
0x2c: {  	s7 =	sld [smem:$0x3FA8]  }
0x2d: {  	s3 =	simm.s32 $0x108;
	s8 =	sld [smem:$0x3FA9]  }
0x2e: {  	s3 =	simm.s32 @!p0 $0x1082;
	s9 =	sld [smem:$0x3FAA]  }
0x2f: {  	lr =	sadd.s32 s0, s3;
	s0 =	sld [smem:$0x3FA1]  }
0x30: {  	s3 =	sld [smem:$0x3FA4]  }
0x31: {  	[smem:$0x3FAD] =	sst s10  }
0x32: {  	s10 =	sld [smem:$0x3FAB];
	_ =	sdelay $0x3  }
0x33: {  	p0 =	seq.s32 s10, $0x1;
	s10 =	sld [smem:$0x3FAD];
	_ =	sdelay $0x3  }
0x34: {  	[smem:$0x3FAD] =	sst s10  }
0x35: {  	s10 =	sld [smem:$0x3FAC];
	_ =	sdelay $0x3  }
0x36: {  	p1 =	seq.s32 s10, $0x1;
	s10 =	sld [smem:$0x3FAD];
	_ =	sdelay $0x3  }
0x37: {  	[smem:$0x3FAD] =	sst s10  }
0x38: {  	s10 =	sld [smem:$0x3FAE]  }
0x39: {  	_ = 	snop;
	(pc) =	sbr.ind lr, $3  }
0x3a: {  	_ = 	snop  }
0x3b: {  	_ = 	snop  }
0x3c: {  	p2 =	seq.s32 s10, $0x1;
	s10 =	sld [smem:$0x3FAD]  }
0x3d: {  	_ =	shalt  }
0x3e: {  	_ =	shalt  }
0x3f: {  	_ =	shalt  }
0x40: {  	_ =	shalt  }
0x41: {  	_ =	shalt  }
0x42: {  	_ =	shalt  }
0x43: {  	_ =	shalt  }
0x44: {  	_ =	shalt  }
0x45: {  	_ =	shalt  }
0x46: {  	_ =	shalt  }
0x47: {  	_ =	shalt  }
0x48: {  	_ =	shalt  }
0x49: {  	_ =	shalt  }
0x4a: {  	_ =	shalt  }
0x4b: {  	_ =	shalt  }
0x4c: {  	_ =	shalt  }
0x4d: {  	_ =	shalt  }
0x4e: {  	_ =	shalt  }
0x4f: {  	_ =	shalt  }
0x50: {  	_ =	shalt  }
0x51: {  	_ =	shalt  }
0x52: {  	_ =	shalt  }
0x53: {  	_ =	shalt  }
0x54: {  	_ =	shalt  }
0x55: {  	_ =	shalt  }
0x56: {  	_ =	shalt  }
0x57: {  	_ =	shalt  }
0x58: {  	_ =	shalt  }
0x59: {  	_ =	shalt  }
0x5a: {  	_ =	shalt  }
0x5b: {  	_ =	shalt  }
0x5c: {  	_ =	shalt  }
0x5d: {  	_ =	shalt  }
0x5e: {  	_ =	shalt  }
0x5f: {  	_ =	shalt  }
0x60: {  	_ =	shalt  }
0x61: {  	_ =	shalt  }
0x62: {  	_ =	shalt  }
0x63: {  	_ =	shalt  }
0x64: {  	_ =	shalt  }
0x65: {  	_ =	shalt  }
0x66: {  	_ =	shalt  }
0x67: {  	_ =	shalt  }
0x68: {  	_ =	shalt  }
0x69: {  	_ =	shalt  }
0x6a: {  	_ =	shalt  }
0x6b: {  	_ =	shalt  }
0x6c: {  	_ =	shalt  }
0x6d: {  	_ =	shalt  }
0x6e: {  	_ =	shalt  }
0x6f: {  	_ =	shalt  }
0x70: {  	_ =	shalt  }
0x71: {  	_ =	shalt  }
0x72: {  	_ =	shalt  }
0x73: {  	_ =	shalt  }
0x74: {  	_ =	shalt  }
0x75: {  	_ =	shalt  }
0x76: {  	_ =	shalt  }
0x77: {  	_ =	shalt  }
0x78: {  	_ =	shalt  }
0x79: {  	_ =	shalt  }
0x7a: {  	_ =	shalt  }
0x7b: {  	_ =	shalt  }
0x7c: {  	_ =	shalt  }
0x7d: {  	_ =	shalt  }
0x7e: {  	_ =	shalt  }
0x7f: {  	_ =	shalt  }
0x80: {  	_ =	shalt  }
0x81: {  	_ =	shalt  }
0x82: {  	_ =	shalt  }
0x83: {  	_ =	shalt  }
0x84: {  	_ =	shalt  }
0x85: {  	_ =	shalt  }
0x86: {  	_ =	shalt  }
0x87: {  	_ =	shalt  }
.Lfunc_end0:
.L_simem_size_0:
called_computation.4_lowered:
.L_overlay_start_0:
0x88: {  	s2 =	sld [smem:$0x3FD9]  }
0x89: {  	s3 =	sld [smem:$0x3FFE];
	_ =	sdelay $0x1  }
0x8a: {  	s1 =	srdreg.scid  }
0x8b: {  	s0 =	sand.u32 $0x1, s1  }
0x8c: {  	s16 =	sshll.u32 s0, $0xA;
	s2 =	sadd.s32 s3, s2  }
0x8d: {  	s2 =	sadd.s32 s2, s16  }
0x8e: {  	[smem:$0x3FB9] =	sst s2  }
0x8f: {  	_ = 	snop  }
0x90: {  	(tm) =	ssettm $0x1  }
0x91: {  	s17 =	sld [smem:$0x3FFB];
	_ =	sdelay $0x3  }
0x92: {  	_ =	strace s17  }
0x93: {  	s2 =	sld [smem:$0x3FFC];
	_ =	sdelay $0x3  }
0x94: {  	_ =	strace s2  }
0x95: {  	s2 =	sld [smem:$0x3FFD];
	_ =	sdelay $0x3  }
0x96: {  	_ =	strace s2  }
0x97: {  	_ =	strace $0x8FFFFFFF  }
0x98: {  	s18 =	sld [smem:$0x3FDB];
	_ =	sdelay $0x1  }
0x99: {  	s19 =	simm.s32 $_scs_section_size  }
0x9a: {  	s4 =	simm.s32 $_size__tile_overlayer_lowered;
	s5 =	simm.s32 $_tile_overlayer_lowered  }
0x9b: {  	s22 =	simm.s32 $0x1BFF;
	s21 =	sshll.u32 s5, $0x1;
	s2 =	sadd.s32 s19, s18  }
0x9c: {  	s6 =	simm.s32 $0x0;
	s20 =	sshll.u32 s4, $0x1;
	s4 =	sadd.s32 s21, s2  }
0x9d: {  	[timem:s6], [sflag:s22] =	dma.local [hbm:s4], s20  }
0x9e: {  	_ =	swait.ge [sflag:s22], s20  }
0x9f: {  	s3 =	ssub.s32 $0x0, s20;
	[sflag:s22] =	ssyncset.done $0x0  }
0xa0: {  	[sflag:s22] =	ssyncadd.s32 s3;
	_ =	sdelay $0x1  }
0xa1: {  	s23 =	simm.s32 $0x1B8B  }
0xa2: {  	_ =	swait.ge [sflag:s23], $0x1  }
0xa3: {  	[sflag:s23] =	ssyncset.done $0x0  }
0xa4: {  	s25 =	simm.s32 $0x1B8E;
	s24 =	sld [smem:$0x3FFE];
	[sflag:s23] =	ssyncadd.s32 $0xFFFFFFFF  }
0xa5: {  	s26 =	simm.s32 $execute0_lowered;
	[smem:$0x3FD2] =	sst s25  }
0xa6: {  	s4 =	sshll.u32 s26, $0x1;
	_ =	strace $0x80000052;
	[dreg:$0x1] =	wrdreg $0xFFFFFFFF  }
0xa7: {  	s28 =	simm.s32 $_size_execute0_lowered;
	s2 =	sadd.s32 s2, s4;
	[dreg:$0x0] =	wrdreg $0x0  }
0xa8: {  	s4 =	sshll.u32 s28, $0x1;
	[dreg:$0x2] =	wrdreg s2  }
0xa9: {  	[dreg:$0x3] =	wrdreg s4  }
0xaa: {  	[dreg:$0x4] =	wrdreg $0xC0  }
0xab: {  	_ =	task [dreg:s6], $0x5FFFF  }
0xac: {  	[dreg:$0x1] =	wrdreg $0xFFFFFFFF  }
0xad: {  	[dreg:$0x0] =	wrdreg $0x60  }
0xae: {  	[dreg:$0x2] =	wrdreg s24  }
0xaf: {  	[dreg:$0x3] =	wrdreg $0xA0000  }
0xb0: {  	[dreg:$0x4] =	wrdreg $0x9  }
0xb1: {  	_ =	task.clear_ibuf [dreg:s6], $0x5FFFF;
	_ =	strace $0x90000052  }
0xb2: {  	s29 =	simm.s32 $0x9;
	_ =	strace $0x80000054  }
0xb3: {  	_ =	swait.ge [sflag:s29], $0x1  }
0xb4: {  	[sflag:s29] =	ssyncadd.s32 $0xFFFFFFFF  }
0xb5: {  	_ =	strace $0x90000054  }
0xb6: {  	_ =	sfence  }
0xb7: {  	s30 =	sld [smem:$0x0];
	_ =	sdelay $0x2  }
0xb8: {  	s31 =	sshll.u32 s1, $0xD;
	s1 =	sshrl.u32 s1, $0x2  }
0xb9: {  	s3 =	sand.u32 $0x4000, s31;
	s1 =	sadd.s32 s1, s30  }
0xba: {  	s0 =	sor.u32 s3, s0;
	s1 =	sshll.u32 s1, $0x11  }
0xbb: {  	s0 =	sor.u32 s1, s0  }
0xbc: {  	s0 =	sadd.s32 $0x8F2B, s0  }
0xbd: {  	[sflag:s0] =	ssyncadd.remote.s32 $0x1  }
0xbe: {  	_ =	sfence.sel $0xFFFF  }
0xbf: {  	[dreg:$0x0] =	wrdreg $0xFFFFFFFF;
	(pc) =	sbr.abs _section_cstart, $3  }
0xc0: {  	[dreg:$0x1] =	wrdreg $0xFFFFFFFF  }
0xc1: {  	_ =	task.clear_ibuf [dreg:s6], $0x2FFFF;
	_ =	strace $0x9FFFFFFF  }
0xc2: {  	(tm) =	ssettm $0x7FFFFFFF  }
0xc3: {  	_ =	shalt  }
tec
execute0_lowered:
.L_overlay_start_1:
0x0: {  	(tag) =	ssettag $0x1  }
0x1: {  	s0 =	rddreg [dreg:$0x0];
	s11 =	stileid.u32  }
0x2: {  	s2 =	rddreg [dreg:$0x1];
	s16 =	smul.u32 $0x500, s11  }
0x3: {  	s1 =	simm.s32 $0x0;
	s3 =	srdreg.scid;
	s5 =	smul.u32 $0x50000, s11  }
0x4: {  	[smem:$0x7FF] =	sst s1;
	s4 =	sadd.s32 $0xD200, s0;
	s9 =	smul.u32 $0x270, s11  }
0x5: {  	s3 =	sand.u32 $0x1, s3;
	s10 =	smul.u32 $0x4E000, s11;
	s22 =	sadd.s32 $0x138000, s2  }
0x6: {  	p0 =	sne.s32 s11, $0xF;
	s11 =	simm.s32 $0x0;
	s8 =	smul.u32 $0x4E20, s3  }
0x7: {  	_ =	strace $0x80000053;
	s6 =	ssub.s32 $0x2, s3;
	s3 =	smul.u32 $0x271000, s3  }
0x8: {  	[dreg:$0x7] =	wrdreg s22;
	s1 =	sadd.s32 s16, s0;
	s0 =	sadd.s32 $0xA9600, s0  }
0x9: {  	s7 =	sshrl.u32 s6, $0x1;
	s18 =	sshrl.u32 s5, $0x2;
	s19 =	sshrl.u32 s10, $0x2  }
0xa: {  	s5 =	simm.s32 $0x1;
	s10 =	simm.s32 $0x5000;
	s6 =	ssub.s32 s6, s7  }
0xb: {  	s17 =	sadd.s32 $0x8200, s1;
	s1 =	sadd.s32 $0x3200, s1;
	s7 =	sadd.s32 s18, s2  }
0xc: {  	s20 =	sadd.s32 s9, s8;
	s3 =	sshrl.u32 s3, $0x3;
	[dreg:$0x3] =	wrdreg s17  }
0xd: {  	v0 =	vmov s8;
	s8 =	simm.s32 $0x80;
	[dreg:$0x4] =	wrdreg s1;
	s1 =	sadd.s32 s19, s2  }
0xe: {  	s21 =	sshll.u32 s20, $0x4;
	s23 =	smax.u32 s6, $0x1;
	s15 =	sadd.s32 $0x1000, s7  }
0xf: {  	s16 =	sadd.s32 $0x2000, s7;
	s17 =	sadd.s32 $0x3000, s7;
	s24 =	sadd.s32 $0x4000, s7  }
0x10: {  	s25 =	sadd.s32 $0x5000, s7;
	s26 =	sadd.s32 $0x6000, s7;
	[dreg:$0x5] =	wrdreg s1  }
0x11: {  	s22 =	sadd.s32 $0x8000, s7;
	s28 =	sadd.s32 $0xD000, s7;
	[dreg:$0xb] =	wrdreg s23  }
0x12: {  	s29 =	sadd.s32 $0xE000, s7;
	s30 =	sadd.s32 $0xF000, s7;
	[dreg:$0xc] =	wrdreg s24  }
0x13: {  	s31 =	sadd.s32 $0x10000, s7;
	s6 =	simm.s32 $0x9000;
	[dreg:$0xd] =	wrdreg s25  }
0x14: {  	s1 =	sadd.s32 s0, s21;
	s0 =	sadd.s32 s0, s3;
	[dreg:$0xe] =	wrdreg s26  }
0x15: {  	s21 =	sadd.s32 $0x7000, s7;
	s3 =	sadd.s32 $0x27000, s0;
	[dreg:$0x6] =	wrdreg s1  }
0x16: {  	s23 =	sadd.s32 $0x9000, s7;
	s1 =	sadd.s32 $0x27100, s1;
	[dreg:$0x8] =	wrdreg s3  }
0x17: {  	s24 =	sadd.s32 $0xA000, s7;
	s0 =	sadd.s32 $0x4E100, s0;
	[dreg:$0x9] =	wrdreg s1  }
0x18: {  	s25 =	sadd.s32 $0xB000, s7;
	s26 =	sadd.s32 $0xC000, s7;
	[dreg:$0xa] =	wrdreg s0  }
0x19: {  	v1 =	vimm.f32 $0.0e+00;
	s0 =	sadd.s32 $0x11000, s7;
	s1 =	sadd.s32 $0x12000, s7;
	s3 =	sadd.s32 $0x13000, s7  }
.LBB2_1:
0x1a: {  	s9 =	simm.s32 $0x0;
	s12 =	rddreg [dreg:$0x3]  }
0x1b: {  	[tilespmem:s9], [sflag:$0x1] =	stream.linear.gather [hbm4b:s12+s9], $0x2800, $0x38;
	[tilespmem:$0x1E000] =	vst v63  }
0x1c: {  	_ =	swait.ge [sflag:s5], $0x2800  }
0x1d: {  	[sflag:s5] =	ssyncset.done $0x0  }
0x1e: {  	s13 =	simm.s32 $0x2800;
	s20 =	rddreg [dreg:$0x4];
	[sflag:s5] =	ssyncadd.s32 $0xFFFFD800  }
0x1f: {  	[tilespmem:s13], [sflag:$0x1] =	stream.linear.gather [hbm4b:s20+s9], $0x2800, $0x38;
	[tilespmem:$0x1E000] =	vst v63  }
0x20: {  	_ =	swait.ge [sflag:s5], $0x2800  }
0x21: {  	[sflag:s5] =	ssyncset.done $0x0  }
0x22: {  	s12 =	simm.s32 $0x200;
	s9 =	simm.s32 $0x0;
	[sflag:s5] =	ssyncadd.s32 $0xFFFFD800  }
.LBB2_2:
0x23: {  	p1 =	sne.s32 s12, $0x3E00;
	[tilespmem:s9+$0x9070] =	vst v1  }
0x24: {  	[tilespmem:s9+$0x9000] =	vst v1  }
0x25: {  	[tilespmem:s9+$0x9010] =	vst v1  }
.Ltmp0:
0x26: {  	[tilespmem:s9+$0x9020] =	vst v1;
	(pc) =	sbr.rel @p1 .LBB2_2-.Ltmp0, $4  }
0x27: {  	[tilespmem:s9+$0x9030] =	vst v1  }
0x28: {  	[tilespmem:s9+$0x9040] =	vst v1  }
0x29: {  	[tilespmem:s9+$0x9050] =	vst v1  }
0x2a: {  	[tilespmem:s9+$0x9060] =	vst v1;
	s9 =	sshra.s32 s12, $0x2;
	s12 =	sadd.s32 $0x200, s12  }
0x2b: {  	[tilespmem:s9+$0x9070] =	vst v1  }
0x2c: {  	[tilespmem:s9+$0x9000] =	vst v1  }
0x2d: {  	[tilespmem:s9+$0x9010] =	vst v1  }
0x2e: {  	[tilespmem:s9+$0x9020] =	vst v1  }
0x2f: {  	[tilespmem:s9+$0x9030] =	vst v1  }
0x30: {  	[tilespmem:s9+$0x9040] =	vst v1  }
0x31: {  	[tilespmem:s9+$0x9050] =	vst v1  }
0x32: {  	[tilespmem:s9+$0x9060] =	vst v1  }
0x33: {  	[spmem:s7] =	stream.linear.scatter [tilespmem:s6], [sflag:$0x1], $0x1000, $0x38;
	[tilespmem:$0x1E000] =	vst v63  }
0x34: {  	_ =	swait.ge [sflag:s5], $0x1000  }
0x35: {  	[sflag:s5] =	ssyncset.done $0x0  }
0x36: {  	[sflag:s5] =	ssyncadd.s32 $0xFFFFF000  }
0x37: {  	[spmem:s15] =	stream.linear.scatter [tilespmem:s6], [sflag:$0x1], $0x1000, $0x38;
	[tilespmem:$0x1E000] =	vst v63  }
0x38: {  	_ =	swait.ge [sflag:s5], $0x1000  }
0x39: {  	[sflag:s5] =	ssyncset.done $0x0  }
0x3a: {  	[sflag:s5] =	ssyncadd.s32 $0xFFFFF000  }
0x3b: {  	[spmem:s16] =	stream.linear.scatter [tilespmem:s6], [sflag:$0x1], $0x1000, $0x38;
	[tilespmem:$0x1E000] =	vst v63  }
0x3c: {  	_ =	swait.ge [sflag:s5], $0x1000  }
0x3d: {  	[sflag:s5] =	ssyncset.done $0x0  }
0x3e: {  	[sflag:s5] =	ssyncadd.s32 $0xFFFFF000  }
0x3f: {  	[spmem:s17] =	stream.linear.scatter [tilespmem:s6], [sflag:$0x1], $0x1000, $0x38;
	[tilespmem:$0x1E000] =	vst v63  }
0x40: {  	_ =	swait.ge [sflag:s5], $0x1000  }
0x41: {  	[sflag:s5] =	ssyncset.done $0x0  }
0x42: {  	s18 =	rddreg [dreg:$0xc];
	[sflag:s5] =	ssyncadd.s32 $0xFFFFF000  }
0x43: {  	[spmem:s18] =	stream.linear.scatter [tilespmem:s6], [sflag:$0x1], $0x1000, $0x38;
	[tilespmem:$0x1E000] =	vst v63  }
0x44: {  	_ =	swait.ge [sflag:s5], $0x1000  }
0x45: {  	[sflag:s5] =	ssyncset.done $0x0  }
0x46: {  	s19 =	rddreg [dreg:$0xd];
	[sflag:s5] =	ssyncadd.s32 $0xFFFFF000  }
0x47: {  	[spmem:s19] =	stream.linear.scatter [tilespmem:s6], [sflag:$0x1], $0x1000, $0x38;
	[tilespmem:$0x1E000] =	vst v63  }
0x48: {  	_ =	swait.ge [sflag:s5], $0x1000  }
0x49: {  	[sflag:s5] =	ssyncset.done $0x0  }
0x4a: {  	s20 =	rddreg [dreg:$0xe];
	[sflag:s5] =	ssyncadd.s32 $0xFFFFF000  }
0x4b: {  	[spmem:s20] =	stream.linear.scatter [tilespmem:s6], [sflag:$0x1], $0x1000, $0x38;
	[tilespmem:$0x1E000] =	vst v63  }
0x4c: {  	_ =	swait.ge [sflag:s5], $0x1000  }
0x4d: {  	[sflag:s5] =	ssyncset.done $0x0  }
0x4e: {  	[sflag:s5] =	ssyncadd.s32 $0xFFFFF000  }
0x4f: {  	[spmem:s21] =	stream.linear.scatter [tilespmem:s6], [sflag:$0x1], $0x1000, $0x38;
	[tilespmem:$0x1E000] =	vst v63  }
0x50: {  	_ =	swait.ge [sflag:s5], $0x1000  }
0x51: {  	[sflag:s5] =	ssyncset.done $0x0  }
0x52: {  	[sflag:s5] =	ssyncadd.s32 $0xFFFFF000  }
0x53: {  	[spmem:s22] =	stream.linear.scatter [tilespmem:s6], [sflag:$0x1], $0x1000, $0x38;
	[tilespmem:$0x1E000] =	vst v63  }
0x54: {  	_ =	swait.ge [sflag:s5], $0x1000  }
0x55: {  	[sflag:s5] =	ssyncset.done $0x0  }
0x56: {  	[sflag:s5] =	ssyncadd.s32 $0xFFFFF000  }
0x57: {  	[spmem:s23] =	stream.linear.scatter [tilespmem:s6], [sflag:$0x1], $0x1000, $0x38;
	[tilespmem:$0x1E000] =	vst v63  }
0x58: {  	_ =	swait.ge [sflag:s5], $0x1000  }
0x59: {  	[sflag:s5] =	ssyncset.done $0x0  }
0x5a: {  	[sflag:s5] =	ssyncadd.s32 $0xFFFFF000  }
0x5b: {  	[spmem:s24] =	stream.linear.scatter [tilespmem:s6], [sflag:$0x1], $0x1000, $0x38;
	[tilespmem:$0x1E000] =	vst v63  }
0x5c: {  	_ =	swait.ge [sflag:s5], $0x1000  }
0x5d: {  	[sflag:s5] =	ssyncset.done $0x0  }
0x5e: {  	[sflag:s5] =	ssyncadd.s32 $0xFFFFF000  }
0x5f: {  	[spmem:s25] =	stream.linear.scatter [tilespmem:s6], [sflag:$0x1], $0x1000, $0x38;
	[tilespmem:$0x1E000] =	vst v63  }
0x60: {  	_ =	swait.ge [sflag:s5], $0x1000  }
0x61: {  	[sflag:s5] =	ssyncset.done $0x0  }
0x62: {  	[sflag:s5] =	ssyncadd.s32 $0xFFFFF000  }
0x63: {  	[spmem:s26] =	stream.linear.scatter [tilespmem:s6], [sflag:$0x1], $0x1000, $0x38;
	[tilespmem:$0x1E000] =	vst v63  }
0x64: {  	_ =	swait.ge [sflag:s5], $0x1000  }
0x65: {  	[sflag:s5] =	ssyncset.done $0x0  }
0x66: {  	[sflag:s5] =	ssyncadd.s32 $0xFFFFF000  }
0x67: {  	[spmem:s28] =	stream.linear.scatter [tilespmem:s6], [sflag:$0x1], $0x1000, $0x38;
	[tilespmem:$0x1E000] =	vst v63  }
0x68: {  	_ =	swait.ge [sflag:s5], $0x1000  }
0x69: {  	[sflag:s5] =	ssyncset.done $0x0  }
0x6a: {  	[sflag:s5] =	ssyncadd.s32 $0xFFFFF000  }
0x6b: {  	[spmem:s29] =	stream.linear.scatter [tilespmem:s6], [sflag:$0x1], $0x1000, $0x38;
	[tilespmem:$0x1E000] =	vst v63  }
0x6c: {  	_ =	swait.ge [sflag:s5], $0x1000  }
0x6d: {  	[sflag:s5] =	ssyncset.done $0x0  }
0x6e: {  	[sflag:s5] =	ssyncadd.s32 $0xFFFFF000  }
0x6f: {  	[spmem:s30] =	stream.linear.scatter [tilespmem:s6], [sflag:$0x1], $0x1000, $0x38;
	[tilespmem:$0x1E000] =	vst v63  }
0x70: {  	_ =	swait.ge [sflag:s5], $0x1000  }
0x71: {  	[sflag:s5] =	ssyncset.done $0x0  }
0x72: {  	[sflag:s5] =	ssyncadd.s32 $0xFFFFF000  }
0x73: {  	[spmem:s31] =	stream.linear.scatter [tilespmem:s6], [sflag:$0x1], $0x1000, $0x38;
	[tilespmem:$0x1E000] =	vst v63  }
0x74: {  	_ =	swait.ge [sflag:s5], $0x1000  }
0x75: {  	[sflag:s5] =	ssyncset.done $0x0  }
0x76: {  	[sflag:s5] =	ssyncadd.s32 $0xFFFFF000  }
0x77: {  	[spmem:s0] =	stream.linear.scatter [tilespmem:s6], [sflag:$0x1], $0x1000, $0x38;
	[tilespmem:$0x1E000] =	vst v63  }
0x78: {  	_ =	swait.ge [sflag:s5], $0x1000  }
0x79: {  	[sflag:s5] =	ssyncset.done $0x0  }
0x7a: {  	[sflag:s5] =	ssyncadd.s32 $0xFFFFF000  }
0x7b: {  	[spmem:s1] =	stream.linear.scatter [tilespmem:s6], [sflag:$0x1], $0x1000, $0x38;
	[tilespmem:$0x1E000] =	vst v63  }
0x7c: {  	_ =	swait.ge [sflag:s5], $0x1000  }
0x7d: {  	[sflag:s5] =	ssyncset.done $0x0  }
0x7e: {  	[sflag:s5] =	ssyncadd.s32 $0xFFFFF000  }
0x7f: {  	[spmem:s3] =	stream.linear.scatter [tilespmem:s6], [sflag:$0x1], $0x1000, $0x38;
	[tilespmem:$0x1E000] =	vst v63  }
0x80: {  	_ =	swait.ge [sflag:s5], $0x1000  }
0x81: {  	[sflag:s5] =	ssyncset.done $0x0  }
0x82: {  	s12 =	simm.s32 $0x0;
	[sflag:s5] =	ssyncadd.s32 $0xFFFFF000  }
0x83: {  	v4 =	vld [tilespmem:s12+$0x0]  }
0x84: {  	v6 =	vld [tilespmem:s12+$0x10]  }
0x85: {  	v5 =	vld [tilespmem:s12+$0x20]  }
0x86: {  	v3 =	vld [tilespmem:s12+$0x30]  }
0x87: {  	v2 =	vld [tilespmem:s12+$0x40]  }
0x88: {  	v7 =	vadd.s32 v0, v4;
	v4 =	vld [tilespmem:s12+$0x50]  }
0x89: {  	s9 =	simm.s32 $0x200;
	[tilespmem:s12+$0x0] =	vst v7;
	v7 =	vadd.s32 v0, v6;
	v6 =	vld [tilespmem:s12+$0x60]  }
.LBB2_4:
0x8a: {  	s13 =	sshra.s32 s9, $0x2;
	p1 =	sne.s32 s9, $0x9E00;
	[tilespmem:s12+$0x10] =	vst v7;
	v5 =	vadd.s32 v0, v5;
	v7 =	vld [tilespmem:s12+$0x70]  }
0x8b: {  	v8 =	vld [tilespmem:s13+$0x0];
	[tilespmem:s12+$0x20] =	vst v5;
	v3 =	vadd.s32 v0, v3  }
0x8c: {  	v9 =	vld [tilespmem:s13+$0x10];
	[tilespmem:s12+$0x30] =	vst v3;
	v2 =	vadd.s32 v0, v2  }
.Ltmp1:
0x8d: {  	v5 =	vld [tilespmem:s13+$0x20];
	[tilespmem:s12+$0x40] =	vst v2;
	v2 =	vadd.s32 v0, v4;
	(pc) =	sbr.rel @p1 .LBB2_4-.Ltmp1, $4  }
0x8e: {  	v3 =	vld [tilespmem:s13+$0x30];
	[tilespmem:s12+$0x50] =	vst v2;
	v4 =	vadd.s32 v0, v6  }
0x8f: {  	v2 =	vld [tilespmem:s13+$0x40];
	[tilespmem:s12+$0x60] =	vst v4;
	v6 =	vadd.s32 v0, v7  }
0x90: {  	v7 =	vadd.s32 v0, v8;
	v4 =	vld [tilespmem:s13+$0x50];
	[tilespmem:s12+$0x70] =	vst v6;
	s12 =	smov.u32 s13  }
0x91: {  	s9 =	sadd.s32 $0x200, s9;
	[tilespmem:s12+$0x0] =	vst v7;
	v7 =	vadd.s32 v0, v9;
	v6 =	vld [tilespmem:s12+$0x60]  }
0x92: {  	[tilespmem:s12+$0x10] =	vst v7;
	v5 =	vadd.s32 v0, v5;
	v63 =	vld [tilespmem:s12+$0x70]  }
0x93: {  	[tilespmem:s12+$0x20] =	vst v5;
	v3 =	vadd.s32 v0, v3  }
0x94: {  	[tilespmem:s12+$0x30] =	vst v3;
	v2 =	vadd.s32 v0, v2  }
0x95: {  	[tilespmem:s12+$0x40] =	vst v2;
	v2 =	vadd.s32 v0, v4  }
0x96: {  	[tilespmem:s12+$0x50] =	vst v2;
	v2 =	vadd.s32 v0, v6  }
0x97: {  	[tilespmem:s12+$0x60] =	vst v2;
	v2 =	vadd.s32 v0, v63  }
0x98: {  	[tilespmem:s12+$0x70] =	vst v2  }
0x99: {  	s9 =	simm.s32 $0x0;
	[bflag:$0x0] =	sbarrier.arrive $0xFFFF  }
0x9a: {  	[tilespmem:s10], [sflag:$0x1] =	stream.indirect.gather [hbm4b:s4+s8], $0x80, s9, s8, $0xb8;
	[tilespmem:$0x1E000] =	vst v63  }
0x9b: {  	_ =	swait.ge [sflag:s5], $0x4000  }
0x9c: {  	[sflag:s5] =	ssyncset.done $0x0  }
0x9d: {  	s20 =	simm.s32 $0x2800;
	[sflag:s5] =	ssyncadd.s32 $0xFFFFC000  }
0x9e: {  	[spmem:s2] =	stream.indirect.scatter.add.f32 [tilespmem:s10], [sflag:$0x1], $0x80, s20, s8, $0xb8;
	[tilespmem:$0x1E000] =	vst v63  }
0x9f: {  	_ =	swait.ge [sflag:s5], $0x4000  }
0xa0: {  	s12 =	simm.s32 $0x400;
	s9 =	simm.s32 $0x200;
	[sflag:s5] =	ssyncset.done $0x0  }
.LBB2_6:
0xa1: {  	s13 =	sshra.s32 s9, $0x2  }
0xa2: {  	[sflag:s5] =	ssyncadd.s32 $0xFFFFC000;
	s9 =	smov.u32 s12;
	s14 =	sadd.s32 $0x200, s12  }
0xa3: {  	[tilespmem:s10], [sflag:$0x1] =	stream.indirect.gather [hbm4b:s4+s8], $0x80, s13, s8, $0xb8;
	[tilespmem:$0x1E000] =	vst v63  }
0xa4: {  	p1 =	sne.s32 s12, $0x9E00;
	_ =	swait.ge [sflag:s5], $0x4000  }
.Ltmp2:
0xa5: {  	[sflag:s5] =	ssyncset.done $0x0;
	(pc) =	sbr.rel @p1 .LBB2_6-.Ltmp2, $4  }
0xa6: {  	s12 =	sadd.s32 $0x2800, s13;
	[sflag:s5] =	ssyncadd.s32 $0xFFFFC000  }
0xa7: {  	[spmem:s2] =	stream.indirect.scatter.add.f32 [tilespmem:s10], [sflag:$0x1], $0x80, s12, s8, $0xb8;
	[tilespmem:$0x1E000] =	vst v63  }
0xa8: {  	_ =	swait.ge [sflag:s5], $0x4000  }
0xa9: {  	s12 =	smov.u32 s14;
	[sflag:s5] =	ssyncset.done $0x0  }
0xaa: {  	s9 =	sshra.s32 s9, $0x2;
	[sflag:s5] =	ssyncadd.s32 $0xFFFFC000  }
0xab: {  	[tilespmem:s10], [sflag:$0x1] =	stream.indirect.gather [hbm4b:s4+s8], $0x80, s9, s8, $0xb8;
	[tilespmem:$0x1E000] =	vst v63  }
0xac: {  	_ =	swait.ge [sflag:s5], $0x4000  }
0xad: {  	[sflag:s5] =	ssyncset.done $0x0  }
0xae: {  	s9 =	sadd.s32 $0x2800, s9;
	[sflag:s5] =	ssyncadd.s32 $0xFFFFC000  }
0xaf: {  	[spmem:s2] =	stream.indirect.scatter.add.f32 [tilespmem:s10], [sflag:$0x1], $0x80, s9, s8, $0xb8;
	[tilespmem:$0x1E000] =	vst v63  }
0xb0: {  	_ =	swait.ge [sflag:s5], $0x4000  }
0xb1: {  	[sflag:s5] =	ssyncset.done $0x0  }
0xb2: {  	[sflag:s5] =	ssyncadd.s32 $0xFFFFC000  }
0xb3: {  	s12 =	stileid.u32;
	[bflag:$0x0] =	sbarrier.arrive $0xFFFF  }
0xb4: {  	s9 =	sshll.u32 s12, $0x6;
	s13 =	rddreg [dreg:$0x5]  }
0xb5: {  	s12 =	sor.u32 $0x1C01, s9;
	s14 =	rddreg [dreg:$0x6];
	s13 =	sshrl.u32 s13, $0x3  }
0xb6: {  	[hbm:s14], [sflag:s12] =	dma.local [spmem:s13], $0x2700  }
0xb7: {  	_ =	swait.ge [sflag:s5], $0x2700  }
0xb8: {  	[sflag:s5] =	ssyncset.done $0x0;
	s9 =	rddreg [dreg:$0x7]  }
0xb9: {  	[sflag:s5] =	ssyncadd.s32 $0xFFFFD900;
	s14 =	sshrl.u32 @!p0 s9, $0x3;
	s9 =	rddreg [dreg:$0x8]  }
0xba: {  	[hbm:s9], [sflag:s12] =	dma.local @!p0 [spmem:s14], $0x100  }
0xbb: {  	s9 =	simm.s32 @!p0 $0x1  }
0xbc: {  	_ =	swait.ge @!p0 [sflag:s9], $0x100  }
0xbd: {  	[sflag:s9] =	ssyncset.done @!p0 $0x0  }
0xbe: {  	[sflag:s9] =	ssyncadd.s32 @!p0 $0xFFFFFF00  }
0xbf: {  	[bflag:$0x0] =	sbarrier.arrive $0xFFFF  }
0xc0: {  	[spmem:s7] =	stream.linear.scatter [tilespmem:s6], [sflag:$0x1], $0x1000, $0x38;
	[tilespmem:$0x1E000] =	vst v63  }
0xc1: {  	_ =	swait.ge [sflag:s5], $0x1000  }
0xc2: {  	[sflag:s5] =	ssyncset.done $0x0  }
0xc3: {  	[sflag:s5] =	ssyncadd.s32 $0xFFFFF000  }
0xc4: {  	[spmem:s15] =	stream.linear.scatter [tilespmem:s6], [sflag:$0x1], $0x1000, $0x38;
	[tilespmem:$0x1E000] =	vst v63  }
0xc5: {  	_ =	swait.ge [sflag:s5], $0x1000  }
0xc6: {  	[sflag:s5] =	ssyncset.done $0x0  }
0xc7: {  	[sflag:s5] =	ssyncadd.s32 $0xFFFFF000  }
0xc8: {  	[spmem:s16] =	stream.linear.scatter [tilespmem:s6], [sflag:$0x1], $0x1000, $0x38;
	[tilespmem:$0x1E000] =	vst v63  }
0xc9: {  	_ =	swait.ge [sflag:s5], $0x1000  }
0xca: {  	[sflag:s5] =	ssyncset.done $0x0  }
0xcb: {  	[sflag:s5] =	ssyncadd.s32 $0xFFFFF000  }
0xcc: {  	[spmem:s17] =	stream.linear.scatter [tilespmem:s6], [sflag:$0x1], $0x1000, $0x38;
	[tilespmem:$0x1E000] =	vst v63  }
0xcd: {  	_ =	swait.ge [sflag:s5], $0x1000  }
0xce: {  	[sflag:s5] =	ssyncset.done $0x0  }
0xcf: {  	s18 =	smov.u32 s15;
	s15 =	rddreg [dreg:$0xc];
	[sflag:s5] =	ssyncadd.s32 $0xFFFFF000  }
0xd0: {  	[spmem:s15] =	stream.linear.scatter [tilespmem:s6], [sflag:$0x1], $0x1000, $0x38;
	[tilespmem:$0x1E000] =	vst v63  }
0xd1: {  	_ =	swait.ge [sflag:s5], $0x1000  }
0xd2: {  	[sflag:s5] =	ssyncset.done $0x0  }
0xd3: {  	s19 =	smov.u32 s16;
	s16 =	rddreg [dreg:$0xd];
	[sflag:s5] =	ssyncadd.s32 $0xFFFFF000  }
0xd4: {  	[spmem:s16] =	stream.linear.scatter [tilespmem:s6], [sflag:$0x1], $0x1000, $0x38;
	[tilespmem:$0x1E000] =	vst v63  }
0xd5: {  	_ =	swait.ge [sflag:s5], $0x1000  }
0xd6: {  	[sflag:s5] =	ssyncset.done $0x0  }
0xd7: {  	s20 =	smov.u32 s17;
	s17 =	rddreg [dreg:$0xe];
	[sflag:s5] =	ssyncadd.s32 $0xFFFFF000  }
0xd8: {  	[spmem:s17] =	stream.linear.scatter [tilespmem:s6], [sflag:$0x1], $0x1000, $0x38;
	[tilespmem:$0x1E000] =	vst v63  }
0xd9: {  	_ =	swait.ge [sflag:s5], $0x1000  }
0xda: {  	[sflag:s5] =	ssyncset.done $0x0  }
0xdb: {  	[sflag:s5] =	ssyncadd.s32 $0xFFFFF000  }
0xdc: {  	[spmem:s21] =	stream.linear.scatter [tilespmem:s6], [sflag:$0x1], $0x1000, $0x38;
	[tilespmem:$0x1E000] =	vst v63  }
0xdd: {  	_ =	swait.ge [sflag:s5], $0x1000  }
0xde: {  	[sflag:s5] =	ssyncset.done $0x0  }
0xdf: {  	[sflag:s5] =	ssyncadd.s32 $0xFFFFF000  }
0xe0: {  	[spmem:s22] =	stream.linear.scatter [tilespmem:s6], [sflag:$0x1], $0x1000, $0x38;
	[tilespmem:$0x1E000] =	vst v63  }
0xe1: {  	_ =	swait.ge [sflag:s5], $0x1000  }
0xe2: {  	[sflag:s5] =	ssyncset.done $0x0  }
0xe3: {  	[sflag:s5] =	ssyncadd.s32 $0xFFFFF000  }
0xe4: {  	[spmem:s23] =	stream.linear.scatter [tilespmem:s6], [sflag:$0x1], $0x1000, $0x38;
	[tilespmem:$0x1E000] =	vst v63  }
0xe5: {  	_ =	swait.ge [sflag:s5], $0x1000  }
0xe6: {  	[sflag:s5] =	ssyncset.done $0x0  }
0xe7: {  	[sflag:s5] =	ssyncadd.s32 $0xFFFFF000  }
0xe8: {  	[spmem:s24] =	stream.linear.scatter [tilespmem:s6], [sflag:$0x1], $0x1000, $0x38;
	[tilespmem:$0x1E000] =	vst v63  }
0xe9: {  	_ =	swait.ge [sflag:s5], $0x1000  }
0xea: {  	[sflag:s5] =	ssyncset.done $0x0  }
0xeb: {  	[sflag:s5] =	ssyncadd.s32 $0xFFFFF000  }
0xec: {  	[spmem:s25] =	stream.linear.scatter [tilespmem:s6], [sflag:$0x1], $0x1000, $0x38;
	[tilespmem:$0x1E000] =	vst v63  }
0xed: {  	_ =	swait.ge [sflag:s5], $0x1000  }
0xee: {  	[sflag:s5] =	ssyncset.done $0x0  }
0xef: {  	[sflag:s5] =	ssyncadd.s32 $0xFFFFF000  }
0xf0: {  	[spmem:s26] =	stream.linear.scatter [tilespmem:s6], [sflag:$0x1], $0x1000, $0x38;
	[tilespmem:$0x1E000] =	vst v63  }
0xf1: {  	_ =	swait.ge [sflag:s5], $0x1000  }
0xf2: {  	[sflag:s5] =	ssyncset.done $0x0  }
0xf3: {  	[sflag:s5] =	ssyncadd.s32 $0xFFFFF000  }
0xf4: {  	[spmem:s28] =	stream.linear.scatter [tilespmem:s6], [sflag:$0x1], $0x1000, $0x38;
	[tilespmem:$0x1E000] =	vst v63  }
0xf5: {  	_ =	swait.ge [sflag:s5], $0x1000  }
0xf6: {  	[sflag:s5] =	ssyncset.done $0x0  }
0xf7: {  	[sflag:s5] =	ssyncadd.s32 $0xFFFFF000  }
0xf8: {  	[spmem:s29] =	stream.linear.scatter [tilespmem:s6], [sflag:$0x1], $0x1000, $0x38;
	[tilespmem:$0x1E000] =	vst v63  }
0xf9: {  	_ =	swait.ge [sflag:s5], $0x1000  }
0xfa: {  	[sflag:s5] =	ssyncset.done $0x0  }
0xfb: {  	[sflag:s5] =	ssyncadd.s32 $0xFFFFF000  }
0xfc: {  	[spmem:s30] =	stream.linear.scatter [tilespmem:s6], [sflag:$0x1], $0x1000, $0x38;
	[tilespmem:$0x1E000] =	vst v63  }
0xfd: {  	_ =	swait.ge [sflag:s5], $0x1000  }
0xfe: {  	[sflag:s5] =	ssyncset.done $0x0  }
0xff: {  	[sflag:s5] =	ssyncadd.s32 $0xFFFFF000  }
0x100: {  	[spmem:s31] =	stream.linear.scatter [tilespmem:s6], [sflag:$0x1], $0x1000, $0x38;
	[tilespmem:$0x1E000] =	vst v63  }
0x101: {  	_ =	swait.ge [sflag:s5], $0x1000  }
0x102: {  	[sflag:s5] =	ssyncset.done $0x0  }
0x103: {  	[sflag:s5] =	ssyncadd.s32 $0xFFFFF000  }
0x104: {  	[spmem:s0] =	stream.linear.scatter [tilespmem:s6], [sflag:$0x1], $0x1000, $0x38;
	[tilespmem:$0x1E000] =	vst v63  }
0x105: {  	_ =	swait.ge [sflag:s5], $0x1000  }
0x106: {  	[sflag:s5] =	ssyncset.done $0x0  }
0x107: {  	[sflag:s5] =	ssyncadd.s32 $0xFFFFF000  }
0x108: {  	[spmem:s1] =	stream.linear.scatter [tilespmem:s6], [sflag:$0x1], $0x1000, $0x38;
	[tilespmem:$0x1E000] =	vst v63  }
0x109: {  	_ =	swait.ge [sflag:s5], $0x1000  }
0x10a: {  	[sflag:s5] =	ssyncset.done $0x0  }
0x10b: {  	[sflag:s5] =	ssyncadd.s32 $0xFFFFF000  }
0x10c: {  	[spmem:s3] =	stream.linear.scatter [tilespmem:s6], [sflag:$0x1], $0x1000, $0x38;
	[tilespmem:$0x1E000] =	vst v63  }
0x10d: {  	_ =	swait.ge [sflag:s5], $0x1000  }
0x10e: {  	[sflag:s5] =	ssyncset.done $0x0  }
0x10f: {  	s9 =	simm.s32 $0x0;
	[sflag:s5] =	ssyncadd.s32 $0xFFFFF000  }
0x110: {  	v4 =	vld [tilespmem:s9+$0x0]  }
0x111: {  	v6 =	vld [tilespmem:s9+$0x10]  }
0x112: {  	v5 =	vld [tilespmem:s9+$0x20]  }
0x113: {  	v3 =	vld [tilespmem:s9+$0x30]  }
0x114: {  	v2 =	vld [tilespmem:s9+$0x40]  }
0x115: {  	v7 =	vadd.s32 $0x2710, v4;
	v4 =	vld [tilespmem:s9+$0x50]  }
0x116: {  	s15 =	simm.s32 $0x200;
	[tilespmem:s9+$0x0] =	vst v7;
	v7 =	vadd.s32 $0x2710, v6;
	v6 =	vld [tilespmem:s9+$0x60]  }
.LBB2_8:
0x117: {  	s16 =	sshra.s32 s15, $0x2;
	p1 =	sne.s32 s15, $0x9E00;
	[tilespmem:s9+$0x10] =	vst v7;
	v5 =	vadd.s32 $0x2710, v5;
	v7 =	vld [tilespmem:s9+$0x70]  }
0x118: {  	v8 =	vld [tilespmem:s16+$0x0];
	[tilespmem:s9+$0x20] =	vst v5;
	v3 =	vadd.s32 $0x2710, v3  }
0x119: {  	v9 =	vld [tilespmem:s16+$0x10];
	[tilespmem:s9+$0x30] =	vst v3;
	v2 =	vadd.s32 $0x2710, v2  }
.Ltmp3:
0x11a: {  	v5 =	vld [tilespmem:s16+$0x20];
	[tilespmem:s9+$0x40] =	vst v2;
	v2 =	vadd.s32 $0x2710, v4;
	(pc) =	sbr.rel @p1 .LBB2_8-.Ltmp3, $4  }
0x11b: {  	v3 =	vld [tilespmem:s16+$0x30];
	[tilespmem:s9+$0x50] =	vst v2;
	v4 =	vadd.s32 $0x2710, v6  }
0x11c: {  	v2 =	vld [tilespmem:s16+$0x40];
	[tilespmem:s9+$0x60] =	vst v4;
	v6 =	vadd.s32 $0x2710, v7  }
0x11d: {  	v7 =	vadd.s32 $0x2710, v8;
	v4 =	vld [tilespmem:s16+$0x50];
	[tilespmem:s9+$0x70] =	vst v6;
	s9 =	smov.u32 s16  }
0x11e: {  	s15 =	sadd.s32 $0x200, s15;
	[tilespmem:s9+$0x0] =	vst v7;
	v7 =	vadd.s32 $0x2710, v9;
	v6 =	vld [tilespmem:s9+$0x60]  }
0x11f: {  	[tilespmem:s9+$0x10] =	vst v7;
	v5 =	vadd.s32 $0x2710, v5;
	v63 =	vld [tilespmem:s9+$0x70]  }
0x120: {  	[tilespmem:s9+$0x20] =	vst v5;
	v3 =	vadd.s32 $0x2710, v3  }
0x121: {  	[tilespmem:s9+$0x30] =	vst v3;
	v2 =	vadd.s32 $0x2710, v2  }
0x122: {  	[tilespmem:s9+$0x40] =	vst v2;
	v2 =	vadd.s32 $0x2710, v4  }
0x123: {  	[tilespmem:s9+$0x50] =	vst v2;
	v2 =	vadd.s32 $0x2710, v6  }
0x124: {  	[tilespmem:s9+$0x60] =	vst v2;
	v2 =	vadd.s32 $0x2710, v63  }
0x125: {  	[tilespmem:s9+$0x70] =	vst v2  }
0x126: {  	s16 =	simm.s32 $0x0;
	[bflag:$0x0] =	sbarrier.arrive $0xFFFF  }
0x127: {  	[tilespmem:s10], [sflag:$0x1] =	stream.indirect.gather [hbm4b:s4+s8], $0x80, s16, s8, $0xb8;
	[tilespmem:$0x1E000] =	vst v63  }
0x128: {  	_ =	swait.ge [sflag:s5], $0x4000  }
0x129: {  	[sflag:s5] =	ssyncset.done $0x0  }
0x12a: {  	s17 =	simm.s32 $0x2800;
	[sflag:s5] =	ssyncadd.s32 $0xFFFFC000  }
0x12b: {  	[spmem:s2] =	stream.indirect.scatter.add.f32 [tilespmem:s10], [sflag:$0x1], $0x80, s17, s8, $0xb8;
	[tilespmem:$0x1E000] =	vst v63  }
0x12c: {  	_ =	swait.ge [sflag:s5], $0x4000  }
0x12d: {  	s15 =	simm.s32 $0x400;
	s9 =	simm.s32 $0x200;
	[sflag:s5] =	ssyncset.done $0x0  }
.LBB2_10:
0x12e: {  	s16 =	sshra.s32 s9, $0x2  }
0x12f: {  	[sflag:s5] =	ssyncadd.s32 $0xFFFFC000;
	s9 =	smov.u32 s15;
	s17 =	sadd.s32 $0x200, s15  }
0x130: {  	[tilespmem:s10], [sflag:$0x1] =	stream.indirect.gather [hbm4b:s4+s8], $0x80, s16, s8, $0xb8;
	[tilespmem:$0x1E000] =	vst v63  }
0x131: {  	p1 =	sne.s32 s15, $0x9E00;
	_ =	swait.ge [sflag:s5], $0x4000  }
.Ltmp4:
0x132: {  	[sflag:s5] =	ssyncset.done $0x0;
	(pc) =	sbr.rel @p1 .LBB2_10-.Ltmp4, $4  }
0x133: {  	s15 =	sadd.s32 $0x2800, s16;
	[sflag:s5] =	ssyncadd.s32 $0xFFFFC000  }
0x134: {  	[spmem:s2] =	stream.indirect.scatter.add.f32 [tilespmem:s10], [sflag:$0x1], $0x80, s15, s8, $0xb8;
	[tilespmem:$0x1E000] =	vst v63  }
0x135: {  	_ =	swait.ge [sflag:s5], $0x4000  }
0x136: {  	s15 =	smov.u32 s17;
	[sflag:s5] =	ssyncset.done $0x0  }
0x137: {  	s9 =	sshra.s32 s9, $0x2;
	[sflag:s5] =	ssyncadd.s32 $0xFFFFC000  }
0x138: {  	[tilespmem:s10], [sflag:$0x1] =	stream.indirect.gather [hbm4b:s4+s8], $0x80, s9, s8, $0xb8;
	[tilespmem:$0x1E000] =	vst v63  }
0x139: {  	_ =	swait.ge [sflag:s5], $0x4000  }
0x13a: {  	[sflag:s5] =	ssyncset.done $0x0  }
0x13b: {  	s9 =	sadd.s32 $0x2800, s9;
	[sflag:s5] =	ssyncadd.s32 $0xFFFFC000  }
0x13c: {  	[spmem:s2] =	stream.indirect.scatter.add.f32 [tilespmem:s10], [sflag:$0x1], $0x80, s9, s8, $0xb8;
	[tilespmem:$0x1E000] =	vst v63  }
0x13d: {  	_ =	swait.ge [sflag:s5], $0x4000  }
0x13e: {  	[sflag:s5] =	ssyncset.done $0x0  }
0x13f: {  	[sflag:s5] =	ssyncadd.s32 $0xFFFFC000  }
0x140: {  	[bflag:$0x0] =	sbarrier.arrive $0xFFFF  }
0x141: {  	s16 =	rddreg [dreg:$0x9]  }
0x142: {  	[hbm:s16], [sflag:s12] =	dma.local [spmem:s13], $0x2700  }
0x143: {  	_ =	swait.ge [sflag:s5], $0x2700  }
0x144: {  	[sflag:s5] =	ssyncset.done $0x0  }
0x145: {  	s9 =	rddreg [dreg:$0xa];
	[sflag:s5] =	ssyncadd.s32 $0xFFFFD900  }
0x146: {  	[hbm:s9], [sflag:s12] =	dma.local @!p0 [spmem:s14], $0x100  }
0x147: {  	s9 =	simm.s32 @!p0 $0x1  }
0x148: {  	_ =	swait.ge @!p0 [sflag:s9], $0x100  }
0x149: {  	s11 =	sadd.s32 $0x1, s11;
	s17 =	rddreg [dreg:$0xb]  }
0x14a: {  	p1 =	sne.s32 s11, s17  }
.Ltmp5:
0x14b: {  	_ = 	snop;
	(pc) =	sbr.rel @p1 .LBB2_1-.Ltmp5, $4  }
0x14c: {  	[sflag:s9] =	ssyncset.done @!p0 $0x0  }
0x14d: {  	[sflag:s9] =	ssyncadd.s32 @!p0 $0xFFFFFF00  }
0x14e: {  	[bflag:$0x0] =	sbarrier.arrive $0xFFFF  }
0x14f: {  	s15 =	smov.u32 s18;
	s16 =	smov.u32 s19;
	s17 =	smov.u32 s20  }
0x150: {  	_ =	sfence.sel $0x180000  }
0x151: {  	[bflag:$0x0] =	sbarrier.arrive $0xFFFF  }
0x152: {  	_ =	strace $0x90000053  }
0x153: {  	s0 =	stileid.u32;
	[bflag:$0x2] =	sbarrier.arrive $0xFFFF  }
0x154: {  	p0 =	sne.s32 s0, $0x0;
	s0 =	rddreg [dreg:$0x2]  }
0x155: {  	s0 =	sadd.s32 @!p0 $0x100000, s0  }
0x156: {  	[sflag:s0] =	ssyncadd.tile.s32 @!p0 $0x1;
	_ =	shalt  }
.Lfunc_end2:
_tile_overlayer_lowered:
.L_overlay_start_2:
0x157: {  	(tag) =	ssettag $0x2  }
0x158: {  	s0 =	rddreg [dreg:$0x0];
	s2 =	stileid.u32  }
0x159: {  	s1 =	rddreg [dreg:$0x1];
	p0 =	sne.s32 s2, $0x0  }
0x15a: {  	s3 =	rddreg [dreg:$0x2];
	[bflag:$0x3] =	sbarrier.arrive $0xFFFF;
	s2 =	simm.s32 @!p0 $0x1C01  }
0x15b: {  	[timem:s3], [sflag:s2] =	dma.local @!p0 [hbm:s0], s1  }
0x15c: {  	s0 =	simm.s32 @!p0 $0x1  }
0x15d: {  	_ =	swait.ge @!p0 [sflag:s0], s1  }
0x15e: {  	s1 =	ssub.s32 @!p0 $0x0, s1;
	[sflag:s0] =	ssyncset.done @!p0 $0x0  }
0x15f: {  	[sflag:s0] =	ssyncadd.s32 @!p0 s1  }
0x160: {  	[bflag:$0x3] =	sbarrier.arrive $0xFFFF  }
0x161: {  	_ =	shalt  }

// kernel: kernel.23.cloned.1.call-start
scs
__scs_entry_jumppad:
0x0: {  	(pc) =	sbr.rel $0x88, $3  }
0x1: {  	(tag) =	ssettag $0x0;
	lr =	simm.s32 $0x1  }
0x2: {  	[smem:$0x3F92] =	sst lr;
	_ =	strace $0xD0000000  }
0x3: {  	_ = 	snop  }
0x4: {  	_ = 	snop  }
0x5: {  	_ = 	snop  }
0x6: {  	_ = 	snop  }
0x7: {  	_ = 	snop  }
__scs_overlays_trampoline_lowered:
0x8: {  	[smem:$0x3FA1] =	sst s0  }
0x9: {  	[smem:$0x3FA2] =	sst s1  }
0xa: {  	[smem:$0x3FA3] =	sst s2  }
0xb: {  	[smem:$0x3FA4] =	sst s3  }
0xc: {  	[smem:$0x3FA5] =	sst s4  }
0xd: {  	[smem:$0x3FA6] =	sst s5  }
0xe: {  	[smem:$0x3FA7] =	sst s6  }
0xf: {  	[smem:$0x3FA8] =	sst s7  }
0x10: {  	[smem:$0x3FA9] =	sst s8  }
0x11: {  	[smem:$0x3FAA] =	sst s9;
	s0 =	simm.s32 @!p0 $0x0  }
0x12: {  	s1 =	sld [smem:$0x3F90];
	s0 =	simm.s32 @p0 $0x1  }
0x13: {  	[smem:$0x3FAB] =	sst s0;
	s0 =	simm.s32 @!p1 $0x0  }
0x14: {  	s2 =	sld [smem:$0x3F8F];
	s0 =	simm.s32 @p1 $0x1  }
0x15: {  	[smem:$0x3FAC] =	sst s0;
	s0 =	simm.s32 @!p2 $0x0  }
0x16: {  	s3 =	sld [smem:$0x3FDB];
	s0 =	simm.s32 @p2 $0x1  }
0x17: {  	s4 =	simm.s32 $0x1BF5;
	[smem:$0x3FAE] =	sst s0  }
0x18: {  	s0 =	sld [smem:$0x3F91];
	_ =	swait.ge [sflag:s4], $0x0  }
0x19: {  	s7 =	sld [smem:$0x3F92]  }
0x1a: {  	s8 =	sadd.s32 $0xFFFFE003, lr  }
0x1b: {  	s9 =	sadd.s32 $0xFFFFFEF7, lr;
	s5 =	simm.s32 $0xFFFFFFFF;
	p2 =	slt.u32 s8, $0xFFFFF086  }
0x1c: {  	p1 =	slt.u32 s9, $0xF7A;
	s5 =	simm.s32 @!p2 $0x0  }
0x1d: {  	s5 =	simm.s32 @p1 $0x1;
	p0 =	seq.s32 s7, s2  }
0x1e: {  	s7 =	smul.u32 @!p0 $0xF7A, s2;
	p2 =	seq.s32 @!p0 s5, $0x0  }
0x1f: {  	s9 =	smul.u32 $0xF7A, s1;
	s8 =	simm.s32 @!p0 $0x1BF5;
	p2 =	por !p2, p0  }
0x20: {  	[sflag:s8] =	ssyncset.s32 @!p0 $0xFFFFF086;
	s6 =	sadd.s32 @!p0 s3, s7;
	s7 =	simm.s32 @!p0 $0x108  }
0x21: {  	s3 =	sadd.s32 s3, s9;
	s6 =	sadd.s32 @!p0 $0x88, s6;
	s7 =	simm.s32 @p2 $0x1082  }
0x22: {  	[simem:s7], [sflag:s8] =	dma.local @!p0 [hbm:s6], $0xF7A  }
0x23: {  	s9 =	sor.u32 $0xD0000000, s2;
	s6 =	simm.s32 $0x108;
	_ =	swait.ge @!p0 [sflag:s8], $0x0  }
0x24: {  	s3 =	sadd.s32 $0x88, s3;
	s6 =	simm.s32 @!p1 $0x1082;
	[sflag:s4] =	ssyncset.s32 $0xFFFFF086  }
0x25: {  	[simem:s6], [sflag:s4] =	dma.local [hbm:s3], $0xF7A  }
0x26: {  	[smem:$0x3F92] =	sst s1;
	(tag) =	ssettag s2;
	_ =	strace s9  }
0x27: {  	s1 =	sld [smem:$0x3FA2]  }
0x28: {  	s2 =	sld [smem:$0x3FA3]  }
0x29: {  	s4 =	sld [smem:$0x3FA5]  }
0x2a: {  	p0 =	seq.s32 s5, $0x0;
	s5 =	sld [smem:$0x3FA6]  }
0x2b: {  	s6 =	sld [smem:$0x3FA7]  }
0x2c: {  	s7 =	sld [smem:$0x3FA8]  }
0x2d: {  	s3 =	simm.s32 $0x108;
	s8 =	sld [smem:$0x3FA9]  }
0x2e: {  	s3 =	simm.s32 @!p0 $0x1082;
	s9 =	sld [smem:$0x3FAA]  }
0x2f: {  	lr =	sadd.s32 s0, s3;
	s0 =	sld [smem:$0x3FA1]  }
0x30: {  	s3 =	sld [smem:$0x3FA4]  }
0x31: {  	[smem:$0x3FAD] =	sst s10  }
0x32: {  	s10 =	sld [smem:$0x3FAB];
	_ =	sdelay $0x3  }
0x33: {  	p0 =	seq.s32 s10, $0x1;
	s10 =	sld [smem:$0x3FAD];
	_ =	sdelay $0x3  }
0x34: {  	[smem:$0x3FAD] =	sst s10  }
0x35: {  	s10 =	sld [smem:$0x3FAC];
	_ =	sdelay $0x3  }
0x36: {  	p1 =	seq.s32 s10, $0x1;
	s10 =	sld [smem:$0x3FAD];
	_ =	sdelay $0x3  }
0x37: {  	[smem:$0x3FAD] =	sst s10  }
0x38: {  	s10 =	sld [smem:$0x3FAE]  }
0x39: {  	_ = 	snop;
	(pc) =	sbr.ind lr, $3  }
0x3a: {  	_ = 	snop  }
0x3b: {  	_ = 	snop  }
0x3c: {  	p2 =	seq.s32 s10, $0x1;
	s10 =	sld [smem:$0x3FAD]  }
0x3d: {  	_ =	shalt  }
0x3e: {  	_ =	shalt  }
0x3f: {  	_ =	shalt  }
0x40: {  	_ =	shalt  }
0x41: {  	_ =	shalt  }
0x42: {  	_ =	shalt  }
0x43: {  	_ =	shalt  }
0x44: {  	_ =	shalt  }
0x45: {  	_ =	shalt  }
0x46: {  	_ =	shalt  }
0x47: {  	_ =	shalt  }
0x48: {  	_ =	shalt  }
0x49: {  	_ =	shalt  }
0x4a: {  	_ =	shalt  }
0x4b: {  	_ =	shalt  }
0x4c: {  	_ =	shalt  }
0x4d: {  	_ =	shalt  }
0x4e: {  	_ =	shalt  }
0x4f: {  	_ =	shalt  }
0x50: {  	_ =	shalt  }
0x51: {  	_ =	shalt  }
0x52: {  	_ =	shalt  }
0x53: {  	_ =	shalt  }
0x54: {  	_ =	shalt  }
0x55: {  	_ =	shalt  }
0x56: {  	_ =	shalt  }
0x57: {  	_ =	shalt  }
0x58: {  	_ =	shalt  }
0x59: {  	_ =	shalt  }
0x5a: {  	_ =	shalt  }
0x5b: {  	_ =	shalt  }
0x5c: {  	_ =	shalt  }
0x5d: {  	_ =	shalt  }
0x5e: {  	_ =	shalt  }
0x5f: {  	_ =	shalt  }
0x60: {  	_ =	shalt  }
0x61: {  	_ =	shalt  }
0x62: {  	_ =	shalt  }
0x63: {  	_ =	shalt  }
0x64: {  	_ =	shalt  }
0x65: {  	_ =	shalt  }
0x66: {  	_ =	shalt  }
0x67: {  	_ =	shalt  }
0x68: {  	_ =	shalt  }
0x69: {  	_ =	shalt  }
0x6a: {  	_ =	shalt  }
0x6b: {  	_ =	shalt  }
0x6c: {  	_ =	shalt  }
0x6d: {  	_ =	shalt  }
0x6e: {  	_ =	shalt  }
0x6f: {  	_ =	shalt  }
0x70: {  	_ =	shalt  }
0x71: {  	_ =	shalt  }
0x72: {  	_ =	shalt  }
0x73: {  	_ =	shalt  }
0x74: {  	_ =	shalt  }
0x75: {  	_ =	shalt  }
0x76: {  	_ =	shalt  }
0x77: {  	_ =	shalt  }
0x78: {  	_ =	shalt  }
0x79: {  	_ =	shalt  }
0x7a: {  	_ =	shalt  }
0x7b: {  	_ =	shalt  }
0x7c: {  	_ =	shalt  }
0x7d: {  	_ =	shalt  }
0x7e: {  	_ =	shalt  }
0x7f: {  	_ =	shalt  }
0x80: {  	_ =	shalt  }
0x81: {  	_ =	shalt  }
0x82: {  	_ =	shalt  }
0x83: {  	_ =	shalt  }
0x84: {  	_ =	shalt  }
0x85: {  	_ =	shalt  }
0x86: {  	_ =	shalt  }
0x87: {  	_ =	shalt  }
.Lfunc_end0:
.L_simem_size_0:
called_computation.5_lowered:
.L_overlay_start_0:
0x88: {  	s2 =	sld [smem:$0x3FD9]  }
0x89: {  	s3 =	sld [smem:$0x3FFE];
	_ =	sdelay $0x1  }
0x8a: {  	s1 =	srdreg.scid  }
0x8b: {  	s0 =	sand.u32 $0x1, s1  }
0x8c: {  	s16 =	sshll.u32 s0, $0xA;
	s2 =	sadd.s32 s3, s2  }
0x8d: {  	s2 =	sadd.s32 s2, s16  }
0x8e: {  	[smem:$0x3FB9] =	sst s2  }
0x8f: {  	_ = 	snop  }
0x90: {  	(tm) =	ssettm $0x1  }
0x91: {  	s17 =	sld [smem:$0x3FFB];
	_ =	sdelay $0x3  }
0x92: {  	_ =	strace s17  }
0x93: {  	s2 =	sld [smem:$0x3FFC];
	_ =	sdelay $0x3  }
0x94: {  	_ =	strace s2  }
0x95: {  	s2 =	sld [smem:$0x3FFD];
	_ =	sdelay $0x3  }
0x96: {  	_ =	strace s2  }
0x97: {  	_ =	strace $0x8FFFFFFF  }
0x98: {  	s18 =	sld [smem:$0x3FDB];
	_ =	sdelay $0x1  }
0x99: {  	s19 =	simm.s32 $_scs_section_size  }
0x9a: {  	s4 =	simm.s32 $_size__tile_overlayer_lowered;
	s5 =	simm.s32 $_tile_overlayer_lowered  }
0x9b: {  	s22 =	simm.s32 $0x1BFF;
	s21 =	sshll.u32 s5, $0x1;
	s2 =	sadd.s32 s19, s18  }
0x9c: {  	s6 =	simm.s32 $0x0;
	s20 =	sshll.u32 s4, $0x1;
	s4 =	sadd.s32 s21, s2  }
0x9d: {  	[timem:s6], [sflag:s22] =	dma.local [hbm:s4], s20  }
0x9e: {  	_ =	swait.ge [sflag:s22], s20  }
0x9f: {  	s3 =	ssub.s32 $0x0, s20;
	[sflag:s22] =	ssyncset.done $0x0  }
0xa0: {  	[sflag:s22] =	ssyncadd.s32 s3;
	_ =	sdelay $0x1  }
0xa1: {  	s23 =	simm.s32 $0x1B8B  }
0xa2: {  	_ =	swait.ge [sflag:s23], $0x1  }
0xa3: {  	[sflag:s23] =	ssyncset.done $0x0  }
0xa4: {  	s25 =	simm.s32 $0x1B8E;
	s24 =	sld [smem:$0x3FFE];
	[sflag:s23] =	ssyncadd.s32 $0xFFFFFFFF  }
0xa5: {  	s26 =	simm.s32 $execute0_lowered;
	[smem:$0x3FD2] =	sst s25  }
0xa6: {  	s4 =	sshll.u32 s26, $0x1;
	_ =	strace $0x80000055;
	[dreg:$0x1] =	wrdreg $0xFFFFFFFF  }
0xa7: {  	s28 =	simm.s32 $_size_execute0_lowered;
	s2 =	sadd.s32 s2, s4;
	[dreg:$0x0] =	wrdreg $0x0  }
0xa8: {  	s4 =	sshll.u32 s28, $0x1;
	[dreg:$0x2] =	wrdreg s2  }
0xa9: {  	[dreg:$0x3] =	wrdreg s4  }
0xaa: {  	[dreg:$0x4] =	wrdreg $0xC0  }
0xab: {  	_ =	task [dreg:s6], $0x5FFFF  }
0xac: {  	[dreg:$0x1] =	wrdreg $0xFFFFFFFF  }
0xad: {  	[dreg:$0x0] =	wrdreg $0x60  }
0xae: {  	[dreg:$0x2] =	wrdreg s24  }
0xaf: {  	[dreg:$0x3] =	wrdreg $0xA0000  }
0xb0: {  	[dreg:$0x4] =	wrdreg $0x9  }
0xb1: {  	_ =	task.clear_ibuf [dreg:s6], $0x5FFFF;
	_ =	strace $0x90000055  }
0xb2: {  	s29 =	simm.s32 $0x9;
	_ =	strace $0x80000057  }
0xb3: {  	_ =	swait.ge [sflag:s29], $0x1  }
0xb4: {  	[sflag:s29] =	ssyncadd.s32 $0xFFFFFFFF  }
0xb5: {  	_ =	strace $0x90000057  }
0xb6: {  	_ =	sfence  }
0xb7: {  	s30 =	sld [smem:$0x0];
	_ =	sdelay $0x2  }
0xb8: {  	s31 =	sshll.u32 s1, $0xD;
	s1 =	sshrl.u32 s1, $0x2  }
0xb9: {  	s3 =	sand.u32 $0x4000, s31;
	s1 =	sadd.s32 s1, s30  }
0xba: {  	s0 =	sor.u32 s3, s0;
	s1 =	sshll.u32 s1, $0x11  }
0xbb: {  	s0 =	sor.u32 s1, s0  }
0xbc: {  	s0 =	sadd.s32 $0x8F2B, s0  }
0xbd: {  	[sflag:s0] =	ssyncadd.remote.s32 $0x1  }
0xbe: {  	_ =	sfence.sel $0xFFFF  }
0xbf: {  	[dreg:$0x0] =	wrdreg $0xFFFFFFFF;
	(pc) =	sbr.abs _section_cstart, $3  }
0xc0: {  	[dreg:$0x1] =	wrdreg $0xFFFFFFFF  }
0xc1: {  	_ =	task.clear_ibuf [dreg:s6], $0x2FFFF;
	_ =	strace $0x9FFFFFFF  }
0xc2: {  	(tm) =	ssettm $0x7FFFFFFF  }
0xc3: {  	_ =	shalt  }
tec
execute0_lowered:
.L_overlay_start_1:
0x0: {  	(tag) =	ssettag $0x1  }
0x1: {  	s0 =	rddreg [dreg:$0x0];
	s11 =	stileid.u32  }
0x2: {  	s2 =	rddreg [dreg:$0x1];
	s16 =	smul.u32 $0x500, s11  }
0x3: {  	s1 =	simm.s32 $0x0;
	s3 =	srdreg.scid;
	s5 =	smul.u32 $0x50000, s11  }
0x4: {  	[smem:$0x7FF] =	sst s1;
	s4 =	sadd.s32 $0xD200, s0;
	s9 =	smul.u32 $0x270, s11  }
0x5: {  	s3 =	sand.u32 $0x1, s3;
	s10 =	smul.u32 $0x4E000, s11;
	s22 =	sadd.s32 $0x138000, s2  }
0x6: {  	p0 =	sne.s32 s11, $0xF;
	s11 =	simm.s32 $0x0;
	s8 =	smul.u32 $0x4E20, s3  }
0x7: {  	_ =	strace $0x80000056;
	s6 =	ssub.s32 $0x2, s3;
	s3 =	smul.u32 $0x271000, s3  }
0x8: {  	[dreg:$0x7] =	wrdreg s22;
	s1 =	sadd.s32 s16, s0;
	s0 =	sadd.s32 $0xA9600, s0  }
0x9: {  	s7 =	sshrl.u32 s6, $0x1;
	s18 =	sshrl.u32 s5, $0x2;
	s19 =	sshrl.u32 s10, $0x2  }
0xa: {  	s5 =	simm.s32 $0x1;
	s10 =	simm.s32 $0x5000;
	s6 =	ssub.s32 s6, s7  }
0xb: {  	s17 =	sadd.s32 $0x8200, s1;
	s1 =	sadd.s32 $0x3200, s1;
	s7 =	sadd.s32 s18, s2  }
0xc: {  	s20 =	sadd.s32 s9, s8;
	s3 =	sshrl.u32 s3, $0x3;
	[dreg:$0x3] =	wrdreg s17  }
0xd: {  	v0 =	vmov s8;
	s8 =	simm.s32 $0x80;
	[dreg:$0x4] =	wrdreg s1;
	s1 =	sadd.s32 s19, s2  }
0xe: {  	s21 =	sshll.u32 s20, $0x4;
	s23 =	smax.u32 s6, $0x1;
	s15 =	sadd.s32 $0x1000, s7  }
0xf: {  	s16 =	sadd.s32 $0x2000, s7;
	s17 =	sadd.s32 $0x3000, s7;
	s24 =	sadd.s32 $0x4000, s7  }
0x10: {  	s25 =	sadd.s32 $0x5000, s7;
	s26 =	sadd.s32 $0x6000, s7;
	[dreg:$0x5] =	wrdreg s1  }
0x11: {  	s22 =	sadd.s32 $0x8000, s7;
	s28 =	sadd.s32 $0xD000, s7;
	[dreg:$0xb] =	wrdreg s23  }
0x12: {  	s29 =	sadd.s32 $0xE000, s7;
	s30 =	sadd.s32 $0xF000, s7;
	[dreg:$0xc] =	wrdreg s24  }
0x13: {  	s31 =	sadd.s32 $0x10000, s7;
	s6 =	simm.s32 $0x9000;
	[dreg:$0xd] =	wrdreg s25  }
0x14: {  	s1 =	sadd.s32 s0, s21;
	s0 =	sadd.s32 s0, s3;
	[dreg:$0xe] =	wrdreg s26  }
0x15: {  	s21 =	sadd.s32 $0x7000, s7;
	s3 =	sadd.s32 $0x27000, s0;
	[dreg:$0x6] =	wrdreg s1  }
0x16: {  	s23 =	sadd.s32 $0x9000, s7;
	s1 =	sadd.s32 $0x27100, s1;
	[dreg:$0x8] =	wrdreg s3  }
0x17: {  	s24 =	sadd.s32 $0xA000, s7;
	s0 =	sadd.s32 $0x4E100, s0;
	[dreg:$0x9] =	wrdreg s1  }
0x18: {  	s25 =	sadd.s32 $0xB000, s7;
	s26 =	sadd.s32 $0xC000, s7;
	[dreg:$0xa] =	wrdreg s0  }
0x19: {  	v1 =	vimm.f32 $0.0e+00;
	s0 =	sadd.s32 $0x11000, s7;
	s1 =	sadd.s32 $0x12000, s7;
	s3 =	sadd.s32 $0x13000, s7  }
.LBB2_1:
0x1a: {  	s9 =	simm.s32 $0x0;
	s12 =	rddreg [dreg:$0x3]  }
0x1b: {  	[tilespmem:s9], [sflag:$0x1] =	stream.linear.gather [hbm4b:s12+s9], $0x2800, $0x38;
	[tilespmem:$0x1E000] =	vst v63  }
0x1c: {  	_ =	swait.ge [sflag:s5], $0x2800  }
0x1d: {  	[sflag:s5] =	ssyncset.done $0x0  }
0x1e: {  	s13 =	simm.s32 $0x2800;
	s20 =	rddreg [dreg:$0x4];
	[sflag:s5] =	ssyncadd.s32 $0xFFFFD800  }
0x1f: {  	[tilespmem:s13], [sflag:$0x1] =	stream.linear.gather [hbm4b:s20+s9], $0x2800, $0x38;
	[tilespmem:$0x1E000] =	vst v63  }
0x20: {  	_ =	swait.ge [sflag:s5], $0x2800  }
0x21: {  	[sflag:s5] =	ssyncset.done $0x0  }
0x22: {  	s12 =	simm.s32 $0x200;
	s9 =	simm.s32 $0x0;
	[sflag:s5] =	ssyncadd.s32 $0xFFFFD800  }
.LBB2_2:
0x23: {  	p1 =	sne.s32 s12, $0x3E00;
	[tilespmem:s9+$0x9070] =	vst v1  }
0x24: {  	[tilespmem:s9+$0x9000] =	vst v1  }
0x25: {  	[tilespmem:s9+$0x9010] =	vst v1  }
.Ltmp0:
0x26: {  	[tilespmem:s9+$0x9020] =	vst v1;
	(pc) =	sbr.rel @p1 .LBB2_2-.Ltmp0, $4  }
0x27: {  	[tilespmem:s9+$0x9030] =	vst v1  }
0x28: {  	[tilespmem:s9+$0x9040] =	vst v1  }
0x29: {  	[tilespmem:s9+$0x9050] =	vst v1  }
0x2a: {  	[tilespmem:s9+$0x9060] =	vst v1;
	s9 =	sshra.s32 s12, $0x2;
	s12 =	sadd.s32 $0x200, s12  }
0x2b: {  	[tilespmem:s9+$0x9070] =	vst v1  }
0x2c: {  	[tilespmem:s9+$0x9000] =	vst v1  }
0x2d: {  	[tilespmem:s9+$0x9010] =	vst v1  }
0x2e: {  	[tilespmem:s9+$0x9020] =	vst v1  }
0x2f: {  	[tilespmem:s9+$0x9030] =	vst v1  }
0x30: {  	[tilespmem:s9+$0x9040] =	vst v1  }
0x31: {  	[tilespmem:s9+$0x9050] =	vst v1  }
0x32: {  	[tilespmem:s9+$0x9060] =	vst v1  }
0x33: {  	[spmem:s7] =	stream.linear.scatter [tilespmem:s6], [sflag:$0x1], $0x1000, $0x38;
	[tilespmem:$0x1E000] =	vst v63  }
0x34: {  	_ =	swait.ge [sflag:s5], $0x1000  }
0x35: {  	[sflag:s5] =	ssyncset.done $0x0  }
0x36: {  	[sflag:s5] =	ssyncadd.s32 $0xFFFFF000  }
0x37: {  	[spmem:s15] =	stream.linear.scatter [tilespmem:s6], [sflag:$0x1], $0x1000, $0x38;
	[tilespmem:$0x1E000] =	vst v63  }
0x38: {  	_ =	swait.ge [sflag:s5], $0x1000  }
0x39: {  	[sflag:s5] =	ssyncset.done $0x0  }
0x3a: {  	[sflag:s5] =	ssyncadd.s32 $0xFFFFF000  }
0x3b: {  	[spmem:s16] =	stream.linear.scatter [tilespmem:s6], [sflag:$0x1], $0x1000, $0x38;
	[tilespmem:$0x1E000] =	vst v63  }
0x3c: {  	_ =	swait.ge [sflag:s5], $0x1000  }
0x3d: {  	[sflag:s5] =	ssyncset.done $0x0  }
0x3e: {  	[sflag:s5] =	ssyncadd.s32 $0xFFFFF000  }
0x3f: {  	[spmem:s17] =	stream.linear.scatter [tilespmem:s6], [sflag:$0x1], $0x1000, $0x38;
	[tilespmem:$0x1E000] =	vst v63  }
0x40: {  	_ =	swait.ge [sflag:s5], $0x1000  }
0x41: {  	[sflag:s5] =	ssyncset.done $0x0  }
0x42: {  	s18 =	rddreg [dreg:$0xc];
	[sflag:s5] =	ssyncadd.s32 $0xFFFFF000  }
0x43: {  	[spmem:s18] =	stream.linear.scatter [tilespmem:s6], [sflag:$0x1], $0x1000, $0x38;
	[tilespmem:$0x1E000] =	vst v63  }
0x44: {  	_ =	swait.ge [sflag:s5], $0x1000  }
0x45: {  	[sflag:s5] =	ssyncset.done $0x0  }
0x46: {  	s19 =	rddreg [dreg:$0xd];
	[sflag:s5] =	ssyncadd.s32 $0xFFFFF000  }
0x47: {  	[spmem:s19] =	stream.linear.scatter [tilespmem:s6], [sflag:$0x1], $0x1000, $0x38;
	[tilespmem:$0x1E000] =	vst v63  }
0x48: {  	_ =	swait.ge [sflag:s5], $0x1000  }
0x49: {  	[sflag:s5] =	ssyncset.done $0x0  }
0x4a: {  	s20 =	rddreg [dreg:$0xe];
	[sflag:s5] =	ssyncadd.s32 $0xFFFFF000  }
0x4b: {  	[spmem:s20] =	stream.linear.scatter [tilespmem:s6], [sflag:$0x1], $0x1000, $0x38;
	[tilespmem:$0x1E000] =	vst v63  }
0x4c: {  	_ =	swait.ge [sflag:s5], $0x1000  }
0x4d: {  	[sflag:s5] =	ssyncset.done $0x0  }
0x4e: {  	[sflag:s5] =	ssyncadd.s32 $0xFFFFF000  }
0x4f: {  	[spmem:s21] =	stream.linear.scatter [tilespmem:s6], [sflag:$0x1], $0x1000, $0x38;
	[tilespmem:$0x1E000] =	vst v63  }
0x50: {  	_ =	swait.ge [sflag:s5], $0x1000  }
0x51: {  	[sflag:s5] =	ssyncset.done $0x0  }
0x52: {  	[sflag:s5] =	ssyncadd.s32 $0xFFFFF000  }
0x53: {  	[spmem:s22] =	stream.linear.scatter [tilespmem:s6], [sflag:$0x1], $0x1000, $0x38;
	[tilespmem:$0x1E000] =	vst v63  }
0x54: {  	_ =	swait.ge [sflag:s5], $0x1000  }
0x55: {  	[sflag:s5] =	ssyncset.done $0x0  }
0x56: {  	[sflag:s5] =	ssyncadd.s32 $0xFFFFF000  }
0x57: {  	[spmem:s23] =	stream.linear.scatter [tilespmem:s6], [sflag:$0x1], $0x1000, $0x38;
	[tilespmem:$0x1E000] =	vst v63  }
0x58: {  	_ =	swait.ge [sflag:s5], $0x1000  }
0x59: {  	[sflag:s5] =	ssyncset.done $0x0  }
0x5a: {  	[sflag:s5] =	ssyncadd.s32 $0xFFFFF000  }
0x5b: {  	[spmem:s24] =	stream.linear.scatter [tilespmem:s6], [sflag:$0x1], $0x1000, $0x38;
	[tilespmem:$0x1E000] =	vst v63  }
0x5c: {  	_ =	swait.ge [sflag:s5], $0x1000  }
0x5d: {  	[sflag:s5] =	ssyncset.done $0x0  }
0x5e: {  	[sflag:s5] =	ssyncadd.s32 $0xFFFFF000  }
0x5f: {  	[spmem:s25] =	stream.linear.scatter [tilespmem:s6], [sflag:$0x1], $0x1000, $0x38;
	[tilespmem:$0x1E000] =	vst v63  }
0x60: {  	_ =	swait.ge [sflag:s5], $0x1000  }
0x61: {  	[sflag:s5] =	ssyncset.done $0x0  }
0x62: {  	[sflag:s5] =	ssyncadd.s32 $0xFFFFF000  }
0x63: {  	[spmem:s26] =	stream.linear.scatter [tilespmem:s6], [sflag:$0x1], $0x1000, $0x38;
	[tilespmem:$0x1E000] =	vst v63  }
0x64: {  	_ =	swait.ge [sflag:s5], $0x1000  }
0x65: {  	[sflag:s5] =	ssyncset.done $0x0  }
0x66: {  	[sflag:s5] =	ssyncadd.s32 $0xFFFFF000  }
0x67: {  	[spmem:s28] =	stream.linear.scatter [tilespmem:s6], [sflag:$0x1], $0x1000, $0x38;
	[tilespmem:$0x1E000] =	vst v63  }
0x68: {  	_ =	swait.ge [sflag:s5], $0x1000  }
0x69: {  	[sflag:s5] =	ssyncset.done $0x0  }
0x6a: {  	[sflag:s5] =	ssyncadd.s32 $0xFFFFF000  }
0x6b: {  	[spmem:s29] =	stream.linear.scatter [tilespmem:s6], [sflag:$0x1], $0x1000, $0x38;
	[tilespmem:$0x1E000] =	vst v63  }
0x6c: {  	_ =	swait.ge [sflag:s5], $0x1000  }
0x6d: {  	[sflag:s5] =	ssyncset.done $0x0  }
0x6e: {  	[sflag:s5] =	ssyncadd.s32 $0xFFFFF000  }
0x6f: {  	[spmem:s30] =	stream.linear.scatter [tilespmem:s6], [sflag:$0x1], $0x1000, $0x38;
	[tilespmem:$0x1E000] =	vst v63  }
0x70: {  	_ =	swait.ge [sflag:s5], $0x1000  }
0x71: {  	[sflag:s5] =	ssyncset.done $0x0  }
0x72: {  	[sflag:s5] =	ssyncadd.s32 $0xFFFFF000  }
0x73: {  	[spmem:s31] =	stream.linear.scatter [tilespmem:s6], [sflag:$0x1], $0x1000, $0x38;
	[tilespmem:$0x1E000] =	vst v63  }
0x74: {  	_ =	swait.ge [sflag:s5], $0x1000  }
0x75: {  	[sflag:s5] =	ssyncset.done $0x0  }
0x76: {  	[sflag:s5] =	ssyncadd.s32 $0xFFFFF000  }
0x77: {  	[spmem:s0] =	stream.linear.scatter [tilespmem:s6], [sflag:$0x1], $0x1000, $0x38;
	[tilespmem:$0x1E000] =	vst v63  }
0x78: {  	_ =	swait.ge [sflag:s5], $0x1000  }
0x79: {  	[sflag:s5] =	ssyncset.done $0x0  }
0x7a: {  	[sflag:s5] =	ssyncadd.s32 $0xFFFFF000  }
0x7b: {  	[spmem:s1] =	stream.linear.scatter [tilespmem:s6], [sflag:$0x1], $0x1000, $0x38;
	[tilespmem:$0x1E000] =	vst v63  }
0x7c: {  	_ =	swait.ge [sflag:s5], $0x1000  }
0x7d: {  	[sflag:s5] =	ssyncset.done $0x0  }
0x7e: {  	[sflag:s5] =	ssyncadd.s32 $0xFFFFF000  }
0x7f: {  	[spmem:s3] =	stream.linear.scatter [tilespmem:s6], [sflag:$0x1], $0x1000, $0x38;
	[tilespmem:$0x1E000] =	vst v63  }
0x80: {  	_ =	swait.ge [sflag:s5], $0x1000  }
0x81: {  	[sflag:s5] =	ssyncset.done $0x0  }
0x82: {  	s12 =	simm.s32 $0x0;
	[sflag:s5] =	ssyncadd.s32 $0xFFFFF000  }
0x83: {  	v4 =	vld [tilespmem:s12+$0x0]  }
0x84: {  	v6 =	vld [tilespmem:s12+$0x10]  }
0x85: {  	v5 =	vld [tilespmem:s12+$0x20]  }
0x86: {  	v3 =	vld [tilespmem:s12+$0x30]  }
0x87: {  	v2 =	vld [tilespmem:s12+$0x40]  }
0x88: {  	v7 =	vadd.s32 v0, v4;
	v4 =	vld [tilespmem:s12+$0x50]  }
0x89: {  	s9 =	simm.s32 $0x200;
	[tilespmem:s12+$0x0] =	vst v7;
	v7 =	vadd.s32 v0, v6;
	v6 =	vld [tilespmem:s12+$0x60]  }
.LBB2_4:
0x8a: {  	s13 =	sshra.s32 s9, $0x2;
	p1 =	sne.s32 s9, $0x9E00;
	[tilespmem:s12+$0x10] =	vst v7;
	v5 =	vadd.s32 v0, v5;
	v7 =	vld [tilespmem:s12+$0x70]  }
0x8b: {  	v8 =	vld [tilespmem:s13+$0x0];
	[tilespmem:s12+$0x20] =	vst v5;
	v3 =	vadd.s32 v0, v3  }
0x8c: {  	v9 =	vld [tilespmem:s13+$0x10];
	[tilespmem:s12+$0x30] =	vst v3;
	v2 =	vadd.s32 v0, v2  }
.Ltmp1:
0x8d: {  	v5 =	vld [tilespmem:s13+$0x20];
	[tilespmem:s12+$0x40] =	vst v2;
	v2 =	vadd.s32 v0, v4;
	(pc) =	sbr.rel @p1 .LBB2_4-.Ltmp1, $4  }
0x8e: {  	v3 =	vld [tilespmem:s13+$0x30];
	[tilespmem:s12+$0x50] =	vst v2;
	v4 =	vadd.s32 v0, v6  }
0x8f: {  	v2 =	vld [tilespmem:s13+$0x40];
	[tilespmem:s12+$0x60] =	vst v4;
	v6 =	vadd.s32 v0, v7  }
0x90: {  	v7 =	vadd.s32 v0, v8;
	v4 =	vld [tilespmem:s13+$0x50];
	[tilespmem:s12+$0x70] =	vst v6;
	s12 =	smov.u32 s13  }
0x91: {  	s9 =	sadd.s32 $0x200, s9;
	[tilespmem:s12+$0x0] =	vst v7;
	v7 =	vadd.s32 v0, v9;
	v6 =	vld [tilespmem:s12+$0x60]  }
0x92: {  	[tilespmem:s12+$0x10] =	vst v7;
	v5 =	vadd.s32 v0, v5;
	v63 =	vld [tilespmem:s12+$0x70]  }
0x93: {  	[tilespmem:s12+$0x20] =	vst v5;
	v3 =	vadd.s32 v0, v3  }
0x94: {  	[tilespmem:s12+$0x30] =	vst v3;
	v2 =	vadd.s32 v0, v2  }
0x95: {  	[tilespmem:s12+$0x40] =	vst v2;
	v2 =	vadd.s32 v0, v4  }
0x96: {  	[tilespmem:s12+$0x50] =	vst v2;
	v2 =	vadd.s32 v0, v6  }
0x97: {  	[tilespmem:s12+$0x60] =	vst v2;
	v2 =	vadd.s32 v0, v63  }
0x98: {  	[tilespmem:s12+$0x70] =	vst v2  }
0x99: {  	s9 =	simm.s32 $0x0;
	[bflag:$0x0] =	sbarrier.arrive $0xFFFF  }
0x9a: {  	[tilespmem:s10], [sflag:$0x1] =	stream.indirect.gather [hbm4b:s4+s8], $0x80, s9, s8, $0xb8;
	[tilespmem:$0x1E000] =	vst v63  }
0x9b: {  	_ =	swait.ge [sflag:s5], $0x4000  }
0x9c: {  	[sflag:s5] =	ssyncset.done $0x0  }
0x9d: {  	s20 =	simm.s32 $0x2800;
	[sflag:s5] =	ssyncadd.s32 $0xFFFFC000  }
0x9e: {  	[spmem:s2] =	stream.indirect.scatter.add.f32 [tilespmem:s10], [sflag:$0x1], $0x80, s20, s8, $0xb8;
	[tilespmem:$0x1E000] =	vst v63  }
0x9f: {  	_ =	swait.ge [sflag:s5], $0x4000  }
0xa0: {  	s12 =	simm.s32 $0x400;
	s9 =	simm.s32 $0x200;
	[sflag:s5] =	ssyncset.done $0x0  }
.LBB2_6:
0xa1: {  	s13 =	sshra.s32 s9, $0x2  }
0xa2: {  	[sflag:s5] =	ssyncadd.s32 $0xFFFFC000;
	s9 =	smov.u32 s12;
	s14 =	sadd.s32 $0x200, s12  }
0xa3: {  	[tilespmem:s10], [sflag:$0x1] =	stream.indirect.gather [hbm4b:s4+s8], $0x80, s13, s8, $0xb8;
	[tilespmem:$0x1E000] =	vst v63  }
0xa4: {  	p1 =	sne.s32 s12, $0x9E00;
	_ =	swait.ge [sflag:s5], $0x4000  }
.Ltmp2:
0xa5: {  	[sflag:s5] =	ssyncset.done $0x0;
	(pc) =	sbr.rel @p1 .LBB2_6-.Ltmp2, $4  }
0xa6: {  	s12 =	sadd.s32 $0x2800, s13;
	[sflag:s5] =	ssyncadd.s32 $0xFFFFC000  }
0xa7: {  	[spmem:s2] =	stream.indirect.scatter.add.f32 [tilespmem:s10], [sflag:$0x1], $0x80, s12, s8, $0xb8;
	[tilespmem:$0x1E000] =	vst v63  }
0xa8: {  	_ =	swait.ge [sflag:s5], $0x4000  }
0xa9: {  	s12 =	smov.u32 s14;
	[sflag:s5] =	ssyncset.done $0x0  }
0xaa: {  	s9 =	sshra.s32 s9, $0x2;
	[sflag:s5] =	ssyncadd.s32 $0xFFFFC000  }
0xab: {  	[tilespmem:s10], [sflag:$0x1] =	stream.indirect.gather [hbm4b:s4+s8], $0x80, s9, s8, $0xb8;
	[tilespmem:$0x1E000] =	vst v63  }
0xac: {  	_ =	swait.ge [sflag:s5], $0x4000  }
0xad: {  	[sflag:s5] =	ssyncset.done $0x0  }
0xae: {  	s9 =	sadd.s32 $0x2800, s9;
	[sflag:s5] =	ssyncadd.s32 $0xFFFFC000  }
0xaf: {  	[spmem:s2] =	stream.indirect.scatter.add.f32 [tilespmem:s10], [sflag:$0x1], $0x80, s9, s8, $0xb8;
	[tilespmem:$0x1E000] =	vst v63  }
0xb0: {  	_ =	swait.ge [sflag:s5], $0x4000  }
0xb1: {  	[sflag:s5] =	ssyncset.done $0x0  }
0xb2: {  	[sflag:s5] =	ssyncadd.s32 $0xFFFFC000  }
0xb3: {  	s12 =	stileid.u32;
	[bflag:$0x0] =	sbarrier.arrive $0xFFFF  }
0xb4: {  	s9 =	sshll.u32 s12, $0x6;
	s13 =	rddreg [dreg:$0x5]  }
0xb5: {  	s12 =	sor.u32 $0x1C01, s9;
	s14 =	rddreg [dreg:$0x6];
	s13 =	sshrl.u32 s13, $0x3  }
0xb6: {  	[hbm:s14], [sflag:s12] =	dma.local [spmem:s13], $0x2700  }
0xb7: {  	_ =	swait.ge [sflag:s5], $0x2700  }
0xb8: {  	[sflag:s5] =	ssyncset.done $0x0;
	s9 =	rddreg [dreg:$0x7]  }
0xb9: {  	[sflag:s5] =	ssyncadd.s32 $0xFFFFD900;
	s14 =	sshrl.u32 @!p0 s9, $0x3;
	s9 =	rddreg [dreg:$0x8]  }
0xba: {  	[hbm:s9], [sflag:s12] =	dma.local @!p0 [spmem:s14], $0x100  }
0xbb: {  	s9 =	simm.s32 @!p0 $0x1  }
0xbc: {  	_ =	swait.ge @!p0 [sflag:s9], $0x100  }
0xbd: {  	[sflag:s9] =	ssyncset.done @!p0 $0x0  }
0xbe: {  	[sflag:s9] =	ssyncadd.s32 @!p0 $0xFFFFFF00  }
0xbf: {  	[bflag:$0x0] =	sbarrier.arrive $0xFFFF  }
0xc0: {  	[spmem:s7] =	stream.linear.scatter [tilespmem:s6], [sflag:$0x1], $0x1000, $0x38;
	[tilespmem:$0x1E000] =	vst v63  }
0xc1: {  	_ =	swait.ge [sflag:s5], $0x1000  }
0xc2: {  	[sflag:s5] =	ssyncset.done $0x0  }
0xc3: {  	[sflag:s5] =	ssyncadd.s32 $0xFFFFF000  }
0xc4: {  	[spmem:s15] =	stream.linear.scatter [tilespmem:s6], [sflag:$0x1], $0x1000, $0x38;
	[tilespmem:$0x1E000] =	vst v63  }
0xc5: {  	_ =	swait.ge [sflag:s5], $0x1000  }
0xc6: {  	[sflag:s5] =	ssyncset.done $0x0  }
0xc7: {  	[sflag:s5] =	ssyncadd.s32 $0xFFFFF000  }
0xc8: {  	[spmem:s16] =	stream.linear.scatter [tilespmem:s6], [sflag:$0x1], $0x1000, $0x38;
	[tilespmem:$0x1E000] =	vst v63  }
0xc9: {  	_ =	swait.ge [sflag:s5], $0x1000  }
0xca: {  	[sflag:s5] =	ssyncset.done $0x0  }
0xcb: {  	[sflag:s5] =	ssyncadd.s32 $0xFFFFF000  }
0xcc: {  	[spmem:s17] =	stream.linear.scatter [tilespmem:s6], [sflag:$0x1], $0x1000, $0x38;
	[tilespmem:$0x1E000] =	vst v63  }
0xcd: {  	_ =	swait.ge [sflag:s5], $0x1000  }
0xce: {  	[sflag:s5] =	ssyncset.done $0x0  }
0xcf: {  	s18 =	smov.u32 s15;
	s15 =	rddreg [dreg:$0xc];
	[sflag:s5] =	ssyncadd.s32 $0xFFFFF000  }
0xd0: {  	[spmem:s15] =	stream.linear.scatter [tilespmem:s6], [sflag:$0x1], $0x1000, $0x38;
	[tilespmem:$0x1E000] =	vst v63  }
0xd1: {  	_ =	swait.ge [sflag:s5], $0x1000  }
0xd2: {  	[sflag:s5] =	ssyncset.done $0x0  }
0xd3: {  	s19 =	smov.u32 s16;
	s16 =	rddreg [dreg:$0xd];
	[sflag:s5] =	ssyncadd.s32 $0xFFFFF000  }
0xd4: {  	[spmem:s16] =	stream.linear.scatter [tilespmem:s6], [sflag:$0x1], $0x1000, $0x38;
	[tilespmem:$0x1E000] =	vst v63  }
0xd5: {  	_ =	swait.ge [sflag:s5], $0x1000  }
0xd6: {  	[sflag:s5] =	ssyncset.done $0x0  }
0xd7: {  	s20 =	smov.u32 s17;
	s17 =	rddreg [dreg:$0xe];
	[sflag:s5] =	ssyncadd.s32 $0xFFFFF000  }
0xd8: {  	[spmem:s17] =	stream.linear.scatter [tilespmem:s6], [sflag:$0x1], $0x1000, $0x38;
	[tilespmem:$0x1E000] =	vst v63  }
0xd9: {  	_ =	swait.ge [sflag:s5], $0x1000  }
0xda: {  	[sflag:s5] =	ssyncset.done $0x0  }
0xdb: {  	[sflag:s5] =	ssyncadd.s32 $0xFFFFF000  }
0xdc: {  	[spmem:s21] =	stream.linear.scatter [tilespmem:s6], [sflag:$0x1], $0x1000, $0x38;
	[tilespmem:$0x1E000] =	vst v63  }
0xdd: {  	_ =	swait.ge [sflag:s5], $0x1000  }
0xde: {  	[sflag:s5] =	ssyncset.done $0x0  }
0xdf: {  	[sflag:s5] =	ssyncadd.s32 $0xFFFFF000  }
0xe0: {  	[spmem:s22] =	stream.linear.scatter [tilespmem:s6], [sflag:$0x1], $0x1000, $0x38;
	[tilespmem:$0x1E000] =	vst v63  }
0xe1: {  	_ =	swait.ge [sflag:s5], $0x1000  }
0xe2: {  	[sflag:s5] =	ssyncset.done $0x0  }
0xe3: {  	[sflag:s5] =	ssyncadd.s32 $0xFFFFF000  }
0xe4: {  	[spmem:s23] =	stream.linear.scatter [tilespmem:s6], [sflag:$0x1], $0x1000, $0x38;
	[tilespmem:$0x1E000] =	vst v63  }
0xe5: {  	_ =	swait.ge [sflag:s5], $0x1000  }
0xe6: {  	[sflag:s5] =	ssyncset.done $0x0  }
0xe7: {  	[sflag:s5] =	ssyncadd.s32 $0xFFFFF000  }
0xe8: {  	[spmem:s24] =	stream.linear.scatter [tilespmem:s6], [sflag:$0x1], $0x1000, $0x38;
	[tilespmem:$0x1E000] =	vst v63  }
0xe9: {  	_ =	swait.ge [sflag:s5], $0x1000  }
0xea: {  	[sflag:s5] =	ssyncset.done $0x0  }
0xeb: {  	[sflag:s5] =	ssyncadd.s32 $0xFFFFF000  }
0xec: {  	[spmem:s25] =	stream.linear.scatter [tilespmem:s6], [sflag:$0x1], $0x1000, $0x38;
	[tilespmem:$0x1E000] =	vst v63  }
0xed: {  	_ =	swait.ge [sflag:s5], $0x1000  }
0xee: {  	[sflag:s5] =	ssyncset.done $0x0  }
0xef: {  	[sflag:s5] =	ssyncadd.s32 $0xFFFFF000  }
0xf0: {  	[spmem:s26] =	stream.linear.scatter [tilespmem:s6], [sflag:$0x1], $0x1000, $0x38;
	[tilespmem:$0x1E000] =	vst v63  }
0xf1: {  	_ =	swait.ge [sflag:s5], $0x1000  }
0xf2: {  	[sflag:s5] =	ssyncset.done $0x0  }
0xf3: {  	[sflag:s5] =	ssyncadd.s32 $0xFFFFF000  }
0xf4: {  	[spmem:s28] =	stream.linear.scatter [tilespmem:s6], [sflag:$0x1], $0x1000, $0x38;
	[tilespmem:$0x1E000] =	vst v63  }
0xf5: {  	_ =	swait.ge [sflag:s5], $0x1000  }
0xf6: {  	[sflag:s5] =	ssyncset.done $0x0  }
0xf7: {  	[sflag:s5] =	ssyncadd.s32 $0xFFFFF000  }
0xf8: {  	[spmem:s29] =	stream.linear.scatter [tilespmem:s6], [sflag:$0x1], $0x1000, $0x38;
	[tilespmem:$0x1E000] =	vst v63  }
0xf9: {  	_ =	swait.ge [sflag:s5], $0x1000  }
0xfa: {  	[sflag:s5] =	ssyncset.done $0x0  }
0xfb: {  	[sflag:s5] =	ssyncadd.s32 $0xFFFFF000  }
0xfc: {  	[spmem:s30] =	stream.linear.scatter [tilespmem:s6], [sflag:$0x1], $0x1000, $0x38;
	[tilespmem:$0x1E000] =	vst v63  }
0xfd: {  	_ =	swait.ge [sflag:s5], $0x1000  }
0xfe: {  	[sflag:s5] =	ssyncset.done $0x0  }
0xff: {  	[sflag:s5] =	ssyncadd.s32 $0xFFFFF000  }
0x100: {  	[spmem:s31] =	stream.linear.scatter [tilespmem:s6], [sflag:$0x1], $0x1000, $0x38;
	[tilespmem:$0x1E000] =	vst v63  }
0x101: {  	_ =	swait.ge [sflag:s5], $0x1000  }
0x102: {  	[sflag:s5] =	ssyncset.done $0x0  }
0x103: {  	[sflag:s5] =	ssyncadd.s32 $0xFFFFF000  }
0x104: {  	[spmem:s0] =	stream.linear.scatter [tilespmem:s6], [sflag:$0x1], $0x1000, $0x38;
	[tilespmem:$0x1E000] =	vst v63  }
0x105: {  	_ =	swait.ge [sflag:s5], $0x1000  }
0x106: {  	[sflag:s5] =	ssyncset.done $0x0  }
0x107: {  	[sflag:s5] =	ssyncadd.s32 $0xFFFFF000  }
0x108: {  	[spmem:s1] =	stream.linear.scatter [tilespmem:s6], [sflag:$0x1], $0x1000, $0x38;
	[tilespmem:$0x1E000] =	vst v63  }
0x109: {  	_ =	swait.ge [sflag:s5], $0x1000  }
0x10a: {  	[sflag:s5] =	ssyncset.done $0x0  }
0x10b: {  	[sflag:s5] =	ssyncadd.s32 $0xFFFFF000  }
0x10c: {  	[spmem:s3] =	stream.linear.scatter [tilespmem:s6], [sflag:$0x1], $0x1000, $0x38;
	[tilespmem:$0x1E000] =	vst v63  }
0x10d: {  	_ =	swait.ge [sflag:s5], $0x1000  }
0x10e: {  	[sflag:s5] =	ssyncset.done $0x0  }
0x10f: {  	s9 =	simm.s32 $0x0;
	[sflag:s5] =	ssyncadd.s32 $0xFFFFF000  }
0x110: {  	v4 =	vld [tilespmem:s9+$0x0]  }
0x111: {  	v6 =	vld [tilespmem:s9+$0x10]  }
0x112: {  	v5 =	vld [tilespmem:s9+$0x20]  }
0x113: {  	v3 =	vld [tilespmem:s9+$0x30]  }
0x114: {  	v2 =	vld [tilespmem:s9+$0x40]  }
0x115: {  	v7 =	vadd.s32 $0x2710, v4;
	v4 =	vld [tilespmem:s9+$0x50]  }
0x116: {  	s15 =	simm.s32 $0x200;
	[tilespmem:s9+$0x0] =	vst v7;
	v7 =	vadd.s32 $0x2710, v6;
	v6 =	vld [tilespmem:s9+$0x60]  }
.LBB2_8:
0x117: {  	s16 =	sshra.s32 s15, $0x2;
	p1 =	sne.s32 s15, $0x9E00;
	[tilespmem:s9+$0x10] =	vst v7;
	v5 =	vadd.s32 $0x2710, v5;
	v7 =	vld [tilespmem:s9+$0x70]  }
0x118: {  	v8 =	vld [tilespmem:s16+$0x0];
	[tilespmem:s9+$0x20] =	vst v5;
	v3 =	vadd.s32 $0x2710, v3  }
0x119: {  	v9 =	vld [tilespmem:s16+$0x10];
	[tilespmem:s9+$0x30] =	vst v3;
	v2 =	vadd.s32 $0x2710, v2  }
.Ltmp3:
0x11a: {  	v5 =	vld [tilespmem:s16+$0x20];
	[tilespmem:s9+$0x40] =	vst v2;
	v2 =	vadd.s32 $0x2710, v4;
	(pc) =	sbr.rel @p1 .LBB2_8-.Ltmp3, $4  }
0x11b: {  	v3 =	vld [tilespmem:s16+$0x30];
	[tilespmem:s9+$0x50] =	vst v2;
	v4 =	vadd.s32 $0x2710, v6  }
0x11c: {  	v2 =	vld [tilespmem:s16+$0x40];
	[tilespmem:s9+$0x60] =	vst v4;
	v6 =	vadd.s32 $0x2710, v7  }
0x11d: {  	v7 =	vadd.s32 $0x2710, v8;
	v4 =	vld [tilespmem:s16+$0x50];
	[tilespmem:s9+$0x70] =	vst v6;
	s9 =	smov.u32 s16  }
0x11e: {  	s15 =	sadd.s32 $0x200, s15;
	[tilespmem:s9+$0x0] =	vst v7;
	v7 =	vadd.s32 $0x2710, v9;
	v6 =	vld [tilespmem:s9+$0x60]  }
0x11f: {  	[tilespmem:s9+$0x10] =	vst v7;
	v5 =	vadd.s32 $0x2710, v5;
	v63 =	vld [tilespmem:s9+$0x70]  }
0x120: {  	[tilespmem:s9+$0x20] =	vst v5;
	v3 =	vadd.s32 $0x2710, v3  }
0x121: {  	[tilespmem:s9+$0x30] =	vst v3;
	v2 =	vadd.s32 $0x2710, v2  }
0x122: {  	[tilespmem:s9+$0x40] =	vst v2;
	v2 =	vadd.s32 $0x2710, v4  }
0x123: {  	[tilespmem:s9+$0x50] =	vst v2;
	v2 =	vadd.s32 $0x2710, v6  }
0x124: {  	[tilespmem:s9+$0x60] =	vst v2;
	v2 =	vadd.s32 $0x2710, v63  }
0x125: {  	[tilespmem:s9+$0x70] =	vst v2  }
0x126: {  	s16 =	simm.s32 $0x0;
	[bflag:$0x0] =	sbarrier.arrive $0xFFFF  }
0x127: {  	[tilespmem:s10], [sflag:$0x1] =	stream.indirect.gather [hbm4b:s4+s8], $0x80, s16, s8, $0xb8;
	[tilespmem:$0x1E000] =	vst v63  }
0x128: {  	_ =	swait.ge [sflag:s5], $0x4000  }
0x129: {  	[sflag:s5] =	ssyncset.done $0x0  }
0x12a: {  	s17 =	simm.s32 $0x2800;
	[sflag:s5] =	ssyncadd.s32 $0xFFFFC000  }
0x12b: {  	[spmem:s2] =	stream.indirect.scatter.add.f32 [tilespmem:s10], [sflag:$0x1], $0x80, s17, s8, $0xb8;
	[tilespmem:$0x1E000] =	vst v63  }
0x12c: {  	_ =	swait.ge [sflag:s5], $0x4000  }
0x12d: {  	s15 =	simm.s32 $0x400;
	s9 =	simm.s32 $0x200;
	[sflag:s5] =	ssyncset.done $0x0  }
.LBB2_10:
0x12e: {  	s16 =	sshra.s32 s9, $0x2  }
0x12f: {  	[sflag:s5] =	ssyncadd.s32 $0xFFFFC000;
	s9 =	smov.u32 s15;
	s17 =	sadd.s32 $0x200, s15  }
0x130: {  	[tilespmem:s10], [sflag:$0x1] =	stream.indirect.gather [hbm4b:s4+s8], $0x80, s16, s8, $0xb8;
	[tilespmem:$0x1E000] =	vst v63  }
0x131: {  	p1 =	sne.s32 s15, $0x9E00;
	_ =	swait.ge [sflag:s5], $0x4000  }
.Ltmp4:
0x132: {  	[sflag:s5] =	ssyncset.done $0x0;
	(pc) =	sbr.rel @p1 .LBB2_10-.Ltmp4, $4  }
0x133: {  	s15 =	sadd.s32 $0x2800, s16;
	[sflag:s5] =	ssyncadd.s32 $0xFFFFC000  }
0x134: {  	[spmem:s2] =	stream.indirect.scatter.add.f32 [tilespmem:s10], [sflag:$0x1], $0x80, s15, s8, $0xb8;
	[tilespmem:$0x1E000] =	vst v63  }
0x135: {  	_ =	swait.ge [sflag:s5], $0x4000  }
0x136: {  	s15 =	smov.u32 s17;
	[sflag:s5] =	ssyncset.done $0x0  }
0x137: {  	s9 =	sshra.s32 s9, $0x2;
	[sflag:s5] =	ssyncadd.s32 $0xFFFFC000  }
0x138: {  	[tilespmem:s10], [sflag:$0x1] =	stream.indirect.gather [hbm4b:s4+s8], $0x80, s9, s8, $0xb8;
	[tilespmem:$0x1E000] =	vst v63  }
0x139: {  	_ =	swait.ge [sflag:s5], $0x4000  }
0x13a: {  	[sflag:s5] =	ssyncset.done $0x0  }
0x13b: {  	s9 =	sadd.s32 $0x2800, s9;
	[sflag:s5] =	ssyncadd.s32 $0xFFFFC000  }
0x13c: {  	[spmem:s2] =	stream.indirect.scatter.add.f32 [tilespmem:s10], [sflag:$0x1], $0x80, s9, s8, $0xb8;
	[tilespmem:$0x1E000] =	vst v63  }
0x13d: {  	_ =	swait.ge [sflag:s5], $0x4000  }
0x13e: {  	[sflag:s5] =	ssyncset.done $0x0  }
0x13f: {  	[sflag:s5] =	ssyncadd.s32 $0xFFFFC000  }
0x140: {  	[bflag:$0x0] =	sbarrier.arrive $0xFFFF  }
0x141: {  	s16 =	rddreg [dreg:$0x9]  }
0x142: {  	[hbm:s16], [sflag:s12] =	dma.local [spmem:s13], $0x2700  }
0x143: {  	_ =	swait.ge [sflag:s5], $0x2700  }
0x144: {  	[sflag:s5] =	ssyncset.done $0x0  }
0x145: {  	s9 =	rddreg [dreg:$0xa];
	[sflag:s5] =	ssyncadd.s32 $0xFFFFD900  }
0x146: {  	[hbm:s9], [sflag:s12] =	dma.local @!p0 [spmem:s14], $0x100  }
0x147: {  	s9 =	simm.s32 @!p0 $0x1  }
0x148: {  	_ =	swait.ge @!p0 [sflag:s9], $0x100  }
0x149: {  	s11 =	sadd.s32 $0x1, s11;
	s17 =	rddreg [dreg:$0xb]  }
0x14a: {  	p1 =	sne.s32 s11, s17  }
.Ltmp5:
0x14b: {  	_ = 	snop;
	(pc) =	sbr.rel @p1 .LBB2_1-.Ltmp5, $4  }
0x14c: {  	[sflag:s9] =	ssyncset.done @!p0 $0x0  }
0x14d: {  	[sflag:s9] =	ssyncadd.s32 @!p0 $0xFFFFFF00  }
0x14e: {  	[bflag:$0x0] =	sbarrier.arrive $0xFFFF  }
0x14f: {  	s15 =	smov.u32 s18;
	s16 =	smov.u32 s19;
	s17 =	smov.u32 s20  }
0x150: {  	_ =	sfence.sel $0x180000  }
0x151: {  	[bflag:$0x0] =	sbarrier.arrive $0xFFFF  }
0x152: {  	_ =	strace $0x90000056  }
0x153: {  	s0 =	stileid.u32;
	[bflag:$0x2] =	sbarrier.arrive $0xFFFF  }
0x154: {  	p0 =	sne.s32 s0, $0x0;
	s0 =	rddreg [dreg:$0x2]  }
0x155: {  	s0 =	sadd.s32 @!p0 $0x100000, s0  }
0x156: {  	[sflag:s0] =	ssyncadd.tile.s32 @!p0 $0x1;
	_ =	shalt  }
.Lfunc_end2:
_tile_overlayer_lowered:
.L_overlay_start_2:
0x157: {  	(tag) =	ssettag $0x2  }
0x158: {  	s0 =	rddreg [dreg:$0x0];
	s2 =	stileid.u32  }
0x159: {  	s1 =	rddreg [dreg:$0x1];
	p0 =	sne.s32 s2, $0x0  }
0x15a: {  	s3 =	rddreg [dreg:$0x2];
	[bflag:$0x3] =	sbarrier.arrive $0xFFFF;
	s2 =	simm.s32 @!p0 $0x1C01  }
0x15b: {  	[timem:s3], [sflag:s2] =	dma.local @!p0 [hbm:s0], s1  }
0x15c: {  	s0 =	simm.s32 @!p0 $0x1  }
0x15d: {  	_ =	swait.ge @!p0 [sflag:s0], s1  }
0x15e: {  	s1 =	ssub.s32 @!p0 $0x0, s1;
	[sflag:s0] =	ssyncset.done @!p0 $0x0  }
0x15f: {  	[sflag:s0] =	ssyncadd.s32 @!p0 s1  }
0x160: {  	[bflag:$0x3] =	sbarrier.arrive $0xFFFF  }
0x161: {  	_ =	shalt  }

// kernel: kernel.26.cloned.1.call-start
scs
__scs_entry_jumppad:
0x0: {  	(pc) =	sbr.rel $0x88, $3  }
0x1: {  	(tag) =	ssettag $0x0;
	lr =	simm.s32 $0x1  }
0x2: {  	[smem:$0x3F92] =	sst lr;
	_ =	strace $0xD0000000  }
0x3: {  	_ = 	snop  }
0x4: {  	_ = 	snop  }
0x5: {  	_ = 	snop  }
0x6: {  	_ = 	snop  }
0x7: {  	_ = 	snop  }
__scs_overlays_trampoline_lowered:
0x8: {  	[smem:$0x3FA1] =	sst s0  }
0x9: {  	[smem:$0x3FA2] =	sst s1  }
0xa: {  	[smem:$0x3FA3] =	sst s2  }
0xb: {  	[smem:$0x3FA4] =	sst s3  }
0xc: {  	[smem:$0x3FA5] =	sst s4  }
0xd: {  	[smem:$0x3FA6] =	sst s5  }
0xe: {  	[smem:$0x3FA7] =	sst s6  }
0xf: {  	[smem:$0x3FA8] =	sst s7  }
0x10: {  	[smem:$0x3FA9] =	sst s8  }
0x11: {  	[smem:$0x3FAA] =	sst s9;
	s0 =	simm.s32 @!p0 $0x0  }
0x12: {  	s1 =	sld [smem:$0x3F90];
	s0 =	simm.s32 @p0 $0x1  }
0x13: {  	[smem:$0x3FAB] =	sst s0;
	s0 =	simm.s32 @!p1 $0x0  }
0x14: {  	s2 =	sld [smem:$0x3F8F];
	s0 =	simm.s32 @p1 $0x1  }
0x15: {  	[smem:$0x3FAC] =	sst s0;
	s0 =	simm.s32 @!p2 $0x0  }
0x16: {  	s3 =	sld [smem:$0x3FDB];
	s0 =	simm.s32 @p2 $0x1  }
0x17: {  	s4 =	simm.s32 $0x1BF5;
	[smem:$0x3FAE] =	sst s0  }
0x18: {  	s0 =	sld [smem:$0x3F91];
	_ =	swait.ge [sflag:s4], $0x0  }
0x19: {  	s7 =	sld [smem:$0x3F92]  }
0x1a: {  	s8 =	sadd.s32 $0xFFFFE003, lr  }
0x1b: {  	s9 =	sadd.s32 $0xFFFFFEF7, lr;
	s5 =	simm.s32 $0xFFFFFFFF;
	p2 =	slt.u32 s8, $0xFFFFF086  }
0x1c: {  	p1 =	slt.u32 s9, $0xF7A;
	s5 =	simm.s32 @!p2 $0x0  }
0x1d: {  	s5 =	simm.s32 @p1 $0x1;
	p0 =	seq.s32 s7, s2  }
0x1e: {  	s7 =	smul.u32 @!p0 $0xF7A, s2;
	p2 =	seq.s32 @!p0 s5, $0x0  }
0x1f: {  	s9 =	smul.u32 $0xF7A, s1;
	s8 =	simm.s32 @!p0 $0x1BF5;
	p2 =	por !p2, p0  }
0x20: {  	[sflag:s8] =	ssyncset.s32 @!p0 $0xFFFFF086;
	s6 =	sadd.s32 @!p0 s3, s7;
	s7 =	simm.s32 @!p0 $0x108  }
0x21: {  	s3 =	sadd.s32 s3, s9;
	s6 =	sadd.s32 @!p0 $0x88, s6;
	s7 =	simm.s32 @p2 $0x1082  }
0x22: {  	[simem:s7], [sflag:s8] =	dma.local @!p0 [hbm:s6], $0xF7A  }
0x23: {  	s9 =	sor.u32 $0xD0000000, s2;
	s6 =	simm.s32 $0x108;
	_ =	swait.ge @!p0 [sflag:s8], $0x0  }
0x24: {  	s3 =	sadd.s32 $0x88, s3;
	s6 =	simm.s32 @!p1 $0x1082;
	[sflag:s4] =	ssyncset.s32 $0xFFFFF086  }
0x25: {  	[simem:s6], [sflag:s4] =	dma.local [hbm:s3], $0xF7A  }
0x26: {  	[smem:$0x3F92] =	sst s1;
	(tag) =	ssettag s2;
	_ =	strace s9  }
0x27: {  	s1 =	sld [smem:$0x3FA2]  }
0x28: {  	s2 =	sld [smem:$0x3FA3]  }
0x29: {  	s4 =	sld [smem:$0x3FA5]  }
0x2a: {  	p0 =	seq.s32 s5, $0x0;
	s5 =	sld [smem:$0x3FA6]  }
0x2b: {  	s6 =	sld [smem:$0x3FA7]  }
0x2c: {  	s7 =	sld [smem:$0x3FA8]  }
0x2d: {  	s3 =	simm.s32 $0x108;
	s8 =	sld [smem:$0x3FA9]  }
0x2e: {  	s3 =	simm.s32 @!p0 $0x1082;
	s9 =	sld [smem:$0x3FAA]  }
0x2f: {  	lr =	sadd.s32 s0, s3;
	s0 =	sld [smem:$0x3FA1]  }
0x30: {  	s3 =	sld [smem:$0x3FA4]  }
0x31: {  	[smem:$0x3FAD] =	sst s10  }
0x32: {  	s10 =	sld [smem:$0x3FAB];
	_ =	sdelay $0x3  }
0x33: {  	p0 =	seq.s32 s10, $0x1;
	s10 =	sld [smem:$0x3FAD];
	_ =	sdelay $0x3  }
0x34: {  	[smem:$0x3FAD] =	sst s10  }
0x35: {  	s10 =	sld [smem:$0x3FAC];
	_ =	sdelay $0x3  }
0x36: {  	p1 =	seq.s32 s10, $0x1;
	s10 =	sld [smem:$0x3FAD];
	_ =	sdelay $0x3  }
0x37: {  	[smem:$0x3FAD] =	sst s10  }
0x38: {  	s10 =	sld [smem:$0x3FAE]  }
0x39: {  	_ = 	snop;
	(pc) =	sbr.ind lr, $3  }
0x3a: {  	_ = 	snop  }
0x3b: {  	_ = 	snop  }
0x3c: {  	p2 =	seq.s32 s10, $0x1;
	s10 =	sld [smem:$0x3FAD]  }
0x3d: {  	_ =	shalt  }
0x3e: {  	_ =	shalt  }
0x3f: {  	_ =	shalt  }
0x40: {  	_ =	shalt  }
0x41: {  	_ =	shalt  }
0x42: {  	_ =	shalt  }
0x43: {  	_ =	shalt  }
0x44: {  	_ =	shalt  }
0x45: {  	_ =	shalt  }
0x46: {  	_ =	shalt  }
0x47: {  	_ =	shalt  }
0x48: {  	_ =	shalt  }
0x49: {  	_ =	shalt  }
0x4a: {  	_ =	shalt  }
0x4b: {  	_ =	shalt  }
0x4c: {  	_ =	shalt  }
0x4d: {  	_ =	shalt  }
0x4e: {  	_ =	shalt  }
0x4f: {  	_ =	shalt  }
0x50: {  	_ =	shalt  }
0x51: {  	_ =	shalt  }
0x52: {  	_ =	shalt  }
0x53: {  	_ =	shalt  }
0x54: {  	_ =	shalt  }
0x55: {  	_ =	shalt  }
0x56: {  	_ =	shalt  }
0x57: {  	_ =	shalt  }
0x58: {  	_ =	shalt  }
0x59: {  	_ =	shalt  }
0x5a: {  	_ =	shalt  }
0x5b: {  	_ =	shalt  }
0x5c: {  	_ =	shalt  }
0x5d: {  	_ =	shalt  }
0x5e: {  	_ =	shalt  }
0x5f: {  	_ =	shalt  }
0x60: {  	_ =	shalt  }
0x61: {  	_ =	shalt  }
0x62: {  	_ =	shalt  }
0x63: {  	_ =	shalt  }
0x64: {  	_ =	shalt  }
0x65: {  	_ =	shalt  }
0x66: {  	_ =	shalt  }
0x67: {  	_ =	shalt  }
0x68: {  	_ =	shalt  }
0x69: {  	_ =	shalt  }
0x6a: {  	_ =	shalt  }
0x6b: {  	_ =	shalt  }
0x6c: {  	_ =	shalt  }
0x6d: {  	_ =	shalt  }
0x6e: {  	_ =	shalt  }
0x6f: {  	_ =	shalt  }
0x70: {  	_ =	shalt  }
0x71: {  	_ =	shalt  }
0x72: {  	_ =	shalt  }
0x73: {  	_ =	shalt  }
0x74: {  	_ =	shalt  }
0x75: {  	_ =	shalt  }
0x76: {  	_ =	shalt  }
0x77: {  	_ =	shalt  }
0x78: {  	_ =	shalt  }
0x79: {  	_ =	shalt  }
0x7a: {  	_ =	shalt  }
0x7b: {  	_ =	shalt  }
0x7c: {  	_ =	shalt  }
0x7d: {  	_ =	shalt  }
0x7e: {  	_ =	shalt  }
0x7f: {  	_ =	shalt  }
0x80: {  	_ =	shalt  }
0x81: {  	_ =	shalt  }
0x82: {  	_ =	shalt  }
0x83: {  	_ =	shalt  }
0x84: {  	_ =	shalt  }
0x85: {  	_ =	shalt  }
0x86: {  	_ =	shalt  }
0x87: {  	_ =	shalt  }
.Lfunc_end0:
.L_simem_size_0:
called_computation.6_lowered:
.L_overlay_start_0:
0x88: {  	s2 =	sld [smem:$0x3FD9]  }
0x89: {  	s3 =	sld [smem:$0x3FFE];
	_ =	sdelay $0x1  }
0x8a: {  	s1 =	srdreg.scid  }
0x8b: {  	s0 =	sand.u32 $0x1, s1  }
0x8c: {  	s16 =	sshll.u32 s0, $0xA;
	s2 =	sadd.s32 s3, s2  }
0x8d: {  	s2 =	sadd.s32 s2, s16  }
0x8e: {  	[smem:$0x3FB9] =	sst s2  }
0x8f: {  	_ = 	snop  }
0x90: {  	(tm) =	ssettm $0x1  }
0x91: {  	s17 =	sld [smem:$0x3FFB];
	_ =	sdelay $0x3  }
0x92: {  	_ =	strace s17  }
0x93: {  	s2 =	sld [smem:$0x3FFC];
	_ =	sdelay $0x3  }
0x94: {  	_ =	strace s2  }
0x95: {  	s2 =	sld [smem:$0x3FFD];
	_ =	sdelay $0x3  }
0x96: {  	_ =	strace s2  }
0x97: {  	_ =	strace $0x8FFFFFFF  }
0x98: {  	s18 =	sld [smem:$0x3FDB];
	_ =	sdelay $0x1  }
0x99: {  	s19 =	simm.s32 $_scs_section_size  }
0x9a: {  	s4 =	simm.s32 $_size__tile_overlayer_lowered;
	s5 =	simm.s32 $_tile_overlayer_lowered  }
0x9b: {  	s22 =	simm.s32 $0x1BFF;
	s21 =	sshll.u32 s5, $0x1;
	s2 =	sadd.s32 s19, s18  }
0x9c: {  	s6 =	simm.s32 $0x0;
	s20 =	sshll.u32 s4, $0x1;
	s4 =	sadd.s32 s21, s2  }
0x9d: {  	[timem:s6], [sflag:s22] =	dma.local [hbm:s4], s20  }
0x9e: {  	_ =	swait.ge [sflag:s22], s20  }
0x9f: {  	s3 =	ssub.s32 $0x0, s20;
	[sflag:s22] =	ssyncset.done $0x0  }
0xa0: {  	[sflag:s22] =	ssyncadd.s32 s3;
	_ =	sdelay $0x1  }
0xa1: {  	s23 =	simm.s32 $0x1B8B  }
0xa2: {  	_ =	swait.ge [sflag:s23], $0x1  }
0xa3: {  	[sflag:s23] =	ssyncset.done $0x0  }
0xa4: {  	s25 =	simm.s32 $0x1B8E;
	s24 =	sld [smem:$0x3FFE];
	[sflag:s23] =	ssyncadd.s32 $0xFFFFFFFF  }
0xa5: {  	s26 =	simm.s32 $execute0_lowered;
	[smem:$0x3FD2] =	sst s25  }
0xa6: {  	s4 =	sshll.u32 s26, $0x1;
	_ =	strace $0x80000058;
	[dreg:$0x1] =	wrdreg $0xFFFFFFFF  }
0xa7: {  	s28 =	simm.s32 $_size_execute0_lowered;
	s2 =	sadd.s32 s2, s4;
	[dreg:$0x0] =	wrdreg $0x0  }
0xa8: {  	s4 =	sshll.u32 s28, $0x1;
	[dreg:$0x2] =	wrdreg s2  }
0xa9: {  	[dreg:$0x3] =	wrdreg s4  }
0xaa: {  	[dreg:$0x4] =	wrdreg $0xC0  }
0xab: {  	_ =	task [dreg:s6], $0x5FFFF  }
0xac: {  	[dreg:$0x1] =	wrdreg $0xFFFFFFFF  }
0xad: {  	[dreg:$0x0] =	wrdreg $0x60  }
0xae: {  	[dreg:$0x2] =	wrdreg s24  }
0xaf: {  	[dreg:$0x3] =	wrdreg $0xA0000  }
0xb0: {  	[dreg:$0x4] =	wrdreg $0x9  }
0xb1: {  	_ =	task.clear_ibuf [dreg:s6], $0x5FFFF;
	_ =	strace $0x90000058  }
0xb2: {  	s29 =	simm.s32 $0x9;
	_ =	strace $0x8000005A  }
0xb3: {  	_ =	swait.ge [sflag:s29], $0x1  }
0xb4: {  	[sflag:s29] =	ssyncadd.s32 $0xFFFFFFFF  }
0xb5: {  	_ =	strace $0x9000005A  }
0xb6: {  	_ =	sfence  }
0xb7: {  	s30 =	sld [smem:$0x0];
	_ =	sdelay $0x2  }
0xb8: {  	s31 =	sshll.u32 s1, $0xD;
	s1 =	sshrl.u32 s1, $0x2  }
0xb9: {  	s3 =	sand.u32 $0x4000, s31;
	s1 =	sadd.s32 s1, s30  }
0xba: {  	s0 =	sor.u32 s3, s0;
	s1 =	sshll.u32 s1, $0x11  }
0xbb: {  	s0 =	sor.u32 s1, s0  }
0xbc: {  	s0 =	sadd.s32 $0x8F2B, s0  }
0xbd: {  	[sflag:s0] =	ssyncadd.remote.s32 $0x1  }
0xbe: {  	_ =	sfence.sel $0xFFFF  }
0xbf: {  	[dreg:$0x0] =	wrdreg $0xFFFFFFFF;
	(pc) =	sbr.abs _section_cstart, $3  }
0xc0: {  	[dreg:$0x1] =	wrdreg $0xFFFFFFFF  }
0xc1: {  	_ =	task.clear_ibuf [dreg:s6], $0x2FFFF;
	_ =	strace $0x9FFFFFFF  }
0xc2: {  	(tm) =	ssettm $0x7FFFFFFF  }
0xc3: {  	_ =	shalt  }
tec
execute0_lowered:
.L_overlay_start_1:
0x0: {  	(tag) =	ssettag $0x1  }
0x1: {  	s0 =	rddreg [dreg:$0x0];
	s11 =	stileid.u32  }
0x2: {  	s2 =	rddreg [dreg:$0x1];
	s16 =	smul.u32 $0x500, s11  }
0x3: {  	s1 =	simm.s32 $0x0;
	s3 =	srdreg.scid;
	s5 =	smul.u32 $0x50000, s11  }
0x4: {  	[smem:$0x7FF] =	sst s1;
	s4 =	sadd.s32 $0xD200, s0;
	s9 =	smul.u32 $0x270, s11  }
0x5: {  	s3 =	sand.u32 $0x1, s3;
	s10 =	smul.u32 $0x4E000, s11;
	s22 =	sadd.s32 $0x138000, s2  }
0x6: {  	p0 =	sne.s32 s11, $0xF;
	s11 =	simm.s32 $0x0;
	s8 =	smul.u32 $0x4E20, s3  }
0x7: {  	_ =	strace $0x80000059;
	s6 =	ssub.s32 $0x2, s3;
	s3 =	smul.u32 $0x271000, s3  }
0x8: {  	[dreg:$0x7] =	wrdreg s22;
	s1 =	sadd.s32 s16, s0;
	s0 =	sadd.s32 $0xA9600, s0  }
0x9: {  	s7 =	sshrl.u32 s6, $0x1;
	s18 =	sshrl.u32 s5, $0x2;
	s19 =	sshrl.u32 s10, $0x2  }
0xa: {  	s5 =	simm.s32 $0x1;
	s10 =	simm.s32 $0x5000;
	s6 =	ssub.s32 s6, s7  }
0xb: {  	s17 =	sadd.s32 $0x8200, s1;
	s1 =	sadd.s32 $0x3200, s1;
	s7 =	sadd.s32 s18, s2  }
0xc: {  	s20 =	sadd.s32 s9, s8;
	s3 =	sshrl.u32 s3, $0x3;
	[dreg:$0x3] =	wrdreg s17  }
0xd: {  	v0 =	vmov s8;
	s8 =	simm.s32 $0x80;
	[dreg:$0x4] =	wrdreg s1;
	s1 =	sadd.s32 s19, s2  }
0xe: {  	s21 =	sshll.u32 s20, $0x4;
	s23 =	smax.u32 s6, $0x1;
	s15 =	sadd.s32 $0x1000, s7  }
0xf: {  	s16 =	sadd.s32 $0x2000, s7;
	s17 =	sadd.s32 $0x3000, s7;
	s24 =	sadd.s32 $0x4000, s7  }
0x10: {  	s25 =	sadd.s32 $0x5000, s7;
	s26 =	sadd.s32 $0x6000, s7;
	[dreg:$0x5] =	wrdreg s1  }
0x11: {  	s22 =	sadd.s32 $0x8000, s7;
	s28 =	sadd.s32 $0xD000, s7;
	[dreg:$0xb] =	wrdreg s23  }
0x12: {  	s29 =	sadd.s32 $0xE000, s7;
	s30 =	sadd.s32 $0xF000, s7;
	[dreg:$0xc] =	wrdreg s24  }
0x13: {  	s31 =	sadd.s32 $0x10000, s7;
	s6 =	simm.s32 $0x9000;
	[dreg:$0xd] =	wrdreg s25  }
0x14: {  	s1 =	sadd.s32 s0, s21;
	s0 =	sadd.s32 s0, s3;
	[dreg:$0xe] =	wrdreg s26  }
0x15: {  	s21 =	sadd.s32 $0x7000, s7;
	s3 =	sadd.s32 $0x27000, s0;
	[dreg:$0x6] =	wrdreg s1  }
0x16: {  	s23 =	sadd.s32 $0x9000, s7;
	s1 =	sadd.s32 $0x27100, s1;
	[dreg:$0x8] =	wrdreg s3  }
0x17: {  	s24 =	sadd.s32 $0xA000, s7;
	s0 =	sadd.s32 $0x4E100, s0;
	[dreg:$0x9] =	wrdreg s1  }
0x18: {  	s25 =	sadd.s32 $0xB000, s7;
	s26 =	sadd.s32 $0xC000, s7;
	[dreg:$0xa] =	wrdreg s0  }
0x19: {  	v1 =	vimm.f32 $0.0e+00;
	s0 =	sadd.s32 $0x11000, s7;
	s1 =	sadd.s32 $0x12000, s7;
	s3 =	sadd.s32 $0x13000, s7  }
.LBB2_1:
0x1a: {  	s9 =	simm.s32 $0x0;
	s12 =	rddreg [dreg:$0x3]  }
0x1b: {  	[tilespmem:s9], [sflag:$0x1] =	stream.linear.gather [hbm4b:s12+s9], $0x2800, $0x38;
	[tilespmem:$0x1E000] =	vst v63  }
0x1c: {  	_ =	swait.ge [sflag:s5], $0x2800  }
0x1d: {  	[sflag:s5] =	ssyncset.done $0x0  }
0x1e: {  	s13 =	simm.s32 $0x2800;
	s20 =	rddreg [dreg:$0x4];
	[sflag:s5] =	ssyncadd.s32 $0xFFFFD800  }
0x1f: {  	[tilespmem:s13], [sflag:$0x1] =	stream.linear.gather [hbm4b:s20+s9], $0x2800, $0x38;
	[tilespmem:$0x1E000] =	vst v63  }
0x20: {  	_ =	swait.ge [sflag:s5], $0x2800  }
0x21: {  	[sflag:s5] =	ssyncset.done $0x0  }
0x22: {  	s12 =	simm.s32 $0x200;
	s9 =	simm.s32 $0x0;
	[sflag:s5] =	ssyncadd.s32 $0xFFFFD800  }
.LBB2_2:
0x23: {  	p1 =	sne.s32 s12, $0x3E00;
	[tilespmem:s9+$0x9070] =	vst v1  }
0x24: {  	[tilespmem:s9+$0x9000] =	vst v1  }
0x25: {  	[tilespmem:s9+$0x9010] =	vst v1  }
.Ltmp0:
0x26: {  	[tilespmem:s9+$0x9020] =	vst v1;
	(pc) =	sbr.rel @p1 .LBB2_2-.Ltmp0, $4  }
0x27: {  	[tilespmem:s9+$0x9030] =	vst v1  }
0x28: {  	[tilespmem:s9+$0x9040] =	vst v1  }
0x29: {  	[tilespmem:s9+$0x9050] =	vst v1  }
0x2a: {  	[tilespmem:s9+$0x9060] =	vst v1;
	s9 =	sshra.s32 s12, $0x2;
	s12 =	sadd.s32 $0x200, s12  }
0x2b: {  	[tilespmem:s9+$0x9070] =	vst v1  }
0x2c: {  	[tilespmem:s9+$0x9000] =	vst v1  }
0x2d: {  	[tilespmem:s9+$0x9010] =	vst v1  }
0x2e: {  	[tilespmem:s9+$0x9020] =	vst v1  }
0x2f: {  	[tilespmem:s9+$0x9030] =	vst v1  }
0x30: {  	[tilespmem:s9+$0x9040] =	vst v1  }
0x31: {  	[tilespmem:s9+$0x9050] =	vst v1  }
0x32: {  	[tilespmem:s9+$0x9060] =	vst v1  }
0x33: {  	[spmem:s7] =	stream.linear.scatter [tilespmem:s6], [sflag:$0x1], $0x1000, $0x38;
	[tilespmem:$0x1E000] =	vst v63  }
0x34: {  	_ =	swait.ge [sflag:s5], $0x1000  }
0x35: {  	[sflag:s5] =	ssyncset.done $0x0  }
0x36: {  	[sflag:s5] =	ssyncadd.s32 $0xFFFFF000  }
0x37: {  	[spmem:s15] =	stream.linear.scatter [tilespmem:s6], [sflag:$0x1], $0x1000, $0x38;
	[tilespmem:$0x1E000] =	vst v63  }
0x38: {  	_ =	swait.ge [sflag:s5], $0x1000  }
0x39: {  	[sflag:s5] =	ssyncset.done $0x0  }
0x3a: {  	[sflag:s5] =	ssyncadd.s32 $0xFFFFF000  }
0x3b: {  	[spmem:s16] =	stream.linear.scatter [tilespmem:s6], [sflag:$0x1], $0x1000, $0x38;
	[tilespmem:$0x1E000] =	vst v63  }
0x3c: {  	_ =	swait.ge [sflag:s5], $0x1000  }
0x3d: {  	[sflag:s5] =	ssyncset.done $0x0  }
0x3e: {  	[sflag:s5] =	ssyncadd.s32 $0xFFFFF000  }
0x3f: {  	[spmem:s17] =	stream.linear.scatter [tilespmem:s6], [sflag:$0x1], $0x1000, $0x38;
	[tilespmem:$0x1E000] =	vst v63  }
0x40: {  	_ =	swait.ge [sflag:s5], $0x1000  }
0x41: {  	[sflag:s5] =	ssyncset.done $0x0  }
0x42: {  	s18 =	rddreg [dreg:$0xc];
	[sflag:s5] =	ssyncadd.s32 $0xFFFFF000  }
0x43: {  	[spmem:s18] =	stream.linear.scatter [tilespmem:s6], [sflag:$0x1], $0x1000, $0x38;
	[tilespmem:$0x1E000] =	vst v63  }
0x44: {  	_ =	swait.ge [sflag:s5], $0x1000  }
0x45: {  	[sflag:s5] =	ssyncset.done $0x0  }
0x46: {  	s19 =	rddreg [dreg:$0xd];
	[sflag:s5] =	ssyncadd.s32 $0xFFFFF000  }
0x47: {  	[spmem:s19] =	stream.linear.scatter [tilespmem:s6], [sflag:$0x1], $0x1000, $0x38;
	[tilespmem:$0x1E000] =	vst v63  }
0x48: {  	_ =	swait.ge [sflag:s5], $0x1000  }
0x49: {  	[sflag:s5] =	ssyncset.done $0x0  }
0x4a: {  	s20 =	rddreg [dreg:$0xe];
	[sflag:s5] =	ssyncadd.s32 $0xFFFFF000  }
0x4b: {  	[spmem:s20] =	stream.linear.scatter [tilespmem:s6], [sflag:$0x1], $0x1000, $0x38;
	[tilespmem:$0x1E000] =	vst v63  }
0x4c: {  	_ =	swait.ge [sflag:s5], $0x1000  }
0x4d: {  	[sflag:s5] =	ssyncset.done $0x0  }
0x4e: {  	[sflag:s5] =	ssyncadd.s32 $0xFFFFF000  }
0x4f: {  	[spmem:s21] =	stream.linear.scatter [tilespmem:s6], [sflag:$0x1], $0x1000, $0x38;
	[tilespmem:$0x1E000] =	vst v63  }
0x50: {  	_ =	swait.ge [sflag:s5], $0x1000  }
0x51: {  	[sflag:s5] =	ssyncset.done $0x0  }
0x52: {  	[sflag:s5] =	ssyncadd.s32 $0xFFFFF000  }
0x53: {  	[spmem:s22] =	stream.linear.scatter [tilespmem:s6], [sflag:$0x1], $0x1000, $0x38;
	[tilespmem:$0x1E000] =	vst v63  }
0x54: {  	_ =	swait.ge [sflag:s5], $0x1000  }
0x55: {  	[sflag:s5] =	ssyncset.done $0x0  }
0x56: {  	[sflag:s5] =	ssyncadd.s32 $0xFFFFF000  }
0x57: {  	[spmem:s23] =	stream.linear.scatter [tilespmem:s6], [sflag:$0x1], $0x1000, $0x38;
	[tilespmem:$0x1E000] =	vst v63  }
0x58: {  	_ =	swait.ge [sflag:s5], $0x1000  }
0x59: {  	[sflag:s5] =	ssyncset.done $0x0  }
0x5a: {  	[sflag:s5] =	ssyncadd.s32 $0xFFFFF000  }
0x5b: {  	[spmem:s24] =	stream.linear.scatter [tilespmem:s6], [sflag:$0x1], $0x1000, $0x38;
	[tilespmem:$0x1E000] =	vst v63  }
0x5c: {  	_ =	swait.ge [sflag:s5], $0x1000  }
0x5d: {  	[sflag:s5] =	ssyncset.done $0x0  }
0x5e: {  	[sflag:s5] =	ssyncadd.s32 $0xFFFFF000  }
0x5f: {  	[spmem:s25] =	stream.linear.scatter [tilespmem:s6], [sflag:$0x1], $0x1000, $0x38;
	[tilespmem:$0x1E000] =	vst v63  }
0x60: {  	_ =	swait.ge [sflag:s5], $0x1000  }
0x61: {  	[sflag:s5] =	ssyncset.done $0x0  }
0x62: {  	[sflag:s5] =	ssyncadd.s32 $0xFFFFF000  }
0x63: {  	[spmem:s26] =	stream.linear.scatter [tilespmem:s6], [sflag:$0x1], $0x1000, $0x38;
	[tilespmem:$0x1E000] =	vst v63  }
0x64: {  	_ =	swait.ge [sflag:s5], $0x1000  }
0x65: {  	[sflag:s5] =	ssyncset.done $0x0  }
0x66: {  	[sflag:s5] =	ssyncadd.s32 $0xFFFFF000  }
0x67: {  	[spmem:s28] =	stream.linear.scatter [tilespmem:s6], [sflag:$0x1], $0x1000, $0x38;
	[tilespmem:$0x1E000] =	vst v63  }
0x68: {  	_ =	swait.ge [sflag:s5], $0x1000  }
0x69: {  	[sflag:s5] =	ssyncset.done $0x0  }
0x6a: {  	[sflag:s5] =	ssyncadd.s32 $0xFFFFF000  }
0x6b: {  	[spmem:s29] =	stream.linear.scatter [tilespmem:s6], [sflag:$0x1], $0x1000, $0x38;
	[tilespmem:$0x1E000] =	vst v63  }
0x6c: {  	_ =	swait.ge [sflag:s5], $0x1000  }
0x6d: {  	[sflag:s5] =	ssyncset.done $0x0  }
0x6e: {  	[sflag:s5] =	ssyncadd.s32 $0xFFFFF000  }
0x6f: {  	[spmem:s30] =	stream.linear.scatter [tilespmem:s6], [sflag:$0x1], $0x1000, $0x38;
	[tilespmem:$0x1E000] =	vst v63  }
0x70: {  	_ =	swait.ge [sflag:s5], $0x1000  }
0x71: {  	[sflag:s5] =	ssyncset.done $0x0  }
0x72: {  	[sflag:s5] =	ssyncadd.s32 $0xFFFFF000  }
0x73: {  	[spmem:s31] =	stream.linear.scatter [tilespmem:s6], [sflag:$0x1], $0x1000, $0x38;
	[tilespmem:$0x1E000] =	vst v63  }
0x74: {  	_ =	swait.ge [sflag:s5], $0x1000  }
0x75: {  	[sflag:s5] =	ssyncset.done $0x0  }
0x76: {  	[sflag:s5] =	ssyncadd.s32 $0xFFFFF000  }
0x77: {  	[spmem:s0] =	stream.linear.scatter [tilespmem:s6], [sflag:$0x1], $0x1000, $0x38;
	[tilespmem:$0x1E000] =	vst v63  }
0x78: {  	_ =	swait.ge [sflag:s5], $0x1000  }
0x79: {  	[sflag:s5] =	ssyncset.done $0x0  }
0x7a: {  	[sflag:s5] =	ssyncadd.s32 $0xFFFFF000  }
0x7b: {  	[spmem:s1] =	stream.linear.scatter [tilespmem:s6], [sflag:$0x1], $0x1000, $0x38;
	[tilespmem:$0x1E000] =	vst v63  }
0x7c: {  	_ =	swait.ge [sflag:s5], $0x1000  }
0x7d: {  	[sflag:s5] =	ssyncset.done $0x0  }
0x7e: {  	[sflag:s5] =	ssyncadd.s32 $0xFFFFF000  }
0x7f: {  	[spmem:s3] =	stream.linear.scatter [tilespmem:s6], [sflag:$0x1], $0x1000, $0x38;
	[tilespmem:$0x1E000] =	vst v63  }
0x80: {  	_ =	swait.ge [sflag:s5], $0x1000  }
0x81: {  	[sflag:s5] =	ssyncset.done $0x0  }
0x82: {  	s12 =	simm.s32 $0x0;
	[sflag:s5] =	ssyncadd.s32 $0xFFFFF000  }
0x83: {  	v4 =	vld [tilespmem:s12+$0x0]  }
0x84: {  	v6 =	vld [tilespmem:s12+$0x10]  }
0x85: {  	v5 =	vld [tilespmem:s12+$0x20]  }
0x86: {  	v3 =	vld [tilespmem:s12+$0x30]  }
0x87: {  	v2 =	vld [tilespmem:s12+$0x40]  }
0x88: {  	v7 =	vadd.s32 v0, v4;
	v4 =	vld [tilespmem:s12+$0x50]  }
0x89: {  	s9 =	simm.s32 $0x200;
	[tilespmem:s12+$0x0] =	vst v7;
	v7 =	vadd.s32 v0, v6;
	v6 =	vld [tilespmem:s12+$0x60]  }
.LBB2_4:
0x8a: {  	s13 =	sshra.s32 s9, $0x2;
	p1 =	sne.s32 s9, $0x9E00;
	[tilespmem:s12+$0x10] =	vst v7;
	v5 =	vadd.s32 v0, v5;
	v7 =	vld [tilespmem:s12+$0x70]  }
0x8b: {  	v8 =	vld [tilespmem:s13+$0x0];
	[tilespmem:s12+$0x20] =	vst v5;
	v3 =	vadd.s32 v0, v3  }
0x8c: {  	v9 =	vld [tilespmem:s13+$0x10];
	[tilespmem:s12+$0x30] =	vst v3;
	v2 =	vadd.s32 v0, v2  }
.Ltmp1:
0x8d: {  	v5 =	vld [tilespmem:s13+$0x20];
	[tilespmem:s12+$0x40] =	vst v2;
	v2 =	vadd.s32 v0, v4;
	(pc) =	sbr.rel @p1 .LBB2_4-.Ltmp1, $4  }
0x8e: {  	v3 =	vld [tilespmem:s13+$0x30];
	[tilespmem:s12+$0x50] =	vst v2;
	v4 =	vadd.s32 v0, v6  }
0x8f: {  	v2 =	vld [tilespmem:s13+$0x40];
	[tilespmem:s12+$0x60] =	vst v4;
	v6 =	vadd.s32 v0, v7  }
0x90: {  	v7 =	vadd.s32 v0, v8;
	v4 =	vld [tilespmem:s13+$0x50];
	[tilespmem:s12+$0x70] =	vst v6;
	s12 =	smov.u32 s13  }
0x91: {  	s9 =	sadd.s32 $0x200, s9;
	[tilespmem:s12+$0x0] =	vst v7;
	v7 =	vadd.s32 v0, v9;
	v6 =	vld [tilespmem:s12+$0x60]  }
0x92: {  	[tilespmem:s12+$0x10] =	vst v7;
	v5 =	vadd.s32 v0, v5;
	v63 =	vld [tilespmem:s12+$0x70]  }
0x93: {  	[tilespmem:s12+$0x20] =	vst v5;
	v3 =	vadd.s32 v0, v3  }
0x94: {  	[tilespmem:s12+$0x30] =	vst v3;
	v2 =	vadd.s32 v0, v2  }
0x95: {  	[tilespmem:s12+$0x40] =	vst v2;
	v2 =	vadd.s32 v0, v4  }
0x96: {  	[tilespmem:s12+$0x50] =	vst v2;
	v2 =	vadd.s32 v0, v6  }
0x97: {  	[tilespmem:s12+$0x60] =	vst v2;
	v2 =	vadd.s32 v0, v63  }
0x98: {  	[tilespmem:s12+$0x70] =	vst v2  }
0x99: {  	s9 =	simm.s32 $0x0;
	[bflag:$0x0] =	sbarrier.arrive $0xFFFF  }
0x9a: {  	[tilespmem:s10], [sflag:$0x1] =	stream.indirect.gather [hbm4b:s4+s8], $0x80, s9, s8, $0xb8;
	[tilespmem:$0x1E000] =	vst v63  }
0x9b: {  	_ =	swait.ge [sflag:s5], $0x4000  }
0x9c: {  	[sflag:s5] =	ssyncset.done $0x0  }
0x9d: {  	s20 =	simm.s32 $0x2800;
	[sflag:s5] =	ssyncadd.s32 $0xFFFFC000  }
0x9e: {  	[spmem:s2] =	stream.indirect.scatter.add.f32 [tilespmem:s10], [sflag:$0x1], $0x80, s20, s8, $0xb8;
	[tilespmem:$0x1E000] =	vst v63  }
0x9f: {  	_ =	swait.ge [sflag:s5], $0x4000  }
0xa0: {  	s12 =	simm.s32 $0x400;
	s9 =	simm.s32 $0x200;
	[sflag:s5] =	ssyncset.done $0x0  }
.LBB2_6:
0xa1: {  	s13 =	sshra.s32 s9, $0x2  }
0xa2: {  	[sflag:s5] =	ssyncadd.s32 $0xFFFFC000;
	s9 =	smov.u32 s12;
	s14 =	sadd.s32 $0x200, s12  }
0xa3: {  	[tilespmem:s10], [sflag:$0x1] =	stream.indirect.gather [hbm4b:s4+s8], $0x80, s13, s8, $0xb8;
	[tilespmem:$0x1E000] =	vst v63  }
0xa4: {  	p1 =	sne.s32 s12, $0x9E00;
	_ =	swait.ge [sflag:s5], $0x4000  }
.Ltmp2:
0xa5: {  	[sflag:s5] =	ssyncset.done $0x0;
	(pc) =	sbr.rel @p1 .LBB2_6-.Ltmp2, $4  }
0xa6: {  	s12 =	sadd.s32 $0x2800, s13;
	[sflag:s5] =	ssyncadd.s32 $0xFFFFC000  }
0xa7: {  	[spmem:s2] =	stream.indirect.scatter.add.f32 [tilespmem:s10], [sflag:$0x1], $0x80, s12, s8, $0xb8;
	[tilespmem:$0x1E000] =	vst v63  }
0xa8: {  	_ =	swait.ge [sflag:s5], $0x4000  }
0xa9: {  	s12 =	smov.u32 s14;
	[sflag:s5] =	ssyncset.done $0x0  }
0xaa: {  	s9 =	sshra.s32 s9, $0x2;
	[sflag:s5] =	ssyncadd.s32 $0xFFFFC000  }
0xab: {  	[tilespmem:s10], [sflag:$0x1] =	stream.indirect.gather [hbm4b:s4+s8], $0x80, s9, s8, $0xb8;
	[tilespmem:$0x1E000] =	vst v63  }
0xac: {  	_ =	swait.ge [sflag:s5], $0x4000  }
0xad: {  	[sflag:s5] =	ssyncset.done $0x0  }
0xae: {  	s9 =	sadd.s32 $0x2800, s9;
	[sflag:s5] =	ssyncadd.s32 $0xFFFFC000  }
0xaf: {  	[spmem:s2] =	stream.indirect.scatter.add.f32 [tilespmem:s10], [sflag:$0x1], $0x80, s9, s8, $0xb8;
	[tilespmem:$0x1E000] =	vst v63  }
0xb0: {  	_ =	swait.ge [sflag:s5], $0x4000  }
0xb1: {  	[sflag:s5] =	ssyncset.done $0x0  }
0xb2: {  	[sflag:s5] =	ssyncadd.s32 $0xFFFFC000  }
0xb3: {  	s12 =	stileid.u32;
	[bflag:$0x0] =	sbarrier.arrive $0xFFFF  }
0xb4: {  	s9 =	sshll.u32 s12, $0x6;
	s13 =	rddreg [dreg:$0x5]  }
0xb5: {  	s12 =	sor.u32 $0x1C01, s9;
	s14 =	rddreg [dreg:$0x6];
	s13 =	sshrl.u32 s13, $0x3  }
0xb6: {  	[hbm:s14], [sflag:s12] =	dma.local [spmem:s13], $0x2700  }
0xb7: {  	_ =	swait.ge [sflag:s5], $0x2700  }
0xb8: {  	[sflag:s5] =	ssyncset.done $0x0;
	s9 =	rddreg [dreg:$0x7]  }
0xb9: {  	[sflag:s5] =	ssyncadd.s32 $0xFFFFD900;
	s14 =	sshrl.u32 @!p0 s9, $0x3;
	s9 =	rddreg [dreg:$0x8]  }
0xba: {  	[hbm:s9], [sflag:s12] =	dma.local @!p0 [spmem:s14], $0x100  }
0xbb: {  	s9 =	simm.s32 @!p0 $0x1  }
0xbc: {  	_ =	swait.ge @!p0 [sflag:s9], $0x100  }
0xbd: {  	[sflag:s9] =	ssyncset.done @!p0 $0x0  }
0xbe: {  	[sflag:s9] =	ssyncadd.s32 @!p0 $0xFFFFFF00  }
0xbf: {  	[bflag:$0x0] =	sbarrier.arrive $0xFFFF  }
0xc0: {  	[spmem:s7] =	stream.linear.scatter [tilespmem:s6], [sflag:$0x1], $0x1000, $0x38;
	[tilespmem:$0x1E000] =	vst v63  }
0xc1: {  	_ =	swait.ge [sflag:s5], $0x1000  }
0xc2: {  	[sflag:s5] =	ssyncset.done $0x0  }
0xc3: {  	[sflag:s5] =	ssyncadd.s32 $0xFFFFF000  }
0xc4: {  	[spmem:s15] =	stream.linear.scatter [tilespmem:s6], [sflag:$0x1], $0x1000, $0x38;
	[tilespmem:$0x1E000] =	vst v63  }
0xc5: {  	_ =	swait.ge [sflag:s5], $0x1000  }
0xc6: {  	[sflag:s5] =	ssyncset.done $0x0  }
0xc7: {  	[sflag:s5] =	ssyncadd.s32 $0xFFFFF000  }
0xc8: {  	[spmem:s16] =	stream.linear.scatter [tilespmem:s6], [sflag:$0x1], $0x1000, $0x38;
	[tilespmem:$0x1E000] =	vst v63  }
0xc9: {  	_ =	swait.ge [sflag:s5], $0x1000  }
0xca: {  	[sflag:s5] =	ssyncset.done $0x0  }
0xcb: {  	[sflag:s5] =	ssyncadd.s32 $0xFFFFF000  }
0xcc: {  	[spmem:s17] =	stream.linear.scatter [tilespmem:s6], [sflag:$0x1], $0x1000, $0x38;
	[tilespmem:$0x1E000] =	vst v63  }
0xcd: {  	_ =	swait.ge [sflag:s5], $0x1000  }
0xce: {  	[sflag:s5] =	ssyncset.done $0x0  }
0xcf: {  	s18 =	smov.u32 s15;
	s15 =	rddreg [dreg:$0xc];
	[sflag:s5] =	ssyncadd.s32 $0xFFFFF000  }
0xd0: {  	[spmem:s15] =	stream.linear.scatter [tilespmem:s6], [sflag:$0x1], $0x1000, $0x38;
	[tilespmem:$0x1E000] =	vst v63  }
0xd1: {  	_ =	swait.ge [sflag:s5], $0x1000  }
0xd2: {  	[sflag:s5] =	ssyncset.done $0x0  }
0xd3: {  	s19 =	smov.u32 s16;
	s16 =	rddreg [dreg:$0xd];
	[sflag:s5] =	ssyncadd.s32 $0xFFFFF000  }
0xd4: {  	[spmem:s16] =	stream.linear.scatter [tilespmem:s6], [sflag:$0x1], $0x1000, $0x38;
	[tilespmem:$0x1E000] =	vst v63  }
0xd5: {  	_ =	swait.ge [sflag:s5], $0x1000  }
0xd6: {  	[sflag:s5] =	ssyncset.done $0x0  }
0xd7: {  	s20 =	smov.u32 s17;
	s17 =	rddreg [dreg:$0xe];
	[sflag:s5] =	ssyncadd.s32 $0xFFFFF000  }
0xd8: {  	[spmem:s17] =	stream.linear.scatter [tilespmem:s6], [sflag:$0x1], $0x1000, $0x38;
	[tilespmem:$0x1E000] =	vst v63  }
0xd9: {  	_ =	swait.ge [sflag:s5], $0x1000  }
0xda: {  	[sflag:s5] =	ssyncset.done $0x0  }
0xdb: {  	[sflag:s5] =	ssyncadd.s32 $0xFFFFF000  }
0xdc: {  	[spmem:s21] =	stream.linear.scatter [tilespmem:s6], [sflag:$0x1], $0x1000, $0x38;
	[tilespmem:$0x1E000] =	vst v63  }
0xdd: {  	_ =	swait.ge [sflag:s5], $0x1000  }
0xde: {  	[sflag:s5] =	ssyncset.done $0x0  }
0xdf: {  	[sflag:s5] =	ssyncadd.s32 $0xFFFFF000  }
0xe0: {  	[spmem:s22] =	stream.linear.scatter [tilespmem:s6], [sflag:$0x1], $0x1000, $0x38;
	[tilespmem:$0x1E000] =	vst v63  }
0xe1: {  	_ =	swait.ge [sflag:s5], $0x1000  }
0xe2: {  	[sflag:s5] =	ssyncset.done $0x0  }
0xe3: {  	[sflag:s5] =	ssyncadd.s32 $0xFFFFF000  }
0xe4: {  	[spmem:s23] =	stream.linear.scatter [tilespmem:s6], [sflag:$0x1], $0x1000, $0x38;
	[tilespmem:$0x1E000] =	vst v63  }
0xe5: {  	_ =	swait.ge [sflag:s5], $0x1000  }
0xe6: {  	[sflag:s5] =	ssyncset.done $0x0  }
0xe7: {  	[sflag:s5] =	ssyncadd.s32 $0xFFFFF000  }
0xe8: {  	[spmem:s24] =	stream.linear.scatter [tilespmem:s6], [sflag:$0x1], $0x1000, $0x38;
	[tilespmem:$0x1E000] =	vst v63  }
0xe9: {  	_ =	swait.ge [sflag:s5], $0x1000  }
0xea: {  	[sflag:s5] =	ssyncset.done $0x0  }
0xeb: {  	[sflag:s5] =	ssyncadd.s32 $0xFFFFF000  }
0xec: {  	[spmem:s25] =	stream.linear.scatter [tilespmem:s6], [sflag:$0x1], $0x1000, $0x38;
	[tilespmem:$0x1E000] =	vst v63  }
0xed: {  	_ =	swait.ge [sflag:s5], $0x1000  }
0xee: {  	[sflag:s5] =	ssyncset.done $0x0  }
0xef: {  	[sflag:s5] =	ssyncadd.s32 $0xFFFFF000  }
0xf0: {  	[spmem:s26] =	stream.linear.scatter [tilespmem:s6], [sflag:$0x1], $0x1000, $0x38;
	[tilespmem:$0x1E000] =	vst v63  }
0xf1: {  	_ =	swait.ge [sflag:s5], $0x1000  }
0xf2: {  	[sflag:s5] =	ssyncset.done $0x0  }
0xf3: {  	[sflag:s5] =	ssyncadd.s32 $0xFFFFF000  }
0xf4: {  	[spmem:s28] =	stream.linear.scatter [tilespmem:s6], [sflag:$0x1], $0x1000, $0x38;
	[tilespmem:$0x1E000] =	vst v63  }
0xf5: {  	_ =	swait.ge [sflag:s5], $0x1000  }
0xf6: {  	[sflag:s5] =	ssyncset.done $0x0  }
0xf7: {  	[sflag:s5] =	ssyncadd.s32 $0xFFFFF000  }
0xf8: {  	[spmem:s29] =	stream.linear.scatter [tilespmem:s6], [sflag:$0x1], $0x1000, $0x38;
	[tilespmem:$0x1E000] =	vst v63  }
0xf9: {  	_ =	swait.ge [sflag:s5], $0x1000  }
0xfa: {  	[sflag:s5] =	ssyncset.done $0x0  }
0xfb: {  	[sflag:s5] =	ssyncadd.s32 $0xFFFFF000  }
0xfc: {  	[spmem:s30] =	stream.linear.scatter [tilespmem:s6], [sflag:$0x1], $0x1000, $0x38;
	[tilespmem:$0x1E000] =	vst v63  }
0xfd: {  	_ =	swait.ge [sflag:s5], $0x1000  }
0xfe: {  	[sflag:s5] =	ssyncset.done $0x0  }
0xff: {  	[sflag:s5] =	ssyncadd.s32 $0xFFFFF000  }
0x100: {  	[spmem:s31] =	stream.linear.scatter [tilespmem:s6], [sflag:$0x1], $0x1000, $0x38;
	[tilespmem:$0x1E000] =	vst v63  }
0x101: {  	_ =	swait.ge [sflag:s5], $0x1000  }
0x102: {  	[sflag:s5] =	ssyncset.done $0x0  }
0x103: {  	[sflag:s5] =	ssyncadd.s32 $0xFFFFF000  }
0x104: {  	[spmem:s0] =	stream.linear.scatter [tilespmem:s6], [sflag:$0x1], $0x1000, $0x38;
	[tilespmem:$0x1E000] =	vst v63  }
0x105: {  	_ =	swait.ge [sflag:s5], $0x1000  }
0x106: {  	[sflag:s5] =	ssyncset.done $0x0  }
0x107: {  	[sflag:s5] =	ssyncadd.s32 $0xFFFFF000  }
0x108: {  	[spmem:s1] =	stream.linear.scatter [tilespmem:s6], [sflag:$0x1], $0x1000, $0x38;
	[tilespmem:$0x1E000] =	vst v63  }
0x109: {  	_ =	swait.ge [sflag:s5], $0x1000  }
0x10a: {  	[sflag:s5] =	ssyncset.done $0x0  }
0x10b: {  	[sflag:s5] =	ssyncadd.s32 $0xFFFFF000  }
0x10c: {  	[spmem:s3] =	stream.linear.scatter [tilespmem:s6], [sflag:$0x1], $0x1000, $0x38;
	[tilespmem:$0x1E000] =	vst v63  }
0x10d: {  	_ =	swait.ge [sflag:s5], $0x1000  }
0x10e: {  	[sflag:s5] =	ssyncset.done $0x0  }
0x10f: {  	s9 =	simm.s32 $0x0;
	[sflag:s5] =	ssyncadd.s32 $0xFFFFF000  }
0x110: {  	v4 =	vld [tilespmem:s9+$0x0]  }
0x111: {  	v6 =	vld [tilespmem:s9+$0x10]  }
0x112: {  	v5 =	vld [tilespmem:s9+$0x20]  }
0x113: {  	v3 =	vld [tilespmem:s9+$0x30]  }
0x114: {  	v2 =	vld [tilespmem:s9+$0x40]  }
0x115: {  	v7 =	vadd.s32 $0x2710, v4;
	v4 =	vld [tilespmem:s9+$0x50]  }
0x116: {  	s15 =	simm.s32 $0x200;
	[tilespmem:s9+$0x0] =	vst v7;
	v7 =	vadd.s32 $0x2710, v6;
	v6 =	vld [tilespmem:s9+$0x60]  }
.LBB2_8:
0x117: {  	s16 =	sshra.s32 s15, $0x2;
	p1 =	sne.s32 s15, $0x9E00;
	[tilespmem:s9+$0x10] =	vst v7;
	v5 =	vadd.s32 $0x2710, v5;
	v7 =	vld [tilespmem:s9+$0x70]  }
0x118: {  	v8 =	vld [tilespmem:s16+$0x0];
	[tilespmem:s9+$0x20] =	vst v5;
	v3 =	vadd.s32 $0x2710, v3  }
0x119: {  	v9 =	vld [tilespmem:s16+$0x10];
	[tilespmem:s9+$0x30] =	vst v3;
	v2 =	vadd.s32 $0x2710, v2  }
.Ltmp3:
0x11a: {  	v5 =	vld [tilespmem:s16+$0x20];
	[tilespmem:s9+$0x40] =	vst v2;
	v2 =	vadd.s32 $0x2710, v4;
	(pc) =	sbr.rel @p1 .LBB2_8-.Ltmp3, $4  }
0x11b: {  	v3 =	vld [tilespmem:s16+$0x30];
	[tilespmem:s9+$0x50] =	vst v2;
	v4 =	vadd.s32 $0x2710, v6  }
0x11c: {  	v2 =	vld [tilespmem:s16+$0x40];
	[tilespmem:s9+$0x60] =	vst v4;
	v6 =	vadd.s32 $0x2710, v7  }
0x11d: {  	v7 =	vadd.s32 $0x2710, v8;
	v4 =	vld [tilespmem:s16+$0x50];
	[tilespmem:s9+$0x70] =	vst v6;
	s9 =	smov.u32 s16  }
0x11e: {  	s15 =	sadd.s32 $0x200, s15;
	[tilespmem:s9+$0x0] =	vst v7;
	v7 =	vadd.s32 $0x2710, v9;
	v6 =	vld [tilespmem:s9+$0x60]  }
0x11f: {  	[tilespmem:s9+$0x10] =	vst v7;
	v5 =	vadd.s32 $0x2710, v5;
	v63 =	vld [tilespmem:s9+$0x70]  }
0x120: {  	[tilespmem:s9+$0x20] =	vst v5;
	v3 =	vadd.s32 $0x2710, v3  }
0x121: {  	[tilespmem:s9+$0x30] =	vst v3;
	v2 =	vadd.s32 $0x2710, v2  }
0x122: {  	[tilespmem:s9+$0x40] =	vst v2;
	v2 =	vadd.s32 $0x2710, v4  }
0x123: {  	[tilespmem:s9+$0x50] =	vst v2;
	v2 =	vadd.s32 $0x2710, v6  }
0x124: {  	[tilespmem:s9+$0x60] =	vst v2;
	v2 =	vadd.s32 $0x2710, v63  }
0x125: {  	[tilespmem:s9+$0x70] =	vst v2  }
0x126: {  	s16 =	simm.s32 $0x0;
	[bflag:$0x0] =	sbarrier.arrive $0xFFFF  }
0x127: {  	[tilespmem:s10], [sflag:$0x1] =	stream.indirect.gather [hbm4b:s4+s8], $0x80, s16, s8, $0xb8;
	[tilespmem:$0x1E000] =	vst v63  }
0x128: {  	_ =	swait.ge [sflag:s5], $0x4000  }
0x129: {  	[sflag:s5] =	ssyncset.done $0x0  }
0x12a: {  	s17 =	simm.s32 $0x2800;
	[sflag:s5] =	ssyncadd.s32 $0xFFFFC000  }
0x12b: {  	[spmem:s2] =	stream.indirect.scatter.add.f32 [tilespmem:s10], [sflag:$0x1], $0x80, s17, s8, $0xb8;
	[tilespmem:$0x1E000] =	vst v63  }
0x12c: {  	_ =	swait.ge [sflag:s5], $0x4000  }
0x12d: {  	s15 =	simm.s32 $0x400;
	s9 =	simm.s32 $0x200;
	[sflag:s5] =	ssyncset.done $0x0  }
.LBB2_10:
0x12e: {  	s16 =	sshra.s32 s9, $0x2  }
0x12f: {  	[sflag:s5] =	ssyncadd.s32 $0xFFFFC000;
	s9 =	smov.u32 s15;
	s17 =	sadd.s32 $0x200, s15  }
0x130: {  	[tilespmem:s10], [sflag:$0x1] =	stream.indirect.gather [hbm4b:s4+s8], $0x80, s16, s8, $0xb8;
	[tilespmem:$0x1E000] =	vst v63  }
0x131: {  	p1 =	sne.s32 s15, $0x9E00;
	_ =	swait.ge [sflag:s5], $0x4000  }
.Ltmp4:
0x132: {  	[sflag:s5] =	ssyncset.done $0x0;
	(pc) =	sbr.rel @p1 .LBB2_10-.Ltmp4, $4  }
0x133: {  	s15 =	sadd.s32 $0x2800, s16;
	[sflag:s5] =	ssyncadd.s32 $0xFFFFC000  }
0x134: {  	[spmem:s2] =	stream.indirect.scatter.add.f32 [tilespmem:s10], [sflag:$0x1], $0x80, s15, s8, $0xb8;
	[tilespmem:$0x1E000] =	vst v63  }
0x135: {  	_ =	swait.ge [sflag:s5], $0x4000  }
0x136: {  	s15 =	smov.u32 s17;
	[sflag:s5] =	ssyncset.done $0x0  }
0x137: {  	s9 =	sshra.s32 s9, $0x2;
	[sflag:s5] =	ssyncadd.s32 $0xFFFFC000  }
0x138: {  	[tilespmem:s10], [sflag:$0x1] =	stream.indirect.gather [hbm4b:s4+s8], $0x80, s9, s8, $0xb8;
	[tilespmem:$0x1E000] =	vst v63  }
0x139: {  	_ =	swait.ge [sflag:s5], $0x4000  }
0x13a: {  	[sflag:s5] =	ssyncset.done $0x0  }
0x13b: {  	s9 =	sadd.s32 $0x2800, s9;
	[sflag:s5] =	ssyncadd.s32 $0xFFFFC000  }
0x13c: {  	[spmem:s2] =	stream.indirect.scatter.add.f32 [tilespmem:s10], [sflag:$0x1], $0x80, s9, s8, $0xb8;
	[tilespmem:$0x1E000] =	vst v63  }
0x13d: {  	_ =	swait.ge [sflag:s5], $0x4000  }
0x13e: {  	[sflag:s5] =	ssyncset.done $0x0  }
0x13f: {  	[sflag:s5] =	ssyncadd.s32 $0xFFFFC000  }
0x140: {  	[bflag:$0x0] =	sbarrier.arrive $0xFFFF  }
0x141: {  	s16 =	rddreg [dreg:$0x9]  }
0x142: {  	[hbm:s16], [sflag:s12] =	dma.local [spmem:s13], $0x2700  }
0x143: {  	_ =	swait.ge [sflag:s5], $0x2700  }
0x144: {  	[sflag:s5] =	ssyncset.done $0x0  }
0x145: {  	s9 =	rddreg [dreg:$0xa];
	[sflag:s5] =	ssyncadd.s32 $0xFFFFD900  }
0x146: {  	[hbm:s9], [sflag:s12] =	dma.local @!p0 [spmem:s14], $0x100  }
0x147: {  	s9 =	simm.s32 @!p0 $0x1  }
0x148: {  	_ =	swait.ge @!p0 [sflag:s9], $0x100  }
0x149: {  	s11 =	sadd.s32 $0x1, s11;
	s17 =	rddreg [dreg:$0xb]  }
0x14a: {  	p1 =	sne.s32 s11, s17  }
.Ltmp5:
0x14b: {  	_ = 	snop;
	(pc) =	sbr.rel @p1 .LBB2_1-.Ltmp5, $4  }
0x14c: {  	[sflag:s9] =	ssyncset.done @!p0 $0x0  }
0x14d: {  	[sflag:s9] =	ssyncadd.s32 @!p0 $0xFFFFFF00  }
0x14e: {  	[bflag:$0x0] =	sbarrier.arrive $0xFFFF  }
0x14f: {  	s15 =	smov.u32 s18;
	s16 =	smov.u32 s19;
	s17 =	smov.u32 s20  }
0x150: {  	_ =	sfence.sel $0x180000  }
0x151: {  	[bflag:$0x0] =	sbarrier.arrive $0xFFFF  }
0x152: {  	_ =	strace $0x90000059  }
0x153: {  	s0 =	stileid.u32;
	[bflag:$0x2] =	sbarrier.arrive $0xFFFF  }
0x154: {  	p0 =	sne.s32 s0, $0x0;
	s0 =	rddreg [dreg:$0x2]  }
0x155: {  	s0 =	sadd.s32 @!p0 $0x100000, s0  }
0x156: {  	[sflag:s0] =	ssyncadd.tile.s32 @!p0 $0x1;
	_ =	shalt  }
.Lfunc_end2:
_tile_overlayer_lowered:
.L_overlay_start_2:
0x157: {  	(tag) =	ssettag $0x2  }
0x158: {  	s0 =	rddreg [dreg:$0x0];
	s2 =	stileid.u32  }
0x159: {  	s1 =	rddreg [dreg:$0x1];
	p0 =	sne.s32 s2, $0x0  }
0x15a: {  	s3 =	rddreg [dreg:$0x2];
	[bflag:$0x3] =	sbarrier.arrive $0xFFFF;
	s2 =	simm.s32 @!p0 $0x1C01  }
0x15b: {  	[timem:s3], [sflag:s2] =	dma.local @!p0 [hbm:s0], s1  }
0x15c: {  	s0 =	simm.s32 @!p0 $0x1  }
0x15d: {  	_ =	swait.ge @!p0 [sflag:s0], s1  }
0x15e: {  	s1 =	ssub.s32 @!p0 $0x0, s1;
	[sflag:s0] =	ssyncset.done @!p0 $0x0  }
0x15f: {  	[sflag:s0] =	ssyncadd.s32 @!p0 s1  }
0x160: {  	[bflag:$0x3] =	sbarrier.arrive $0xFFFF  }
0x161: {  	_ =	shalt  }

</sc_bundles>
